<compile_context>
chip_gen: v7x
topology: tpu7x:2x2x1
jax: 0.10.2.dev20260603
libtpu: 0.0.44.dev20260713+nightly
codegen_flags: <defaults>
</compile_context>

<pallas_src>
import dataclasses
import functools

import jax
import jax.numpy as jnp
from jax import lax
from jax.experimental import pallas as pl
from jax.experimental.pallas import tpu as pltpu
from jax.experimental.pallas import tpu_sc as plsc

N = 10000
E = 160000
D = 128
G3 = 3 * D

NC = 2
NS = 16
NW = NC * NS
LANES = 16

CHUNK = 32
NCHUNKS = E // CHUNK
NJ = (NCHUNKS + NW - 1) // NW
NJP = (NJ + 1) // 2
CHUNKC = 128
NCHC = E // CHUNKC
NJC = (NCHC + NW - 1) // NW
ROWS_PER_SUB = N // NS
WROWS = 632

BE = 640
BN = 400

_HI = lax.Precision.DEFAULT
_f32 = jnp.float32


def _sig(a):
    return 1.0 / (1.0 + jnp.exp(-a))


def _gru_elem(gi, gh, h_prev):
    i_r, i_z, i_n = gi[:, :D], gi[:, D:2 * D], gi[:, 2 * D:]
    h_r, h_z, h_n = gh[:, :D], gh[:, D:2 * D], gh[:, 2 * D:]
    r = _sig(i_r + h_r)
    z = _sig(i_z + h_z)
    n = jnp.tanh(i_n + r * h_n)
    return (1.0 - z) * n + z * h_prev


def _gate_rows(h, wg, bg):
    return lax.dot_general(h, wg, (((1,), (1,)), ((), ())),
                           precision=_HI, preferred_element_type=_f32) + bg



def _stage0_body(inp_ref, wihT_ref, bih_ref, bhh_ref, wg_ref, bg_ref,
                 h_ref, tt_ref):
    gi = jnp.dot(inp_ref[...], wihT_ref[...],
                 precision=_HI, preferred_element_type=_f32) + bih_ref[...]
    bhh = bhh_ref[...]
    i_r, i_z, i_n = gi[:, :D], gi[:, D:2 * D], gi[:, 2 * D:]
    h_r, h_z, h_n = bhh[:, :D], bhh[:, D:2 * D], bhh[:, 2 * D:]
    r = _sig(i_r + h_r)
    z = _sig(i_z + h_z)
    n = jnp.tanh(i_n + r * h_n)
    h = (1.0 - z) * n
    h_ref[...] = h
    tt_ref[...] = _gate_rows(h, wg_ref[...], bg_ref[...])


def _stage0_edge(inp, wihT, bih, bhh, wg, bg):
    grid = (E // BE,)
    return pl.pallas_call(
        _stage0_body,
        grid=grid,
        in_specs=[
            pl.BlockSpec((BE, D), lambda i: (i, 0)),
            pl.BlockSpec((D, G3), lambda i: (0, 0)),
            pl.BlockSpec((1, G3), lambda i: (0, 0)),
            pl.BlockSpec((1, G3), lambda i: (0, 0)),
            pl.BlockSpec((8, D), lambda i: (0, 0)),
            pl.BlockSpec((1, 8), lambda i: (0, 0)),
        ],
        out_specs=[
            pl.BlockSpec((BE, D), lambda i: (i, 0)),
            pl.BlockSpec((BE, 8), lambda i: (i, 0)),
        ],
        out_shape=[
            jax.ShapeDtypeStruct((E, D), _f32),
            jax.ShapeDtypeStruct((E, 8), _f32),
        ],
    )(inp, wihT, bih, bhh, wg, bg)


def _stage0_node_body(inp_ref, wihT_ref, bih_ref, bhh_ref, h_ref):
    gi = jnp.dot(inp_ref[...], wihT_ref[...],
                 precision=_HI, preferred_element_type=_f32) + bih_ref[...]
    bhh = bhh_ref[...]
    i_r, i_z, i_n = gi[:, :D], gi[:, D:2 * D], gi[:, 2 * D:]
    h_r, h_z, h_n = bhh[:, :D], bhh[:, D:2 * D], bhh[:, 2 * D:]
    r = _sig(i_r + h_r)
    z = _sig(i_z + h_z)
    n = jnp.tanh(i_n + r * h_n)
    h_ref[...] = (1.0 - z) * n


def _stage0_node(inp, wihT, bih, bhh):
    grid = (N // BN,)
    return pl.pallas_call(
        _stage0_node_body,
        grid=grid,
        in_specs=[
            pl.BlockSpec((BN, D), lambda i: (i, 0)),
            pl.BlockSpec((D, G3), lambda i: (0, 0)),
            pl.BlockSpec((1, G3), lambda i: (0, 0)),
            pl.BlockSpec((1, G3), lambda i: (0, 0)),
        ],
        out_specs=pl.BlockSpec((BN, D), lambda i: (i, 0)),
        out_shape=jax.ShapeDtypeStruct((N, D), _f32),
    )(inp, wihT, bih, bhh)


def _gate_st_body(h_ref, wg_ref, st_ref):
    st_ref[...] = lax.dot_general(h_ref[...], wg_ref[...],
                                  (((1,), (1,)), ((), ())),
                                  precision=_HI, preferred_element_type=_f32)


def _gate_st(h, wg):
    return pl.pallas_call(
        _gate_st_body,
        grid=(1,),
        in_specs=[
            pl.BlockSpec((N, D), lambda i: (0, 0)),
            pl.BlockSpec((8, D), lambda i: (0, 0)),
        ],
        out_specs=pl.BlockSpec((N, 8), lambda i: (0, 0)),
        out_shape=jax.ShapeDtypeStruct((N, 8), _f32),
    )(h, wg)


def _edge_layer_body(em_ref, efp_ref, wihT_ref, whhT_ref, bih_ref, bhh_ref,
                     wg_ref, bg_ref, h_ref, tt_ref):
    efp = efp_ref[...]
    gi = jnp.dot(em_ref[...], wihT_ref[...],
                 precision=_HI, preferred_element_type=_f32) + bih_ref[...]
    gh = jnp.dot(efp, whhT_ref[...],
                 precision=_HI, preferred_element_type=_f32) + bhh_ref[...]
    h = _gru_elem(gi, gh, efp)
    h_ref[...] = h
    tt_ref[...] = _gate_rows(h, wg_ref[...], bg_ref[...])


def _edge_layer(em, efp, wihT, whhT, bih, bhh, wg, bg):
    grid = (E // BE,)
    return pl.pallas_call(
        _edge_layer_body,
        grid=grid,
        in_specs=[
            pl.BlockSpec((BE, D), lambda i: (i, 0)),
            pl.BlockSpec((BE, D), lambda i: (i, 0)),
            pl.BlockSpec((D, G3), lambda i: (0, 0)),
            pl.BlockSpec((D, G3), lambda i: (0, 0)),
            pl.BlockSpec((1, G3), lambda i: (0, 0)),
            pl.BlockSpec((1, G3), lambda i: (0, 0)),
            pl.BlockSpec((8, D), lambda i: (0, 0)),
            pl.BlockSpec((1, 8), lambda i: (0, 0)),
        ],
        out_specs=[
            pl.BlockSpec((BE, D), lambda i: (i, 0)),
            pl.BlockSpec((BE, 8), lambda i: (i, 0)),
        ],
        out_shape=[
            jax.ShapeDtypeStruct((E, D), _f32),
            jax.ShapeDtypeStruct((E, 8), _f32),
        ],
    )(em, efp, wihT, whhT, bih, bhh, wg, bg)


def _node_layer_body(s0_ref, s1_ref, c0_ref, c1_ref, xp_ref,
                     wihT_ref, whhT_ref, bih_ref, bhh_ref, h_ref):
    cnt = c0_ref[...][:, 0:1] + c1_ref[...][:, 0:1]
    msg = (s0_ref[...] + s1_ref[...]) / jnp.maximum(cnt, 1.0)
    xp = xp_ref[...]
    gi = jnp.dot(msg, wihT_ref[...],
                 precision=_HI, preferred_element_type=_f32) + bih_ref[...]
    gh = jnp.dot(xp, whhT_ref[...],
                 precision=_HI, preferred_element_type=_f32) + bhh_ref[...]
    h_ref[...] = _gru_elem(gi, gh, xp)


def _node_layer(sums, cnts, xp, wihT, whhT, bih, bhh):
    grid = (N // BN,)
    nblk = N // BN
    return pl.pallas_call(
        _node_layer_body,
        grid=grid,
        in_specs=[
            pl.BlockSpec((BN, D), lambda i: (i, 0)),
            pl.BlockSpec((BN, D), lambda i, n=nblk: (i + n, 0)),
            pl.BlockSpec((BN, 8), lambda i: (i, 0)),
            pl.BlockSpec((BN, 8), lambda i, n=nblk: (i + n, 0)),
            pl.BlockSpec((BN, D), lambda i: (i, 0)),
            pl.BlockSpec((D, G3), lambda i: (0, 0)),
            pl.BlockSpec((D, G3), lambda i: (0, 0)),
            pl.BlockSpec((1, G3), lambda i: (0, 0)),
            pl.BlockSpec((1, G3), lambda i: (0, 0)),
        ],
        out_specs=pl.BlockSpec((BN, D), lambda i: (i, 0)),
        out_shape=jax.ShapeDtypeStruct((N, D), _f32),
    )(sums, sums, cnts, cnts, xp, wihT, whhT, bih, bhh)



def _sc_compiler_params():
    cp = pltpu.CompilerParams()
    fields = pltpu.CompilerParams.__dataclass_fields__
    if "needs_layout_passes" in fields:
        cp = dataclasses.replace(cp, needs_layout_passes=False)
    if "use_tc_tiling_on_sc" in fields:
        cp = dataclasses.replace(cp, use_tc_tiling_on_sc=False)
    return cp


def _sc_counts(dst, ones8, z8):
    mesh = plsc.VectorSubcoreMesh(core_axis_name="c", subcore_axis_name="s")

    @functools.partial(
        pl.kernel,
        compiler_params=_sc_compiler_params(),
        out_type=jax.ShapeDtypeStruct((2 * N, 8), _f32),
        mesh=mesh,
        scratch_types=[
            pltpu.VMEM((CHUNKC,), jnp.int32),
            pltpu.VMEM((CHUNKC, 8), _f32),
            pltpu.VMEM_SHARED((N, 8), _f32),
        ],
    )
    def k(dst_hbm, ones_hbm, z8_hbm, cnt_hbm, dstc, onesv, cnt_sp):
        cid = lax.axis_index("c")
        sid = lax.axis_index("s")
        wid = sid * NC + cid
        zbase = pl.multiple_of((sid * ROWS_PER_SUB // 8) * 8, 8)

        pltpu.sync_copy(z8_hbm.at[pl.ds(zbase, WROWS)],
                        cnt_sp.at[pl.ds(zbase, WROWS)])
        pltpu.sync_copy(ones_hbm, onesv)
        plsc.subcore_barrier()

        @pl.loop(0, NJC)
        def _(j):
            ci = wid + NW * j

            @pl.when(ci < NCHC)
            def _():
                base = ci * CHUNKC
                pltpu.sync_copy(dst_hbm.at[pl.ds(base, CHUNKC)], dstc)
                pltpu.sync_copy(onesv, cnt_sp.at[dstc], add=True)

        plsc.subcore_barrier()
        obase = pl.multiple_of(cid * N + zbase, 8)
        pltpu.sync_copy(cnt_sp.at[pl.ds(zbase, WROWS)],
                        cnt_hbm.at[pl.ds(obase, WROWS)])

    return k(dst, ones8, z8)


def _sc_stage(x, ef, src, dst, st, te, zD):
    mesh = plsc.VectorSubcoreMesh(core_axis_name="c", subcore_axis_name="s")

    @functools.partial(
        pl.kernel,
        compiler_params=_sc_compiler_params(),
        out_type=(
            jax.ShapeDtypeStruct((E, D), _f32),
            jax.ShapeDtypeStruct((2 * N, D), _f32),
        ),
        mesh=mesh,
        scratch_types=[
            pltpu.VMEM((CHUNK,), jnp.int32),
            pltpu.VMEM((CHUNK,), jnp.int32),
            pltpu.VMEM((CHUNK,), jnp.int32),
            pltpu.VMEM((CHUNK,), jnp.int32),
            pltpu.VMEM((CHUNK,), jnp.int32),
            pltpu.VMEM((CHUNK,), jnp.int32),
            pltpu.VMEM((CHUNK, D), _f32),
            pltpu.VMEM((CHUNK, D), _f32),
            pltpu.VMEM((CHUNK, D), _f32),
            pltpu.VMEM((CHUNK, D), _f32),
            pltpu.VMEM((CHUNK, D), _f32),
            pltpu.VMEM((CHUNK, D), _f32),
            pltpu.VMEM((CHUNK, 8), _f32),
            pltpu.VMEM((CHUNK, 8), _f32),
            pltpu.VMEM((CHUNK, 8), _f32),
            pltpu.VMEM((CHUNK, 8), _f32),
            pltpu.VMEM((CHUNK, 8), _f32),
            pltpu.VMEM((CHUNK, 8), _f32),
            pltpu.VMEM((CHUNK, D), _f32),
            pltpu.VMEM((CHUNK, D), _f32),
            pltpu.VMEM((CHUNK, D), _f32),
            pltpu.VMEM((CHUNK, D), _f32),
            pltpu.VMEM((CHUNK,), _f32),
            pltpu.VMEM((CHUNK,), _f32),
            pltpu.VMEM((CHUNK,), _f32),
            pltpu.VMEM_SHARED((N, D), _f32),
            pltpu.SemaphoreType.DMA,
            pltpu.SemaphoreType.DMA,
            pltpu.SemaphoreType.DMA,
            pltpu.SemaphoreType.DMA,
            pltpu.SemaphoreType.DMA,
            pltpu.SemaphoreType.DMA,
        ],
    )
    def k(x_hbm, ef_hbm, src_hbm, dst_hbm, st_hbm, te_hbm, zD_hbm,
          em_hbm, sums_hbm,
          dstv0, srcv0, dstv1, srcv1, dstc0, dstc1,
          xd0, xs0, efv0, xd1, xs1, efv1,
          sd0, ss0, tv0, sd1, ss1, tv1,
          emv0, nmv0, emv1, nmv1,
          gnb, ge1b, ge2b, sums_sp,
          sem_ix0, sem_ix1, sem_in0, sem_in1, sem_out0, sem_out1):
        cid = lax.axis_index("c")
        sid = lax.axis_index("s")
        wid = sid * NC + cid
        zbase = pl.multiple_of((sid * ROWS_PER_SUB // 8) * 8, 8)

        slots = (
            (dstv0, srcv0, dstc0, xd0, xs0, efv0, sd0, ss0, tv0, emv0, nmv0,
             sem_ix0, sem_in0, sem_out0),
            (dstv1, srcv1, dstc1, xd1, xs1, efv1, sd1, ss1, tv1, emv1, nmv1,
             sem_ix1, sem_in1, sem_out1),
        )

        def valid(j):
            ci = wid + NW * j
            return ci, (ci >= 0) & (ci < NCHUNKS)

        def idx_load(j, s):
            dstv, srcv = s[0], s[1]
            sem_ix = s[11]
            ci, ok = valid(j)

            @pl.when(ok)
            def _():
                base = ci * CHUNK
                pltpu.async_copy(dst_hbm.at[pl.ds(base, CHUNK)], dstv, sem_ix)
                pltpu.async_copy(src_hbm.at[pl.ds(base, CHUNK)], srcv, sem_ix)

        def bulk_load(j, s):
            dstv, srcv, _, xd, xs, efv, sd, ss, tv = s[:9]
            sem_ix, sem_in = s[11], s[12]
            ci, ok = valid(j)

            @pl.when(ok)
            def _():
                base = ci * CHUNK
                pltpu.make_async_copy(dst_hbm.at[pl.ds(base, CHUNK)], dstv,
                                      sem_ix).wait()
                pltpu.make_async_copy(src_hbm.at[pl.ds(base, CHUNK)], srcv,
                                      sem_ix).wait()
                pltpu.async_copy(x_hbm.at[dstv], xd, sem_in)
                pltpu.async_copy(x_hbm.at[srcv], xs, sem_in)
                pltpu.async_copy(st_hbm.at[dstv], sd, sem_in)
                pltpu.async_copy(st_hbm.at[srcv], ss, sem_in)
                pltpu.async_copy(ef_hbm.at[pl.ds(base, CHUNK)], efv, sem_in)
                pltpu.async_copy(te_hbm.at[pl.ds(base, CHUNK)], tv, sem_in)

        def wait_out(j, s):
            emv = s[9]
            sem_out = s[13]
            ci, ok = valid(j)

            @pl.when(ok)
            def _():
                base = ci * CHUNK
                pltpu.make_async_copy(emv, em_hbm.at[pl.ds(base, CHUNK)],
                                      sem_out).wait()

        def proc(j, s):
            dstv, srcv, dstc, xd, xs, efv, sd, ss, tv, emv, nmv = s[:11]
            sem_in, sem_out = s[12], s[13]
            ci, ok = valid(j)

            @pl.when(ok)
            def _():
                base = ci * CHUNK
                pltpu.make_async_copy(x_hbm.at[pl.ds(0, CHUNK)], xd,
                                      sem_in).wait()
                pltpu.make_async_copy(x_hbm.at[pl.ds(0, CHUNK)], xs,
                                      sem_in).wait()
                pltpu.make_async_copy(st_hbm.at[pl.ds(0, CHUNK)], sd,
                                      sem_in).wait()
                pltpu.make_async_copy(st_hbm.at[pl.ds(0, CHUNK)], ss,
                                      sem_in).wait()
                pltpu.make_async_copy(ef_hbm.at[pl.ds(base, CHUNK)], efv,
                                      sem_in).wait()
                pltpu.make_async_copy(te_hbm.at[pl.ds(base, CHUNK)], tv,
                                      sem_in).wait()

                @pl.loop(0, CHUNK // LANES)
                def _(g):
                    gs = pl.ds(g * LANES, LANES)
                    rows = lax.iota(jnp.int32, LANES) + g * LANES
                    c0 = jnp.zeros((LANES,), jnp.int32)
                    dstc[gs] = dstv[gs]
                    a_sn = (plsc.load_gather(sd, [rows, c0])
                            + plsc.load_gather(tv, [rows, c0]))
                    a_on = (plsc.load_gather(ss, [rows, c0 + 1])
                            + plsc.load_gather(tv, [rows, c0 + 1]))
                    a_se = (plsc.load_gather(sd, [rows, c0 + 2])
                            + plsc.load_gather(tv, [rows, c0 + 2]))
                    a_oe = (plsc.load_gather(ss, [rows, c0 + 3])
                            + plsc.load_gather(tv, [rows, c0 + 3]))
                    gnb[gs] = _sig(a_sn) + _sig(a_on)
                    ge1b[gs] = _sig(a_se)
                    ge2b[gs] = _sig(a_oe)

                @pl.loop(0, CHUNK)
                def _(r):
                    ridx = jnp.zeros((LANES,), jnp.int32) + r
                    bn = plsc.load_gather(gnb, [ridx])
                    b1 = plsc.load_gather(ge1b, [ridx])
                    b2 = plsc.load_gather(ge2b, [ridx])
                    for c in range(D // LANES):
                        cs = pl.ds(c * LANES, LANES)
                        nmv[r, cs] = bn * efv[r, cs]
                        emv[r, cs] = b1 * xd[r, cs] + b2 * xs[r, cs]

                pltpu.sync_copy(nmv, sums_sp.at[dstc], add=True)
                pltpu.async_copy(emv, em_hbm.at[pl.ds(base, CHUNK)], sem_out)

        pltpu.sync_copy(zD_hbm.at[pl.ds(zbase, WROWS)],
                        sums_sp.at[pl.ds(zbase, WROWS)])
        plsc.subcore_barrier()

        idx_load(0, slots[0])
        bulk_load(0, slots[0])
        idx_load(1, slots[1])

        @pl.loop(0, NJP)
        def _(jj):
            j0 = jj * 2
            j1 = j0 + 1
            bulk_load(j1, slots[1])
            wait_out(j0 - 2, slots[0])
            proc(j0, slots[0])
            idx_load(j0 + 2, slots[0])
            bulk_load(j0 + 2, slots[0])
            wait_out(j1 - 2, slots[1])
            proc(j1, slots[1])
            idx_load(j1 + 2, slots[1])

        wait_out(2 * NJP - 2, slots[0])
        wait_out(2 * NJP - 1, slots[1])

        plsc.subcore_barrier()
        obase = pl.multiple_of(cid * N + zbase, 8)
        pltpu.sync_copy(sums_sp.at[pl.ds(zbase, WROWS)],
                        sums_hbm.at[pl.ds(obase, WROWS)])

    return k(x, ef, src, dst, st, te, zD)



def kernel(x, edge_feature, edge_index, Wih_node, Whh_node, bih_node,
           bhh_node, Wih_edge, Whh_edge, bih_edge, bhh_edge,
           W_sn, b_sn, W_on, b_on, W_se, b_se, W_oe, b_oe):
    src = edge_index[0]
    dst = edge_index[1]

    wihT_n, whhT_n = Wih_node.T, Whh_node.T
    wihT_e, whhT_e = Wih_edge.T, Whh_edge.T
    bih_n = bih_node.reshape(1, G3)
    bhh_n = bhh_node.reshape(1, G3)
    bih_e = bih_edge.reshape(1, G3)
    bhh_e = bhh_edge.reshape(1, G3)

    z4 = jnp.zeros((4, D), _f32)
    wgx = jnp.concatenate([W_sn[:, :D], W_on[:, :D], W_se[:, :D],
                           W_oe[:, :D], z4], axis=0)
    wge = jnp.concatenate([W_sn[:, D:], W_on[:, D:], W_se[:, D:],
                           W_oe[:, D:], z4], axis=0)
    bg_e = jnp.concatenate([b_sn, b_on, b_se, b_oe,
                            jnp.zeros((4,), _f32)]).reshape(1, 8)

    zD = jnp.zeros((N, D), _f32)
    z8 = jnp.zeros((N, 8), _f32)
    ones8 = jnp.ones((CHUNKC, 8), _f32)

    cnt = _sc_counts(dst, ones8, z8)

    x1 = _stage0_node(x, wihT_n, bih_n, bhh_n)
    st1 = _gate_st(x1, wgx)
    ef1, tt1 = _stage0_edge(edge_feature, wihT_e, bih_e, bhh_e, wge, bg_e)

    em1, sums1 = _sc_stage(x1, ef1, src, dst, st1, tt1, zD)
    x2 = _node_layer(sums1, cnt, x1, wihT_n, whhT_n, bih_n, bhh_n)
    st2 = _gate_st(x2, wgx)
    ef2, tt2 = _edge_layer(em1, ef1, wihT_e, whhT_e, bih_e, bhh_e, wge, bg_e)

    em2, sums2 = _sc_stage(x2, ef2, src, dst, st2, tt2, zD)
    x3 = _node_layer(sums2, cnt, x2, wihT_n, whhT_n, bih_n, bhh_n)
    ef3, _ = _edge_layer(em2, ef2, wihT_e, whhT_e, bih_e, bhh_e, wge, bg_e)

    return (x3, ef3)

# --- scband reference (transcript-rebuilt; emitter-appended) ---
"""Pipeline reference for scband-triplet-imp-13924283974459 (READ-ONLY COPY).

The authoritative reference and input builder live on the scoring server;
editing this copy changes nothing except your own understanding.
"""

import jax, jax.numpy as jnp
import numpy as np

N = 10000
E = 160000
D = 128
NUM_LAYERS = 2


def setup_inputs(seed: int = 0) -> dict:
    key = jax.random.key(seed)
    ks = jax.random.split(key, 24)
    bound = 1.0 / np.sqrt(D)
    u = lambda kk, shape: jax.random.uniform(kk, shape, jnp.float32, -bound, bound)
    inp = {}
    inp['x'] = jax.random.normal(ks[0], (N, D), jnp.float32)
    inp['edge_feature'] = jax.random.normal(ks[1], (E, D), jnp.float32)
    inp['edge_index'] = jax.random.randint(ks[2], (2, E), 0, N, jnp.int32)
    # node GRUCell params
    inp['Wih_node'] = u(ks[3], (3 * D, D))
    inp['Whh_node'] = u(ks[4], (3 * D, D))
    inp['bih_node'] = u(ks[5], (3 * D,))
    inp['bhh_node'] = u(ks[6], (3 * D,))
    # edge GRUCell params
    inp['Wih_edge'] = u(ks[7], (3 * D, D))
    inp['Whh_edge'] = u(ks[8], (3 * D, D))
    inp['bih_edge'] = u(ks[9], (3 * D,))
    inp['bhh_edge'] = u(ks[10], (3 * D,))
    # gate Linears: Linear(2D, 1) + Sigmoid
    inp['W_sn'] = u(ks[11], (1, 2 * D))
    inp['b_sn'] = u(ks[12], (1,))
    inp['W_on'] = u(ks[13], (1, 2 * D))
    inp['b_on'] = u(ks[14], (1,))
    inp['W_se'] = u(ks[15], (1, 2 * D))
    inp['b_se'] = u(ks[16], (1,))
    inp['W_oe'] = u(ks[17], (1, 2 * D))
    inp['b_oe'] = u(ks[18], (1,))
    return inp


def _gru_cell(inp, h, Wih, Whh, bih, bhh):
    gi = inp @ Wih.T + bih
    gh = h @ Whh.T + bhh
    i_r, i_z, i_n = jnp.split(gi, 3, axis=1)
    h_r, h_z, h_n = jnp.split(gh, 3, axis=1)
    r = jax.nn.sigmoid(i_r + h_r)
    z = jax.nn.sigmoid(i_z + h_z)
    n = jnp.tanh(i_n + r * h_n)
    return (1.0 - z) * n + z * h


def _gate(c, W, b):
    return jax.nn.sigmoid(c @ W.T + b)


def reference(x, edge_feature, edge_index, Wih_node, Whh_node, bih_node, bhh_node,
              Wih_edge, Whh_edge, bih_edge, bhh_edge,
              W_sn, b_sn, W_on, b_on, W_se, b_se, W_oe, b_oe):
    # initial GRU step with zero hidden state (torch GRUCell(x) with hx=None)
    x = _gru_cell(x, jnp.zeros_like(x), Wih_node, Whh_node, bih_node, bhh_node)
    ef = _gru_cell(edge_feature, jnp.zeros_like(edge_feature), Wih_edge, Whh_edge, bih_edge, bhh_edge)
    src = edge_index[0]
    dst = edge_index[1]
    for _ in range(NUM_LAYERS):
        x_i = x[dst]  # target nodes (PyG flow source_to_target)
        x_j = x[src]  # source nodes
        ci = jnp.concatenate([x_i, ef], axis=1)
        cj = jnp.concatenate([x_j, ef], axis=1)
        node_message = _gate(ci, W_sn, b_sn) * ef + _gate(cj, W_on, b_on) * ef
        edge_message = _gate(ci, W_se, b_se) * x_i + _gate(cj, W_oe, b_oe) * x_j
        # scatter mean of node messages onto dst nodes
        sums = jax.ops.segment_sum(node_message, dst, num_segments=N)
        cnt = jax.ops.segment_sum(jnp.ones((E, 1), jnp.float32), dst, num_segments=N)
        node_msg = sums / jnp.maximum(cnt, 1.0)
        x = _gru_cell(node_msg, x, Wih_node, Whh_node, bih_node, bhh_node)
        ef = _gru_cell(edge_message, ef, Wih_edge, Whh_edge, bih_edge, bhh_edge)
    return (x, ef)

if __name__ == "__main__":
    import jax
    _d = setup_inputs()
    print(jax.jit(kernel)(*tuple(_d.values())))

</pallas_src>

<mosaic_0001>
#map = affine_map<(d0, d1) -> (0)>
#map1 = affine_map<(d0, d1) -> (0, 0)>
module attributes {stable_mosaic.version = 14 : i64} {
  func.func @k(%arg0: i32, %arg1: i32, %arg2: memref<160000xi32, #tpu.memory_space<hbm>>, %arg3: memref<128x8xf32, #tpu.memory_space<hbm>>, %arg4: memref<10000x8xf32, #tpu.memory_space<hbm>>, %arg5: memref<20000x8xf32, #tpu.memory_space<hbm>>, %arg6: memref<128xi32, #tpu.memory_space<vmem>>, %arg7: memref<128x8xf32, #tpu.memory_space<vmem>>, %arg8: memref<10000x8xf32, #tpu.memory_space<vmem_shared>>) attributes {dimension_semantics = [#tpu.dimension_semantics<core_parallel>, #tpu.dimension_semantics<subcore_parallel>], iteration_bounds = array<i64: 2, 16>, scalar_prefetch = 0 : i64, scratch_operands = 3 : i64, tpu.core_type = #tpu.core_type<sc_vector_subcore>, window_params = [{transform_indices = #map}, {transform_indices = #map1}, {transform_indices = #map1}, {transform_indices = #map1}]} {
    %mul3A = arith.constant 2 : i32
    %mul3A_0 = arith.muli %arg1, %mul3A : i32
    %add3A = arith.addi %mul3A_0, %arg0 : i32
    %mul3A_1 = arith.constant 625 : i32
    %mul3A_2 = arith.muli %arg1, %mul3A_1 : i32
    %jit3A = arith.constant 8 : i32
    %div3A = arith.divsi %mul3A_2, %jit3A : i32
    %sign3A = arith.constant 0 : i32
    %sign3A_3 = arith.cmpi sgt, %mul3A_2, %sign3A : i32
    %sign3A_4 = arith.extui %sign3A_3 : i1 to i32
    %sign3A_5 = arith.constant 0 : i32
    %sign3A_6 = arith.cmpi slt, %mul3A_2, %sign3A_5 : i32
    %sign3A_7 = arith.extui %sign3A_6 : i1 to i32
    %sign3A_8 = arith.subi %sign3A_4, %sign3A_7 : i32
    %sign3A_9 = arith.constant 0 : i32
    %sign3A_10 = arith.cmpi sgt, %jit3A, %sign3A_9 : i32
    %sign3A_11 = arith.extui %sign3A_10 : i1 to i32
    %sign3A_12 = arith.constant 0 : i32
    %sign3A_13 = arith.cmpi slt, %jit3A, %sign3A_12 : i32
    %sign3A_14 = arith.extui %sign3A_13 : i1 to i32
    %sign3A_15 = arith.subi %sign3A_11, %sign3A_14 : i32
    %ne3A = arith.cmpi ne, %sign3A_8, %sign3A_15 : i32
    %rem3A = arith.remsi %mul3A_2, %jit3A : i32
    %ne3A_16 = arith.constant 0 : i32
    %ne3A_17 = arith.cmpi ne, %rem3A, %ne3A_16 : i32
    %and3A = arith.andi %ne3A, %ne3A_17 : i1
    %sub3A = arith.constant 1 : i32
    %sub3A_18 = arith.subi %div3A, %sub3A : i32
    %select_n3A = arith.select %and3A, %sub3A_18, %div3A : i32
    %mul3A_19 = arith.constant 8 : i32
    %mul3A_20 = arith.muli %select_n3A, %mul3A_19 : i32
    %multiple_of3A = tpu.assume_multiple %mul3A_20, 8 : i32
    "tpu.region"() ({
      %run_scoped3A = tpu.sem_alloc : memref<!tpu.dma_semaphore, #tpu.memory_space<semaphore_mem>>
      %dma_start3A = arith.constant 0 : i32
      %dma_start3A_30 = tpu.memref_slice %arg8[%multiple_of3A, %dma_start3A] : memref<10000x8xf32, #tpu.memory_space<vmem_shared>> -> memref<632x8xf32, #tpu.memory_space<vmem_shared>>
      %dma_start3A_31 = arith.constant 0 : i32
      %dma_start3A_32 = tpu.memref_slice %arg4[%multiple_of3A, %dma_start3A_31] : memref<10000x8xf32, #tpu.memory_space<hbm>> -> memref<632x8xf32, #tpu.memory_space<hbm>>
      tpu.enqueue_dma source(%dma_start3A_32 : memref<632x8xf32, #tpu.memory_space<hbm>>) target(%dma_start3A_30 : memref<632x8xf32, #tpu.memory_space<vmem_shared>>) target_semaphore(%run_scoped3A : memref<!tpu.dma_semaphore, #tpu.memory_space<semaphore_mem>>)
      %dma_wait3A = arith.constant 0 : i32
      %dma_wait3A_33 = tpu.memref_slice %arg8[%multiple_of3A, %dma_wait3A] : memref<10000x8xf32, #tpu.memory_space<vmem_shared>> -> memref<632x8xf32, #tpu.memory_space<vmem_shared>>
      %dma_wait3A_34 = arith.constant 0 : i32
      %dma_wait3A_35 = tpu.memref_slice %arg4[%multiple_of3A, %dma_wait3A_34] : memref<10000x8xf32, #tpu.memory_space<hbm>> -> memref<632x8xf32, #tpu.memory_space<hbm>>
      tpu.wait_dma2 semaphore(%run_scoped3A : memref<!tpu.dma_semaphore, #tpu.memory_space<semaphore_mem>>) src(%dma_wait3A_35 : memref<632x8xf32, #tpu.memory_space<hbm>>) dst(%dma_wait3A_33 : memref<632x8xf32, #tpu.memory_space<vmem_shared>>)
      tpu.yield
    }) : () -> ()
    "tpu.region"() ({
      %run_scoped3A = tpu.sem_alloc : memref<!tpu.dma_semaphore, #tpu.memory_space<semaphore_mem>>
      tpu.enqueue_dma source(%arg3 : memref<128x8xf32, #tpu.memory_space<hbm>>) target(%arg7 : memref<128x8xf32, #tpu.memory_space<vmem>>) target_semaphore(%run_scoped3A : memref<!tpu.dma_semaphore, #tpu.memory_space<semaphore_mem>>)
      tpu.wait_dma2 semaphore(%run_scoped3A : memref<!tpu.dma_semaphore, #tpu.memory_space<semaphore_mem>>) src(%arg3 : memref<128x8xf32, #tpu.memory_space<hbm>>) dst(%arg7 : memref<128x8xf32, #tpu.memory_space<vmem>>)
      tpu.yield
    }) : () -> ()
    %barrier3A = arith.constant 0 : index
    tpu.barrier barrier_id(%barrier3A)
    %scan3A = arith.constant 0 : i32
    %scan3A_21 = arith.constant 40 : i32
    %scan3A_22 = arith.addi %scan3A, %scan3A_21 : i32
    %scan3A_23 = arith.constant 1 : i32
    scf.for %scan3A_30 = %scan3A to %scan3A_22 step %scan3A_23  : i32 {
      %mul3A_31 = arith.constant 1 : i32
      %mul3A_32 = arith.muli %scan3A_30, %mul3A_31 : i32
      %add3A_33 = arith.constant 0 : i32
      %add3A_34 = arith.addi %add3A_33, %mul3A_32 : i32
      %mul3A_35 = arith.constant 32 : i32
      %mul3A_36 = arith.muli %mul3A_35, %add3A_34 : i32
      %add3A_37 = arith.addi %add3A, %mul3A_36 : i32
      %lt3A = arith.constant 1250 : i32
      %lt3A_38 = arith.cmpi slt, %add3A_37, %lt3A : i32
      %convert_element_type3A = arith.extui %lt3A_38 : i1 to i32
      %cond3A = arith.constant 0 : i32
      %cond3A_39 = arith.cmpi ne, %convert_element_type3A, %cond3A : i32
      scf.if %cond3A_39 {
        %mul3A_40 = arith.constant 128 : i32
        %mul3A_41 = arith.muli %add3A_37, %mul3A_40 : i32
        "tpu.region"() ({
          %run_scoped3A = tpu.sem_alloc : memref<!tpu.dma_semaphore, #tpu.memory_space<semaphore_mem>>
          %dma_start3A = tpu.memref_slice %arg2[%mul3A_41] : memref<160000xi32, #tpu.memory_space<hbm>> -> memref<128xi32, #tpu.memory_space<hbm>>
          %dma_start3A_42 = tpu.memref_slice %arg2[%mul3A_41] : memref<160000xi32, #tpu.memory_space<hbm>> -> memref<128xi32, #tpu.memory_space<hbm>>
          tpu.enqueue_dma source(%dma_start3A_42 : memref<128xi32, #tpu.memory_space<hbm>>) target(%arg6 : memref<128xi32, #tpu.memory_space<vmem>>) target_semaphore(%run_scoped3A : memref<!tpu.dma_semaphore, #tpu.memory_space<semaphore_mem>>)
          %dma_wait3A = tpu.memref_slice %arg2[%mul3A_41] : memref<160000xi32, #tpu.memory_space<hbm>> -> memref<128xi32, #tpu.memory_space<hbm>>
          %dma_wait3A_43 = tpu.memref_slice %arg2[%mul3A_41] : memref<160000xi32, #tpu.memory_space<hbm>> -> memref<128xi32, #tpu.memory_space<hbm>>
          tpu.wait_dma2 semaphore(%run_scoped3A : memref<!tpu.dma_semaphore, #tpu.memory_space<semaphore_mem>>) src(%dma_wait3A_43 : memref<128xi32, #tpu.memory_space<hbm>>) dst(%arg6 : memref<128xi32, #tpu.memory_space<vmem>>)
          tpu.yield
        }) : () -> ()
        "tpu.region"() ({
          %run_scoped3A = tpu.sem_alloc : memref<!tpu.dma_semaphore, #tpu.memory_space<semaphore_mem>>
          %dma_start3A = arith.constant 0 : i32
          %dma_start3A_42 = arith.constant 0 : i32
          %dma_start3A_43 = tpu.memref_slice %arg8[%dma_start3A, %dma_start3A_42] : memref<10000x8xf32, #tpu.memory_space<vmem_shared>> -> memref<10000x8xf32, #tpu.memory_space<vmem_shared>>
          tpu.enqueue_indirect_dma source(%arg7 : memref<128x8xf32, #tpu.memory_space<vmem>>) target(%dma_start3A_43 : memref<10000x8xf32, #tpu.memory_space<vmem_shared>>) offsets(%arg6 : memref<128xi32, #tpu.memory_space<vmem>>) semaphore(%run_scoped3A : memref<!tpu.dma_semaphore, #tpu.memory_space<semaphore_mem>>) {add = true}
          %dma_wait3A = arith.constant 0 : i32
          %dma_wait3A_44 = arith.constant 0 : i32
          %dma_wait3A_45 = tpu.memref_slice %arg8[%dma_wait3A, %dma_wait3A_44] : memref<10000x8xf32, #tpu.memory_space<vmem_shared>> -> memref<10000x8xf32, #tpu.memory_space<vmem_shared>>
          tpu.wait_indirect_dma semaphore(%run_scoped3A : memref<!tpu.dma_semaphore, #tpu.memory_space<semaphore_mem>>) src(%arg7 : memref<128x8xf32, #tpu.memory_space<vmem>>) dst(%dma_wait3A_45 : memref<10000x8xf32, #tpu.memory_space<vmem_shared>>)
          tpu.yield
        }) : () -> ()
      } else {
      }
    }
    %scan3A_24 = arith.constant 40 : i32
    %barrier3A_25 = arith.constant 0 : index
    tpu.barrier barrier_id(%barrier3A_25)
    %mul3A_26 = arith.constant 10000 : i32
    %mul3A_27 = arith.muli %arg0, %mul3A_26 : i32
    %add3A_28 = arith.addi %mul3A_27, %multiple_of3A : i32
    %multiple_of3A_29 = tpu.assume_multiple %add3A_28, 8 : i32
    "tpu.region"() ({
      %run_scoped3A = tpu.sem_alloc : memref<!tpu.dma_semaphore, #tpu.memory_space<semaphore_mem>>
      %dma_start3A = arith.constant 0 : i32
      %dma_start3A_30 = tpu.memref_slice %arg5[%multiple_of3A_29, %dma_start3A] : memref<20000x8xf32, #tpu.memory_space<hbm>> -> memref<632x8xf32, #tpu.memory_space<hbm>>
      %dma_start3A_31 = arith.constant 0 : i32
      %dma_start3A_32 = tpu.memref_slice %arg8[%multiple_of3A, %dma_start3A_31] : memref<10000x8xf32, #tpu.memory_space<vmem_shared>> -> memref<632x8xf32, #tpu.memory_space<vmem_shared>>
      tpu.enqueue_dma source(%dma_start3A_32 : memref<632x8xf32, #tpu.memory_space<vmem_shared>>) target(%dma_start3A_30 : memref<632x8xf32, #tpu.memory_space<hbm>>) target_semaphore(%run_scoped3A : memref<!tpu.dma_semaphore, #tpu.memory_space<semaphore_mem>>)
      %dma_wait3A = arith.constant 0 : i32
      %dma_wait3A_33 = tpu.memref_slice %arg5[%multiple_of3A_29, %dma_wait3A] : memref<20000x8xf32, #tpu.memory_space<hbm>> -> memref<632x8xf32, #tpu.memory_space<hbm>>
      %dma_wait3A_34 = arith.constant 0 : i32
      %dma_wait3A_35 = tpu.memref_slice %arg8[%multiple_of3A, %dma_wait3A_34] : memref<10000x8xf32, #tpu.memory_space<vmem_shared>> -> memref<632x8xf32, #tpu.memory_space<vmem_shared>>
      tpu.wait_dma2 semaphore(%run_scoped3A : memref<!tpu.dma_semaphore, #tpu.memory_space<semaphore_mem>>) src(%dma_wait3A_35 : memref<632x8xf32, #tpu.memory_space<vmem_shared>>) dst(%dma_wait3A_33 : memref<632x8xf32, #tpu.memory_space<hbm>>)
      tpu.yield
    }) : () -> ()
    return
  }
}

#map = affine_map<(d0, d1) -> (0, 0)>
#map1 = affine_map<(d0, d1) -> (0)>
module attributes {stable_mosaic.version = 14 : i64} {
  func.func @k(%arg0: i32, %arg1: i32, %arg2: memref<10000x128xf32, #tpu.memory_space<hbm>>, %arg3: memref<160000x128xf32, #tpu.memory_space<hbm>>, %arg4: memref<160000xi32, #tpu.memory_space<hbm>>, %arg5: memref<160000xi32, #tpu.memory_space<hbm>>, %arg6: memref<10000x8xf32, #tpu.memory_space<hbm>>, %arg7: memref<160000x8xf32, #tpu.memory_space<hbm>>, %arg8: memref<10000x128xf32, #tpu.memory_space<hbm>>, %arg9: memref<160000x128xf32, #tpu.memory_space<hbm>>, %arg10: memref<20000x128xf32, #tpu.memory_space<hbm>>, %arg11: memref<32xi32, #tpu.memory_space<vmem>>, %arg12: memref<32xi32, #tpu.memory_space<vmem>>, %arg13: memref<32xi32, #tpu.memory_space<vmem>>, %arg14: memref<32xi32, #tpu.memory_space<vmem>>, %arg15: memref<32xi32, #tpu.memory_space<vmem>>, %arg16: memref<32xi32, #tpu.memory_space<vmem>>, %arg17: memref<32x128xf32, #tpu.memory_space<vmem>>, %arg18: memref<32x128xf32, #tpu.memory_space<vmem>>, %arg19: memref<32x128xf32, #tpu.memory_space<vmem>>, %arg20: memref<32x128xf32, #tpu.memory_space<vmem>>, %arg21: memref<32x128xf32, #tpu.memory_space<vmem>>, %arg22: memref<32x128xf32, #tpu.memory_space<vmem>>, %arg23: memref<32x8xf32, #tpu.memory_space<vmem>>, %arg24: memref<32x8xf32, #tpu.memory_space<vmem>>, %arg25: memref<32x8xf32, #tpu.memory_space<vmem>>, %arg26: memref<32x8xf32, #tpu.memory_space<vmem>>, %arg27: memref<32x8xf32, #tpu.memory_space<vmem>>, %arg28: memref<32x8xf32, #tpu.memory_space<vmem>>, %arg29: memref<32x128xf32, #tpu.memory_space<vmem>>, %arg30: memref<32x128xf32, #tpu.memory_space<vmem>>, %arg31: memref<32x128xf32, #tpu.memory_space<vmem>>, %arg32: memref<32x128xf32, #tpu.memory_space<vmem>>, %arg33: memref<32xf32, #tpu.memory_space<vmem>>, %arg34: memref<32xf32, #tpu.memory_space<vmem>>, %arg35: memref<32xf32, #tpu.memory_space<vmem>>, %arg36: memref<10000x128xf32, #tpu.memory_space<vmem_shared>>, %arg37: memref<!tpu.dma_semaphore, #tpu.memory_space<semaphore_mem>>, %arg38: memref<!tpu.dma_semaphore, #tpu.memory_space<semaphore_mem>>, %arg39: memref<!tpu.dma_semaphore, #tpu.memory_space<semaphore_mem>>, %arg40: memref<!tpu.dma_semaphore, #tpu.memory_space<semaphore_mem>>, %arg41: memref<!tpu.dma_semaphore, #tpu.memory_space<semaphore_mem>>, %arg42: memref<!tpu.dma_semaphore, #tpu.memory_space<semaphore_mem>>) attributes {dimension_semantics = [#tpu.dimension_semantics<core_parallel>, #tpu.dimension_semantics<subcore_parallel>], iteration_bounds = array<i64: 2, 16>, scalar_prefetch = 0 : i64, scratch_operands = 32 : i64, tpu.core_type = #tpu.core_type<sc_vector_subcore>, window_params = [{transform_indices = #map}, {transform_indices = #map}, {transform_indices = #map1}, {transform_indices = #map1}, {transform_indices = #map}, {transform_indices = #map}, {transform_indices = #map}, {transform_indices = #map}, {transform_indices = #map}]} {
    %mul3A = arith.constant 2 : i32
    %mul3A_0 = arith.muli %arg1, %mul3A : i32
    %add3A = arith.addi %mul3A_0, %arg0 : i32
    %mul3A_1 = arith.constant 625 : i32
    %mul3A_2 = arith.muli %arg1, %mul3A_1 : i32
    %jit3A = arith.constant 8 : i32
    %div3A = arith.divsi %mul3A_2, %jit3A : i32
    %sign3A = arith.constant 0 : i32
    %sign3A_3 = arith.cmpi sgt, %mul3A_2, %sign3A : i32
    %sign3A_4 = arith.extui %sign3A_3 : i1 to i32
    %sign3A_5 = arith.constant 0 : i32
    %sign3A_6 = arith.cmpi slt, %mul3A_2, %sign3A_5 : i32
    %sign3A_7 = arith.extui %sign3A_6 : i1 to i32
    %sign3A_8 = arith.subi %sign3A_4, %sign3A_7 : i32
    %sign3A_9 = arith.constant 0 : i32
    %sign3A_10 = arith.cmpi sgt, %jit3A, %sign3A_9 : i32
    %sign3A_11 = arith.extui %sign3A_10 : i1 to i32
    %sign3A_12 = arith.constant 0 : i32
    %sign3A_13 = arith.cmpi slt, %jit3A, %sign3A_12 : i32
    %sign3A_14 = arith.extui %sign3A_13 : i1 to i32
    %sign3A_15 = arith.subi %sign3A_11, %sign3A_14 : i32
    %ne3A = arith.cmpi ne, %sign3A_8, %sign3A_15 : i32
    %rem3A = arith.remsi %mul3A_2, %jit3A : i32
    %ne3A_16 = arith.constant 0 : i32
    %ne3A_17 = arith.cmpi ne, %rem3A, %ne3A_16 : i32
    %and3A = arith.andi %ne3A, %ne3A_17 : i1
    %sub3A = arith.constant 1 : i32
    %sub3A_18 = arith.subi %div3A, %sub3A : i32
    %select_n3A = arith.select %and3A, %sub3A_18, %div3A : i32
    %mul3A_19 = arith.constant 8 : i32
    %mul3A_20 = arith.muli %select_n3A, %mul3A_19 : i32
    %multiple_of3A = tpu.assume_multiple %mul3A_20, 8 : i32
    "tpu.region"() ({
      %run_scoped3A = tpu.sem_alloc : memref<!tpu.dma_semaphore, #tpu.memory_space<semaphore_mem>>
      %dma_start3A = arith.constant 0 : i32
      %dma_start3A_76 = tpu.memref_slice %arg36[%multiple_of3A, %dma_start3A] : memref<10000x128xf32, #tpu.memory_space<vmem_shared>> -> memref<632x128xf32, #tpu.memory_space<vmem_shared>>
      %dma_start3A_77 = arith.constant 0 : i32
      %dma_start3A_78 = tpu.memref_slice %arg8[%multiple_of3A, %dma_start3A_77] : memref<10000x128xf32, #tpu.memory_space<hbm>> -> memref<632x128xf32, #tpu.memory_space<hbm>>
      tpu.enqueue_dma source(%dma_start3A_78 : memref<632x128xf32, #tpu.memory_space<hbm>>) target(%dma_start3A_76 : memref<632x128xf32, #tpu.memory_space<vmem_shared>>) target_semaphore(%run_scoped3A : memref<!tpu.dma_semaphore, #tpu.memory_space<semaphore_mem>>)
      %dma_wait3A = arith.constant 0 : i32
      %dma_wait3A_79 = tpu.memref_slice %arg36[%multiple_of3A, %dma_wait3A] : memref<10000x128xf32, #tpu.memory_space<vmem_shared>> -> memref<632x128xf32, #tpu.memory_space<vmem_shared>>
      %dma_wait3A_80 = arith.constant 0 : i32
      %dma_wait3A_81 = tpu.memref_slice %arg8[%multiple_of3A, %dma_wait3A_80] : memref<10000x128xf32, #tpu.memory_space<hbm>> -> memref<632x128xf32, #tpu.memory_space<hbm>>
      tpu.wait_dma2 semaphore(%run_scoped3A : memref<!tpu.dma_semaphore, #tpu.memory_space<semaphore_mem>>) src(%dma_wait3A_81 : memref<632x128xf32, #tpu.memory_space<hbm>>) dst(%dma_wait3A_79 : memref<632x128xf32, #tpu.memory_space<vmem_shared>>)
      tpu.yield
    }) : () -> ()
    %barrier3A = arith.constant 0 : index
    tpu.barrier barrier_id(%barrier3A)
    %add3A_21 = arith.constant 0 : i32
    %add3A_22 = arith.addi %add3A, %add3A_21 : i32
    %ge3A = arith.constant 0 : i32
    %ge3A_23 = arith.cmpi sge, %add3A_22, %ge3A : i32
    %lt3A = arith.constant 5000 : i32
    %lt3A_24 = arith.cmpi slt, %add3A_22, %lt3A : i32
    %and3A_25 = arith.andi %ge3A_23, %lt3A_24 : i1
    %convert_element_type3A = arith.extui %and3A_25 : i1 to i32
    %cond3A = arith.constant 0 : i32
    %cond3A_26 = arith.cmpi ne, %convert_element_type3A, %cond3A : i32
    scf.if %cond3A_26 {
      %mul3A_76 = arith.constant 32 : i32
      %mul3A_77 = arith.muli %add3A_22, %mul3A_76 : i32
      %dma_start3A = tpu.memref_slice %arg5[%mul3A_77] : memref<160000xi32, #tpu.memory_space<hbm>> -> memref<32xi32, #tpu.memory_space<hbm>>
      %dma_start3A_78 = tpu.memref_slice %arg5[%mul3A_77] : memref<160000xi32, #tpu.memory_space<hbm>> -> memref<32xi32, #tpu.memory_space<hbm>>
      tpu.enqueue_dma source(%dma_start3A_78 : memref<32xi32, #tpu.memory_space<hbm>>) target(%arg11 : memref<32xi32, #tpu.memory_space<vmem>>) target_semaphore(%arg37 : memref<!tpu.dma_semaphore, #tpu.memory_space<semaphore_mem>>)
      %dma_start3A_79 = tpu.memref_slice %arg4[%mul3A_77] : memref<160000xi32, #tpu.memory_space<hbm>> -> memref<32xi32, #tpu.memory_space<hbm>>
      %dma_start3A_80 = tpu.memref_slice %arg4[%mul3A_77] : memref<160000xi32, #tpu.memory_space<hbm>> -> memref<32xi32, #tpu.memory_space<hbm>>
      tpu.enqueue_dma source(%dma_start3A_80 : memref<32xi32, #tpu.memory_space<hbm>>) target(%arg12 : memref<32xi32, #tpu.memory_space<vmem>>) target_semaphore(%arg37 : memref<!tpu.dma_semaphore, #tpu.memory_space<semaphore_mem>>)
    } else {
    }
    %add3A_27 = arith.constant 0 : i32
    %add3A_28 = arith.addi %add3A, %add3A_27 : i32
    %ge3A_29 = arith.constant 0 : i32
    %ge3A_30 = arith.cmpi sge, %add3A_28, %ge3A_29 : i32
    %lt3A_31 = arith.constant 5000 : i32
    %lt3A_32 = arith.cmpi slt, %add3A_28, %lt3A_31 : i32
    %and3A_33 = arith.andi %ge3A_30, %lt3A_32 : i1
    %convert_element_type3A_34 = arith.extui %and3A_33 : i1 to i32
    %cond3A_35 = arith.constant 0 : i32
    %cond3A_36 = arith.cmpi ne, %convert_element_type3A_34, %cond3A_35 : i32
    scf.if %cond3A_36 {
      %mul3A_76 = arith.constant 32 : i32
      %mul3A_77 = arith.muli %add3A_28, %mul3A_76 : i32
      %dma_wait3A = tpu.memref_slice %arg5[%mul3A_77] : memref<160000xi32, #tpu.memory_space<hbm>> -> memref<32xi32, #tpu.memory_space<hbm>>
      %dma_wait3A_78 = tpu.memref_slice %arg5[%mul3A_77] : memref<160000xi32, #tpu.memory_space<hbm>> -> memref<32xi32, #tpu.memory_space<hbm>>
      tpu.wait_dma2 semaphore(%arg37 : memref<!tpu.dma_semaphore, #tpu.memory_space<semaphore_mem>>) src(%dma_wait3A_78 : memref<32xi32, #tpu.memory_space<hbm>>) dst(%arg11 : memref<32xi32, #tpu.memory_space<vmem>>)
      %dma_wait3A_79 = tpu.memref_slice %arg4[%mul3A_77] : memref<160000xi32, #tpu.memory_space<hbm>> -> memref<32xi32, #tpu.memory_space<hbm>>
      %dma_wait3A_80 = tpu.memref_slice %arg4[%mul3A_77] : memref<160000xi32, #tpu.memory_space<hbm>> -> memref<32xi32, #tpu.memory_space<hbm>>
      tpu.wait_dma2 semaphore(%arg37 : memref<!tpu.dma_semaphore, #tpu.memory_space<semaphore_mem>>) src(%dma_wait3A_80 : memref<32xi32, #tpu.memory_space<hbm>>) dst(%arg12 : memref<32xi32, #tpu.memory_space<vmem>>)
      %dma_start3A = arith.constant 0 : i32
      %dma_start3A_81 = arith.constant 0 : i32
      %dma_start3A_82 = tpu.memref_slice %arg2[%dma_start3A, %dma_start3A_81] : memref<10000x128xf32, #tpu.memory_space<hbm>> -> memref<10000x128xf32, #tpu.memory_space<hbm>>
      tpu.enqueue_indirect_dma source(%dma_start3A_82 : memref<10000x128xf32, #tpu.memory_space<hbm>>) target(%arg17 : memref<32x128xf32, #tpu.memory_space<vmem>>) offsets(%arg11 : memref<32xi32, #tpu.memory_space<vmem>>) semaphore(%arg39 : memref<!tpu.dma_semaphore, #tpu.memory_space<semaphore_mem>>)
      %dma_start3A_83 = arith.constant 0 : i32
      %dma_start3A_84 = arith.constant 0 : i32
      %dma_start3A_85 = tpu.memref_slice %arg2[%dma_start3A_83, %dma_start3A_84] : memref<10000x128xf32, #tpu.memory_space<hbm>> -> memref<10000x128xf32, #tpu.memory_space<hbm>>
      tpu.enqueue_indirect_dma source(%dma_start3A_85 : memref<10000x128xf32, #tpu.memory_space<hbm>>) target(%arg18 : memref<32x128xf32, #tpu.memory_space<vmem>>) offsets(%arg12 : memref<32xi32, #tpu.memory_space<vmem>>) semaphore(%arg39 : memref<!tpu.dma_semaphore, #tpu.memory_space<semaphore_mem>>)
      %dma_start3A_86 = arith.constant 0 : i32
      %dma_start3A_87 = arith.constant 0 : i32
      %dma_start3A_88 = tpu.memref_slice %arg6[%dma_start3A_86, %dma_start3A_87] : memref<10000x8xf32, #tpu.memory_space<hbm>> -> memref<10000x8xf32, #tpu.memory_space<hbm>>
      tpu.enqueue_indirect_dma source(%dma_start3A_88 : memref<10000x8xf32, #tpu.memory_space<hbm>>) target(%arg23 : memref<32x8xf32, #tpu.memory_space<vmem>>) offsets(%arg11 : memref<32xi32, #tpu.memory_space<vmem>>) semaphore(%arg39 : memref<!tpu.dma_semaphore, #tpu.memory_space<semaphore_mem>>)
      %dma_start3A_89 = arith.constant 0 : i32
      %dma_start3A_90 = arith.constant 0 : i32
      %dma_start3A_91 = tpu.memref_slice %arg6[%dma_start3A_89, %dma_start3A_90] : memref<10000x8xf32, #tpu.memory_space<hbm>> -> memref<10000x8xf32, #tpu.memory_space<hbm>>
      tpu.enqueue_indirect_dma source(%dma_start3A_91 : memref<10000x8xf32, #tpu.memory_space<hbm>>) target(%arg24 : memref<32x8xf32, #tpu.memory_space<vmem>>) offsets(%arg12 : memref<32xi32, #tpu.memory_space<vmem>>) semaphore(%arg39 : memref<!tpu.dma_semaphore, #tpu.memory_space<semaphore_mem>>)
      %dma_start3A_92 = arith.constant 0 : i32
      %dma_start3A_93 = tpu.memref_slice %arg3[%mul3A_77, %dma_start3A_92] : memref<160000x128xf32, #tpu.memory_space<hbm>> -> memref<32x128xf32, #tpu.memory_space<hbm>>
      %dma_start3A_94 = arith.constant 0 : i32
      %dma_start3A_95 = tpu.memref_slice %arg3[%mul3A_77, %dma_start3A_94] : memref<160000x128xf32, #tpu.memory_space<hbm>> -> memref<32x128xf32, #tpu.memory_space<hbm>>
      tpu.enqueue_dma source(%dma_start3A_95 : memref<32x128xf32, #tpu.memory_space<hbm>>) target(%arg19 : memref<32x128xf32, #tpu.memory_space<vmem>>) target_semaphore(%arg39 : memref<!tpu.dma_semaphore, #tpu.memory_space<semaphore_mem>>)
      %dma_start3A_96 = arith.constant 0 : i32
      %dma_start3A_97 = tpu.memref_slice %arg7[%mul3A_77, %dma_start3A_96] : memref<160000x8xf32, #tpu.memory_space<hbm>> -> memref<32x8xf32, #tpu.memory_space<hbm>>
      %dma_start3A_98 = arith.constant 0 : i32
      %dma_start3A_99 = tpu.memref_slice %arg7[%mul3A_77, %dma_start3A_98] : memref<160000x8xf32, #tpu.memory_space<hbm>> -> memref<32x8xf32, #tpu.memory_space<hbm>>
      tpu.enqueue_dma source(%dma_start3A_99 : memref<32x8xf32, #tpu.memory_space<hbm>>) target(%arg25 : memref<32x8xf32, #tpu.memory_space<vmem>>) target_semaphore(%arg39 : memref<!tpu.dma_semaphore, #tpu.memory_space<semaphore_mem>>)
    } else {
    }
    %add3A_37 = arith.constant 32 : i32
    %add3A_38 = arith.addi %add3A, %add3A_37 : i32
    %ge3A_39 = arith.constant 0 : i32
    %ge3A_40 = arith.cmpi sge, %add3A_38, %ge3A_39 : i32
    %lt3A_41 = arith.constant 5000 : i32
    %lt3A_42 = arith.cmpi slt, %add3A_38, %lt3A_41 : i32
    %and3A_43 = arith.andi %ge3A_40, %lt3A_42 : i1
    %convert_element_type3A_44 = arith.extui %and3A_43 : i1 to i32
    %cond3A_45 = arith.constant 0 : i32
    %cond3A_46 = arith.cmpi ne, %convert_element_type3A_44, %cond3A_45 : i32
    scf.if %cond3A_46 {
      %mul3A_76 = arith.constant 32 : i32
      %mul3A_77 = arith.muli %add3A_38, %mul3A_76 : i32
      %dma_start3A = tpu.memref_slice %arg5[%mul3A_77] : memref<160000xi32, #tpu.memory_space<hbm>> -> memref<32xi32, #tpu.memory_space<hbm>>
      %dma_start3A_78 = tpu.memref_slice %arg5[%mul3A_77] : memref<160000xi32, #tpu.memory_space<hbm>> -> memref<32xi32, #tpu.memory_space<hbm>>
      tpu.enqueue_dma source(%dma_start3A_78 : memref<32xi32, #tpu.memory_space<hbm>>) target(%arg13 : memref<32xi32, #tpu.memory_space<vmem>>) target_semaphore(%arg38 : memref<!tpu.dma_semaphore, #tpu.memory_space<semaphore_mem>>)
      %dma_start3A_79 = tpu.memref_slice %arg4[%mul3A_77] : memref<160000xi32, #tpu.memory_space<hbm>> -> memref<32xi32, #tpu.memory_space<hbm>>
      %dma_start3A_80 = tpu.memref_slice %arg4[%mul3A_77] : memref<160000xi32, #tpu.memory_space<hbm>> -> memref<32xi32, #tpu.memory_space<hbm>>
      tpu.enqueue_dma source(%dma_start3A_80 : memref<32xi32, #tpu.memory_space<hbm>>) target(%arg14 : memref<32xi32, #tpu.memory_space<vmem>>) target_semaphore(%arg38 : memref<!tpu.dma_semaphore, #tpu.memory_space<semaphore_mem>>)
    } else {
    }
    %scan3A = arith.constant 0 : i32
    %scan3A_47 = arith.constant 79 : i32
    %scan3A_48 = arith.addi %scan3A, %scan3A_47 : i32
    %scan3A_49 = arith.constant 1 : i32
    scf.for %scan3A_76 = %scan3A to %scan3A_48 step %scan3A_49  : i32 {
      %mul3A_77 = arith.constant 1 : i32
      %mul3A_78 = arith.muli %scan3A_76, %mul3A_77 : i32
      %add3A_79 = arith.constant 0 : i32
      %add3A_80 = arith.addi %add3A_79, %mul3A_78 : i32
      %mul3A_81 = arith.constant 2 : i32
      %mul3A_82 = arith.muli %add3A_80, %mul3A_81 : i32
      %add3A_83 = arith.constant 1 : i32
      %add3A_84 = arith.addi %mul3A_82, %add3A_83 : i32
      %mul3A_85 = arith.constant 32 : i32
      %mul3A_86 = arith.muli %mul3A_85, %add3A_84 : i32
      %add3A_87 = arith.addi %add3A, %mul3A_86 : i32
      %ge3A_88 = arith.constant 0 : i32
      %ge3A_89 = arith.cmpi sge, %add3A_87, %ge3A_88 : i32
      %lt3A_90 = arith.constant 5000 : i32
      %lt3A_91 = arith.cmpi slt, %add3A_87, %lt3A_90 : i32
      %and3A_92 = arith.andi %ge3A_89, %lt3A_91 : i1
      %convert_element_type3A_93 = arith.extui %and3A_92 : i1 to i32
      %cond3A_94 = arith.constant 0 : i32
      %cond3A_95 = arith.cmpi ne, %convert_element_type3A_93, %cond3A_94 : i32
      scf.if %cond3A_95 {
        %mul3A_183 = arith.constant 32 : i32
        %mul3A_184 = arith.muli %add3A_87, %mul3A_183 : i32
        %dma_wait3A = tpu.memref_slice %arg5[%mul3A_184] : memref<160000xi32, #tpu.memory_space<hbm>> -> memref<32xi32, #tpu.memory_space<hbm>>
        %dma_wait3A_185 = tpu.memref_slice %arg5[%mul3A_184] : memref<160000xi32, #tpu.memory_space<hbm>> -> memref<32xi32, #tpu.memory_space<hbm>>
        tpu.wait_dma2 semaphore(%arg38 : memref<!tpu.dma_semaphore, #tpu.memory_space<semaphore_mem>>) src(%dma_wait3A_185 : memref<32xi32, #tpu.memory_space<hbm>>) dst(%arg13 : memref<32xi32, #tpu.memory_space<vmem>>)
        %dma_wait3A_186 = tpu.memref_slice %arg4[%mul3A_184] : memref<160000xi32, #tpu.memory_space<hbm>> -> memref<32xi32, #tpu.memory_space<hbm>>
        %dma_wait3A_187 = tpu.memref_slice %arg4[%mul3A_184] : memref<160000xi32, #tpu.memory_space<hbm>> -> memref<32xi32, #tpu.memory_space<hbm>>
        tpu.wait_dma2 semaphore(%arg38 : memref<!tpu.dma_semaphore, #tpu.memory_space<semaphore_mem>>) src(%dma_wait3A_187 : memref<32xi32, #tpu.memory_space<hbm>>) dst(%arg14 : memref<32xi32, #tpu.memory_space<vmem>>)
        %dma_start3A = arith.constant 0 : i32
        %dma_start3A_188 = arith.constant 0 : i32
        %dma_start3A_189 = tpu.memref_slice %arg2[%dma_start3A, %dma_start3A_188] : memref<10000x128xf32, #tpu.memory_space<hbm>> -> memref<10000x128xf32, #tpu.memory_space<hbm>>
        tpu.enqueue_indirect_dma source(%dma_start3A_189 : memref<10000x128xf32, #tpu.memory_space<hbm>>) target(%arg20 : memref<32x128xf32, #tpu.memory_space<vmem>>) offsets(%arg13 : memref<32xi32, #tpu.memory_space<vmem>>) semaphore(%arg40 : memref<!tpu.dma_semaphore, #tpu.memory_space<semaphore_mem>>)
        %dma_start3A_190 = arith.constant 0 : i32
        %dma_start3A_191 = arith.constant 0 : i32
        %dma_start3A_192 = tpu.memref_slice %arg2[%dma_start3A_190, %dma_start3A_191] : memref<10000x128xf32, #tpu.memory_space<hbm>> -> memref<10000x128xf32, #tpu.memory_space<hbm>>
        tpu.enqueue_indirect_dma source(%dma_start3A_192 : memref<10000x128xf32, #tpu.memory_space<hbm>>) target(%arg21 : memref<32x128xf32, #tpu.memory_space<vmem>>) offsets(%arg14 : memref<32xi32, #tpu.memory_space<vmem>>) semaphore(%arg40 : memref<!tpu.dma_semaphore, #tpu.memory_space<semaphore_mem>>)
        %dma_start3A_193 = arith.constant 0 : i32
        %dma_start3A_194 = arith.constant 0 : i32
        %dma_start3A_195 = tpu.memref_slice %arg6[%dma_start3A_193, %dma_start3A_194] : memref<10000x8xf32, #tpu.memory_space<hbm>> -> memref<10000x8xf32, #tpu.memory_space<hbm>>
        tpu.enqueue_indirect_dma source(%dma_start3A_195 : memref<10000x8xf32, #tpu.memory_space<hbm>>) target(%arg26 : memref<32x8xf32, #tpu.memory_space<vmem>>) offsets(%arg13 : memref<32xi32, #tpu.memory_space<vmem>>) semaphore(%arg40 : memref<!tpu.dma_semaphore, #tpu.memory_space<semaphore_mem>>)
        %dma_start3A_196 = arith.constant 0 : i32
        %dma_start3A_197 = arith.constant 0 : i32
        %dma_start3A_198 = tpu.memref_slice %arg6[%dma_start3A_196, %dma_start3A_197] : memref<10000x8xf32, #tpu.memory_space<hbm>> -> memref<10000x8xf32, #tpu.memory_space<hbm>>
        tpu.enqueue_indirect_dma source(%dma_start3A_198 : memref<10000x8xf32, #tpu.memory_space<hbm>>) target(%arg27 : memref<32x8xf32, #tpu.memory_space<vmem>>) offsets(%arg14 : memref<32xi32, #tpu.memory_space<vmem>>) semaphore(%arg40 : memref<!tpu.dma_semaphore, #tpu.memory_space<semaphore_mem>>)
        %dma_start3A_199 = arith.constant 0 : i32
        %dma_start3A_200 = tpu.memref_slice %arg3[%mul3A_184, %dma_start3A_199] : memref<160000x128xf32, #tpu.memory_space<hbm>> -> memref<32x128xf32, #tpu.memory_space<hbm>>
        %dma_start3A_201 = arith.constant 0 : i32
        %dma_start3A_202 = tpu.memref_slice %arg3[%mul3A_184, %dma_start3A_201] : memref<160000x128xf32, #tpu.memory_space<hbm>> -> memref<32x128xf32, #tpu.memory_space<hbm>>
        tpu.enqueue_dma source(%dma_start3A_202 : memref<32x128xf32, #tpu.memory_space<hbm>>) target(%arg22 : memref<32x128xf32, #tpu.memory_space<vmem>>) target_semaphore(%arg40 : memref<!tpu.dma_semaphore, #tpu.memory_space<semaphore_mem>>)
        %dma_start3A_203 = arith.constant 0 : i32
        %dma_start3A_204 = tpu.memref_slice %arg7[%mul3A_184, %dma_start3A_203] : memref<160000x8xf32, #tpu.memory_space<hbm>> -> memref<32x8xf32, #tpu.memory_space<hbm>>
        %dma_start3A_205 = arith.constant 0 : i32
        %dma_start3A_206 = tpu.memref_slice %arg7[%mul3A_184, %dma_start3A_205] : memref<160000x8xf32, #tpu.memory_space<hbm>> -> memref<32x8xf32, #tpu.memory_space<hbm>>
        tpu.enqueue_dma source(%dma_start3A_206 : memref<32x8xf32, #tpu.memory_space<hbm>>) target(%arg28 : memref<32x8xf32, #tpu.memory_space<vmem>>) target_semaphore(%arg40 : memref<!tpu.dma_semaphore, #tpu.memory_space<semaphore_mem>>)
      } else {
      }
      %sub3A_96 = arith.constant 2 : i32
      %sub3A_97 = arith.subi %mul3A_82, %sub3A_96 : i32
      %mul3A_98 = arith.constant 32 : i32
      %mul3A_99 = arith.muli %mul3A_98, %sub3A_97 : i32
      %add3A_100 = arith.addi %add3A, %mul3A_99 : i32
      %ge3A_101 = arith.constant 0 : i32
      %ge3A_102 = arith.cmpi sge, %add3A_100, %ge3A_101 : i32
      %lt3A_103 = arith.constant 5000 : i32
      %lt3A_104 = arith.cmpi slt, %add3A_100, %lt3A_103 : i32
      %and3A_105 = arith.andi %ge3A_102, %lt3A_104 : i1
      %convert_element_type3A_106 = arith.extui %and3A_105 : i1 to i32
      %cond3A_107 = arith.constant 0 : i32
      %cond3A_108 = arith.cmpi ne, %convert_element_type3A_106, %cond3A_107 : i32
      scf.if %cond3A_108 {
        %mul3A_183 = arith.constant 32 : i32
        %mul3A_184 = arith.muli %add3A_100, %mul3A_183 : i32
        %dma_wait3A = arith.constant 0 : i32
        %dma_wait3A_185 = tpu.memref_slice %arg9[%mul3A_184, %dma_wait3A] : memref<160000x128xf32, #tpu.memory_space<hbm>> -> memref<32x128xf32, #tpu.memory_space<hbm>>
        %dma_wait3A_186 = arith.constant 0 : i32
        %dma_wait3A_187 = tpu.memref_slice %arg9[%mul3A_184, %dma_wait3A_186] : memref<160000x128xf32, #tpu.memory_space<hbm>> -> memref<32x128xf32, #tpu.memory_space<hbm>>
        tpu.wait_dma2 semaphore(%arg41 : memref<!tpu.dma_semaphore, #tpu.memory_space<semaphore_mem>>) src(%arg29 : memref<32x128xf32, #tpu.memory_space<vmem>>) dst(%dma_wait3A_187 : memref<32x128xf32, #tpu.memory_space<hbm>>)
      } else {
      }
      %mul3A_109 = arith.constant 32 : i32
      %mul3A_110 = arith.muli %mul3A_109, %mul3A_82 : i32
      %add3A_111 = arith.addi %add3A, %mul3A_110 : i32
      %ge3A_112 = arith.constant 0 : i32
      %ge3A_113 = arith.cmpi sge, %add3A_111, %ge3A_112 : i32
      %lt3A_114 = arith.constant 5000 : i32
      %lt3A_115 = arith.cmpi slt, %add3A_111, %lt3A_114 : i32
      %and3A_116 = arith.andi %ge3A_113, %lt3A_115 : i1
      %convert_element_type3A_117 = arith.extui %and3A_116 : i1 to i32
      %cond3A_118 = arith.constant 0 : i32
      %cond3A_119 = arith.cmpi ne, %convert_element_type3A_117, %cond3A_118 : i32
      scf.if %cond3A_119 {
        %mul3A_183 = arith.constant 32 : i32
        %mul3A_184 = arith.muli %add3A_111, %mul3A_183 : i32
        %dma_wait3A = arith.constant 0 : i32
        %dma_wait3A_185 = arith.constant 0 : i32
        %dma_wait3A_186 = tpu.memref_slice %arg2[%dma_wait3A, %dma_wait3A_185] : memref<10000x128xf32, #tpu.memory_space<hbm>> -> memref<32x128xf32, #tpu.memory_space<hbm>>
        %dma_wait3A_187 = arith.constant 0 : i32
        %dma_wait3A_188 = arith.constant 0 : i32
        %dma_wait3A_189 = tpu.memref_slice %arg2[%dma_wait3A_187, %dma_wait3A_188] : memref<10000x128xf32, #tpu.memory_space<hbm>> -> memref<32x128xf32, #tpu.memory_space<hbm>>
        tpu.wait_dma2 semaphore(%arg39 : memref<!tpu.dma_semaphore, #tpu.memory_space<semaphore_mem>>) src(%dma_wait3A_189 : memref<32x128xf32, #tpu.memory_space<hbm>>) dst(%arg17 : memref<32x128xf32, #tpu.memory_space<vmem>>)
        %dma_wait3A_190 = arith.constant 0 : i32
        %dma_wait3A_191 = arith.constant 0 : i32
        %dma_wait3A_192 = tpu.memref_slice %arg2[%dma_wait3A_190, %dma_wait3A_191] : memref<10000x128xf32, #tpu.memory_space<hbm>> -> memref<32x128xf32, #tpu.memory_space<hbm>>
        %dma_wait3A_193 = arith.constant 0 : i32
        %dma_wait3A_194 = arith.constant 0 : i32
        %dma_wait3A_195 = tpu.memref_slice %arg2[%dma_wait3A_193, %dma_wait3A_194] : memref<10000x128xf32, #tpu.memory_space<hbm>> -> memref<32x128xf32, #tpu.memory_space<hbm>>
        tpu.wait_dma2 semaphore(%arg39 : memref<!tpu.dma_semaphore, #tpu.memory_space<semaphore_mem>>) src(%dma_wait3A_195 : memref<32x128xf32, #tpu.memory_space<hbm>>) dst(%arg18 : memref<32x128xf32, #tpu.memory_space<vmem>>)
        %dma_wait3A_196 = arith.constant 0 : i32
        %dma_wait3A_197 = arith.constant 0 : i32
        %dma_wait3A_198 = tpu.memref_slice %arg6[%dma_wait3A_196, %dma_wait3A_197] : memref<10000x8xf32, #tpu.memory_space<hbm>> -> memref<32x8xf32, #tpu.memory_space<hbm>>
        %dma_wait3A_199 = arith.constant 0 : i32
        %dma_wait3A_200 = arith.constant 0 : i32
        %dma_wait3A_201 = tpu.memref_slice %arg6[%dma_wait3A_199, %dma_wait3A_200] : memref<10000x8xf32, #tpu.memory_space<hbm>> -> memref<32x8xf32, #tpu.memory_space<hbm>>
        tpu.wait_dma2 semaphore(%arg39 : memref<!tpu.dma_semaphore, #tpu.memory_space<semaphore_mem>>) src(%dma_wait3A_201 : memref<32x8xf32, #tpu.memory_space<hbm>>) dst(%arg23 : memref<32x8xf32, #tpu.memory_space<vmem>>)
        %dma_wait3A_202 = arith.constant 0 : i32
        %dma_wait3A_203 = arith.constant 0 : i32
        %dma_wait3A_204 = tpu.memref_slice %arg6[%dma_wait3A_202, %dma_wait3A_203] : memref<10000x8xf32, #tpu.memory_space<hbm>> -> memref<32x8xf32, #tpu.memory_space<hbm>>
        %dma_wait3A_205 = arith.constant 0 : i32
        %dma_wait3A_206 = arith.constant 0 : i32
        %dma_wait3A_207 = tpu.memref_slice %arg6[%dma_wait3A_205, %dma_wait3A_206] : memref<10000x8xf32, #tpu.memory_space<hbm>> -> memref<32x8xf32, #tpu.memory_space<hbm>>
        tpu.wait_dma2 semaphore(%arg39 : memref<!tpu.dma_semaphore, #tpu.memory_space<semaphore_mem>>) src(%dma_wait3A_207 : memref<32x8xf32, #tpu.memory_space<hbm>>) dst(%arg24 : memref<32x8xf32, #tpu.memory_space<vmem>>)
        %dma_wait3A_208 = arith.constant 0 : i32
        %dma_wait3A_209 = tpu.memref_slice %arg3[%mul3A_184, %dma_wait3A_208] : memref<160000x128xf32, #tpu.memory_space<hbm>> -> memref<32x128xf32, #tpu.memory_space<hbm>>
        %dma_wait3A_210 = arith.constant 0 : i32
        %dma_wait3A_211 = tpu.memref_slice %arg3[%mul3A_184, %dma_wait3A_210] : memref<160000x128xf32, #tpu.memory_space<hbm>> -> memref<32x128xf32, #tpu.memory_space<hbm>>
        tpu.wait_dma2 semaphore(%arg39 : memref<!tpu.dma_semaphore, #tpu.memory_space<semaphore_mem>>) src(%dma_wait3A_211 : memref<32x128xf32, #tpu.memory_space<hbm>>) dst(%arg19 : memref<32x128xf32, #tpu.memory_space<vmem>>)
        %dma_wait3A_212 = arith.constant 0 : i32
        %dma_wait3A_213 = tpu.memref_slice %arg7[%mul3A_184, %dma_wait3A_212] : memref<160000x8xf32, #tpu.memory_space<hbm>> -> memref<32x8xf32, #tpu.memory_space<hbm>>
        %dma_wait3A_214 = arith.constant 0 : i32
        %dma_wait3A_215 = tpu.memref_slice %arg7[%mul3A_184, %dma_wait3A_214] : memref<160000x8xf32, #tpu.memory_space<hbm>> -> memref<32x8xf32, #tpu.memory_space<hbm>>
        tpu.wait_dma2 semaphore(%arg39 : memref<!tpu.dma_semaphore, #tpu.memory_space<semaphore_mem>>) src(%dma_wait3A_215 : memref<32x8xf32, #tpu.memory_space<hbm>>) dst(%arg25 : memref<32x8xf32, #tpu.memory_space<vmem>>)
        %scan3A_216 = arith.constant 0 : i32
        %scan3A_217 = arith.constant 2 : i32
        %scan3A_218 = arith.addi %scan3A_216, %scan3A_217 : i32
        %scan3A_219 = arith.constant 1 : i32
        scf.for %scan3A_229 = %scan3A_216 to %scan3A_218 step %scan3A_219  : i32 {
          %mul3A_230 = arith.constant 1 : i32
          %mul3A_231 = arith.muli %scan3A_229, %mul3A_230 : i32
          %add3A_232 = arith.constant 0 : i32
          %add3A_233 = arith.addi %add3A_232, %mul3A_231 : i32
          %mul3A_234 = arith.constant 16 : i32
          %mul3A_235 = arith.muli %add3A_233, %mul3A_234 : i32
          %iota3A = tpu.iota {dimensions = array<i32: 0>} : vector<16xi32>
          %mul3A_236 = arith.constant 16 : i32
          %mul3A_237 = arith.muli %add3A_233, %mul3A_236 : i32
          %add3A_238 = vector.broadcast %mul3A_237 : i32 to vector<16xi32>
          %add3A_239 = arith.addi %iota3A, %add3A_238 : vector<16xi32>
          %broadcast_in_dim3A = arith.constant 0 : i32
          %broadcast_in_dim3A_240 = vector.broadcast %broadcast_in_dim3A : i32 to vector<16xi32>
          %get3A = arith.index_cast %mul3A_235 : i32 to index
          %get3A_241 = tpu.vector_load %arg11[%get3A] {strides = array<i32>} : memref<32xi32, #tpu.memory_space<vmem>>, vector<16xi32>,
          %swap3A = arith.index_cast %mul3A_235 : i32 to index
          %swap3A_242 = tpu.vector_load %arg15[%swap3A] {strides = array<i32>} : memref<32xi32, #tpu.memory_space<vmem>>, vector<16xi32>,
          tpu.vector_store %arg15[%swap3A], %get3A_241 {strides = array<i32>} : memref<32xi32, #tpu.memory_space<vmem>>, vector<16xi32>,
          %gather3A = tpu.vector_load_idx %arg23[%add3A_239, %broadcast_in_dim3A_240] : memref<32x8xf32, #tpu.memory_space<vmem>>[vector<16xi32>, vector<16xi32>], vector<16xf32>,
          %gather3A_243 = tpu.vector_load_idx %arg25[%add3A_239, %broadcast_in_dim3A_240] : memref<32x8xf32, #tpu.memory_space<vmem>>[vector<16xi32>, vector<16xi32>], vector<16xf32>,
          %add3A_244 = arith.addf %gather3A, %gather3A_243 : vector<16xf32>
          %add3A_245 = arith.constant 1 : i32
          %add3A_246 = vector.broadcast %add3A_245 : i32 to vector<16xi32>
          %add3A_247 = arith.addi %broadcast_in_dim3A_240, %add3A_246 : vector<16xi32>
          %gather3A_248 = tpu.vector_load_idx %arg24[%add3A_239, %add3A_247] : memref<32x8xf32, #tpu.memory_space<vmem>>[vector<16xi32>, vector<16xi32>], vector<16xf32>,
          %add3A_249 = arith.constant 1 : i32
          %add3A_250 = vector.broadcast %add3A_249 : i32 to vector<16xi32>
          %add3A_251 = arith.addi %broadcast_in_dim3A_240, %add3A_250 : vector<16xi32>
          %gather3A_252 = tpu.vector_load_idx %arg25[%add3A_239, %add3A_251] : memref<32x8xf32, #tpu.memory_space<vmem>>[vector<16xi32>, vector<16xi32>], vector<16xf32>,
          %add3A_253 = arith.addf %gather3A_248, %gather3A_252 : vector<16xf32>
          %add3A_254 = arith.constant 2 : i32
          %add3A_255 = vector.broadcast %add3A_254 : i32 to vector<16xi32>
          %add3A_256 = arith.addi %broadcast_in_dim3A_240, %add3A_255 : vector<16xi32>
          %gather3A_257 = tpu.vector_load_idx %arg23[%add3A_239, %add3A_256] : memref<32x8xf32, #tpu.memory_space<vmem>>[vector<16xi32>, vector<16xi32>], vector<16xf32>,
          %add3A_258 = arith.constant 2 : i32
          %add3A_259 = vector.broadcast %add3A_258 : i32 to vector<16xi32>
          %add3A_260 = arith.addi %broadcast_in_dim3A_240, %add3A_259 : vector<16xi32>
          %gather3A_261 = tpu.vector_load_idx %arg25[%add3A_239, %add3A_260] : memref<32x8xf32, #tpu.memory_space<vmem>>[vector<16xi32>, vector<16xi32>], vector<16xf32>,
          %add3A_262 = arith.addf %gather3A_257, %gather3A_261 : vector<16xf32>
          %add3A_263 = arith.constant 3 : i32
          %add3A_264 = vector.broadcast %add3A_263 : i32 to vector<16xi32>
          %add3A_265 = arith.addi %broadcast_in_dim3A_240, %add3A_264 : vector<16xi32>
          %gather3A_266 = tpu.vector_load_idx %arg24[%add3A_239, %add3A_265] : memref<32x8xf32, #tpu.memory_space<vmem>>[vector<16xi32>, vector<16xi32>], vector<16xf32>,
          %add3A_267 = arith.constant 3 : i32
          %add3A_268 = vector.broadcast %add3A_267 : i32 to vector<16xi32>
          %add3A_269 = arith.addi %broadcast_in_dim3A_240, %add3A_268 : vector<16xi32>
          %gather3A_270 = tpu.vector_load_idx %arg25[%add3A_239, %add3A_269] : memref<32x8xf32, #tpu.memory_space<vmem>>[vector<16xi32>, vector<16xi32>], vector<16xf32>,
          %add3A_271 = arith.addf %gather3A_266, %gather3A_270 : vector<16xf32>
          %neg3A = arith.constant 0.000000e+00 : f32
          %neg3A_272 = vector.broadcast %neg3A : f32 to vector<16xf32>
          %neg3A_273 = arith.subf %neg3A_272, %add3A_244 : vector<16xf32>
          %exp3A = math.exp %neg3A_273 : vector<16xf32>
          %add3A_274 = arith.constant 1.000000e+00 : f32
          %add3A_275 = vector.broadcast %add3A_274 : f32 to vector<16xf32>
          %add3A_276 = arith.addf %add3A_275, %exp3A : vector<16xf32>
          %div3A_277 = arith.constant 1.000000e+00 : f32
          %div3A_278 = vector.broadcast %div3A_277 : f32 to vector<16xf32>
          %div3A_279 = arith.divf %div3A_278, %add3A_276 : vector<16xf32>
          %neg3A_280 = arith.constant 0.000000e+00 : f32
          %neg3A_281 = vector.broadcast %neg3A_280 : f32 to vector<16xf32>
          %neg3A_282 = arith.subf %neg3A_281, %add3A_253 : vector<16xf32>
          %exp3A_283 = math.exp %neg3A_282 : vector<16xf32>
          %add3A_284 = arith.constant 1.000000e+00 : f32
          %add3A_285 = vector.broadcast %add3A_284 : f32 to vector<16xf32>
          %add3A_286 = arith.addf %add3A_285, %exp3A_283 : vector<16xf32>
          %div3A_287 = arith.constant 1.000000e+00 : f32
          %div3A_288 = vector.broadcast %div3A_287 : f32 to vector<16xf32>
          %div3A_289 = arith.divf %div3A_288, %add3A_286 : vector<16xf32>
          %add3A_290 = arith.addf %div3A_279, %div3A_289 : vector<16xf32>
          %swap3A_291 = arith.index_cast %mul3A_235 : i32 to index
          %swap3A_292 = tpu.vector_load %arg33[%swap3A_291] {strides = array<i32>} : memref<32xf32, #tpu.memory_space<vmem>>, vector<16xf32>,
          tpu.vector_store %arg33[%swap3A_291], %add3A_290 {strides = array<i32>} : memref<32xf32, #tpu.memory_space<vmem>>, vector<16xf32>,
          %neg3A_293 = arith.constant 0.000000e+00 : f32
          %neg3A_294 = vector.broadcast %neg3A_293 : f32 to vector<16xf32>
          %neg3A_295 = arith.subf %neg3A_294, %add3A_262 : vector<16xf32>
          %exp3A_296 = math.exp %neg3A_295 : vector<16xf32>
          %add3A_297 = arith.constant 1.000000e+00 : f32
          %add3A_298 = vector.broadcast %add3A_297 : f32 to vector<16xf32>
          %add3A_299 = arith.addf %add3A_298, %exp3A_296 : vector<16xf32>
          %div3A_300 = arith.constant 1.000000e+00 : f32
          %div3A_301 = vector.broadcast %div3A_300 : f32 to vector<16xf32>
          %div3A_302 = arith.divf %div3A_301, %add3A_299 : vector<16xf32>
          %swap3A_303 = arith.index_cast %mul3A_235 : i32 to index
          %swap3A_304 = tpu.vector_load %arg34[%swap3A_303] {strides = array<i32>} : memref<32xf32, #tpu.memory_space<vmem>>, vector<16xf32>,
          tpu.vector_store %arg34[%swap3A_303], %div3A_302 {strides = array<i32>} : memref<32xf32, #tpu.memory_space<vmem>>, vector<16xf32>,
          %neg3A_305 = arith.constant 0.000000e+00 : f32
          %neg3A_306 = vector.broadcast %neg3A_305 : f32 to vector<16xf32>
          %neg3A_307 = arith.subf %neg3A_306, %add3A_271 : vector<16xf32>
          %exp3A_308 = math.exp %neg3A_307 : vector<16xf32>
          %add3A_309 = arith.constant 1.000000e+00 : f32
          %add3A_310 = vector.broadcast %add3A_309 : f32 to vector<16xf32>
          %add3A_311 = arith.addf %add3A_310, %exp3A_308 : vector<16xf32>
          %div3A_312 = arith.constant 1.000000e+00 : f32
          %div3A_313 = vector.broadcast %div3A_312 : f32 to vector<16xf32>
          %div3A_314 = arith.divf %div3A_313, %add3A_311 : vector<16xf32>
          %swap3A_315 = arith.index_cast %mul3A_235 : i32 to index
          %swap3A_316 = tpu.vector_load %arg35[%swap3A_315] {strides = array<i32>} : memref<32xf32, #tpu.memory_space<vmem>>, vector<16xf32>,
          tpu.vector_store %arg35[%swap3A_315], %div3A_314 {strides = array<i32>} : memref<32xf32, #tpu.memory_space<vmem>>, vector<16xf32>,
        }
        %scan3A_220 = arith.constant 2 : i32
        %scan3A_221 = arith.constant 0 : i32
        %scan3A_222 = arith.constant 32 : i32
        %scan3A_223 = arith.addi %scan3A_221, %scan3A_222 : i32
        %scan3A_224 = arith.constant 1 : i32
        scf.for %scan3A_229 = %scan3A_221 to %scan3A_223 step %scan3A_224  : i32 {
          %mul3A_230 = arith.constant 1 : i32
          %mul3A_231 = arith.muli %scan3A_229, %mul3A_230 : i32
          %add3A_232 = arith.constant 0 : i32
          %add3A_233 = arith.addi %add3A_232, %mul3A_231 : i32
          %broadcast_in_dim3A = arith.constant 0 : i32
          %broadcast_in_dim3A_234 = vector.broadcast %broadcast_in_dim3A : i32 to vector<16xi32>
          %add3A_235 = vector.broadcast %add3A_233 : i32 to vector<16xi32>
          %add3A_236 = arith.addi %broadcast_in_dim3A_234, %add3A_235 : vector<16xi32>
          %gather3A = tpu.vector_load_idx %arg33[%add3A_236] : memref<32xf32, #tpu.memory_space<vmem>>[vector<16xi32>], vector<16xf32>,
          %gather3A_237 = tpu.vector_load_idx %arg34[%add3A_236] : memref<32xf32, #tpu.memory_space<vmem>>[vector<16xi32>], vector<16xf32>,
          %gather3A_238 = tpu.vector_load_idx %arg35[%add3A_236] : memref<32xf32, #tpu.memory_space<vmem>>[vector<16xi32>], vector<16xf32>,
          %get3A = arith.index_cast %add3A_233 : i32 to index
          %get3A_239 = arith.constant 0 : index
          %get3A_240 = tpu.vector_load %arg19[%get3A, %get3A_239] {strides = array<i32>} : memref<32x128xf32, #tpu.memory_space<vmem>>, vector<16xf32>,
          %mul3A_241 = arith.mulf %gather3A, %get3A_240 : vector<16xf32>
          %swap3A = arith.index_cast %add3A_233 : i32 to index
          %swap3A_242 = arith.constant 0 : index
          %swap3A_243 = tpu.vector_load %arg30[%swap3A, %swap3A_242] {strides = array<i32>} : memref<32x128xf32, #tpu.memory_space<vmem>>, vector<16xf32>,
          tpu.vector_store %arg30[%swap3A, %swap3A_242], %mul3A_241 {strides = array<i32>} : memref<32x128xf32, #tpu.memory_space<vmem>>, vector<16xf32>,
          %get3A_244 = arith.index_cast %add3A_233 : i32 to index
          %get3A_245 = arith.constant 0 : index
          %get3A_246 = tpu.vector_load %arg17[%get3A_244, %get3A_245] {strides = array<i32>} : memref<32x128xf32, #tpu.memory_space<vmem>>, vector<16xf32>,
          %mul3A_247 = arith.mulf %gather3A_237, %get3A_246 : vector<16xf32>
          %get3A_248 = arith.index_cast %add3A_233 : i32 to index
          %get3A_249 = arith.constant 0 : index
          %get3A_250 = tpu.vector_load %arg18[%get3A_248, %get3A_249] {strides = array<i32>} : memref<32x128xf32, #tpu.memory_space<vmem>>, vector<16xf32>,
          %mul3A_251 = arith.mulf %gather3A_238, %get3A_250 : vector<16xf32>
          %add3A_252 = arith.addf %mul3A_247, %mul3A_251 : vector<16xf32>
          %swap3A_253 = arith.index_cast %add3A_233 : i32 to index
          %swap3A_254 = arith.constant 0 : index
          %swap3A_255 = tpu.vector_load %arg29[%swap3A_253, %swap3A_254] {strides = array<i32>} : memref<32x128xf32, #tpu.memory_space<vmem>>, vector<16xf32>,
          tpu.vector_store %arg29[%swap3A_253, %swap3A_254], %add3A_252 {strides = array<i32>} : memref<32x128xf32, #tpu.memory_space<vmem>>, vector<16xf32>,
          %get3A_256 = arith.index_cast %add3A_233 : i32 to index
          %get3A_257 = arith.constant 16 : index
          %get3A_258 = tpu.vector_load %arg19[%get3A_256, %get3A_257] {strides = array<i32>} : memref<32x128xf32, #tpu.memory_space<vmem>>, vector<16xf32>,
          %mul3A_259 = arith.mulf %gather3A, %get3A_258 : vector<16xf32>
          %swap3A_260 = arith.index_cast %add3A_233 : i32 to index
          %swap3A_261 = arith.constant 16 : index
          %swap3A_262 = tpu.vector_load %arg30[%swap3A_260, %swap3A_261] {strides = array<i32>} : memref<32x128xf32, #tpu.memory_space<vmem>>, vector<16xf32>,
          tpu.vector_store %arg30[%swap3A_260, %swap3A_261], %mul3A_259 {strides = array<i32>} : memref<32x128xf32, #tpu.memory_space<vmem>>, vector<16xf32>,
          %get3A_263 = arith.index_cast %add3A_233 : i32 to index
          %get3A_264 = arith.constant 16 : index
          %get3A_265 = tpu.vector_load %arg17[%get3A_263, %get3A_264] {strides = array<i32>} : memref<32x128xf32, #tpu.memory_space<vmem>>, vector<16xf32>,
          %mul3A_266 = arith.mulf %gather3A_237, %get3A_265 : vector<16xf32>
          %get3A_267 = arith.index_cast %add3A_233 : i32 to index
          %get3A_268 = arith.constant 16 : index
          %get3A_269 = tpu.vector_load %arg18[%get3A_267, %get3A_268] {strides = array<i32>} : memref<32x128xf32, #tpu.memory_space<vmem>>, vector<16xf32>,
          %mul3A_270 = arith.mulf %gather3A_238, %get3A_269 : vector<16xf32>
          %add3A_271 = arith.addf %mul3A_266, %mul3A_270 : vector<16xf32>
          %swap3A_272 = arith.index_cast %add3A_233 : i32 to index
          %swap3A_273 = arith.constant 16 : index
          %swap3A_274 = tpu.vector_load %arg29[%swap3A_272, %swap3A_273] {strides = array<i32>} : memref<32x128xf32, #tpu.memory_space<vmem>>, vector<16xf32>,
          tpu.vector_store %arg29[%swap3A_272, %swap3A_273], %add3A_271 {strides = array<i32>} : memref<32x128xf32, #tpu.memory_space<vmem>>, vector<16xf32>,
          %get3A_275 = arith.index_cast %add3A_233 : i32 to index
          %get3A_276 = arith.constant 32 : index
          %get3A_277 = tpu.vector_load %arg19[%get3A_275, %get3A_276] {strides = array<i32>} : memref<32x128xf32, #tpu.memory_space<vmem>>, vector<16xf32>,
          %mul3A_278 = arith.mulf %gather3A, %get3A_277 : vector<16xf32>
          %swap3A_279 = arith.index_cast %add3A_233 : i32 to index
          %swap3A_280 = arith.constant 32 : index
          %swap3A_281 = tpu.vector_load %arg30[%swap3A_279, %swap3A_280] {strides = array<i32>} : memref<32x128xf32, #tpu.memory_space<vmem>>, vector<16xf32>,
          tpu.vector_store %arg30[%swap3A_279, %swap3A_280], %mul3A_278 {strides = array<i32>} : memref<32x128xf32, #tpu.memory_space<vmem>>, vector<16xf32>,
          %get3A_282 = arith.index_cast %add3A_233 : i32 to index
          %get3A_283 = arith.constant 32 : index
          %get3A_284 = tpu.vector_load %arg17[%get3A_282, %get3A_283] {strides = array<i32>} : memref<32x128xf32, #tpu.memory_space<vmem>>, vector<16xf32>,
          %mul3A_285 = arith.mulf %gather3A_237, %get3A_284 : vector<16xf32>
          %get3A_286 = arith.index_cast %add3A_233 : i32 to index
          %get3A_287 = arith.constant 32 : index
          %get3A_288 = tpu.vector_load %arg18[%get3A_286, %get3A_287] {strides = array<i32>} : memref<32x128xf32, #tpu.memory_space<vmem>>, vector<16xf32>,
          %mul3A_289 = arith.mulf %gather3A_238, %get3A_288 : vector<16xf32>
          %add3A_290 = arith.addf %mul3A_285, %mul3A_289 : vector<16xf32>
          %swap3A_291 = arith.index_cast %add3A_233 : i32 to index
          %swap3A_292 = arith.constant 32 : index
          %swap3A_293 = tpu.vector_load %arg29[%swap3A_291, %swap3A_292] {strides = array<i32>} : memref<32x128xf32, #tpu.memory_space<vmem>>, vector<16xf32>,
          tpu.vector_store %arg29[%swap3A_291, %swap3A_292], %add3A_290 {strides = array<i32>} : memref<32x128xf32, #tpu.memory_space<vmem>>, vector<16xf32>,
          %get3A_294 = arith.index_cast %add3A_233 : i32 to index
          %get3A_295 = arith.constant 48 : index
          %get3A_296 = tpu.vector_load %arg19[%get3A_294, %get3A_295] {strides = array<i32>} : memref<32x128xf32, #tpu.memory_space<vmem>>, vector<16xf32>,
          %mul3A_297 = arith.mulf %gather3A, %get3A_296 : vector<16xf32>
          %swap3A_298 = arith.index_cast %add3A_233 : i32 to index
          %swap3A_299 = arith.constant 48 : index
          %swap3A_300 = tpu.vector_load %arg30[%swap3A_298, %swap3A_299] {strides = array<i32>} : memref<32x128xf32, #tpu.memory_space<vmem>>, vector<16xf32>,
          tpu.vector_store %arg30[%swap3A_298, %swap3A_299], %mul3A_297 {strides = array<i32>} : memref<32x128xf32, #tpu.memory_space<vmem>>, vector<16xf32>,
          %get3A_301 = arith.index_cast %add3A_233 : i32 to index
          %get3A_302 = arith.constant 48 : index
          %get3A_303 = tpu.vector_load %arg17[%get3A_301, %get3A_302] {strides = array<i32>} : memref<32x128xf32, #tpu.memory_space<vmem>>, vector<16xf32>,
          %mul3A_304 = arith.mulf %gather3A_237, %get3A_303 : vector<16xf32>
          %get3A_305 = arith.index_cast %add3A_233 : i32 to index
          %get3A_306 = arith.constant 48 : index
          %get3A_307 = tpu.vector_load %arg18[%get3A_305, %get3A_306] {strides = array<i32>} : memref<32x128xf32, #tpu.memory_space<vmem>>, vector<16xf32>,
          %mul3A_308 = arith.mulf %gather3A_238, %get3A_307 : vector<16xf32>
          %add3A_309 = arith.addf %mul3A_304, %mul3A_308 : vector<16xf32>
          %swap3A_310 = arith.index_cast %add3A_233 : i32 to index
          %swap3A_311 = arith.constant 48 : index
          %swap3A_312 = tpu.vector_load %arg29[%swap3A_310, %swap3A_311] {strides = array<i32>} : memref<32x128xf32, #tpu.memory_space<vmem>>, vector<16xf32>,
          tpu.vector_store %arg29[%swap3A_310, %swap3A_311], %add3A_309 {strides = array<i32>} : memref<32x128xf32, #tpu.memory_space<vmem>>, vector<16xf32>,
          %get3A_313 = arith.index_cast %add3A_233 : i32 to index
          %get3A_314 = arith.constant 64 : index
          %get3A_315 = tpu.vector_load %arg19[%get3A_313, %get3A_314] {strides = array<i32>} : memref<32x128xf32, #tpu.memory_space<vmem>>, vector<16xf32>,
          %mul3A_316 = arith.mulf %gather3A, %get3A_315 : vector<16xf32>
          %swap3A_317 = arith.index_cast %add3A_233 : i32 to index
          %swap3A_318 = arith.constant 64 : index
          %swap3A_319 = tpu.vector_load %arg30[%swap3A_317, %swap3A_318] {strides = array<i32>} : memref<32x128xf32, #tpu.memory_space<vmem>>, vector<16xf32>,
          tpu.vector_store %arg30[%swap3A_317, %swap3A_318], %mul3A_316 {strides = array<i32>} : memref<32x128xf32, #tpu.memory_space<vmem>>, vector<16xf32>,
          %get3A_320 = arith.index_cast %add3A_233 : i32 to index
          %get3A_321 = arith.constant 64 : index
          %get3A_322 = tpu.vector_load %arg17[%get3A_320, %get3A_321] {strides = array<i32>} : memref<32x128xf32, #tpu.memory_space<vmem>>, vector<16xf32>,
          %mul3A_323 = arith.mulf %gather3A_237, %get3A_322 : vector<16xf32>
          %get3A_324 = arith.index_cast %add3A_233 : i32 to index
          %get3A_325 = arith.constant 64 : index
          %get3A_326 = tpu.vector_load %arg18[%get3A_324, %get3A_325] {strides = array<i32>} : memref<32x128xf32, #tpu.memory_space<vmem>>, vector<16xf32>,
          %mul3A_327 = arith.mulf %gather3A_238, %get3A_326 : vector<16xf32>
          %add3A_328 = arith.addf %mul3A_323, %mul3A_327 : vector<16xf32>
          %swap3A_329 = arith.index_cast %add3A_233 : i32 to index
          %swap3A_330 = arith.constant 64 : index
          %swap3A_331 = tpu.vector_load %arg29[%swap3A_329, %swap3A_330] {strides = array<i32>} : memref<32x128xf32, #tpu.memory_space<vmem>>, vector<16xf32>,
          tpu.vector_store %arg29[%swap3A_329, %swap3A_330], %add3A_328 {strides = array<i32>} : memref<32x128xf32, #tpu.memory_space<vmem>>, vector<16xf32>,
          %get3A_332 = arith.index_cast %add3A_233 : i32 to index
          %get3A_333 = arith.constant 80 : index
          %get3A_334 = tpu.vector_load %arg19[%get3A_332, %get3A_333] {strides = array<i32>} : memref<32x128xf32, #tpu.memory_space<vmem>>, vector<16xf32>,
          %mul3A_335 = arith.mulf %gather3A, %get3A_334 : vector<16xf32>
          %swap3A_336 = arith.index_cast %add3A_233 : i32 to index
          %swap3A_337 = arith.constant 80 : index
          %swap3A_338 = tpu.vector_load %arg30[%swap3A_336, %swap3A_337] {strides = array<i32>} : memref<32x128xf32, #tpu.memory_space<vmem>>, vector<16xf32>,
          tpu.vector_store %arg30[%swap3A_336, %swap3A_337], %mul3A_335 {strides = array<i32>} : memref<32x128xf32, #tpu.memory_space<vmem>>, vector<16xf32>,
          %get3A_339 = arith.index_cast %add3A_233 : i32 to index
          %get3A_340 = arith.constant 80 : index
          %get3A_341 = tpu.vector_load %arg17[%get3A_339, %get3A_340] {strides = array<i32>} : memref<32x128xf32, #tpu.memory_space<vmem>>, vector<16xf32>,
          %mul3A_342 = arith.mulf %gather3A_237, %get3A_341 : vector<16xf32>
          %get3A_343 = arith.index_cast %add3A_233 : i32 to index
          %get3A_344 = arith.constant 80 : index
          %get3A_345 = tpu.vector_load %arg18[%get3A_343, %get3A_344] {strides = array<i32>} : memref<32x128xf32, #tpu.memory_space<vmem>>, vector<16xf32>,
          %mul3A_346 = arith.mulf %gather3A_238, %get3A_345 : vector<16xf32>
          %add3A_347 = arith.addf %mul3A_342, %mul3A_346 : vector<16xf32>
          %swap3A_348 = arith.index_cast %add3A_233 : i32 to index
          %swap3A_349 = arith.constant 80 : index
          %swap3A_350 = tpu.vector_load %arg29[%swap3A_348, %swap3A_349] {strides = array<i32>} : memref<32x128xf32, #tpu.memory_space<vmem>>, vector<16xf32>,
          tpu.vector_store %arg29[%swap3A_348, %swap3A_349], %add3A_347 {strides = array<i32>} : memref<32x128xf32, #tpu.memory_space<vmem>>, vector<16xf32>,
          %get3A_351 = arith.index_cast %add3A_233 : i32 to index
          %get3A_352 = arith.constant 96 : index
          %get3A_353 = tpu.vector_load %arg19[%get3A_351, %get3A_352] {strides = array<i32>} : memref<32x128xf32, #tpu.memory_space<vmem>>, vector<16xf32>,
          %mul3A_354 = arith.mulf %gather3A, %get3A_353 : vector<16xf32>
          %swap3A_355 = arith.index_cast %add3A_233 : i32 to index
          %swap3A_356 = arith.constant 96 : index
          %swap3A_357 = tpu.vector_load %arg30[%swap3A_355, %swap3A_356] {strides = array<i32>} : memref<32x128xf32, #tpu.memory_space<vmem>>, vector<16xf32>,
          tpu.vector_store %arg30[%swap3A_355, %swap3A_356], %mul3A_354 {strides = array<i32>} : memref<32x128xf32, #tpu.memory_space<vmem>>, vector<16xf32>,
          %get3A_358 = arith.index_cast %add3A_233 : i32 to index
          %get3A_359 = arith.constant 96 : index
          %get3A_360 = tpu.vector_load %arg17[%get3A_358, %get3A_359] {strides = array<i32>} : memref<32x128xf32, #tpu.memory_space<vmem>>, vector<16xf32>,
          %mul3A_361 = arith.mulf %gather3A_237, %get3A_360 : vector<16xf32>
          %get3A_362 = arith.index_cast %add3A_233 : i32 to index
          %get3A_363 = arith.constant 96 : index
          %get3A_364 = tpu.vector_load %arg18[%get3A_362, %get3A_363] {strides = array<i32>} : memref<32x128xf32, #tpu.memory_space<vmem>>, vector<16xf32>,
          %mul3A_365 = arith.mulf %gather3A_238, %get3A_364 : vector<16xf32>
          %add3A_366 = arith.addf %mul3A_361, %mul3A_365 : vector<16xf32>
          %swap3A_367 = arith.index_cast %add3A_233 : i32 to index
          %swap3A_368 = arith.constant 96 : index
          %swap3A_369 = tpu.vector_load %arg29[%swap3A_367, %swap3A_368] {strides = array<i32>} : memref<32x128xf32, #tpu.memory_space<vmem>>, vector<16xf32>,
          tpu.vector_store %arg29[%swap3A_367, %swap3A_368], %add3A_366 {strides = array<i32>} : memref<32x128xf32, #tpu.memory_space<vmem>>, vector<16xf32>,
          %get3A_370 = arith.index_cast %add3A_233 : i32 to index
          %get3A_371 = arith.constant 112 : index
          %get3A_372 = tpu.vector_load %arg19[%get3A_370, %get3A_371] {strides = array<i32>} : memref<32x128xf32, #tpu.memory_space<vmem>>, vector<16xf32>,
          %mul3A_373 = arith.mulf %gather3A, %get3A_372 : vector<16xf32>
          %swap3A_374 = arith.index_cast %add3A_233 : i32 to index
          %swap3A_375 = arith.constant 112 : index
          %swap3A_376 = tpu.vector_load %arg30[%swap3A_374, %swap3A_375] {strides = array<i32>} : memref<32x128xf32, #tpu.memory_space<vmem>>, vector<16xf32>,
          tpu.vector_store %arg30[%swap3A_374, %swap3A_375], %mul3A_373 {strides = array<i32>} : memref<32x128xf32, #tpu.memory_space<vmem>>, vector<16xf32>,
          %get3A_377 = arith.index_cast %add3A_233 : i32 to index
          %get3A_378 = arith.constant 112 : index
          %get3A_379 = tpu.vector_load %arg17[%get3A_377, %get3A_378] {strides = array<i32>} : memref<32x128xf32, #tpu.memory_space<vmem>>, vector<16xf32>,
          %mul3A_380 = arith.mulf %gather3A_237, %get3A_379 : vector<16xf32>
          %get3A_381 = arith.index_cast %add3A_233 : i32 to index
          %get3A_382 = arith.constant 112 : index
          %get3A_383 = tpu.vector_load %arg18[%get3A_381, %get3A_382] {strides = array<i32>} : memref<32x128xf32, #tpu.memory_space<vmem>>, vector<16xf32>,
          %mul3A_384 = arith.mulf %gather3A_238, %get3A_383 : vector<16xf32>
          %add3A_385 = arith.addf %mul3A_380, %mul3A_384 : vector<16xf32>
          %swap3A_386 = arith.index_cast %add3A_233 : i32 to index
          %swap3A_387 = arith.constant 112 : index
          %swap3A_388 = tpu.vector_load %arg29[%swap3A_386, %swap3A_387] {strides = array<i32>} : memref<32x128xf32, #tpu.memory_space<vmem>>, vector<16xf32>,
          tpu.vector_store %arg29[%swap3A_386, %swap3A_387], %add3A_385 {strides = array<i32>} : memref<32x128xf32, #tpu.memory_space<vmem>>, vector<16xf32>,
        }
        %scan3A_225 = arith.constant 32 : i32
        "tpu.region"() ({
          %run_scoped3A = tpu.sem_alloc : memref<!tpu.dma_semaphore, #tpu.memory_space<semaphore_mem>>
          %dma_start3A_229 = arith.constant 0 : i32
          %dma_start3A_230 = arith.constant 0 : i32
          %dma_start3A_231 = tpu.memref_slice %arg36[%dma_start3A_229, %dma_start3A_230] : memref<10000x128xf32, #tpu.memory_space<vmem_shared>> -> memref<10000x128xf32, #tpu.memory_space<vmem_shared>>
          tpu.enqueue_indirect_dma source(%arg30 : memref<32x128xf32, #tpu.memory_space<vmem>>) target(%dma_start3A_231 : memref<10000x128xf32, #tpu.memory_space<vmem_shared>>) offsets(%arg15 : memref<32xi32, #tpu.memory_space<vmem>>) semaphore(%run_scoped3A : memref<!tpu.dma_semaphore, #tpu.memory_space<semaphore_mem>>) {add = true}
          %dma_wait3A_232 = arith.constant 0 : i32
          %dma_wait3A_233 = arith.constant 0 : i32
          %dma_wait3A_234 = tpu.memref_slice %arg36[%dma_wait3A_232, %dma_wait3A_233] : memref<10000x128xf32, #tpu.memory_space<vmem_shared>> -> memref<10000x128xf32, #tpu.memory_space<vmem_shared>>
          tpu.wait_indirect_dma semaphore(%run_scoped3A : memref<!tpu.dma_semaphore, #tpu.memory_space<semaphore_mem>>) src(%arg30 : memref<32x128xf32, #tpu.memory_space<vmem>>) dst(%dma_wait3A_234 : memref<10000x128xf32, #tpu.memory_space<vmem_shared>>)
          tpu.yield
        }) : () -> ()
        %dma_start3A = arith.constant 0 : i32
        %dma_start3A_226 = tpu.memref_slice %arg9[%mul3A_184, %dma_start3A] : memref<160000x128xf32, #tpu.memory_space<hbm>> -> memref<32x128xf32, #tpu.memory_space<hbm>>
        %dma_start3A_227 = arith.constant 0 : i32
        %dma_start3A_228 = tpu.memref_slice %arg9[%mul3A_184, %dma_start3A_227] : memref<160000x128xf32, #tpu.memory_space<hbm>> -> memref<32x128xf32, #tpu.memory_space<hbm>>
        tpu.enqueue_dma source(%arg29 : memref<32x128xf32, #tpu.memory_space<vmem>>) target(%dma_start3A_228 : memref<32x128xf32, #tpu.memory_space<hbm>>) target_semaphore(%arg41 : memref<!tpu.dma_semaphore, #tpu.memory_space<semaphore_mem>>)
      } else {
      }
      %add3A_120 = arith.constant 2 : i32
      %add3A_121 = arith.addi %mul3A_82, %add3A_120 : i32
      %mul3A_122 = arith.constant 32 : i32
      %mul3A_123 = arith.muli %mul3A_122, %add3A_121 : i32
      %add3A_124 = arith.addi %add3A, %mul3A_123 : i32
      %ge3A_125 = arith.constant 0 : i32
      %ge3A_126 = arith.cmpi sge, %add3A_124, %ge3A_125 : i32
      %lt3A_127 = arith.constant 5000 : i32
      %lt3A_128 = arith.cmpi slt, %add3A_124, %lt3A_127 : i32
      %and3A_129 = arith.andi %ge3A_126, %lt3A_128 : i1
      %convert_element_type3A_130 = arith.extui %and3A_129 : i1 to i32
      %cond3A_131 = arith.constant 0 : i32
      %cond3A_132 = arith.cmpi ne, %convert_element_type3A_130, %cond3A_131 : i32
      scf.if %cond3A_132 {
        %mul3A_183 = arith.constant 32 : i32
        %mul3A_184 = arith.muli %add3A_124, %mul3A_183 : i32
        %dma_start3A = tpu.memref_slice %arg5[%mul3A_184] : memref<160000xi32, #tpu.memory_space<hbm>> -> memref<32xi32, #tpu.memory_space<hbm>>
        %dma_start3A_185 = tpu.memref_slice %arg5[%mul3A_184] : memref<160000xi32, #tpu.memory_space<hbm>> -> memref<32xi32, #tpu.memory_space<hbm>>
        tpu.enqueue_dma source(%dma_start3A_185 : memref<32xi32, #tpu.memory_space<hbm>>) target(%arg11 : memref<32xi32, #tpu.memory_space<vmem>>) target_semaphore(%arg37 : memref<!tpu.dma_semaphore, #tpu.memory_space<semaphore_mem>>)
        %dma_start3A_186 = tpu.memref_slice %arg4[%mul3A_184] : memref<160000xi32, #tpu.memory_space<hbm>> -> memref<32xi32, #tpu.memory_space<hbm>>
        %dma_start3A_187 = tpu.memref_slice %arg4[%mul3A_184] : memref<160000xi32, #tpu.memory_space<hbm>> -> memref<32xi32, #tpu.memory_space<hbm>>
        tpu.enqueue_dma source(%dma_start3A_187 : memref<32xi32, #tpu.memory_space<hbm>>) target(%arg12 : memref<32xi32, #tpu.memory_space<vmem>>) target_semaphore(%arg37 : memref<!tpu.dma_semaphore, #tpu.memory_space<semaphore_mem>>)
      } else {
      }
      %add3A_133 = arith.constant 2 : i32
      %add3A_134 = arith.addi %mul3A_82, %add3A_133 : i32
      %mul3A_135 = arith.constant 32 : i32
      %mul3A_136 = arith.muli %mul3A_135, %add3A_134 : i32
      %add3A_137 = arith.addi %add3A, %mul3A_136 : i32
      %ge3A_138 = arith.constant 0 : i32
      %ge3A_139 = arith.cmpi sge, %add3A_137, %ge3A_138 : i32
      %lt3A_140 = arith.constant 5000 : i32
      %lt3A_141 = arith.cmpi slt, %add3A_137, %lt3A_140 : i32
      %and3A_142 = arith.andi %ge3A_139, %lt3A_141 : i1
      %convert_element_type3A_143 = arith.extui %and3A_142 : i1 to i32
      %cond3A_144 = arith.constant 0 : i32
      %cond3A_145 = arith.cmpi ne, %convert_element_type3A_143, %cond3A_144 : i32
      scf.if %cond3A_145 {
        %mul3A_183 = arith.constant 32 : i32
        %mul3A_184 = arith.muli %add3A_137, %mul3A_183 : i32
        %dma_wait3A = tpu.memref_slice %arg5[%mul3A_184] : memref<160000xi32, #tpu.memory_space<hbm>> -> memref<32xi32, #tpu.memory_space<hbm>>
        %dma_wait3A_185 = tpu.memref_slice %arg5[%mul3A_184] : memref<160000xi32, #tpu.memory_space<hbm>> -> memref<32xi32, #tpu.memory_space<hbm>>
        tpu.wait_dma2 semaphore(%arg37 : memref<!tpu.dma_semaphore, #tpu.memory_space<semaphore_mem>>) src(%dma_wait3A_185 : memref<32xi32, #tpu.memory_space<hbm>>) dst(%arg11 : memref<32xi32, #tpu.memory_space<vmem>>)
        %dma_wait3A_186 = tpu.memref_slice %arg4[%mul3A_184] : memref<160000xi32, #tpu.memory_space<hbm>> -> memref<32xi32, #tpu.memory_space<hbm>>
        %dma_wait3A_187 = tpu.memref_slice %arg4[%mul3A_184] : memref<160000xi32, #tpu.memory_space<hbm>> -> memref<32xi32, #tpu.memory_space<hbm>>
        tpu.wait_dma2 semaphore(%arg37 : memref<!tpu.dma_semaphore, #tpu.memory_space<semaphore_mem>>) src(%dma_wait3A_187 : memref<32xi32, #tpu.memory_space<hbm>>) dst(%arg12 : memref<32xi32, #tpu.memory_space<vmem>>)
        %dma_start3A = arith.constant 0 : i32
        %dma_start3A_188 = arith.constant 0 : i32
        %dma_start3A_189 = tpu.memref_slice %arg2[%dma_start3A, %dma_start3A_188] : memref<10000x128xf32, #tpu.memory_space<hbm>> -> memref<10000x128xf32, #tpu.memory_space<hbm>>
        tpu.enqueue_indirect_dma source(%dma_start3A_189 : memref<10000x128xf32, #tpu.memory_space<hbm>>) target(%arg17 : memref<32x128xf32, #tpu.memory_space<vmem>>) offsets(%arg11 : memref<32xi32, #tpu.memory_space<vmem>>) semaphore(%arg39 : memref<!tpu.dma_semaphore, #tpu.memory_space<semaphore_mem>>)
        %dma_start3A_190 = arith.constant 0 : i32
        %dma_start3A_191 = arith.constant 0 : i32
        %dma_start3A_192 = tpu.memref_slice %arg2[%dma_start3A_190, %dma_start3A_191] : memref<10000x128xf32, #tpu.memory_space<hbm>> -> memref<10000x128xf32, #tpu.memory_space<hbm>>
        tpu.enqueue_indirect_dma source(%dma_start3A_192 : memref<10000x128xf32, #tpu.memory_space<hbm>>) target(%arg18 : memref<32x128xf32, #tpu.memory_space<vmem>>) offsets(%arg12 : memref<32xi32, #tpu.memory_space<vmem>>) semaphore(%arg39 : memref<!tpu.dma_semaphore, #tpu.memory_space<semaphore_mem>>)
        %dma_start3A_193 = arith.constant 0 : i32
        %dma_start3A_194 = arith.constant 0 : i32
        %dma_start3A_195 = tpu.memref_slice %arg6[%dma_start3A_193, %dma_start3A_194] : memref<10000x8xf32, #tpu.memory_space<hbm>> -> memref<10000x8xf32, #tpu.memory_space<hbm>>
        tpu.enqueue_indirect_dma source(%dma_start3A_195 : memref<10000x8xf32, #tpu.memory_space<hbm>>) target(%arg23 : memref<32x8xf32, #tpu.memory_space<vmem>>) offsets(%arg11 : memref<32xi32, #tpu.memory_space<vmem>>) semaphore(%arg39 : memref<!tpu.dma_semaphore, #tpu.memory_space<semaphore_mem>>)
        %dma_start3A_196 = arith.constant 0 : i32
        %dma_start3A_197 = arith.constant 0 : i32
        %dma_start3A_198 = tpu.memref_slice %arg6[%dma_start3A_196, %dma_start3A_197] : memref<10000x8xf32, #tpu.memory_space<hbm>> -> memref<10000x8xf32, #tpu.memory_space<hbm>>
        tpu.enqueue_indirect_dma source(%dma_start3A_198 : memref<10000x8xf32, #tpu.memory_space<hbm>>) target(%arg24 : memref<32x8xf32, #tpu.memory_space<vmem>>) offsets(%arg12 : memref<32xi32, #tpu.memory_space<vmem>>) semaphore(%arg39 : memref<!tpu.dma_semaphore, #tpu.memory_space<semaphore_mem>>)
        %dma_start3A_199 = arith.constant 0 : i32
        %dma_start3A_200 = tpu.memref_slice %arg3[%mul3A_184, %dma_start3A_199] : memref<160000x128xf32, #tpu.memory_space<hbm>> -> memref<32x128xf32, #tpu.memory_space<hbm>>
        %dma_start3A_201 = arith.constant 0 : i32
        %dma_start3A_202 = tpu.memref_slice %arg3[%mul3A_184, %dma_start3A_201] : memref<160000x128xf32, #tpu.memory_space<hbm>> -> memref<32x128xf32, #tpu.memory_space<hbm>>
        tpu.enqueue_dma source(%dma_start3A_202 : memref<32x128xf32, #tpu.memory_space<hbm>>) target(%arg19 : memref<32x128xf32, #tpu.memory_space<vmem>>) target_semaphore(%arg39 : memref<!tpu.dma_semaphore, #tpu.memory_space<semaphore_mem>>)
        %dma_start3A_203 = arith.constant 0 : i32
        %dma_start3A_204 = tpu.memref_slice %arg7[%mul3A_184, %dma_start3A_203] : memref<160000x8xf32, #tpu.memory_space<hbm>> -> memref<32x8xf32, #tpu.memory_space<hbm>>
        %dma_start3A_205 = arith.constant 0 : i32
        %dma_start3A_206 = tpu.memref_slice %arg7[%mul3A_184, %dma_start3A_205] : memref<160000x8xf32, #tpu.memory_space<hbm>> -> memref<32x8xf32, #tpu.memory_space<hbm>>
        tpu.enqueue_dma source(%dma_start3A_206 : memref<32x8xf32, #tpu.memory_space<hbm>>) target(%arg25 : memref<32x8xf32, #tpu.memory_space<vmem>>) target_semaphore(%arg39 : memref<!tpu.dma_semaphore, #tpu.memory_space<semaphore_mem>>)
      } else {
      }
      %sub3A_146 = arith.constant 2 : i32
      %sub3A_147 = arith.subi %add3A_84, %sub3A_146 : i32
      %mul3A_148 = arith.constant 32 : i32
      %mul3A_149 = arith.muli %mul3A_148, %sub3A_147 : i32
      %add3A_150 = arith.addi %add3A, %mul3A_149 : i32
      %ge3A_151 = arith.constant 0 : i32
      %ge3A_152 = arith.cmpi sge, %add3A_150, %ge3A_151 : i32
      %lt3A_153 = arith.constant 5000 : i32
      %lt3A_154 = arith.cmpi slt, %add3A_150, %lt3A_153 : i32
      %and3A_155 = arith.andi %ge3A_152, %lt3A_154 : i1
      %convert_element_type3A_156 = arith.extui %and3A_155 : i1 to i32
      %cond3A_157 = arith.constant 0 : i32
      %cond3A_158 = arith.cmpi ne, %convert_element_type3A_156, %cond3A_157 : i32
      scf.if %cond3A_158 {
        %mul3A_183 = arith.constant 32 : i32
        %mul3A_184 = arith.muli %add3A_150, %mul3A_183 : i32
        %dma_wait3A = arith.constant 0 : i32
        %dma_wait3A_185 = tpu.memref_slice %arg9[%mul3A_184, %dma_wait3A] : memref<160000x128xf32, #tpu.memory_space<hbm>> -> memref<32x128xf32, #tpu.memory_space<hbm>>
        %dma_wait3A_186 = arith.constant 0 : i32
        %dma_wait3A_187 = tpu.memref_slice %arg9[%mul3A_184, %dma_wait3A_186] : memref<160000x128xf32, #tpu.memory_space<hbm>> -> memref<32x128xf32, #tpu.memory_space<hbm>>
        tpu.wait_dma2 semaphore(%arg42 : memref<!tpu.dma_semaphore, #tpu.memory_space<semaphore_mem>>) src(%arg31 : memref<32x128xf32, #tpu.memory_space<vmem>>) dst(%dma_wait3A_187 : memref<32x128xf32, #tpu.memory_space<hbm>>)
      } else {
      }
      %mul3A_159 = arith.constant 32 : i32
      %mul3A_160 = arith.muli %mul3A_159, %add3A_84 : i32
      %add3A_161 = arith.addi %add3A, %mul3A_160 : i32
      %ge3A_162 = arith.constant 0 : i32
      %ge3A_163 = arith.cmpi sge, %add3A_161, %ge3A_162 : i32
      %lt3A_164 = arith.constant 5000 : i32
      %lt3A_165 = arith.cmpi slt, %add3A_161, %lt3A_164 : i32
      %and3A_166 = arith.andi %ge3A_163, %lt3A_165 : i1
      %convert_element_type3A_167 = arith.extui %and3A_166 : i1 to i32
      %cond3A_168 = arith.constant 0 : i32
      %cond3A_169 = arith.cmpi ne, %convert_element_type3A_167, %cond3A_168 : i32
      scf.if %cond3A_169 {
        %mul3A_183 = arith.constant 32 : i32
        %mul3A_184 = arith.muli %add3A_161, %mul3A_183 : i32
        %dma_wait3A = arith.constant 0 : i32
        %dma_wait3A_185 = arith.constant 0 : i32
        %dma_wait3A_186 = tpu.memref_slice %arg2[%dma_wait3A, %dma_wait3A_185] : memref<10000x128xf32, #tpu.memory_space<hbm>> -> memref<32x128xf32, #tpu.memory_space<hbm>>
        %dma_wait3A_187 = arith.constant 0 : i32
        %dma_wait3A_188 = arith.constant 0 : i32
        %dma_wait3A_189 = tpu.memref_slice %arg2[%dma_wait3A_187, %dma_wait3A_188] : memref<10000x128xf32, #tpu.memory_space<hbm>> -> memref<32x128xf32, #tpu.memory_space<hbm>>
        tpu.wait_dma2 semaphore(%arg40 : memref<!tpu.dma_semaphore, #tpu.memory_space<semaphore_mem>>) src(%dma_wait3A_189 : memref<32x128xf32, #tpu.memory_space<hbm>>) dst(%arg20 : memref<32x128xf32, #tpu.memory_space<vmem>>)
        %dma_wait3A_190 = arith.constant 0 : i32
        %dma_wait3A_191 = arith.constant 0 : i32
        %dma_wait3A_192 = tpu.memref_slice %arg2[%dma_wait3A_190, %dma_wait3A_191] : memref<10000x128xf32, #tpu.memory_space<hbm>> -> memref<32x128xf32, #tpu.memory_space<hbm>>
        %dma_wait3A_193 = arith.constant 0 : i32
        %dma_wait3A_194 = arith.constant 0 : i32
        %dma_wait3A_195 = tpu.memref_slice %arg2[%dma_wait3A_193, %dma_wait3A_194] : memref<10000x128xf32, #tpu.memory_space<hbm>> -> memref<32x128xf32, #tpu.memory_space<hbm>>
        tpu.wait_dma2 semaphore(%arg40 : memref<!tpu.dma_semaphore, #tpu.memory_space<semaphore_mem>>) src(%dma_wait3A_195 : memref<32x128xf32, #tpu.memory_space<hbm>>) dst(%arg21 : memref<32x128xf32, #tpu.memory_space<vmem>>)
        %dma_wait3A_196 = arith.constant 0 : i32
        %dma_wait3A_197 = arith.constant 0 : i32
        %dma_wait3A_198 = tpu.memref_slice %arg6[%dma_wait3A_196, %dma_wait3A_197] : memref<10000x8xf32, #tpu.memory_space<hbm>> -> memref<32x8xf32, #tpu.memory_space<hbm>>
        %dma_wait3A_199 = arith.constant 0 : i32
        %dma_wait3A_200 = arith.constant 0 : i32
        %dma_wait3A_201 = tpu.memref_slice %arg6[%dma_wait3A_199, %dma_wait3A_200] : memref<10000x8xf32, #tpu.memory_space<hbm>> -> memref<32x8xf32, #tpu.memory_space<hbm>>
        tpu.wait_dma2 semaphore(%arg40 : memref<!tpu.dma_semaphore, #tpu.memory_space<semaphore_mem>>) src(%dma_wait3A_201 : memref<32x8xf32, #tpu.memory_space<hbm>>) dst(%arg26 : memref<32x8xf32, #tpu.memory_space<vmem>>)
        %dma_wait3A_202 = arith.constant 0 : i32
        %dma_wait3A_203 = arith.constant 0 : i32
        %dma_wait3A_204 = tpu.memref_slice %arg6[%dma_wait3A_202, %dma_wait3A_203] : memref<10000x8xf32, #tpu.memory_space<hbm>> -> memref<32x8xf32, #tpu.memory_space<hbm>>
        %dma_wait3A_205 = arith.constant 0 : i32
        %dma_wait3A_206 = arith.constant 0 : i32
        %dma_wait3A_207 = tpu.memref_slice %arg6[%dma_wait3A_205, %dma_wait3A_206] : memref<10000x8xf32, #tpu.memory_space<hbm>> -> memref<32x8xf32, #tpu.memory_space<hbm>>
        tpu.wait_dma2 semaphore(%arg40 : memref<!tpu.dma_semaphore, #tpu.memory_space<semaphore_mem>>) src(%dma_wait3A_207 : memref<32x8xf32, #tpu.memory_space<hbm>>) dst(%arg27 : memref<32x8xf32, #tpu.memory_space<vmem>>)
        %dma_wait3A_208 = arith.constant 0 : i32
        %dma_wait3A_209 = tpu.memref_slice %arg3[%mul3A_184, %dma_wait3A_208] : memref<160000x128xf32, #tpu.memory_space<hbm>> -> memref<32x128xf32, #tpu.memory_space<hbm>>
        %dma_wait3A_210 = arith.constant 0 : i32
        %dma_wait3A_211 = tpu.memref_slice %arg3[%mul3A_184, %dma_wait3A_210] : memref<160000x128xf32, #tpu.memory_space<hbm>> -> memref<32x128xf32, #tpu.memory_space<hbm>>
        tpu.wait_dma2 semaphore(%arg40 : memref<!tpu.dma_semaphore, #tpu.memory_space<semaphore_mem>>) src(%dma_wait3A_211 : memref<32x128xf32, #tpu.memory_space<hbm>>) dst(%arg22 : memref<32x128xf32, #tpu.memory_space<vmem>>)
        %dma_wait3A_212 = arith.constant 0 : i32
        %dma_wait3A_213 = tpu.memref_slice %arg7[%mul3A_184, %dma_wait3A_212] : memref<160000x8xf32, #tpu.memory_space<hbm>> -> memref<32x8xf32, #tpu.memory_space<hbm>>
        %dma_wait3A_214 = arith.constant 0 : i32
        %dma_wait3A_215 = tpu.memref_slice %arg7[%mul3A_184, %dma_wait3A_214] : memref<160000x8xf32, #tpu.memory_space<hbm>> -> memref<32x8xf32, #tpu.memory_space<hbm>>
        tpu.wait_dma2 semaphore(%arg40 : memref<!tpu.dma_semaphore, #tpu.memory_space<semaphore_mem>>) src(%dma_wait3A_215 : memref<32x8xf32, #tpu.memory_space<hbm>>) dst(%arg28 : memref<32x8xf32, #tpu.memory_space<vmem>>)
        %scan3A_216 = arith.constant 0 : i32
        %scan3A_217 = arith.constant 2 : i32
        %scan3A_218 = arith.addi %scan3A_216, %scan3A_217 : i32
        %scan3A_219 = arith.constant 1 : i32
        scf.for %scan3A_229 = %scan3A_216 to %scan3A_218 step %scan3A_219  : i32 {
          %mul3A_230 = arith.constant 1 : i32
          %mul3A_231 = arith.muli %scan3A_229, %mul3A_230 : i32
          %add3A_232 = arith.constant 0 : i32
          %add3A_233 = arith.addi %add3A_232, %mul3A_231 : i32
          %mul3A_234 = arith.constant 16 : i32
          %mul3A_235 = arith.muli %add3A_233, %mul3A_234 : i32
          %iota3A = tpu.iota {dimensions = array<i32: 0>} : vector<16xi32>
          %mul3A_236 = arith.constant 16 : i32
          %mul3A_237 = arith.muli %add3A_233, %mul3A_236 : i32
          %add3A_238 = vector.broadcast %mul3A_237 : i32 to vector<16xi32>
          %add3A_239 = arith.addi %iota3A, %add3A_238 : vector<16xi32>
          %broadcast_in_dim3A = arith.constant 0 : i32
          %broadcast_in_dim3A_240 = vector.broadcast %broadcast_in_dim3A : i32 to vector<16xi32>
          %get3A = arith.index_cast %mul3A_235 : i32 to index
          %get3A_241 = tpu.vector_load %arg13[%get3A] {strides = array<i32>} : memref<32xi32, #tpu.memory_space<vmem>>, vector<16xi32>,
          %swap3A = arith.index_cast %mul3A_235 : i32 to index
          %swap3A_242 = tpu.vector_load %arg16[%swap3A] {strides = array<i32>} : memref<32xi32, #tpu.memory_space<vmem>>, vector<16xi32>,
          tpu.vector_store %arg16[%swap3A], %get3A_241 {strides = array<i32>} : memref<32xi32, #tpu.memory_space<vmem>>, vector<16xi32>,
          %gather3A = tpu.vector_load_idx %arg26[%add3A_239, %broadcast_in_dim3A_240] : memref<32x8xf32, #tpu.memory_space<vmem>>[vector<16xi32>, vector<16xi32>], vector<16xf32>,
          %gather3A_243 = tpu.vector_load_idx %arg28[%add3A_239, %broadcast_in_dim3A_240] : memref<32x8xf32, #tpu.memory_space<vmem>>[vector<16xi32>, vector<16xi32>], vector<16xf32>,
          %add3A_244 = arith.addf %gather3A, %gather3A_243 : vector<16xf32>
          %add3A_245 = arith.constant 1 : i32
          %add3A_246 = vector.broadcast %add3A_245 : i32 to vector<16xi32>
          %add3A_247 = arith.addi %broadcast_in_dim3A_240, %add3A_246 : vector<16xi32>
          %gather3A_248 = tpu.vector_load_idx %arg27[%add3A_239, %add3A_247] : memref<32x8xf32, #tpu.memory_space<vmem>>[vector<16xi32>, vector<16xi32>], vector<16xf32>,
          %add3A_249 = arith.constant 1 : i32
          %add3A_250 = vector.broadcast %add3A_249 : i32 to vector<16xi32>
          %add3A_251 = arith.addi %broadcast_in_dim3A_240, %add3A_250 : vector<16xi32>
          %gather3A_252 = tpu.vector_load_idx %arg28[%add3A_239, %add3A_251] : memref<32x8xf32, #tpu.memory_space<vmem>>[vector<16xi32>, vector<16xi32>], vector<16xf32>,
          %add3A_253 = arith.addf %gather3A_248, %gather3A_252 : vector<16xf32>
          %add3A_254 = arith.constant 2 : i32
          %add3A_255 = vector.broadcast %add3A_254 : i32 to vector<16xi32>
          %add3A_256 = arith.addi %broadcast_in_dim3A_240, %add3A_255 : vector<16xi32>
          %gather3A_257 = tpu.vector_load_idx %arg26[%add3A_239, %add3A_256] : memref<32x8xf32, #tpu.memory_space<vmem>>[vector<16xi32>, vector<16xi32>], vector<16xf32>,
          %add3A_258 = arith.constant 2 : i32
          %add3A_259 = vector.broadcast %add3A_258 : i32 to vector<16xi32>
          %add3A_260 = arith.addi %broadcast_in_dim3A_240, %add3A_259 : vector<16xi32>
          %gather3A_261 = tpu.vector_load_idx %arg28[%add3A_239, %add3A_260] : memref<32x8xf32, #tpu.memory_space<vmem>>[vector<16xi32>, vector<16xi32>], vector<16xf32>,
          %add3A_262 = arith.addf %gather3A_257, %gather3A_261 : vector<16xf32>
          %add3A_263 = arith.constant 3 : i32
          %add3A_264 = vector.broadcast %add3A_263 : i32 to vector<16xi32>
          %add3A_265 = arith.addi %broadcast_in_dim3A_240, %add3A_264 : vector<16xi32>
          %gather3A_266 = tpu.vector_load_idx %arg27[%add3A_239, %add3A_265] : memref<32x8xf32, #tpu.memory_space<vmem>>[vector<16xi32>, vector<16xi32>], vector<16xf32>,
          %add3A_267 = arith.constant 3 : i32
          %add3A_268 = vector.broadcast %add3A_267 : i32 to vector<16xi32>
          %add3A_269 = arith.addi %broadcast_in_dim3A_240, %add3A_268 : vector<16xi32>
          %gather3A_270 = tpu.vector_load_idx %arg28[%add3A_239, %add3A_269] : memref<32x8xf32, #tpu.memory_space<vmem>>[vector<16xi32>, vector<16xi32>], vector<16xf32>,
          %add3A_271 = arith.addf %gather3A_266, %gather3A_270 : vector<16xf32>
          %neg3A = arith.constant 0.000000e+00 : f32
          %neg3A_272 = vector.broadcast %neg3A : f32 to vector<16xf32>
          %neg3A_273 = arith.subf %neg3A_272, %add3A_244 : vector<16xf32>
          %exp3A = math.exp %neg3A_273 : vector<16xf32>
          %add3A_274 = arith.constant 1.000000e+00 : f32
          %add3A_275 = vector.broadcast %add3A_274 : f32 to vector<16xf32>
          %add3A_276 = arith.addf %add3A_275, %exp3A : vector<16xf32>
          %div3A_277 = arith.constant 1.000000e+00 : f32
          %div3A_278 = vector.broadcast %div3A_277 : f32 to vector<16xf32>
          %div3A_279 = arith.divf %div3A_278, %add3A_276 : vector<16xf32>
          %neg3A_280 = arith.constant 0.000000e+00 : f32
          %neg3A_281 = vector.broadcast %neg3A_280 : f32 to vector<16xf32>
          %neg3A_282 = arith.subf %neg3A_281, %add3A_253 : vector<16xf32>
          %exp3A_283 = math.exp %neg3A_282 : vector<16xf32>
          %add3A_284 = arith.constant 1.000000e+00 : f32
          %add3A_285 = vector.broadcast %add3A_284 : f32 to vector<16xf32>
          %add3A_286 = arith.addf %add3A_285, %exp3A_283 : vector<16xf32>
          %div3A_287 = arith.constant 1.000000e+00 : f32
          %div3A_288 = vector.broadcast %div3A_287 : f32 to vector<16xf32>
          %div3A_289 = arith.divf %div3A_288, %add3A_286 : vector<16xf32>
          %add3A_290 = arith.addf %div3A_279, %div3A_289 : vector<16xf32>
          %swap3A_291 = arith.index_cast %mul3A_235 : i32 to index
          %swap3A_292 = tpu.vector_load %arg33[%swap3A_291] {strides = array<i32>} : memref<32xf32, #tpu.memory_space<vmem>>, vector<16xf32>,
          tpu.vector_store %arg33[%swap3A_291], %add3A_290 {strides = array<i32>} : memref<32xf32, #tpu.memory_space<vmem>>, vector<16xf32>,
          %neg3A_293 = arith.constant 0.000000e+00 : f32
          %neg3A_294 = vector.broadcast %neg3A_293 : f32 to vector<16xf32>
          %neg3A_295 = arith.subf %neg3A_294, %add3A_262 : vector<16xf32>
          %exp3A_296 = math.exp %neg3A_295 : vector<16xf32>
          %add3A_297 = arith.constant 1.000000e+00 : f32
          %add3A_298 = vector.broadcast %add3A_297 : f32 to vector<16xf32>
          %add3A_299 = arith.addf %add3A_298, %exp3A_296 : vector<16xf32>
          %div3A_300 = arith.constant 1.000000e+00 : f32
          %div3A_301 = vector.broadcast %div3A_300 : f32 to vector<16xf32>
          %div3A_302 = arith.divf %div3A_301, %add3A_299 : vector<16xf32>
          %swap3A_303 = arith.index_cast %mul3A_235 : i32 to index
          %swap3A_304 = tpu.vector_load %arg34[%swap3A_303] {strides = array<i32>} : memref<32xf32, #tpu.memory_space<vmem>>, vector<16xf32>,
          tpu.vector_store %arg34[%swap3A_303], %div3A_302 {strides = array<i32>} : memref<32xf32, #tpu.memory_space<vmem>>, vector<16xf32>,
          %neg3A_305 = arith.constant 0.000000e+00 : f32
          %neg3A_306 = vector.broadcast %neg3A_305 : f32 to vector<16xf32>
          %neg3A_307 = arith.subf %neg3A_306, %add3A_271 : vector<16xf32>
          %exp3A_308 = math.exp %neg3A_307 : vector<16xf32>
          %add3A_309 = arith.constant 1.000000e+00 : f32
          %add3A_310 = vector.broadcast %add3A_309 : f32 to vector<16xf32>
          %add3A_311 = arith.addf %add3A_310, %exp3A_308 : vector<16xf32>
          %div3A_312 = arith.constant 1.000000e+00 : f32
          %div3A_313 = vector.broadcast %div3A_312 : f32 to vector<16xf32>
          %div3A_314 = arith.divf %div3A_313, %add3A_311 : vector<16xf32>
          %swap3A_315 = arith.index_cast %mul3A_235 : i32 to index
          %swap3A_316 = tpu.vector_load %arg35[%swap3A_315] {strides = array<i32>} : memref<32xf32, #tpu.memory_space<vmem>>, vector<16xf32>,
          tpu.vector_store %arg35[%swap3A_315], %div3A_314 {strides = array<i32>} : memref<32xf32, #tpu.memory_space<vmem>>, vector<16xf32>,
        }
        %scan3A_220 = arith.constant 2 : i32
        %scan3A_221 = arith.constant 0 : i32
        %scan3A_222 = arith.constant 32 : i32
        %scan3A_223 = arith.addi %scan3A_221, %scan3A_222 : i32
        %scan3A_224 = arith.constant 1 : i32
        scf.for %scan3A_229 = %scan3A_221 to %scan3A_223 step %scan3A_224  : i32 {
          %mul3A_230 = arith.constant 1 : i32
          %mul3A_231 = arith.muli %scan3A_229, %mul3A_230 : i32
          %add3A_232 = arith.constant 0 : i32
          %add3A_233 = arith.addi %add3A_232, %mul3A_231 : i32
          %broadcast_in_dim3A = arith.constant 0 : i32
          %broadcast_in_dim3A_234 = vector.broadcast %broadcast_in_dim3A : i32 to vector<16xi32>
          %add3A_235 = vector.broadcast %add3A_233 : i32 to vector<16xi32>
          %add3A_236 = arith.addi %broadcast_in_dim3A_234, %add3A_235 : vector<16xi32>
          %gather3A = tpu.vector_load_idx %arg33[%add3A_236] : memref<32xf32, #tpu.memory_space<vmem>>[vector<16xi32>], vector<16xf32>,
          %gather3A_237 = tpu.vector_load_idx %arg34[%add3A_236] : memref<32xf32, #tpu.memory_space<vmem>>[vector<16xi32>], vector<16xf32>,
          %gather3A_238 = tpu.vector_load_idx %arg35[%add3A_236] : memref<32xf32, #tpu.memory_space<vmem>>[vector<16xi32>], vector<16xf32>,
          %get3A = arith.index_cast %add3A_233 : i32 to index
          %get3A_239 = arith.constant 0 : index
          %get3A_240 = tpu.vector_load %arg22[%get3A, %get3A_239] {strides = array<i32>} : memref<32x128xf32, #tpu.memory_space<vmem>>, vector<16xf32>,
          %mul3A_241 = arith.mulf %gather3A, %get3A_240 : vector<16xf32>
          %swap3A = arith.index_cast %add3A_233 : i32 to index
          %swap3A_242 = arith.constant 0 : index
          %swap3A_243 = tpu.vector_load %arg32[%swap3A, %swap3A_242] {strides = array<i32>} : memref<32x128xf32, #tpu.memory_space<vmem>>, vector<16xf32>,
          tpu.vector_store %arg32[%swap3A, %swap3A_242], %mul3A_241 {strides = array<i32>} : memref<32x128xf32, #tpu.memory_space<vmem>>, vector<16xf32>,
          %get3A_244 = arith.index_cast %add3A_233 : i32 to index
          %get3A_245 = arith.constant 0 : index
          %get3A_246 = tpu.vector_load %arg20[%get3A_244, %get3A_245] {strides = array<i32>} : memref<32x128xf32, #tpu.memory_space<vmem>>, vector<16xf32>,
          %mul3A_247 = arith.mulf %gather3A_237, %get3A_246 : vector<16xf32>
          %get3A_248 = arith.index_cast %add3A_233 : i32 to index
          %get3A_249 = arith.constant 0 : index
          %get3A_250 = tpu.vector_load %arg21[%get3A_248, %get3A_249] {strides = array<i32>} : memref<32x128xf32, #tpu.memory_space<vmem>>, vector<16xf32>,
          %mul3A_251 = arith.mulf %gather3A_238, %get3A_250 : vector<16xf32>
          %add3A_252 = arith.addf %mul3A_247, %mul3A_251 : vector<16xf32>
          %swap3A_253 = arith.index_cast %add3A_233 : i32 to index
          %swap3A_254 = arith.constant 0 : index
          %swap3A_255 = tpu.vector_load %arg31[%swap3A_253, %swap3A_254] {strides = array<i32>} : memref<32x128xf32, #tpu.memory_space<vmem>>, vector<16xf32>,
          tpu.vector_store %arg31[%swap3A_253, %swap3A_254], %add3A_252 {strides = array<i32>} : memref<32x128xf32, #tpu.memory_space<vmem>>, vector<16xf32>,
          %get3A_256 = arith.index_cast %add3A_233 : i32 to index
          %get3A_257 = arith.constant 16 : index
          %get3A_258 = tpu.vector_load %arg22[%get3A_256, %get3A_257] {strides = array<i32>} : memref<32x128xf32, #tpu.memory_space<vmem>>, vector<16xf32>,
          %mul3A_259 = arith.mulf %gather3A, %get3A_258 : vector<16xf32>
          %swap3A_260 = arith.index_cast %add3A_233 : i32 to index
          %swap3A_261 = arith.constant 16 : index
          %swap3A_262 = tpu.vector_load %arg32[%swap3A_260, %swap3A_261] {strides = array<i32>} : memref<32x128xf32, #tpu.memory_space<vmem>>, vector<16xf32>,
          tpu.vector_store %arg32[%swap3A_260, %swap3A_261], %mul3A_259 {strides = array<i32>} : memref<32x128xf32, #tpu.memory_space<vmem>>, vector<16xf32>,
          %get3A_263 = arith.index_cast %add3A_233 : i32 to index
          %get3A_264 = arith.constant 16 : index
          %get3A_265 = tpu.vector_load %arg20[%get3A_263, %get3A_264] {strides = array<i32>} : memref<32x128xf32, #tpu.memory_space<vmem>>, vector<16xf32>,
          %mul3A_266 = arith.mulf %gather3A_237, %get3A_265 : vector<16xf32>
          %get3A_267 = arith.index_cast %add3A_233 : i32 to index
          %get3A_268 = arith.constant 16 : index
          %get3A_269 = tpu.vector_load %arg21[%get3A_267, %get3A_268] {strides = array<i32>} : memref<32x128xf32, #tpu.memory_space<vmem>>, vector<16xf32>,
          %mul3A_270 = arith.mulf %gather3A_238, %get3A_269 : vector<16xf32>
          %add3A_271 = arith.addf %mul3A_266, %mul3A_270 : vector<16xf32>
          %swap3A_272 = arith.index_cast %add3A_233 : i32 to index
          %swap3A_273 = arith.constant 16 : index
          %swap3A_274 = tpu.vector_load %arg31[%swap3A_272, %swap3A_273] {strides = array<i32>} : memref<32x128xf32, #tpu.memory_space<vmem>>, vector<16xf32>,
          tpu.vector_store %arg31[%swap3A_272, %swap3A_273], %add3A_271 {strides = array<i32>} : memref<32x128xf32, #tpu.memory_space<vmem>>, vector<16xf32>,
          %get3A_275 = arith.index_cast %add3A_233 : i32 to index
          %get3A_276 = arith.constant 32 : index
          %get3A_277 = tpu.vector_load %arg22[%get3A_275, %get3A_276] {strides = array<i32>} : memref<32x128xf32, #tpu.memory_space<vmem>>, vector<16xf32>,
          %mul3A_278 = arith.mulf %gather3A, %get3A_277 : vector<16xf32>
          %swap3A_279 = arith.index_cast %add3A_233 : i32 to index
          %swap3A_280 = arith.constant 32 : index
          %swap3A_281 = tpu.vector_load %arg32[%swap3A_279, %swap3A_280] {strides = array<i32>} : memref<32x128xf32, #tpu.memory_space<vmem>>, vector<16xf32>,
          tpu.vector_store %arg32[%swap3A_279, %swap3A_280], %mul3A_278 {strides = array<i32>} : memref<32x128xf32, #tpu.memory_space<vmem>>, vector<16xf32>,
          %get3A_282 = arith.index_cast %add3A_233 : i32 to index
          %get3A_283 = arith.constant 32 : index
          %get3A_284 = tpu.vector_load %arg20[%get3A_282, %get3A_283] {strides = array<i32>} : memref<32x128xf32, #tpu.memory_space<vmem>>, vector<16xf32>,
          %mul3A_285 = arith.mulf %gather3A_237, %get3A_284 : vector<16xf32>
          %get3A_286 = arith.index_cast %add3A_233 : i32 to index
          %get3A_287 = arith.constant 32 : index
          %get3A_288 = tpu.vector_load %arg21[%get3A_286, %get3A_287] {strides = array<i32>} : memref<32x128xf32, #tpu.memory_space<vmem>>, vector<16xf32>,
          %mul3A_289 = arith.mulf %gather3A_238, %get3A_288 : vector<16xf32>
          %add3A_290 = arith.addf %mul3A_285, %mul3A_289 : vector<16xf32>
          %swap3A_291 = arith.index_cast %add3A_233 : i32 to index
          %swap3A_292 = arith.constant 32 : index
          %swap3A_293 = tpu.vector_load %arg31[%swap3A_291, %swap3A_292] {strides = array<i32>} : memref<32x128xf32, #tpu.memory_space<vmem>>, vector<16xf32>,
          tpu.vector_store %arg31[%swap3A_291, %swap3A_292], %add3A_290 {strides = array<i32>} : memref<32x128xf32, #tpu.memory_space<vmem>>, vector<16xf32>,
          %get3A_294 = arith.index_cast %add3A_233 : i32 to index
          %get3A_295 = arith.constant 48 : index
          %get3A_296 = tpu.vector_load %arg22[%get3A_294, %get3A_295] {strides = array<i32>} : memref<32x128xf32, #tpu.memory_space<vmem>>, vector<16xf32>,
          %mul3A_297 = arith.mulf %gather3A, %get3A_296 : vector<16xf32>
          %swap3A_298 = arith.index_cast %add3A_233 : i32 to index
          %swap3A_299 = arith.constant 48 : index
          %swap3A_300 = tpu.vector_load %arg32[%swap3A_298, %swap3A_299] {strides = array<i32>} : memref<32x128xf32, #tpu.memory_space<vmem>>, vector<16xf32>,
          tpu.vector_store %arg32[%swap3A_298, %swap3A_299], %mul3A_297 {strides = array<i32>} : memref<32x128xf32, #tpu.memory_space<vmem>>, vector<16xf32>,
          %get3A_301 = arith.index_cast %add3A_233 : i32 to index
          %get3A_302 = arith.constant 48 : index
          %get3A_303 = tpu.vector_load %arg20[%get3A_301, %get3A_302] {strides = array<i32>} : memref<32x128xf32, #tpu.memory_space<vmem>>, vector<16xf32>,
          %mul3A_304 = arith.mulf %gather3A_237, %get3A_303 : vector<16xf32>
          %get3A_305 = arith.index_cast %add3A_233 : i32 to index
          %get3A_306 = arith.constant 48 : index
          %get3A_307 = tpu.vector_load %arg21[%get3A_305, %get3A_306] {strides = array<i32>} : memref<32x128xf32, #tpu.memory_space<vmem>>, vector<16xf32>,
          %mul3A_308 = arith.mulf %gather3A_238, %get3A_307 : vector<16xf32>
          %add3A_309 = arith.addf %mul3A_304, %mul3A_308 : vector<16xf32>
          %swap3A_310 = arith.index_cast %add3A_233 : i32 to index
          %swap3A_311 = arith.constant 48 : index
          %swap3A_312 = tpu.vector_load %arg31[%swap3A_310, %swap3A_311] {strides = array<i32>} : memref<32x128xf32, #tpu.memory_space<vmem>>, vector<16xf32>,
          tpu.vector_store %arg31[%swap3A_310, %swap3A_311], %add3A_309 {strides = array<i32>} : memref<32x128xf32, #tpu.memory_space<vmem>>, vector<16xf32>,
          %get3A_313 = arith.index_cast %add3A_233 : i32 to index
          %get3A_314 = arith.constant 64 : index
          %get3A_315 = tpu.vector_load %arg22[%get3A_313, %get3A_314] {strides = array<i32>} : memref<32x128xf32, #tpu.memory_space<vmem>>, vector<16xf32>,
          %mul3A_316 = arith.mulf %gather3A, %get3A_315 : vector<16xf32>
          %swap3A_317 = arith.index_cast %add3A_233 : i32 to index
          %swap3A_318 = arith.constant 64 : index
          %swap3A_319 = tpu.vector_load %arg32[%swap3A_317, %swap3A_318] {strides = array<i32>} : memref<32x128xf32, #tpu.memory_space<vmem>>, vector<16xf32>,
          tpu.vector_store %arg32[%swap3A_317, %swap3A_318], %mul3A_316 {strides = array<i32>} : memref<32x128xf32, #tpu.memory_space<vmem>>, vector<16xf32>,
          %get3A_320 = arith.index_cast %add3A_233 : i32 to index
          %get3A_321 = arith.constant 64 : index
          %get3A_322 = tpu.vector_load %arg20[%get3A_320, %get3A_321] {strides = array<i32>} : memref<32x128xf32, #tpu.memory_space<vmem>>, vector<16xf32>,
          %mul3A_323 = arith.mulf %gather3A_237, %get3A_322 : vector<16xf32>
          %get3A_324 = arith.index_cast %add3A_233 : i32 to index
          %get3A_325 = arith.constant 64 : index
          %get3A_326 = tpu.vector_load %arg21[%get3A_324, %get3A_325] {strides = array<i32>} : memref<32x128xf32, #tpu.memory_space<vmem>>, vector<16xf32>,
          %mul3A_327 = arith.mulf %gather3A_238, %get3A_326 : vector<16xf32>
          %add3A_328 = arith.addf %mul3A_323, %mul3A_327 : vector<16xf32>
          %swap3A_329 = arith.index_cast %add3A_233 : i32 to index
          %swap3A_330 = arith.constant 64 : index
          %swap3A_331 = tpu.vector_load %arg31[%swap3A_329, %swap3A_330] {strides = array<i32>} : memref<32x128xf32, #tpu.memory_space<vmem>>, vector<16xf32>,
          tpu.vector_store %arg31[%swap3A_329, %swap3A_330], %add3A_328 {strides = array<i32>} : memref<32x128xf32, #tpu.memory_space<vmem>>, vector<16xf32>,
          %get3A_332 = arith.index_cast %add3A_233 : i32 to index
          %get3A_333 = arith.constant 80 : index
          %get3A_334 = tpu.vector_load %arg22[%get3A_332, %get3A_333] {strides = array<i32>} : memref<32x128xf32, #tpu.memory_space<vmem>>, vector<16xf32>,
          %mul3A_335 = arith.mulf %gather3A, %get3A_334 : vector<16xf32>
          %swap3A_336 = arith.index_cast %add3A_233 : i32 to index
          %swap3A_337 = arith.constant 80 : index
          %swap3A_338 = tpu.vector_load %arg32[%swap3A_336, %swap3A_337] {strides = array<i32>} : memref<32x128xf32, #tpu.memory_space<vmem>>, vector<16xf32>,
          tpu.vector_store %arg32[%swap3A_336, %swap3A_337], %mul3A_335 {strides = array<i32>} : memref<32x128xf32, #tpu.memory_space<vmem>>, vector<16xf32>,
          %get3A_339 = arith.index_cast %add3A_233 : i32 to index
          %get3A_340 = arith.constant 80 : index
          %get3A_341 = tpu.vector_load %arg20[%get3A_339, %get3A_340] {strides = array<i32>} : memref<32x128xf32, #tpu.memory_space<vmem>>, vector<16xf32>,
          %mul3A_342 = arith.mulf %gather3A_237, %get3A_341 : vector<16xf32>
          %get3A_343 = arith.index_cast %add3A_233 : i32 to index
          %get3A_344 = arith.constant 80 : index
          %get3A_345 = tpu.vector_load %arg21[%get3A_343, %get3A_344] {strides = array<i32>} : memref<32x128xf32, #tpu.memory_space<vmem>>, vector<16xf32>,
          %mul3A_346 = arith.mulf %gather3A_238, %get3A_345 : vector<16xf32>
          %add3A_347 = arith.addf %mul3A_342, %mul3A_346 : vector<16xf32>
          %swap3A_348 = arith.index_cast %add3A_233 : i32 to index
          %swap3A_349 = arith.constant 80 : index
          %swap3A_350 = tpu.vector_load %arg31[%swap3A_348, %swap3A_349] {strides = array<i32>} : memref<32x128xf32, #tpu.memory_space<vmem>>, vector<16xf32>,
          tpu.vector_store %arg31[%swap3A_348, %swap3A_349], %add3A_347 {strides = array<i32>} : memref<32x128xf32, #tpu.memory_space<vmem>>, vector<16xf32>,
          %get3A_351 = arith.index_cast %add3A_233 : i32 to index
          %get3A_352 = arith.constant 96 : index
          %get3A_353 = tpu.vector_load %arg22[%get3A_351, %get3A_352] {strides = array<i32>} : memref<32x128xf32, #tpu.memory_space<vmem>>, vector<16xf32>,
          %mul3A_354 = arith.mulf %gather3A, %get3A_353 : vector<16xf32>
          %swap3A_355 = arith.index_cast %add3A_233 : i32 to index
          %swap3A_356 = arith.constant 96 : index
          %swap3A_357 = tpu.vector_load %arg32[%swap3A_355, %swap3A_356] {strides = array<i32>} : memref<32x128xf32, #tpu.memory_space<vmem>>, vector<16xf32>,
          tpu.vector_store %arg32[%swap3A_355, %swap3A_356], %mul3A_354 {strides = array<i32>} : memref<32x128xf32, #tpu.memory_space<vmem>>, vector<16xf32>,
          %get3A_358 = arith.index_cast %add3A_233 : i32 to index
          %get3A_359 = arith.constant 96 : index
          %get3A_360 = tpu.vector_load %arg20[%get3A_358, %get3A_359] {strides = array<i32>} : memref<32x128xf32, #tpu.memory_space<vmem>>, vector<16xf32>,
          %mul3A_361 = arith.mulf %gather3A_237, %get3A_360 : vector<16xf32>
          %get3A_362 = arith.index_cast %add3A_233 : i32 to index
          %get3A_363 = arith.constant 96 : index
          %get3A_364 = tpu.vector_load %arg21[%get3A_362, %get3A_363] {strides = array<i32>} : memref<32x128xf32, #tpu.memory_space<vmem>>, vector<16xf32>,
          %mul3A_365 = arith.mulf %gather3A_238, %get3A_364 : vector<16xf32>
          %add3A_366 = arith.addf %mul3A_361, %mul3A_365 : vector<16xf32>
          %swap3A_367 = arith.index_cast %add3A_233 : i32 to index
          %swap3A_368 = arith.constant 96 : index
          %swap3A_369 = tpu.vector_load %arg31[%swap3A_367, %swap3A_368] {strides = array<i32>} : memref<32x128xf32, #tpu.memory_space<vmem>>, vector<16xf32>,
          tpu.vector_store %arg31[%swap3A_367, %swap3A_368], %add3A_366 {strides = array<i32>} : memref<32x128xf32, #tpu.memory_space<vmem>>, vector<16xf32>,
          %get3A_370 = arith.index_cast %add3A_233 : i32 to index
          %get3A_371 = arith.constant 112 : index
          %get3A_372 = tpu.vector_load %arg22[%get3A_370, %get3A_371] {strides = array<i32>} : memref<32x128xf32, #tpu.memory_space<vmem>>, vector<16xf32>,
          %mul3A_373 = arith.mulf %gather3A, %get3A_372 : vector<16xf32>
          %swap3A_374 = arith.index_cast %add3A_233 : i32 to index
          %swap3A_375 = arith.constant 112 : index
          %swap3A_376 = tpu.vector_load %arg32[%swap3A_374, %swap3A_375] {strides = array<i32>} : memref<32x128xf32, #tpu.memory_space<vmem>>, vector<16xf32>,
          tpu.vector_store %arg32[%swap3A_374, %swap3A_375], %mul3A_373 {strides = array<i32>} : memref<32x128xf32, #tpu.memory_space<vmem>>, vector<16xf32>,
          %get3A_377 = arith.index_cast %add3A_233 : i32 to index
          %get3A_378 = arith.constant 112 : index
          %get3A_379 = tpu.vector_load %arg20[%get3A_377, %get3A_378] {strides = array<i32>} : memref<32x128xf32, #tpu.memory_space<vmem>>, vector<16xf32>,
          %mul3A_380 = arith.mulf %gather3A_237, %get3A_379 : vector<16xf32>
          %get3A_381 = arith.index_cast %add3A_233 : i32 to index
          %get3A_382 = arith.constant 112 : index
          %get3A_383 = tpu.vector_load %arg21[%get3A_381, %get3A_382] {strides = array<i32>} : memref<32x128xf32, #tpu.memory_space<vmem>>, vector<16xf32>,
          %mul3A_384 = arith.mulf %gather3A_238, %get3A_383 : vector<16xf32>
          %add3A_385 = arith.addf %mul3A_380, %mul3A_384 : vector<16xf32>
          %swap3A_386 = arith.index_cast %add3A_233 : i32 to index
          %swap3A_387 = arith.constant 112 : index
          %swap3A_388 = tpu.vector_load %arg31[%swap3A_386, %swap3A_387] {strides = array<i32>} : memref<32x128xf32, #tpu.memory_space<vmem>>, vector<16xf32>,
          tpu.vector_store %arg31[%swap3A_386, %swap3A_387], %add3A_385 {strides = array<i32>} : memref<32x128xf32, #tpu.memory_space<vmem>>, vector<16xf32>,
        }
        %scan3A_225 = arith.constant 32 : i32
        "tpu.region"() ({
          %run_scoped3A = tpu.sem_alloc : memref<!tpu.dma_semaphore, #tpu.memory_space<semaphore_mem>>
          %dma_start3A_229 = arith.constant 0 : i32
          %dma_start3A_230 = arith.constant 0 : i32
          %dma_start3A_231 = tpu.memref_slice %arg36[%dma_start3A_229, %dma_start3A_230] : memref<10000x128xf32, #tpu.memory_space<vmem_shared>> -> memref<10000x128xf32, #tpu.memory_space<vmem_shared>>
          tpu.enqueue_indirect_dma source(%arg32 : memref<32x128xf32, #tpu.memory_space<vmem>>) target(%dma_start3A_231 : memref<10000x128xf32, #tpu.memory_space<vmem_shared>>) offsets(%arg16 : memref<32xi32, #tpu.memory_space<vmem>>) semaphore(%run_scoped3A : memref<!tpu.dma_semaphore, #tpu.memory_space<semaphore_mem>>) {add = true}
          %dma_wait3A_232 = arith.constant 0 : i32
          %dma_wait3A_233 = arith.constant 0 : i32
          %dma_wait3A_234 = tpu.memref_slice %arg36[%dma_wait3A_232, %dma_wait3A_233] : memref<10000x128xf32, #tpu.memory_space<vmem_shared>> -> memref<10000x128xf32, #tpu.memory_space<vmem_shared>>
          tpu.wait_indirect_dma semaphore(%run_scoped3A : memref<!tpu.dma_semaphore, #tpu.memory_space<semaphore_mem>>) src(%arg32 : memref<32x128xf32, #tpu.memory_space<vmem>>) dst(%dma_wait3A_234 : memref<10000x128xf32, #tpu.memory_space<vmem_shared>>)
          tpu.yield
        }) : () -> ()
        %dma_start3A = arith.constant 0 : i32
        %dma_start3A_226 = tpu.memref_slice %arg9[%mul3A_184, %dma_start3A] : memref<160000x128xf32, #tpu.memory_space<hbm>> -> memref<32x128xf32, #tpu.memory_space<hbm>>
        %dma_start3A_227 = arith.constant 0 : i32
        %dma_start3A_228 = tpu.memref_slice %arg9[%mul3A_184, %dma_start3A_227] : memref<160000x128xf32, #tpu.memory_space<hbm>> -> memref<32x128xf32, #tpu.memory_space<hbm>>
        tpu.enqueue_dma source(%arg31 : memref<32x128xf32, #tpu.memory_space<vmem>>) target(%dma_start3A_228 : memref<32x128xf32, #tpu.memory_space<hbm>>) target_semaphore(%arg42 : memref<!tpu.dma_semaphore, #tpu.memory_space<semaphore_mem>>)
      } else {
      }
      %add3A_170 = arith.constant 2 : i32
      %add3A_171 = arith.addi %add3A_84, %add3A_170 : i32
      %mul3A_172 = arith.constant 32 : i32
      %mul3A_173 = arith.muli %mul3A_172, %add3A_171 : i32
      %add3A_174 = arith.addi %add3A, %mul3A_173 : i32
      %ge3A_175 = arith.constant 0 : i32
      %ge3A_176 = arith.cmpi sge, %add3A_174, %ge3A_175 : i32
      %lt3A_177 = arith.constant 5000 : i32
      %lt3A_178 = arith.cmpi slt, %add3A_174, %lt3A_177 : i32
      %and3A_179 = arith.andi %ge3A_176, %lt3A_178 : i1
      %convert_element_type3A_180 = arith.extui %and3A_179 : i1 to i32
      %cond3A_181 = arith.constant 0 : i32
      %cond3A_182 = arith.cmpi ne, %convert_element_type3A_180, %cond3A_181 : i32
      scf.if %cond3A_182 {
        %mul3A_183 = arith.constant 32 : i32
        %mul3A_184 = arith.muli %add3A_174, %mul3A_183 : i32
        %dma_start3A = tpu.memref_slice %arg5[%mul3A_184] : memref<160000xi32, #tpu.memory_space<hbm>> -> memref<32xi32, #tpu.memory_space<hbm>>
        %dma_start3A_185 = tpu.memref_slice %arg5[%mul3A_184] : memref<160000xi32, #tpu.memory_space<hbm>> -> memref<32xi32, #tpu.memory_space<hbm>>
        tpu.enqueue_dma source(%dma_start3A_185 : memref<32xi32, #tpu.memory_space<hbm>>) target(%arg13 : memref<32xi32, #tpu.memory_space<vmem>>) target_semaphore(%arg38 : memref<!tpu.dma_semaphore, #tpu.memory_space<semaphore_mem>>)
        %dma_start3A_186 = tpu.memref_slice %arg4[%mul3A_184] : memref<160000xi32, #tpu.memory_space<hbm>> -> memref<32xi32, #tpu.memory_space<hbm>>
        %dma_start3A_187 = tpu.memref_slice %arg4[%mul3A_184] : memref<160000xi32, #tpu.memory_space<hbm>> -> memref<32xi32, #tpu.memory_space<hbm>>
        tpu.enqueue_dma source(%dma_start3A_187 : memref<32xi32, #tpu.memory_space<hbm>>) target(%arg14 : memref<32xi32, #tpu.memory_space<vmem>>) target_semaphore(%arg38 : memref<!tpu.dma_semaphore, #tpu.memory_space<semaphore_mem>>)
      } else {
      }
    }
    %scan3A_50 = arith.constant 79 : i32
    %add3A_51 = arith.constant 4992 : i32
    %add3A_52 = arith.addi %add3A, %add3A_51 : i32
    %ge3A_53 = arith.constant 0 : i32
    %ge3A_54 = arith.cmpi sge, %add3A_52, %ge3A_53 : i32
    %lt3A_55 = arith.constant 5000 : i32
    %lt3A_56 = arith.cmpi slt, %add3A_52, %lt3A_55 : i32
    %and3A_57 = arith.andi %ge3A_54, %lt3A_56 : i1
    %convert_element_type3A_58 = arith.extui %and3A_57 : i1 to i32
    %cond3A_59 = arith.constant 0 : i32
    %cond3A_60 = arith.cmpi ne, %convert_element_type3A_58, %cond3A_59 : i32
    scf.if %cond3A_60 {
      %mul3A_76 = arith.constant 32 : i32
      %mul3A_77 = arith.muli %add3A_52, %mul3A_76 : i32
      %dma_wait3A = arith.constant 0 : i32
      %dma_wait3A_78 = tpu.memref_slice %arg9[%mul3A_77, %dma_wait3A] : memref<160000x128xf32, #tpu.memory_space<hbm>> -> memref<32x128xf32, #tpu.memory_space<hbm>>
      %dma_wait3A_79 = arith.constant 0 : i32
      %dma_wait3A_80 = tpu.memref_slice %arg9[%mul3A_77, %dma_wait3A_79] : memref<160000x128xf32, #tpu.memory_space<hbm>> -> memref<32x128xf32, #tpu.memory_space<hbm>>
      tpu.wait_dma2 semaphore(%arg41 : memref<!tpu.dma_semaphore, #tpu.memory_space<semaphore_mem>>) src(%arg29 : memref<32x128xf32, #tpu.memory_space<vmem>>) dst(%dma_wait3A_80 : memref<32x128xf32, #tpu.memory_space<hbm>>)
    } else {
    }
    %add3A_61 = arith.constant 5024 : i32
    %add3A_62 = arith.addi %add3A, %add3A_61 : i32
    %ge3A_63 = arith.constant 0 : i32
    %ge3A_64 = arith.cmpi sge, %add3A_62, %ge3A_63 : i32
    %lt3A_65 = arith.constant 5000 : i32
    %lt3A_66 = arith.cmpi slt, %add3A_62, %lt3A_65 : i32
    %and3A_67 = arith.andi %ge3A_64, %lt3A_66 : i1
    %convert_element_type3A_68 = arith.extui %and3A_67 : i1 to i32
    %cond3A_69 = arith.constant 0 : i32
    %cond3A_70 = arith.cmpi ne, %convert_element_type3A_68, %cond3A_69 : i32
    scf.if %cond3A_70 {
      %mul3A_76 = arith.constant 32 : i32
      %mul3A_77 = arith.muli %add3A_62, %mul3A_76 : i32
      %dma_wait3A = arith.constant 0 : i32
      %dma_wait3A_78 = tpu.memref_slice %arg9[%mul3A_77, %dma_wait3A] : memref<160000x128xf32, #tpu.memory_space<hbm>> -> memref<32x128xf32, #tpu.memory_space<hbm>>
      %dma_wait3A_79 = arith.constant 0 : i32
      %dma_wait3A_80 = tpu.memref_slice %arg9[%mul3A_77, %dma_wait3A_79] : memref<160000x128xf32, #tpu.memory_space<hbm>> -> memref<32x128xf32, #tpu.memory_space<hbm>>
      tpu.wait_dma2 semaphore(%arg42 : memref<!tpu.dma_semaphore, #tpu.memory_space<semaphore_mem>>) src(%arg31 : memref<32x128xf32, #tpu.memory_space<vmem>>) dst(%dma_wait3A_80 : memref<32x128xf32, #tpu.memory_space<hbm>>)
    } else {
    }
    %barrier3A_71 = arith.constant 0 : index
    tpu.barrier barrier_id(%barrier3A_71)
    %mul3A_72 = arith.constant 10000 : i32
    %mul3A_73 = arith.muli %arg0, %mul3A_72 : i32
    %add3A_74 = arith.addi %mul3A_73, %multiple_of3A : i32
    %multiple_of3A_75 = tpu.assume_multiple %add3A_74, 8 : i32
    "tpu.region"() ({
      %run_scoped3A = tpu.sem_alloc : memref<!tpu.dma_semaphore, #tpu.memory_space<semaphore_mem>>
      %dma_start3A = arith.constant 0 : i32
      %dma_start3A_76 = tpu.memref_slice %arg10[%multiple_of3A_75, %dma_start3A] : memref<20000x128xf32, #tpu.memory_space<hbm>> -> memref<632x128xf32, #tpu.memory_space<hbm>>
      %dma_start3A_77 = arith.constant 0 : i32
      %dma_start3A_78 = tpu.memref_slice %arg36[%multiple_of3A, %dma_start3A_77] : memref<10000x128xf32, #tpu.memory_space<vmem_shared>> -> memref<632x128xf32, #tpu.memory_space<vmem_shared>>
      tpu.enqueue_dma source(%dma_start3A_78 : memref<632x128xf32, #tpu.memory_space<vmem_shared>>) target(%dma_start3A_76 : memref<632x128xf32, #tpu.memory_space<hbm>>) target_semaphore(%run_scoped3A : memref<!tpu.dma_semaphore, #tpu.memory_space<semaphore_mem>>)
      %dma_wait3A = arith.constant 0 : i32
      %dma_wait3A_79 = tpu.memref_slice %arg10[%multiple_of3A_75, %dma_wait3A] : memref<20000x128xf32, #tpu.memory_space<hbm>> -> memref<632x128xf32, #tpu.memory_space<hbm>>
      %dma_wait3A_80 = arith.constant 0 : i32
      %dma_wait3A_81 = tpu.memref_slice %arg36[%multiple_of3A, %dma_wait3A_80] : memref<10000x128xf32, #tpu.memory_space<vmem_shared>> -> memref<632x128xf32, #tpu.memory_space<vmem_shared>>
      tpu.wait_dma2 semaphore(%run_scoped3A : memref<!tpu.dma_semaphore, #tpu.memory_space<semaphore_mem>>) src(%dma_wait3A_81 : memref<632x128xf32, #tpu.memory_space<vmem_shared>>) dst(%dma_wait3A_79 : memref<632x128xf32, #tpu.memory_space<hbm>>)
      tpu.yield
    }) : () -> ()
    return
  }
}

#map = affine_map<(d0, d1) -> (0, 0)>
#map1 = affine_map<(d0, d1) -> (0)>
module attributes {stable_mosaic.version = 14 : i64} {
  func.func @k(%arg0: i32, %arg1: i32, %arg2: memref<10000x128xf32, #tpu.memory_space<hbm>>, %arg3: memref<160000x128xf32, #tpu.memory_space<hbm>>, %arg4: memref<160000xi32, #tpu.memory_space<hbm>>, %arg5: memref<160000xi32, #tpu.memory_space<hbm>>, %arg6: memref<10000x8xf32, #tpu.memory_space<hbm>>, %arg7: memref<160000x8xf32, #tpu.memory_space<hbm>>, %arg8: memref<10000x128xf32, #tpu.memory_space<hbm>>, %arg9: memref<160000x128xf32, #tpu.memory_space<hbm>>, %arg10: memref<20000x128xf32, #tpu.memory_space<hbm>>, %arg11: memref<32xi32, #tpu.memory_space<vmem>>, %arg12: memref<32xi32, #tpu.memory_space<vmem>>, %arg13: memref<32xi32, #tpu.memory_space<vmem>>, %arg14: memref<32xi32, #tpu.memory_space<vmem>>, %arg15: memref<32xi32, #tpu.memory_space<vmem>>, %arg16: memref<32xi32, #tpu.memory_space<vmem>>, %arg17: memref<32x128xf32, #tpu.memory_space<vmem>>, %arg18: memref<32x128xf32, #tpu.memory_space<vmem>>, %arg19: memref<32x128xf32, #tpu.memory_space<vmem>>, %arg20: memref<32x128xf32, #tpu.memory_space<vmem>>, %arg21: memref<32x128xf32, #tpu.memory_space<vmem>>, %arg22: memref<32x128xf32, #tpu.memory_space<vmem>>, %arg23: memref<32x8xf32, #tpu.memory_space<vmem>>, %arg24: memref<32x8xf32, #tpu.memory_space<vmem>>, %arg25: memref<32x8xf32, #tpu.memory_space<vmem>>, %arg26: memref<32x8xf32, #tpu.memory_space<vmem>>, %arg27: memref<32x8xf32, #tpu.memory_space<vmem>>, %arg28: memref<32x8xf32, #tpu.memory_space<vmem>>, %arg29: memref<32x128xf32, #tpu.memory_space<vmem>>, %arg30: memref<32x128xf32, #tpu.memory_space<vmem>>, %arg31: memref<32x128xf32, #tpu.memory_space<vmem>>, %arg32: memref<32x128xf32, #tpu.memory_space<vmem>>, %arg33: memref<32xf32, #tpu.memory_space<vmem>>, %arg34: memref<32xf32, #tpu.memory_space<vmem>>, %arg35: memref<32xf32, #tpu.memory_space<vmem>>, %arg36: memref<10000x128xf32, #tpu.memory_space<vmem_shared>>, %arg37: memref<!tpu.dma_semaphore, #tpu.memory_space<semaphore_mem>>, %arg38: memref<!tpu.dma_semaphore, #tpu.memory_space<semaphore_mem>>, %arg39: memref<!tpu.dma_semaphore, #tpu.memory_space<semaphore_mem>>, %arg40: memref<!tpu.dma_semaphore, #tpu.memory_space<semaphore_mem>>, %arg41: memref<!tpu.dma_semaphore, #tpu.memory_space<semaphore_mem>>, %arg42: memref<!tpu.dma_semaphore, #tpu.memory_space<semaphore_mem>>) attributes {dimension_semantics = [#tpu.dimension_semantics<core_parallel>, #tpu.dimension_semantics<subcore_parallel>], iteration_bounds = array<i64: 2, 16>, scalar_prefetch = 0 : i64, scratch_operands = 32 : i64, tpu.core_type = #tpu.core_type<sc_vector_subcore>, window_params = [{transform_indices = #map}, {transform_indices = #map}, {transform_indices = #map1}, {transform_indices = #map1}, {transform_indices = #map}, {transform_indices = #map}, {transform_indices = #map}, {transform_indices = #map}, {transform_indices = #map}]} {
    %mul3A = arith.constant 2 : i32
    %mul3A_0 = arith.muli %arg1, %mul3A : i32
    %add3A = arith.addi %mul3A_0, %arg0 : i32
    %mul3A_1 = arith.constant 625 : i32
    %mul3A_2 = arith.muli %arg1, %mul3A_1 : i32
    %jit3A = arith.constant 8 : i32
    %div3A = arith.divsi %mul3A_2, %jit3A : i32
    %sign3A = arith.constant 0 : i32
    %sign3A_3 = arith.cmpi sgt, %mul3A_2, %sign3A : i32
    %sign3A_4 = arith.extui %sign3A_3 : i1 to i32
    %sign3A_5 = arith.constant 0 : i32
    %sign3A_6 = arith.cmpi slt, %mul3A_2, %sign3A_5 : i32
    %sign3A_7 = arith.extui %sign3A_6 : i1 to i32
    %sign3A_8 = arith.subi %sign3A_4, %sign3A_7 : i32
    %sign3A_9 = arith.constant 0 : i32
    %sign3A_10 = arith.cmpi sgt, %jit3A, %sign3A_9 : i32
    %sign3A_11 = arith.extui %sign3A_10 : i1 to i32
    %sign3A_12 = arith.constant 0 : i32
    %sign3A_13 = arith.cmpi slt, %jit3A, %sign3A_12 : i32
    %sign3A_14 = arith.extui %sign3A_13 : i1 to i32
    %sign3A_15 = arith.subi %sign3A_11, %sign3A_14 : i32
    %ne3A = arith.cmpi ne, %sign3A_8, %sign3A_15 : i32
    %rem3A = arith.remsi %mul3A_2, %jit3A : i32
    %ne3A_16 = arith.constant 0 : i32
    %ne3A_17 = arith.cmpi ne, %rem3A, %ne3A_16 : i32
    %and3A = arith.andi %ne3A, %ne3A_17 : i1
    %sub3A = arith.constant 1 : i32
    %sub3A_18 = arith.subi %div3A, %sub3A : i32
    %select_n3A = arith.select %and3A, %sub3A_18, %div3A : i32
    %mul3A_19 = arith.constant 8 : i32
    %mul3A_20 = arith.muli %select_n3A, %mul3A_19 : i32
    %multiple_of3A = tpu.assume_multiple %mul3A_20, 8 : i32
    "tpu.region"() ({
      %run_scoped3A = tpu.sem_alloc : memref<!tpu.dma_semaphore, #tpu.memory_space<semaphore_mem>>
      %dma_start3A = arith.constant 0 : i32
      %dma_start3A_76 = tpu.memref_slice %arg36[%multiple_of3A, %dma_start3A] : memref<10000x128xf32, #tpu.memory_space<vmem_shared>> -> memref<632x128xf32, #tpu.memory_space<vmem_shared>>
      %dma_start3A_77 = arith.constant 0 : i32
      %dma_start3A_78 = tpu.memref_slice %arg8[%multiple_of3A, %dma_start3A_77] : memref<10000x128xf32, #tpu.memory_space<hbm>> -> memref<632x128xf32, #tpu.memory_space<hbm>>
      tpu.enqueue_dma source(%dma_start3A_78 : memref<632x128xf32, #tpu.memory_space<hbm>>) target(%dma_start3A_76 : memref<632x128xf32, #tpu.memory_space<vmem_shared>>) target_semaphore(%run_scoped3A : memref<!tpu.dma_semaphore, #tpu.memory_space<semaphore_mem>>)
      %dma_wait3A = arith.constant 0 : i32
      %dma_wait3A_79 = tpu.memref_slice %arg36[%multiple_of3A, %dma_wait3A] : memref<10000x128xf32, #tpu.memory_space<vmem_shared>> -> memref<632x128xf32, #tpu.memory_space<vmem_shared>>
      %dma_wait3A_80 = arith.constant 0 : i32
      %dma_wait3A_81 = tpu.memref_slice %arg8[%multiple_of3A, %dma_wait3A_80] : memref<10000x128xf32, #tpu.memory_space<hbm>> -> memref<632x128xf32, #tpu.memory_space<hbm>>
      tpu.wait_dma2 semaphore(%run_scoped3A : memref<!tpu.dma_semaphore, #tpu.memory_space<semaphore_mem>>) src(%dma_wait3A_81 : memref<632x128xf32, #tpu.memory_space<hbm>>) dst(%dma_wait3A_79 : memref<632x128xf32, #tpu.memory_space<vmem_shared>>)
      tpu.yield
    }) : () -> ()
    %barrier3A = arith.constant 0 : index
    tpu.barrier barrier_id(%barrier3A)
    %add3A_21 = arith.constant 0 : i32
    %add3A_22 = arith.addi %add3A, %add3A_21 : i32
    %ge3A = arith.constant 0 : i32
    %ge3A_23 = arith.cmpi sge, %add3A_22, %ge3A : i32
    %lt3A = arith.constant 5000 : i32
    %lt3A_24 = arith.cmpi slt, %add3A_22, %lt3A : i32
    %and3A_25 = arith.andi %ge3A_23, %lt3A_24 : i1
    %convert_element_type3A = arith.extui %and3A_25 : i1 to i32
    %cond3A = arith.constant 0 : i32
    %cond3A_26 = arith.cmpi ne, %convert_element_type3A, %cond3A : i32
    scf.if %cond3A_26 {
      %mul3A_76 = arith.constant 32 : i32
      %mul3A_77 = arith.muli %add3A_22, %mul3A_76 : i32
      %dma_start3A = tpu.memref_slice %arg5[%mul3A_77] : memref<160000xi32, #tpu.memory_space<hbm>> -> memref<32xi32, #tpu.memory_space<hbm>>
      %dma_start3A_78 = tpu.memref_slice %arg5[%mul3A_77] : memref<160000xi32, #tpu.memory_space<hbm>> -> memref<32xi32, #tpu.memory_space<hbm>>
      tpu.enqueue_dma source(%dma_start3A_78 : memref<32xi32, #tpu.memory_space<hbm>>) target(%arg11 : memref<32xi32, #tpu.memory_space<vmem>>) target_semaphore(%arg37 : memref<!tpu.dma_semaphore, #tpu.memory_space<semaphore_mem>>)
      %dma_start3A_79 = tpu.memref_slice %arg4[%mul3A_77] : memref<160000xi32, #tpu.memory_space<hbm>> -> memref<32xi32, #tpu.memory_space<hbm>>
      %dma_start3A_80 = tpu.memref_slice %arg4[%mul3A_77] : memref<160000xi32, #tpu.memory_space<hbm>> -> memref<32xi32, #tpu.memory_space<hbm>>
      tpu.enqueue_dma source(%dma_start3A_80 : memref<32xi32, #tpu.memory_space<hbm>>) target(%arg12 : memref<32xi32, #tpu.memory_space<vmem>>) target_semaphore(%arg37 : memref<!tpu.dma_semaphore, #tpu.memory_space<semaphore_mem>>)
    } else {
    }
    %add3A_27 = arith.constant 0 : i32
    %add3A_28 = arith.addi %add3A, %add3A_27 : i32
    %ge3A_29 = arith.constant 0 : i32
    %ge3A_30 = arith.cmpi sge, %add3A_28, %ge3A_29 : i32
    %lt3A_31 = arith.constant 5000 : i32
    %lt3A_32 = arith.cmpi slt, %add3A_28, %lt3A_31 : i32
    %and3A_33 = arith.andi %ge3A_30, %lt3A_32 : i1
    %convert_element_type3A_34 = arith.extui %and3A_33 : i1 to i32
    %cond3A_35 = arith.constant 0 : i32
    %cond3A_36 = arith.cmpi ne, %convert_element_type3A_34, %cond3A_35 : i32
    scf.if %cond3A_36 {
      %mul3A_76 = arith.constant 32 : i32
      %mul3A_77 = arith.muli %add3A_28, %mul3A_76 : i32
      %dma_wait3A = tpu.memref_slice %arg5[%mul3A_77] : memref<160000xi32, #tpu.memory_space<hbm>> -> memref<32xi32, #tpu.memory_space<hbm>>
      %dma_wait3A_78 = tpu.memref_slice %arg5[%mul3A_77] : memref<160000xi32, #tpu.memory_space<hbm>> -> memref<32xi32, #tpu.memory_space<hbm>>
      tpu.wait_dma2 semaphore(%arg37 : memref<!tpu.dma_semaphore, #tpu.memory_space<semaphore_mem>>) src(%dma_wait3A_78 : memref<32xi32, #tpu.memory_space<hbm>>) dst(%arg11 : memref<32xi32, #tpu.memory_space<vmem>>)
      %dma_wait3A_79 = tpu.memref_slice %arg4[%mul3A_77] : memref<160000xi32, #tpu.memory_space<hbm>> -> memref<32xi32, #tpu.memory_space<hbm>>
      %dma_wait3A_80 = tpu.memref_slice %arg4[%mul3A_77] : memref<160000xi32, #tpu.memory_space<hbm>> -> memref<32xi32, #tpu.memory_space<hbm>>
      tpu.wait_dma2 semaphore(%arg37 : memref<!tpu.dma_semaphore, #tpu.memory_space<semaphore_mem>>) src(%dma_wait3A_80 : memref<32xi32, #tpu.memory_space<hbm>>) dst(%arg12 : memref<32xi32, #tpu.memory_space<vmem>>)
      %dma_start3A = arith.constant 0 : i32
      %dma_start3A_81 = arith.constant 0 : i32
      %dma_start3A_82 = tpu.memref_slice %arg2[%dma_start3A, %dma_start3A_81] : memref<10000x128xf32, #tpu.memory_space<hbm>> -> memref<10000x128xf32, #tpu.memory_space<hbm>>
      tpu.enqueue_indirect_dma source(%dma_start3A_82 : memref<10000x128xf32, #tpu.memory_space<hbm>>) target(%arg17 : memref<32x128xf32, #tpu.memory_space<vmem>>) offsets(%arg11 : memref<32xi32, #tpu.memory_space<vmem>>) semaphore(%arg39 : memref<!tpu.dma_semaphore, #tpu.memory_space<semaphore_mem>>)
      %dma_start3A_83 = arith.constant 0 : i32
      %dma_start3A_84 = arith.constant 0 : i32
      %dma_start3A_85 = tpu.memref_slice %arg2[%dma_start3A_83, %dma_start3A_84] : memref<10000x128xf32, #tpu.memory_space<hbm>> -> memref<10000x128xf32, #tpu.memory_space<hbm>>
      tpu.enqueue_indirect_dma source(%dma_start3A_85 : memref<10000x128xf32, #tpu.memory_space<hbm>>) target(%arg18 : memref<32x128xf32, #tpu.memory_space<vmem>>) offsets(%arg12 : memref<32xi32, #tpu.memory_space<vmem>>) semaphore(%arg39 : memref<!tpu.dma_semaphore, #tpu.memory_space<semaphore_mem>>)
      %dma_start3A_86 = arith.constant 0 : i32
      %dma_start3A_87 = arith.constant 0 : i32
      %dma_start3A_88 = tpu.memref_slice %arg6[%dma_start3A_86, %dma_start3A_87] : memref<10000x8xf32, #tpu.memory_space<hbm>> -> memref<10000x8xf32, #tpu.memory_space<hbm>>
      tpu.enqueue_indirect_dma source(%dma_start3A_88 : memref<10000x8xf32, #tpu.memory_space<hbm>>) target(%arg23 : memref<32x8xf32, #tpu.memory_space<vmem>>) offsets(%arg11 : memref<32xi32, #tpu.memory_space<vmem>>) semaphore(%arg39 : memref<!tpu.dma_semaphore, #tpu.memory_space<semaphore_mem>>)
      %dma_start3A_89 = arith.constant 0 : i32
      %dma_start3A_90 = arith.constant 0 : i32
      %dma_start3A_91 = tpu.memref_slice %arg6[%dma_start3A_89, %dma_start3A_90] : memref<10000x8xf32, #tpu.memory_space<hbm>> -> memref<10000x8xf32, #tpu.memory_space<hbm>>
      tpu.enqueue_indirect_dma source(%dma_start3A_91 : memref<10000x8xf32, #tpu.memory_space<hbm>>) target(%arg24 : memref<32x8xf32, #tpu.memory_space<vmem>>) offsets(%arg12 : memref<32xi32, #tpu.memory_space<vmem>>) semaphore(%arg39 : memref<!tpu.dma_semaphore, #tpu.memory_space<semaphore_mem>>)
      %dma_start3A_92 = arith.constant 0 : i32
      %dma_start3A_93 = tpu.memref_slice %arg3[%mul3A_77, %dma_start3A_92] : memref<160000x128xf32, #tpu.memory_space<hbm>> -> memref<32x128xf32, #tpu.memory_space<hbm>>
      %dma_start3A_94 = arith.constant 0 : i32
      %dma_start3A_95 = tpu.memref_slice %arg3[%mul3A_77, %dma_start3A_94] : memref<160000x128xf32, #tpu.memory_space<hbm>> -> memref<32x128xf32, #tpu.memory_space<hbm>>
      tpu.enqueue_dma source(%dma_start3A_95 : memref<32x128xf32, #tpu.memory_space<hbm>>) target(%arg19 : memref<32x128xf32, #tpu.memory_space<vmem>>) target_semaphore(%arg39 : memref<!tpu.dma_semaphore, #tpu.memory_space<semaphore_mem>>)
      %dma_start3A_96 = arith.constant 0 : i32
      %dma_start3A_97 = tpu.memref_slice %arg7[%mul3A_77, %dma_start3A_96] : memref<160000x8xf32, #tpu.memory_space<hbm>> -> memref<32x8xf32, #tpu.memory_space<hbm>>
      %dma_start3A_98 = arith.constant 0 : i32
      %dma_start3A_99 = tpu.memref_slice %arg7[%mul3A_77, %dma_start3A_98] : memref<160000x8xf32, #tpu.memory_space<hbm>> -> memref<32x8xf32, #tpu.memory_space<hbm>>
      tpu.enqueue_dma source(%dma_start3A_99 : memref<32x8xf32, #tpu.memory_space<hbm>>) target(%arg25 : memref<32x8xf32, #tpu.memory_space<vmem>>) target_semaphore(%arg39 : memref<!tpu.dma_semaphore, #tpu.memory_space<semaphore_mem>>)
    } else {
    }
    %add3A_37 = arith.constant 32 : i32
    %add3A_38 = arith.addi %add3A, %add3A_37 : i32
    %ge3A_39 = arith.constant 0 : i32
    %ge3A_40 = arith.cmpi sge, %add3A_38, %ge3A_39 : i32
    %lt3A_41 = arith.constant 5000 : i32
    %lt3A_42 = arith.cmpi slt, %add3A_38, %lt3A_41 : i32
    %and3A_43 = arith.andi %ge3A_40, %lt3A_42 : i1
    %convert_element_type3A_44 = arith.extui %and3A_43 : i1 to i32
    %cond3A_45 = arith.constant 0 : i32
    %cond3A_46 = arith.cmpi ne, %convert_element_type3A_44, %cond3A_45 : i32
    scf.if %cond3A_46 {
      %mul3A_76 = arith.constant 32 : i32
      %mul3A_77 = arith.muli %add3A_38, %mul3A_76 : i32
      %dma_start3A = tpu.memref_slice %arg5[%mul3A_77] : memref<160000xi32, #tpu.memory_space<hbm>> -> memref<32xi32, #tpu.memory_space<hbm>>
      %dma_start3A_78 = tpu.memref_slice %arg5[%mul3A_77] : memref<160000xi32, #tpu.memory_space<hbm>> -> memref<32xi32, #tpu.memory_space<hbm>>
      tpu.enqueue_dma source(%dma_start3A_78 : memref<32xi32, #tpu.memory_space<hbm>>) target(%arg13 : memref<32xi32, #tpu.memory_space<vmem>>) target_semaphore(%arg38 : memref<!tpu.dma_semaphore, #tpu.memory_space<semaphore_mem>>)
      %dma_start3A_79 = tpu.memref_slice %arg4[%mul3A_77] : memref<160000xi32, #tpu.memory_space<hbm>> -> memref<32xi32, #tpu.memory_space<hbm>>
      %dma_start3A_80 = tpu.memref_slice %arg4[%mul3A_77] : memref<160000xi32, #tpu.memory_space<hbm>> -> memref<32xi32, #tpu.memory_space<hbm>>
      tpu.enqueue_dma source(%dma_start3A_80 : memref<32xi32, #tpu.memory_space<hbm>>) target(%arg14 : memref<32xi32, #tpu.memory_space<vmem>>) target_semaphore(%arg38 : memref<!tpu.dma_semaphore, #tpu.memory_space<semaphore_mem>>)
    } else {
    }
    %scan3A = arith.constant 0 : i32
    %scan3A_47 = arith.constant 79 : i32
    %scan3A_48 = arith.addi %scan3A, %scan3A_47 : i32
    %scan3A_49 = arith.constant 1 : i32
    scf.for %scan3A_76 = %scan3A to %scan3A_48 step %scan3A_49  : i32 {
      %mul3A_77 = arith.constant 1 : i32
      %mul3A_78 = arith.muli %scan3A_76, %mul3A_77 : i32
      %add3A_79 = arith.constant 0 : i32
      %add3A_80 = arith.addi %add3A_79, %mul3A_78 : i32
      %mul3A_81 = arith.constant 2 : i32
      %mul3A_82 = arith.muli %add3A_80, %mul3A_81 : i32
      %add3A_83 = arith.constant 1 : i32
      %add3A_84 = arith.addi %mul3A_82, %add3A_83 : i32
      %mul3A_85 = arith.constant 32 : i32
      %mul3A_86 = arith.muli %mul3A_85, %add3A_84 : i32
      %add3A_87 = arith.addi %add3A, %mul3A_86 : i32
      %ge3A_88 = arith.constant 0 : i32
      %ge3A_89 = arith.cmpi sge, %add3A_87, %ge3A_88 : i32
      %lt3A_90 = arith.constant 5000 : i32
      %lt3A_91 = arith.cmpi slt, %add3A_87, %lt3A_90 : i32
      %and3A_92 = arith.andi %ge3A_89, %lt3A_91 : i1
      %convert_element_type3A_93 = arith.extui %and3A_92 : i1 to i32
      %cond3A_94 = arith.constant 0 : i32
      %cond3A_95 = arith.cmpi ne, %convert_element_type3A_93, %cond3A_94 : i32
      scf.if %cond3A_95 {
        %mul3A_183 = arith.constant 32 : i32
        %mul3A_184 = arith.muli %add3A_87, %mul3A_183 : i32
        %dma_wait3A = tpu.memref_slice %arg5[%mul3A_184] : memref<160000xi32, #tpu.memory_space<hbm>> -> memref<32xi32, #tpu.memory_space<hbm>>
        %dma_wait3A_185 = tpu.memref_slice %arg5[%mul3A_184] : memref<160000xi32, #tpu.memory_space<hbm>> -> memref<32xi32, #tpu.memory_space<hbm>>
        tpu.wait_dma2 semaphore(%arg38 : memref<!tpu.dma_semaphore, #tpu.memory_space<semaphore_mem>>) src(%dma_wait3A_185 : memref<32xi32, #tpu.memory_space<hbm>>) dst(%arg13 : memref<32xi32, #tpu.memory_space<vmem>>)
        %dma_wait3A_186 = tpu.memref_slice %arg4[%mul3A_184] : memref<160000xi32, #tpu.memory_space<hbm>> -> memref<32xi32, #tpu.memory_space<hbm>>
        %dma_wait3A_187 = tpu.memref_slice %arg4[%mul3A_184] : memref<160000xi32, #tpu.memory_space<hbm>> -> memref<32xi32, #tpu.memory_space<hbm>>
        tpu.wait_dma2 semaphore(%arg38 : memref<!tpu.dma_semaphore, #tpu.memory_space<semaphore_mem>>) src(%dma_wait3A_187 : memref<32xi32, #tpu.memory_space<hbm>>) dst(%arg14 : memref<32xi32, #tpu.memory_space<vmem>>)
        %dma_start3A = arith.constant 0 : i32
        %dma_start3A_188 = arith.constant 0 : i32
        %dma_start3A_189 = tpu.memref_slice %arg2[%dma_start3A, %dma_start3A_188] : memref<10000x128xf32, #tpu.memory_space<hbm>> -> memref<10000x128xf32, #tpu.memory_space<hbm>>
        tpu.enqueue_indirect_dma source(%dma_start3A_189 : memref<10000x128xf32, #tpu.memory_space<hbm>>) target(%arg20 : memref<32x128xf32, #tpu.memory_space<vmem>>) offsets(%arg13 : memref<32xi32, #tpu.memory_space<vmem>>) semaphore(%arg40 : memref<!tpu.dma_semaphore, #tpu.memory_space<semaphore_mem>>)
        %dma_start3A_190 = arith.constant 0 : i32
        %dma_start3A_191 = arith.constant 0 : i32
        %dma_start3A_192 = tpu.memref_slice %arg2[%dma_start3A_190, %dma_start3A_191] : memref<10000x128xf32, #tpu.memory_space<hbm>> -> memref<10000x128xf32, #tpu.memory_space<hbm>>
        tpu.enqueue_indirect_dma source(%dma_start3A_192 : memref<10000x128xf32, #tpu.memory_space<hbm>>) target(%arg21 : memref<32x128xf32, #tpu.memory_space<vmem>>) offsets(%arg14 : memref<32xi32, #tpu.memory_space<vmem>>) semaphore(%arg40 : memref<!tpu.dma_semaphore, #tpu.memory_space<semaphore_mem>>)
        %dma_start3A_193 = arith.constant 0 : i32
        %dma_start3A_194 = arith.constant 0 : i32
        %dma_start3A_195 = tpu.memref_slice %arg6[%dma_start3A_193, %dma_start3A_194] : memref<10000x8xf32, #tpu.memory_space<hbm>> -> memref<10000x8xf32, #tpu.memory_space<hbm>>
        tpu.enqueue_indirect_dma source(%dma_start3A_195 : memref<10000x8xf32, #tpu.memory_space<hbm>>) target(%arg26 : memref<32x8xf32, #tpu.memory_space<vmem>>) offsets(%arg13 : memref<32xi32, #tpu.memory_space<vmem>>) semaphore(%arg40 : memref<!tpu.dma_semaphore, #tpu.memory_space<semaphore_mem>>)
        %dma_start3A_196 = arith.constant 0 : i32
        %dma_start3A_197 = arith.constant 0 : i32
        %dma_start3A_198 = tpu.memref_slice %arg6[%dma_start3A_196, %dma_start3A_197] : memref<10000x8xf32, #tpu.memory_space<hbm>> -> memref<10000x8xf32, #tpu.memory_space<hbm>>
        tpu.enqueue_indirect_dma source(%dma_start3A_198 : memref<10000x8xf32, #tpu.memory_space<hbm>>) target(%arg27 : memref<32x8xf32, #tpu.memory_space<vmem>>) offsets(%arg14 : memref<32xi32, #tpu.memory_space<vmem>>) semaphore(%arg40 : memref<!tpu.dma_semaphore, #tpu.memory_space<semaphore_mem>>)
        %dma_start3A_199 = arith.constant 0 : i32
        %dma_start3A_200 = tpu.memref_slice %arg3[%mul3A_184, %dma_start3A_199] : memref<160000x128xf32, #tpu.memory_space<hbm>> -> memref<32x128xf32, #tpu.memory_space<hbm>>
        %dma_start3A_201 = arith.constant 0 : i32
        %dma_start3A_202 = tpu.memref_slice %arg3[%mul3A_184, %dma_start3A_201] : memref<160000x128xf32, #tpu.memory_space<hbm>> -> memref<32x128xf32, #tpu.memory_space<hbm>>
        tpu.enqueue_dma source(%dma_start3A_202 : memref<32x128xf32, #tpu.memory_space<hbm>>) target(%arg22 : memref<32x128xf32, #tpu.memory_space<vmem>>) target_semaphore(%arg40 : memref<!tpu.dma_semaphore, #tpu.memory_space<semaphore_mem>>)
        %dma_start3A_203 = arith.constant 0 : i32
        %dma_start3A_204 = tpu.memref_slice %arg7[%mul3A_184, %dma_start3A_203] : memref<160000x8xf32, #tpu.memory_space<hbm>> -> memref<32x8xf32, #tpu.memory_space<hbm>>
        %dma_start3A_205 = arith.constant 0 : i32
        %dma_start3A_206 = tpu.memref_slice %arg7[%mul3A_184, %dma_start3A_205] : memref<160000x8xf32, #tpu.memory_space<hbm>> -> memref<32x8xf32, #tpu.memory_space<hbm>>
        tpu.enqueue_dma source(%dma_start3A_206 : memref<32x8xf32, #tpu.memory_space<hbm>>) target(%arg28 : memref<32x8xf32, #tpu.memory_space<vmem>>) target_semaphore(%arg40 : memref<!tpu.dma_semaphore, #tpu.memory_space<semaphore_mem>>)
      } else {
      }
      %sub3A_96 = arith.constant 2 : i32
      %sub3A_97 = arith.subi %mul3A_82, %sub3A_96 : i32
      %mul3A_98 = arith.constant 32 : i32
      %mul3A_99 = arith.muli %mul3A_98, %sub3A_97 : i32
      %add3A_100 = arith.addi %add3A, %mul3A_99 : i32
      %ge3A_101 = arith.constant 0 : i32
      %ge3A_102 = arith.cmpi sge, %add3A_100, %ge3A_101 : i32
      %lt3A_103 = arith.constant 5000 : i32
      %lt3A_104 = arith.cmpi slt, %add3A_100, %lt3A_103 : i32
      %and3A_105 = arith.andi %ge3A_102, %lt3A_104 : i1
      %convert_element_type3A_106 = arith.extui %and3A_105 : i1 to i32
      %cond3A_107 = arith.constant 0 : i32
      %cond3A_108 = arith.cmpi ne, %convert_element_type3A_106, %cond3A_107 : i32
      scf.if %cond3A_108 {
        %mul3A_183 = arith.constant 32 : i32
        %mul3A_184 = arith.muli %add3A_100, %mul3A_183 : i32
        %dma_wait3A = arith.constant 0 : i32
        %dma_wait3A_185 = tpu.memref_slice %arg9[%mul3A_184, %dma_wait3A] : memref<160000x128xf32, #tpu.memory_space<hbm>> -> memref<32x128xf32, #tpu.memory_space<hbm>>
        %dma_wait3A_186 = arith.constant 0 : i32
        %dma_wait3A_187 = tpu.memref_slice %arg9[%mul3A_184, %dma_wait3A_186] : memref<160000x128xf32, #tpu.memory_space<hbm>> -> memref<32x128xf32, #tpu.memory_space<hbm>>
        tpu.wait_dma2 semaphore(%arg41 : memref<!tpu.dma_semaphore, #tpu.memory_space<semaphore_mem>>) src(%arg29 : memref<32x128xf32, #tpu.memory_space<vmem>>) dst(%dma_wait3A_187 : memref<32x128xf32, #tpu.memory_space<hbm>>)
      } else {
      }
      %mul3A_109 = arith.constant 32 : i32
      %mul3A_110 = arith.muli %mul3A_109, %mul3A_82 : i32
      %add3A_111 = arith.addi %add3A, %mul3A_110 : i32
      %ge3A_112 = arith.constant 0 : i32
      %ge3A_113 = arith.cmpi sge, %add3A_111, %ge3A_112 : i32
      %lt3A_114 = arith.constant 5000 : i32
      %lt3A_115 = arith.cmpi slt, %add3A_111, %lt3A_114 : i32
      %and3A_116 = arith.andi %ge3A_113, %lt3A_115 : i1
      %convert_element_type3A_117 = arith.extui %and3A_116 : i1 to i32
      %cond3A_118 = arith.constant 0 : i32
      %cond3A_119 = arith.cmpi ne, %convert_element_type3A_117, %cond3A_118 : i32
      scf.if %cond3A_119 {
        %mul3A_183 = arith.constant 32 : i32
        %mul3A_184 = arith.muli %add3A_111, %mul3A_183 : i32
        %dma_wait3A = arith.constant 0 : i32
        %dma_wait3A_185 = arith.constant 0 : i32
        %dma_wait3A_186 = tpu.memref_slice %arg2[%dma_wait3A, %dma_wait3A_185] : memref<10000x128xf32, #tpu.memory_space<hbm>> -> memref<32x128xf32, #tpu.memory_space<hbm>>
        %dma_wait3A_187 = arith.constant 0 : i32
        %dma_wait3A_188 = arith.constant 0 : i32
        %dma_wait3A_189 = tpu.memref_slice %arg2[%dma_wait3A_187, %dma_wait3A_188] : memref<10000x128xf32, #tpu.memory_space<hbm>> -> memref<32x128xf32, #tpu.memory_space<hbm>>
        tpu.wait_dma2 semaphore(%arg39 : memref<!tpu.dma_semaphore, #tpu.memory_space<semaphore_mem>>) src(%dma_wait3A_189 : memref<32x128xf32, #tpu.memory_space<hbm>>) dst(%arg17 : memref<32x128xf32, #tpu.memory_space<vmem>>)
        %dma_wait3A_190 = arith.constant 0 : i32
        %dma_wait3A_191 = arith.constant 0 : i32
        %dma_wait3A_192 = tpu.memref_slice %arg2[%dma_wait3A_190, %dma_wait3A_191] : memref<10000x128xf32, #tpu.memory_space<hbm>> -> memref<32x128xf32, #tpu.memory_space<hbm>>
        %dma_wait3A_193 = arith.constant 0 : i32
        %dma_wait3A_194 = arith.constant 0 : i32
        %dma_wait3A_195 = tpu.memref_slice %arg2[%dma_wait3A_193, %dma_wait3A_194] : memref<10000x128xf32, #tpu.memory_space<hbm>> -> memref<32x128xf32, #tpu.memory_space<hbm>>
        tpu.wait_dma2 semaphore(%arg39 : memref<!tpu.dma_semaphore, #tpu.memory_space<semaphore_mem>>) src(%dma_wait3A_195 : memref<32x128xf32, #tpu.memory_space<hbm>>) dst(%arg18 : memref<32x128xf32, #tpu.memory_space<vmem>>)
        %dma_wait3A_196 = arith.constant 0 : i32
        %dma_wait3A_197 = arith.constant 0 : i32
        %dma_wait3A_198 = tpu.memref_slice %arg6[%dma_wait3A_196, %dma_wait3A_197] : memref<10000x8xf32, #tpu.memory_space<hbm>> -> memref<32x8xf32, #tpu.memory_space<hbm>>
        %dma_wait3A_199 = arith.constant 0 : i32
        %dma_wait3A_200 = arith.constant 0 : i32
        %dma_wait3A_201 = tpu.memref_slice %arg6[%dma_wait3A_199, %dma_wait3A_200] : memref<10000x8xf32, #tpu.memory_space<hbm>> -> memref<32x8xf32, #tpu.memory_space<hbm>>
        tpu.wait_dma2 semaphore(%arg39 : memref<!tpu.dma_semaphore, #tpu.memory_space<semaphore_mem>>) src(%dma_wait3A_201 : memref<32x8xf32, #tpu.memory_space<hbm>>) dst(%arg23 : memref<32x8xf32, #tpu.memory_space<vmem>>)
        %dma_wait3A_202 = arith.constant 0 : i32
        %dma_wait3A_203 = arith.constant 0 : i32
        %dma_wait3A_204 = tpu.memref_slice %arg6[%dma_wait3A_202, %dma_wait3A_203] : memref<10000x8xf32, #tpu.memory_space<hbm>> -> memref<32x8xf32, #tpu.memory_space<hbm>>
        %dma_wait3A_205 = arith.constant 0 : i32
        %dma_wait3A_206 = arith.constant 0 : i32
        %dma_wait3A_207 = tpu.memref_slice %arg6[%dma_wait3A_205, %dma_wait3A_206] : memref<10000x8xf32, #tpu.memory_space<hbm>> -> memref<32x8xf32, #tpu.memory_space<hbm>>
        tpu.wait_dma2 semaphore(%arg39 : memref<!tpu.dma_semaphore, #tpu.memory_space<semaphore_mem>>) src(%dma_wait3A_207 : memref<32x8xf32, #tpu.memory_space<hbm>>) dst(%arg24 : memref<32x8xf32, #tpu.memory_space<vmem>>)
        %dma_wait3A_208 = arith.constant 0 : i32
        %dma_wait3A_209 = tpu.memref_slice %arg3[%mul3A_184, %dma_wait3A_208] : memref<160000x128xf32, #tpu.memory_space<hbm>> -> memref<32x128xf32, #tpu.memory_space<hbm>>
        %dma_wait3A_210 = arith.constant 0 : i32
        %dma_wait3A_211 = tpu.memref_slice %arg3[%mul3A_184, %dma_wait3A_210] : memref<160000x128xf32, #tpu.memory_space<hbm>> -> memref<32x128xf32, #tpu.memory_space<hbm>>
        tpu.wait_dma2 semaphore(%arg39 : memref<!tpu.dma_semaphore, #tpu.memory_space<semaphore_mem>>) src(%dma_wait3A_211 : memref<32x128xf32, #tpu.memory_space<hbm>>) dst(%arg19 : memref<32x128xf32, #tpu.memory_space<vmem>>)
        %dma_wait3A_212 = arith.constant 0 : i32
        %dma_wait3A_213 = tpu.memref_slice %arg7[%mul3A_184, %dma_wait3A_212] : memref<160000x8xf32, #tpu.memory_space<hbm>> -> memref<32x8xf32, #tpu.memory_space<hbm>>
        %dma_wait3A_214 = arith.constant 0 : i32
        %dma_wait3A_215 = tpu.memref_slice %arg7[%mul3A_184, %dma_wait3A_214] : memref<160000x8xf32, #tpu.memory_space<hbm>> -> memref<32x8xf32, #tpu.memory_space<hbm>>
        tpu.wait_dma2 semaphore(%arg39 : memref<!tpu.dma_semaphore, #tpu.memory_space<semaphore_mem>>) src(%dma_wait3A_215 : memref<32x8xf32, #tpu.memory_space<hbm>>) dst(%arg25 : memref<32x8xf32, #tpu.memory_space<vmem>>)
        %scan3A_216 = arith.constant 0 : i32
        %scan3A_217 = arith.constant 2 : i32
        %scan3A_218 = arith.addi %scan3A_216, %scan3A_217 : i32
        %scan3A_219 = arith.constant 1 : i32
        scf.for %scan3A_229 = %scan3A_216 to %scan3A_218 step %scan3A_219  : i32 {
          %mul3A_230 = arith.constant 1 : i32
          %mul3A_231 = arith.muli %scan3A_229, %mul3A_230 : i32
          %add3A_232 = arith.constant 0 : i32
          %add3A_233 = arith.addi %add3A_232, %mul3A_231 : i32
          %mul3A_234 = arith.constant 16 : i32
          %mul3A_235 = arith.muli %add3A_233, %mul3A_234 : i32
          %iota3A = tpu.iota {dimensions = array<i32: 0>} : vector<16xi32>
          %mul3A_236 = arith.constant 16 : i32
          %mul3A_237 = arith.muli %add3A_233, %mul3A_236 : i32
          %add3A_238 = vector.broadcast %mul3A_237 : i32 to vector<16xi32>
          %add3A_239 = arith.addi %iota3A, %add3A_238 : vector<16xi32>
          %broadcast_in_dim3A = arith.constant 0 : i32
          %broadcast_in_dim3A_240 = vector.broadcast %broadcast_in_dim3A : i32 to vector<16xi32>
          %get3A = arith.index_cast %mul3A_235 : i32 to index
          %get3A_241 = tpu.vector_load %arg11[%get3A] {strides = array<i32>} : memref<32xi32, #tpu.memory_space<vmem>>, vector<16xi32>,
          %swap3A = arith.index_cast %mul3A_235 : i32 to index
          %swap3A_242 = tpu.vector_load %arg15[%swap3A] {strides = array<i32>} : memref<32xi32, #tpu.memory_space<vmem>>, vector<16xi32>,
          tpu.vector_store %arg15[%swap3A], %get3A_241 {strides = array<i32>} : memref<32xi32, #tpu.memory_space<vmem>>, vector<16xi32>,
          %gather3A = tpu.vector_load_idx %arg23[%add3A_239, %broadcast_in_dim3A_240] : memref<32x8xf32, #tpu.memory_space<vmem>>[vector<16xi32>, vector<16xi32>], vector<16xf32>,
          %gather3A_243 = tpu.vector_load_idx %arg25[%add3A_239, %broadcast_in_dim3A_240] : memref<32x8xf32, #tpu.memory_space<vmem>>[vector<16xi32>, vector<16xi32>], vector<16xf32>,
          %add3A_244 = arith.addf %gather3A, %gather3A_243 : vector<16xf32>
          %add3A_245 = arith.constant 1 : i32
          %add3A_246 = vector.broadcast %add3A_245 : i32 to vector<16xi32>
          %add3A_247 = arith.addi %broadcast_in_dim3A_240, %add3A_246 : vector<16xi32>
          %gather3A_248 = tpu.vector_load_idx %arg24[%add3A_239, %add3A_247] : memref<32x8xf32, #tpu.memory_space<vmem>>[vector<16xi32>, vector<16xi32>], vector<16xf32>,
          %add3A_249 = arith.constant 1 : i32
          %add3A_250 = vector.broadcast %add3A_249 : i32 to vector<16xi32>
          %add3A_251 = arith.addi %broadcast_in_dim3A_240, %add3A_250 : vector<16xi32>
          %gather3A_252 = tpu.vector_load_idx %arg25[%add3A_239, %add3A_251] : memref<32x8xf32, #tpu.memory_space<vmem>>[vector<16xi32>, vector<16xi32>], vector<16xf32>,
          %add3A_253 = arith.addf %gather3A_248, %gather3A_252 : vector<16xf32>
          %add3A_254 = arith.constant 2 : i32
          %add3A_255 = vector.broadcast %add3A_254 : i32 to vector<16xi32>
          %add3A_256 = arith.addi %broadcast_in_dim3A_240, %add3A_255 : vector<16xi32>
          %gather3A_257 = tpu.vector_load_idx %arg23[%add3A_239, %add3A_256] : memref<32x8xf32, #tpu.memory_space<vmem>>[vector<16xi32>, vector<16xi32>], vector<16xf32>,
          %add3A_258 = arith.constant 2 : i32
          %add3A_259 = vector.broadcast %add3A_258 : i32 to vector<16xi32>
          %add3A_260 = arith.addi %broadcast_in_dim3A_240, %add3A_259 : vector<16xi32>
          %gather3A_261 = tpu.vector_load_idx %arg25[%add3A_239, %add3A_260] : memref<32x8xf32, #tpu.memory_space<vmem>>[vector<16xi32>, vector<16xi32>], vector<16xf32>,
          %add3A_262 = arith.addf %gather3A_257, %gather3A_261 : vector<16xf32>
          %add3A_263 = arith.constant 3 : i32
          %add3A_264 = vector.broadcast %add3A_263 : i32 to vector<16xi32>
          %add3A_265 = arith.addi %broadcast_in_dim3A_240, %add3A_264 : vector<16xi32>
          %gather3A_266 = tpu.vector_load_idx %arg24[%add3A_239, %add3A_265] : memref<32x8xf32, #tpu.memory_space<vmem>>[vector<16xi32>, vector<16xi32>], vector<16xf32>,
          %add3A_267 = arith.constant 3 : i32
          %add3A_268 = vector.broadcast %add3A_267 : i32 to vector<16xi32>
          %add3A_269 = arith.addi %broadcast_in_dim3A_240, %add3A_268 : vector<16xi32>
          %gather3A_270 = tpu.vector_load_idx %arg25[%add3A_239, %add3A_269] : memref<32x8xf32, #tpu.memory_space<vmem>>[vector<16xi32>, vector<16xi32>], vector<16xf32>,
          %add3A_271 = arith.addf %gather3A_266, %gather3A_270 : vector<16xf32>
          %neg3A = arith.constant 0.000000e+00 : f32
          %neg3A_272 = vector.broadcast %neg3A : f32 to vector<16xf32>
          %neg3A_273 = arith.subf %neg3A_272, %add3A_244 : vector<16xf32>
          %exp3A = math.exp %neg3A_273 : vector<16xf32>
          %add3A_274 = arith.constant 1.000000e+00 : f32
          %add3A_275 = vector.broadcast %add3A_274 : f32 to vector<16xf32>
          %add3A_276 = arith.addf %add3A_275, %exp3A : vector<16xf32>
          %div3A_277 = arith.constant 1.000000e+00 : f32
          %div3A_278 = vector.broadcast %div3A_277 : f32 to vector<16xf32>
          %div3A_279 = arith.divf %div3A_278, %add3A_276 : vector<16xf32>
          %neg3A_280 = arith.constant 0.000000e+00 : f32
          %neg3A_281 = vector.broadcast %neg3A_280 : f32 to vector<16xf32>
          %neg3A_282 = arith.subf %neg3A_281, %add3A_253 : vector<16xf32>
          %exp3A_283 = math.exp %neg3A_282 : vector<16xf32>
          %add3A_284 = arith.constant 1.000000e+00 : f32
          %add3A_285 = vector.broadcast %add3A_284 : f32 to vector<16xf32>
          %add3A_286 = arith.addf %add3A_285, %exp3A_283 : vector<16xf32>
          %div3A_287 = arith.constant 1.000000e+00 : f32
          %div3A_288 = vector.broadcast %div3A_287 : f32 to vector<16xf32>
          %div3A_289 = arith.divf %div3A_288, %add3A_286 : vector<16xf32>
          %add3A_290 = arith.addf %div3A_279, %div3A_289 : vector<16xf32>
          %swap3A_291 = arith.index_cast %mul3A_235 : i32 to index
          %swap3A_292 = tpu.vector_load %arg33[%swap3A_291] {strides = array<i32>} : memref<32xf32, #tpu.memory_space<vmem>>, vector<16xf32>,
          tpu.vector_store %arg33[%swap3A_291], %add3A_290 {strides = array<i32>} : memref<32xf32, #tpu.memory_space<vmem>>, vector<16xf32>,
          %neg3A_293 = arith.constant 0.000000e+00 : f32
          %neg3A_294 = vector.broadcast %neg3A_293 : f32 to vector<16xf32>
          %neg3A_295 = arith.subf %neg3A_294, %add3A_262 : vector<16xf32>
          %exp3A_296 = math.exp %neg3A_295 : vector<16xf32>
          %add3A_297 = arith.constant 1.000000e+00 : f32
          %add3A_298 = vector.broadcast %add3A_297 : f32 to vector<16xf32>
          %add3A_299 = arith.addf %add3A_298, %exp3A_296 : vector<16xf32>
          %div3A_300 = arith.constant 1.000000e+00 : f32
          %div3A_301 = vector.broadcast %div3A_300 : f32 to vector<16xf32>
          %div3A_302 = arith.divf %div3A_301, %add3A_299 : vector<16xf32>
          %swap3A_303 = arith.index_cast %mul3A_235 : i32 to index
          %swap3A_304 = tpu.vector_load %arg34[%swap3A_303] {strides = array<i32>} : memref<32xf32, #tpu.memory_space<vmem>>, vector<16xf32>,
          tpu.vector_store %arg34[%swap3A_303], %div3A_302 {strides = array<i32>} : memref<32xf32, #tpu.memory_space<vmem>>, vector<16xf32>,
          %neg3A_305 = arith.constant 0.000000e+00 : f32
          %neg3A_306 = vector.broadcast %neg3A_305 : f32 to vector<16xf32>
          %neg3A_307 = arith.subf %neg3A_306, %add3A_271 : vector<16xf32>
          %exp3A_308 = math.exp %neg3A_307 : vector<16xf32>
          %add3A_309 = arith.constant 1.000000e+00 : f32
          %add3A_310 = vector.broadcast %add3A_309 : f32 to vector<16xf32>
          %add3A_311 = arith.addf %add3A_310, %exp3A_308 : vector<16xf32>
          %div3A_312 = arith.constant 1.000000e+00 : f32
          %div3A_313 = vector.broadcast %div3A_312 : f32 to vector<16xf32>
          %div3A_314 = arith.divf %div3A_313, %add3A_311 : vector<16xf32>
          %swap3A_315 = arith.index_cast %mul3A_235 : i32 to index
          %swap3A_316 = tpu.vector_load %arg35[%swap3A_315] {strides = array<i32>} : memref<32xf32, #tpu.memory_space<vmem>>, vector<16xf32>,
          tpu.vector_store %arg35[%swap3A_315], %div3A_314 {strides = array<i32>} : memref<32xf32, #tpu.memory_space<vmem>>, vector<16xf32>,
        }
        %scan3A_220 = arith.constant 2 : i32
        %scan3A_221 = arith.constant 0 : i32
        %scan3A_222 = arith.constant 32 : i32
        %scan3A_223 = arith.addi %scan3A_221, %scan3A_222 : i32
        %scan3A_224 = arith.constant 1 : i32
        scf.for %scan3A_229 = %scan3A_221 to %scan3A_223 step %scan3A_224  : i32 {
          %mul3A_230 = arith.constant 1 : i32
          %mul3A_231 = arith.muli %scan3A_229, %mul3A_230 : i32
          %add3A_232 = arith.constant 0 : i32
          %add3A_233 = arith.addi %add3A_232, %mul3A_231 : i32
          %broadcast_in_dim3A = arith.constant 0 : i32
          %broadcast_in_dim3A_234 = vector.broadcast %broadcast_in_dim3A : i32 to vector<16xi32>
          %add3A_235 = vector.broadcast %add3A_233 : i32 to vector<16xi32>
          %add3A_236 = arith.addi %broadcast_in_dim3A_234, %add3A_235 : vector<16xi32>
          %gather3A = tpu.vector_load_idx %arg33[%add3A_236] : memref<32xf32, #tpu.memory_space<vmem>>[vector<16xi32>], vector<16xf32>,
          %gather3A_237 = tpu.vector_load_idx %arg34[%add3A_236] : memref<32xf32, #tpu.memory_space<vmem>>[vector<16xi32>], vector<16xf32>,
          %gather3A_238 = tpu.vector_load_idx %arg35[%add3A_236] : memref<32xf32, #tpu.memory_space<vmem>>[vector<16xi32>], vector<16xf32>,
          %get3A = arith.index_cast %add3A_233 : i32 to index
          %get3A_239 = arith.constant 0 : index
          %get3A_240 = tpu.vector_load %arg19[%get3A, %get3A_239] {strides = array<i32>} : memref<32x128xf32, #tpu.memory_space<vmem>>, vector<16xf32>,
          %mul3A_241 = arith.mulf %gather3A, %get3A_240 : vector<16xf32>
          %swap3A = arith.index_cast %add3A_233 : i32 to index
          %swap3A_242 = arith.constant 0 : index
          %swap3A_243 = tpu.vector_load %arg30[%swap3A, %swap3A_242] {strides = array<i32>} : memref<32x128xf32, #tpu.memory_space<vmem>>, vector<16xf32>,
          tpu.vector_store %arg30[%swap3A, %swap3A_242], %mul3A_241 {strides = array<i32>} : memref<32x128xf32, #tpu.memory_space<vmem>>, vector<16xf32>,
          %get3A_244 = arith.index_cast %add3A_233 : i32 to index
          %get3A_245 = arith.constant 0 : index
          %get3A_246 = tpu.vector_load %arg17[%get3A_244, %get3A_245] {strides = array<i32>} : memref<32x128xf32, #tpu.memory_space<vmem>>, vector<16xf32>,
          %mul3A_247 = arith.mulf %gather3A_237, %get3A_246 : vector<16xf32>
          %get3A_248 = arith.index_cast %add3A_233 : i32 to index
          %get3A_249 = arith.constant 0 : index
          %get3A_250 = tpu.vector_load %arg18[%get3A_248, %get3A_249] {strides = array<i32>} : memref<32x128xf32, #tpu.memory_space<vmem>>, vector<16xf32>,
          %mul3A_251 = arith.mulf %gather3A_238, %get3A_250 : vector<16xf32>
          %add3A_252 = arith.addf %mul3A_247, %mul3A_251 : vector<16xf32>
          %swap3A_253 = arith.index_cast %add3A_233 : i32 to index
          %swap3A_254 = arith.constant 0 : index
          %swap3A_255 = tpu.vector_load %arg29[%swap3A_253, %swap3A_254] {strides = array<i32>} : memref<32x128xf32, #tpu.memory_space<vmem>>, vector<16xf32>,
          tpu.vector_store %arg29[%swap3A_253, %swap3A_254], %add3A_252 {strides = array<i32>} : memref<32x128xf32, #tpu.memory_space<vmem>>, vector<16xf32>,
          %get3A_256 = arith.index_cast %add3A_233 : i32 to index
          %get3A_257 = arith.constant 16 : index
          %get3A_258 = tpu.vector_load %arg19[%get3A_256, %get3A_257] {strides = array<i32>} : memref<32x128xf32, #tpu.memory_space<vmem>>, vector<16xf32>,
          %mul3A_259 = arith.mulf %gather3A, %get3A_258 : vector<16xf32>
          %swap3A_260 = arith.index_cast %add3A_233 : i32 to index
          %swap3A_261 = arith.constant 16 : index
          %swap3A_262 = tpu.vector_load %arg30[%swap3A_260, %swap3A_261] {strides = array<i32>} : memref<32x128xf32, #tpu.memory_space<vmem>>, vector<16xf32>,
          tpu.vector_store %arg30[%swap3A_260, %swap3A_261], %mul3A_259 {strides = array<i32>} : memref<32x128xf32, #tpu.memory_space<vmem>>, vector<16xf32>,
          %get3A_263 = arith.index_cast %add3A_233 : i32 to index
          %get3A_264 = arith.constant 16 : index
          %get3A_265 = tpu.vector_load %arg17[%get3A_263, %get3A_264] {strides = array<i32>} : memref<32x128xf32, #tpu.memory_space<vmem>>, vector<16xf32>,
          %mul3A_266 = arith.mulf %gather3A_237, %get3A_265 : vector<16xf32>
          %get3A_267 = arith.index_cast %add3A_233 : i32 to index
          %get3A_268 = arith.constant 16 : index
          %get3A_269 = tpu.vector_load %arg18[%get3A_267, %get3A_268] {strides = array<i32>} : memref<32x128xf32, #tpu.memory_space<vmem>>, vector<16xf32>,
          %mul3A_270 = arith.mulf %gather3A_238, %get3A_269 : vector<16xf32>
          %add3A_271 = arith.addf %mul3A_266, %mul3A_270 : vector<16xf32>
          %swap3A_272 = arith.index_cast %add3A_233 : i32 to index
          %swap3A_273 = arith.constant 16 : index
          %swap3A_274 = tpu.vector_load %arg29[%swap3A_272, %swap3A_273] {strides = array<i32>} : memref<32x128xf32, #tpu.memory_space<vmem>>, vector<16xf32>,
          tpu.vector_store %arg29[%swap3A_272, %swap3A_273], %add3A_271 {strides = array<i32>} : memref<32x128xf32, #tpu.memory_space<vmem>>, vector<16xf32>,
          %get3A_275 = arith.index_cast %add3A_233 : i32 to index
          %get3A_276 = arith.constant 32 : index
          %get3A_277 = tpu.vector_load %arg19[%get3A_275, %get3A_276] {strides = array<i32>} : memref<32x128xf32, #tpu.memory_space<vmem>>, vector<16xf32>,
          %mul3A_278 = arith.mulf %gather3A, %get3A_277 : vector<16xf32>
          %swap3A_279 = arith.index_cast %add3A_233 : i32 to index
          %swap3A_280 = arith.constant 32 : index
          %swap3A_281 = tpu.vector_load %arg30[%swap3A_279, %swap3A_280] {strides = array<i32>} : memref<32x128xf32, #tpu.memory_space<vmem>>, vector<16xf32>,
          tpu.vector_store %arg30[%swap3A_279, %swap3A_280], %mul3A_278 {strides = array<i32>} : memref<32x128xf32, #tpu.memory_space<vmem>>, vector<16xf32>,
          %get3A_282 = arith.index_cast %add3A_233 : i32 to index
          %get3A_283 = arith.constant 32 : index
          %get3A_284 = tpu.vector_load %arg17[%get3A_282, %get3A_283] {strides = array<i32>} : memref<32x128xf32, #tpu.memory_space<vmem>>, vector<16xf32>,
          %mul3A_285 = arith.mulf %gather3A_237, %get3A_284 : vector<16xf32>
          %get3A_286 = arith.index_cast %add3A_233 : i32 to index
          %get3A_287 = arith.constant 32 : index
          %get3A_288 = tpu.vector_load %arg18[%get3A_286, %get3A_287] {strides = array<i32>} : memref<32x128xf32, #tpu.memory_space<vmem>>, vector<16xf32>,
          %mul3A_289 = arith.mulf %gather3A_238, %get3A_288 : vector<16xf32>
          %add3A_290 = arith.addf %mul3A_285, %mul3A_289 : vector<16xf32>
          %swap3A_291 = arith.index_cast %add3A_233 : i32 to index
          %swap3A_292 = arith.constant 32 : index
          %swap3A_293 = tpu.vector_load %arg29[%swap3A_291, %swap3A_292] {strides = array<i32>} : memref<32x128xf32, #tpu.memory_space<vmem>>, vector<16xf32>,
          tpu.vector_store %arg29[%swap3A_291, %swap3A_292], %add3A_290 {strides = array<i32>} : memref<32x128xf32, #tpu.memory_space<vmem>>, vector<16xf32>,
          %get3A_294 = arith.index_cast %add3A_233 : i32 to index
          %get3A_295 = arith.constant 48 : index
          %get3A_296 = tpu.vector_load %arg19[%get3A_294, %get3A_295] {strides = array<i32>} : memref<32x128xf32, #tpu.memory_space<vmem>>, vector<16xf32>,
          %mul3A_297 = arith.mulf %gather3A, %get3A_296 : vector<16xf32>
          %swap3A_298 = arith.index_cast %add3A_233 : i32 to index
          %swap3A_299 = arith.constant 48 : index
          %swap3A_300 = tpu.vector_load %arg30[%swap3A_298, %swap3A_299] {strides = array<i32>} : memref<32x128xf32, #tpu.memory_space<vmem>>, vector<16xf32>,
          tpu.vector_store %arg30[%swap3A_298, %swap3A_299], %mul3A_297 {strides = array<i32>} : memref<32x128xf32, #tpu.memory_space<vmem>>, vector<16xf32>,
          %get3A_301 = arith.index_cast %add3A_233 : i32 to index
          %get3A_302 = arith.constant 48 : index
          %get3A_303 = tpu.vector_load %arg17[%get3A_301, %get3A_302] {strides = array<i32>} : memref<32x128xf32, #tpu.memory_space<vmem>>, vector<16xf32>,
          %mul3A_304 = arith.mulf %gather3A_237, %get3A_303 : vector<16xf32>
          %get3A_305 = arith.index_cast %add3A_233 : i32 to index
          %get3A_306 = arith.constant 48 : index
          %get3A_307 = tpu.vector_load %arg18[%get3A_305, %get3A_306] {strides = array<i32>} : memref<32x128xf32, #tpu.memory_space<vmem>>, vector<16xf32>,
          %mul3A_308 = arith.mulf %gather3A_238, %get3A_307 : vector<16xf32>
          %add3A_309 = arith.addf %mul3A_304, %mul3A_308 : vector<16xf32>
          %swap3A_310 = arith.index_cast %add3A_233 : i32 to index
          %swap3A_311 = arith.constant 48 : index
          %swap3A_312 = tpu.vector_load %arg29[%swap3A_310, %swap3A_311] {strides = array<i32>} : memref<32x128xf32, #tpu.memory_space<vmem>>, vector<16xf32>,
          tpu.vector_store %arg29[%swap3A_310, %swap3A_311], %add3A_309 {strides = array<i32>} : memref<32x128xf32, #tpu.memory_space<vmem>>, vector<16xf32>,
          %get3A_313 = arith.index_cast %add3A_233 : i32 to index
          %get3A_314 = arith.constant 64 : index
          %get3A_315 = tpu.vector_load %arg19[%get3A_313, %get3A_314] {strides = array<i32>} : memref<32x128xf32, #tpu.memory_space<vmem>>, vector<16xf32>,
          %mul3A_316 = arith.mulf %gather3A, %get3A_315 : vector<16xf32>
          %swap3A_317 = arith.index_cast %add3A_233 : i32 to index
          %swap3A_318 = arith.constant 64 : index
          %swap3A_319 = tpu.vector_load %arg30[%swap3A_317, %swap3A_318] {strides = array<i32>} : memref<32x128xf32, #tpu.memory_space<vmem>>, vector<16xf32>,
          tpu.vector_store %arg30[%swap3A_317, %swap3A_318], %mul3A_316 {strides = array<i32>} : memref<32x128xf32, #tpu.memory_space<vmem>>, vector<16xf32>,
          %get3A_320 = arith.index_cast %add3A_233 : i32 to index
          %get3A_321 = arith.constant 64 : index
          %get3A_322 = tpu.vector_load %arg17[%get3A_320, %get3A_321] {strides = array<i32>} : memref<32x128xf32, #tpu.memory_space<vmem>>, vector<16xf32>,
          %mul3A_323 = arith.mulf %gather3A_237, %get3A_322 : vector<16xf32>
          %get3A_324 = arith.index_cast %add3A_233 : i32 to index
          %get3A_325 = arith.constant 64 : index
          %get3A_326 = tpu.vector_load %arg18[%get3A_324, %get3A_325] {strides = array<i32>} : memref<32x128xf32, #tpu.memory_space<vmem>>, vector<16xf32>,
          %mul3A_327 = arith.mulf %gather3A_238, %get3A_326 : vector<16xf32>
          %add3A_328 = arith.addf %mul3A_323, %mul3A_327 : vector<16xf32>
          %swap3A_329 = arith.index_cast %add3A_233 : i32 to index
          %swap3A_330 = arith.constant 64 : index
          %swap3A_331 = tpu.vector_load %arg29[%swap3A_329, %swap3A_330] {strides = array<i32>} : memref<32x128xf32, #tpu.memory_space<vmem>>, vector<16xf32>,
          tpu.vector_store %arg29[%swap3A_329, %swap3A_330], %add3A_328 {strides = array<i32>} : memref<32x128xf32, #tpu.memory_space<vmem>>, vector<16xf32>,
          %get3A_332 = arith.index_cast %add3A_233 : i32 to index
          %get3A_333 = arith.constant 80 : index
          %get3A_334 = tpu.vector_load %arg19[%get3A_332, %get3A_333] {strides = array<i32>} : memref<32x128xf32, #tpu.memory_space<vmem>>, vector<16xf32>,
          %mul3A_335 = arith.mulf %gather3A, %get3A_334 : vector<16xf32>
          %swap3A_336 = arith.index_cast %add3A_233 : i32 to index
          %swap3A_337 = arith.constant 80 : index
          %swap3A_338 = tpu.vector_load %arg30[%swap3A_336, %swap3A_337] {strides = array<i32>} : memref<32x128xf32, #tpu.memory_space<vmem>>, vector<16xf32>,
          tpu.vector_store %arg30[%swap3A_336, %swap3A_337], %mul3A_335 {strides = array<i32>} : memref<32x128xf32, #tpu.memory_space<vmem>>, vector<16xf32>,
          %get3A_339 = arith.index_cast %add3A_233 : i32 to index
          %get3A_340 = arith.constant 80 : index
          %get3A_341 = tpu.vector_load %arg17[%get3A_339, %get3A_340] {strides = array<i32>} : memref<32x128xf32, #tpu.memory_space<vmem>>, vector<16xf32>,
          %mul3A_342 = arith.mulf %gather3A_237, %get3A_341 : vector<16xf32>
          %get3A_343 = arith.index_cast %add3A_233 : i32 to index
          %get3A_344 = arith.constant 80 : index
          %get3A_345 = tpu.vector_load %arg18[%get3A_343, %get3A_344] {strides = array<i32>} : memref<32x128xf32, #tpu.memory_space<vmem>>, vector<16xf32>,
          %mul3A_346 = arith.mulf %gather3A_238, %get3A_345 : vector<16xf32>
          %add3A_347 = arith.addf %mul3A_342, %mul3A_346 : vector<16xf32>
          %swap3A_348 = arith.index_cast %add3A_233 : i32 to index
          %swap3A_349 = arith.constant 80 : index
          %swap3A_350 = tpu.vector_load %arg29[%swap3A_348, %swap3A_349] {strides = array<i32>} : memref<32x128xf32, #tpu.memory_space<vmem>>, vector<16xf32>,
          tpu.vector_store %arg29[%swap3A_348, %swap3A_349], %add3A_347 {strides = array<i32>} : memref<32x128xf32, #tpu.memory_space<vmem>>, vector<16xf32>,
          %get3A_351 = arith.index_cast %add3A_233 : i32 to index
          %get3A_352 = arith.constant 96 : index
          %get3A_353 = tpu.vector_load %arg19[%get3A_351, %get3A_352] {strides = array<i32>} : memref<32x128xf32, #tpu.memory_space<vmem>>, vector<16xf32>,
          %mul3A_354 = arith.mulf %gather3A, %get3A_353 : vector<16xf32>
          %swap3A_355 = arith.index_cast %add3A_233 : i32 to index
          %swap3A_356 = arith.constant 96 : index
          %swap3A_357 = tpu.vector_load %arg30[%swap3A_355, %swap3A_356] {strides = array<i32>} : memref<32x128xf32, #tpu.memory_space<vmem>>, vector<16xf32>,
          tpu.vector_store %arg30[%swap3A_355, %swap3A_356], %mul3A_354 {strides = array<i32>} : memref<32x128xf32, #tpu.memory_space<vmem>>, vector<16xf32>,
          %get3A_358 = arith.index_cast %add3A_233 : i32 to index
          %get3A_359 = arith.constant 96 : index
          %get3A_360 = tpu.vector_load %arg17[%get3A_358, %get3A_359] {strides = array<i32>} : memref<32x128xf32, #tpu.memory_space<vmem>>, vector<16xf32>,
          %mul3A_361 = arith.mulf %gather3A_237, %get3A_360 : vector<16xf32>
          %get3A_362 = arith.index_cast %add3A_233 : i32 to index
          %get3A_363 = arith.constant 96 : index
          %get3A_364 = tpu.vector_load %arg18[%get3A_362, %get3A_363] {strides = array<i32>} : memref<32x128xf32, #tpu.memory_space<vmem>>, vector<16xf32>,
          %mul3A_365 = arith.mulf %gather3A_238, %get3A_364 : vector<16xf32>
          %add3A_366 = arith.addf %mul3A_361, %mul3A_365 : vector<16xf32>
          %swap3A_367 = arith.index_cast %add3A_233 : i32 to index
          %swap3A_368 = arith.constant 96 : index
          %swap3A_369 = tpu.vector_load %arg29[%swap3A_367, %swap3A_368] {strides = array<i32>} : memref<32x128xf32, #tpu.memory_space<vmem>>, vector<16xf32>,
          tpu.vector_store %arg29[%swap3A_367, %swap3A_368], %add3A_366 {strides = array<i32>} : memref<32x128xf32, #tpu.memory_space<vmem>>, vector<16xf32>,
          %get3A_370 = arith.index_cast %add3A_233 : i32 to index
          %get3A_371 = arith.constant 112 : index
          %get3A_372 = tpu.vector_load %arg19[%get3A_370, %get3A_371] {strides = array<i32>} : memref<32x128xf32, #tpu.memory_space<vmem>>, vector<16xf32>,
          %mul3A_373 = arith.mulf %gather3A, %get3A_372 : vector<16xf32>
          %swap3A_374 = arith.index_cast %add3A_233 : i32 to index
          %swap3A_375 = arith.constant 112 : index
          %swap3A_376 = tpu.vector_load %arg30[%swap3A_374, %swap3A_375] {strides = array<i32>} : memref<32x128xf32, #tpu.memory_space<vmem>>, vector<16xf32>,
          tpu.vector_store %arg30[%swap3A_374, %swap3A_375], %mul3A_373 {strides = array<i32>} : memref<32x128xf32, #tpu.memory_space<vmem>>, vector<16xf32>,
          %get3A_377 = arith.index_cast %add3A_233 : i32 to index
          %get3A_378 = arith.constant 112 : index
          %get3A_379 = tpu.vector_load %arg17[%get3A_377, %get3A_378] {strides = array<i32>} : memref<32x128xf32, #tpu.memory_space<vmem>>, vector<16xf32>,
          %mul3A_380 = arith.mulf %gather3A_237, %get3A_379 : vector<16xf32>
          %get3A_381 = arith.index_cast %add3A_233 : i32 to index
          %get3A_382 = arith.constant 112 : index
          %get3A_383 = tpu.vector_load %arg18[%get3A_381, %get3A_382] {strides = array<i32>} : memref<32x128xf32, #tpu.memory_space<vmem>>, vector<16xf32>,
          %mul3A_384 = arith.mulf %gather3A_238, %get3A_383 : vector<16xf32>
          %add3A_385 = arith.addf %mul3A_380, %mul3A_384 : vector<16xf32>
          %swap3A_386 = arith.index_cast %add3A_233 : i32 to index
          %swap3A_387 = arith.constant 112 : index
          %swap3A_388 = tpu.vector_load %arg29[%swap3A_386, %swap3A_387] {strides = array<i32>} : memref<32x128xf32, #tpu.memory_space<vmem>>, vector<16xf32>,
          tpu.vector_store %arg29[%swap3A_386, %swap3A_387], %add3A_385 {strides = array<i32>} : memref<32x128xf32, #tpu.memory_space<vmem>>, vector<16xf32>,
        }
        %scan3A_225 = arith.constant 32 : i32
        "tpu.region"() ({
          %run_scoped3A = tpu.sem_alloc : memref<!tpu.dma_semaphore, #tpu.memory_space<semaphore_mem>>
          %dma_start3A_229 = arith.constant 0 : i32
          %dma_start3A_230 = arith.constant 0 : i32
          %dma_start3A_231 = tpu.memref_slice %arg36[%dma_start3A_229, %dma_start3A_230] : memref<10000x128xf32, #tpu.memory_space<vmem_shared>> -> memref<10000x128xf32, #tpu.memory_space<vmem_shared>>
          tpu.enqueue_indirect_dma source(%arg30 : memref<32x128xf32, #tpu.memory_space<vmem>>) target(%dma_start3A_231 : memref<10000x128xf32, #tpu.memory_space<vmem_shared>>) offsets(%arg15 : memref<32xi32, #tpu.memory_space<vmem>>) semaphore(%run_scoped3A : memref<!tpu.dma_semaphore, #tpu.memory_space<semaphore_mem>>) {add = true}
          %dma_wait3A_232 = arith.constant 0 : i32
          %dma_wait3A_233 = arith.constant 0 : i32
          %dma_wait3A_234 = tpu.memref_slice %arg36[%dma_wait3A_232, %dma_wait3A_233] : memref<10000x128xf32, #tpu.memory_space<vmem_shared>> -> memref<10000x128xf32, #tpu.memory_space<vmem_shared>>
          tpu.wait_indirect_dma semaphore(%run_scoped3A : memref<!tpu.dma_semaphore, #tpu.memory_space<semaphore_mem>>) src(%arg30 : memref<32x128xf32, #tpu.memory_space<vmem>>) dst(%dma_wait3A_234 : memref<10000x128xf32, #tpu.memory_space<vmem_shared>>)
          tpu.yield
        }) : () -> ()
        %dma_start3A = arith.constant 0 : i32
        %dma_start3A_226 = tpu.memref_slice %arg9[%mul3A_184, %dma_start3A] : memref<160000x128xf32, #tpu.memory_space<hbm>> -> memref<32x128xf32, #tpu.memory_space<hbm>>
        %dma_start3A_227 = arith.constant 0 : i32
        %dma_start3A_228 = tpu.memref_slice %arg9[%mul3A_184, %dma_start3A_227] : memref<160000x128xf32, #tpu.memory_space<hbm>> -> memref<32x128xf32, #tpu.memory_space<hbm>>
        tpu.enqueue_dma source(%arg29 : memref<32x128xf32, #tpu.memory_space<vmem>>) target(%dma_start3A_228 : memref<32x128xf32, #tpu.memory_space<hbm>>) target_semaphore(%arg41 : memref<!tpu.dma_semaphore, #tpu.memory_space<semaphore_mem>>)
      } else {
      }
      %add3A_120 = arith.constant 2 : i32
      %add3A_121 = arith.addi %mul3A_82, %add3A_120 : i32
      %mul3A_122 = arith.constant 32 : i32
      %mul3A_123 = arith.muli %mul3A_122, %add3A_121 : i32
      %add3A_124 = arith.addi %add3A, %mul3A_123 : i32
      %ge3A_125 = arith.constant 0 : i32
      %ge3A_126 = arith.cmpi sge, %add3A_124, %ge3A_125 : i32
      %lt3A_127 = arith.constant 5000 : i32
      %lt3A_128 = arith.cmpi slt, %add3A_124, %lt3A_127 : i32
      %and3A_129 = arith.andi %ge3A_126, %lt3A_128 : i1
      %convert_element_type3A_130 = arith.extui %and3A_129 : i1 to i32
      %cond3A_131 = arith.constant 0 : i32
      %cond3A_132 = arith.cmpi ne, %convert_element_type3A_130, %cond3A_131 : i32
      scf.if %cond3A_132 {
        %mul3A_183 = arith.constant 32 : i32
        %mul3A_184 = arith.muli %add3A_124, %mul3A_183 : i32
        %dma_start3A = tpu.memref_slice %arg5[%mul3A_184] : memref<160000xi32, #tpu.memory_space<hbm>> -> memref<32xi32, #tpu.memory_space<hbm>>
        %dma_start3A_185 = tpu.memref_slice %arg5[%mul3A_184] : memref<160000xi32, #tpu.memory_space<hbm>> -> memref<32xi32, #tpu.memory_space<hbm>>
        tpu.enqueue_dma source(%dma_start3A_185 : memref<32xi32, #tpu.memory_space<hbm>>) target(%arg11 : memref<32xi32, #tpu.memory_space<vmem>>) target_semaphore(%arg37 : memref<!tpu.dma_semaphore, #tpu.memory_space<semaphore_mem>>)
        %dma_start3A_186 = tpu.memref_slice %arg4[%mul3A_184] : memref<160000xi32, #tpu.memory_space<hbm>> -> memref<32xi32, #tpu.memory_space<hbm>>
        %dma_start3A_187 = tpu.memref_slice %arg4[%mul3A_184] : memref<160000xi32, #tpu.memory_space<hbm>> -> memref<32xi32, #tpu.memory_space<hbm>>
        tpu.enqueue_dma source(%dma_start3A_187 : memref<32xi32, #tpu.memory_space<hbm>>) target(%arg12 : memref<32xi32, #tpu.memory_space<vmem>>) target_semaphore(%arg37 : memref<!tpu.dma_semaphore, #tpu.memory_space<semaphore_mem>>)
      } else {
      }
      %add3A_133 = arith.constant 2 : i32
      %add3A_134 = arith.addi %mul3A_82, %add3A_133 : i32
      %mul3A_135 = arith.constant 32 : i32
      %mul3A_136 = arith.muli %mul3A_135, %add3A_134 : i32
      %add3A_137 = arith.addi %add3A, %mul3A_136 : i32
      %ge3A_138 = arith.constant 0 : i32
      %ge3A_139 = arith.cmpi sge, %add3A_137, %ge3A_138 : i32
      %lt3A_140 = arith.constant 5000 : i32
      %lt3A_141 = arith.cmpi slt, %add3A_137, %lt3A_140 : i32
      %and3A_142 = arith.andi %ge3A_139, %lt3A_141 : i1
      %convert_element_type3A_143 = arith.extui %and3A_142 : i1 to i32
      %cond3A_144 = arith.constant 0 : i32
      %cond3A_145 = arith.cmpi ne, %convert_element_type3A_143, %cond3A_144 : i32
      scf.if %cond3A_145 {
        %mul3A_183 = arith.constant 32 : i32
        %mul3A_184 = arith.muli %add3A_137, %mul3A_183 : i32
        %dma_wait3A = tpu.memref_slice %arg5[%mul3A_184] : memref<160000xi32, #tpu.memory_space<hbm>> -> memref<32xi32, #tpu.memory_space<hbm>>
        %dma_wait3A_185 = tpu.memref_slice %arg5[%mul3A_184] : memref<160000xi32, #tpu.memory_space<hbm>> -> memref<32xi32, #tpu.memory_space<hbm>>
        tpu.wait_dma2 semaphore(%arg37 : memref<!tpu.dma_semaphore, #tpu.memory_space<semaphore_mem>>) src(%dma_wait3A_185 : memref<32xi32, #tpu.memory_space<hbm>>) dst(%arg11 : memref<32xi32, #tpu.memory_space<vmem>>)
        %dma_wait3A_186 = tpu.memref_slice %arg4[%mul3A_184] : memref<160000xi32, #tpu.memory_space<hbm>> -> memref<32xi32, #tpu.memory_space<hbm>>
        %dma_wait3A_187 = tpu.memref_slice %arg4[%mul3A_184] : memref<160000xi32, #tpu.memory_space<hbm>> -> memref<32xi32, #tpu.memory_space<hbm>>
        tpu.wait_dma2 semaphore(%arg37 : memref<!tpu.dma_semaphore, #tpu.memory_space<semaphore_mem>>) src(%dma_wait3A_187 : memref<32xi32, #tpu.memory_space<hbm>>) dst(%arg12 : memref<32xi32, #tpu.memory_space<vmem>>)
        %dma_start3A = arith.constant 0 : i32
        %dma_start3A_188 = arith.constant 0 : i32
        %dma_start3A_189 = tpu.memref_slice %arg2[%dma_start3A, %dma_start3A_188] : memref<10000x128xf32, #tpu.memory_space<hbm>> -> memref<10000x128xf32, #tpu.memory_space<hbm>>
        tpu.enqueue_indirect_dma source(%dma_start3A_189 : memref<10000x128xf32, #tpu.memory_space<hbm>>) target(%arg17 : memref<32x128xf32, #tpu.memory_space<vmem>>) offsets(%arg11 : memref<32xi32, #tpu.memory_space<vmem>>) semaphore(%arg39 : memref<!tpu.dma_semaphore, #tpu.memory_space<semaphore_mem>>)
        %dma_start3A_190 = arith.constant 0 : i32
        %dma_start3A_191 = arith.constant 0 : i32
        %dma_start3A_192 = tpu.memref_slice %arg2[%dma_start3A_190, %dma_start3A_191] : memref<10000x128xf32, #tpu.memory_space<hbm>> -> memref<10000x128xf32, #tpu.memory_space<hbm>>
        tpu.enqueue_indirect_dma source(%dma_start3A_192 : memref<10000x128xf32, #tpu.memory_space<hbm>>) target(%arg18 : memref<32x128xf32, #tpu.memory_space<vmem>>) offsets(%arg12 : memref<32xi32, #tpu.memory_space<vmem>>) semaphore(%arg39 : memref<!tpu.dma_semaphore, #tpu.memory_space<semaphore_mem>>)
        %dma_start3A_193 = arith.constant 0 : i32
        %dma_start3A_194 = arith.constant 0 : i32
        %dma_start3A_195 = tpu.memref_slice %arg6[%dma_start3A_193, %dma_start3A_194] : memref<10000x8xf32, #tpu.memory_space<hbm>> -> memref<10000x8xf32, #tpu.memory_space<hbm>>
        tpu.enqueue_indirect_dma source(%dma_start3A_195 : memref<10000x8xf32, #tpu.memory_space<hbm>>) target(%arg23 : memref<32x8xf32, #tpu.memory_space<vmem>>) offsets(%arg11 : memref<32xi32, #tpu.memory_space<vmem>>) semaphore(%arg39 : memref<!tpu.dma_semaphore, #tpu.memory_space<semaphore_mem>>)
        %dma_start3A_196 = arith.constant 0 : i32
        %dma_start3A_197 = arith.constant 0 : i32
        %dma_start3A_198 = tpu.memref_slice %arg6[%dma_start3A_196, %dma_start3A_197] : memref<10000x8xf32, #tpu.memory_space<hbm>> -> memref<10000x8xf32, #tpu.memory_space<hbm>>
        tpu.enqueue_indirect_dma source(%dma_start3A_198 : memref<10000x8xf32, #tpu.memory_space<hbm>>) target(%arg24 : memref<32x8xf32, #tpu.memory_space<vmem>>) offsets(%arg12 : memref<32xi32, #tpu.memory_space<vmem>>) semaphore(%arg39 : memref<!tpu.dma_semaphore, #tpu.memory_space<semaphore_mem>>)
        %dma_start3A_199 = arith.constant 0 : i32
        %dma_start3A_200 = tpu.memref_slice %arg3[%mul3A_184, %dma_start3A_199] : memref<160000x128xf32, #tpu.memory_space<hbm>> -> memref<32x128xf32, #tpu.memory_space<hbm>>
        %dma_start3A_201 = arith.constant 0 : i32
        %dma_start3A_202 = tpu.memref_slice %arg3[%mul3A_184, %dma_start3A_201] : memref<160000x128xf32, #tpu.memory_space<hbm>> -> memref<32x128xf32, #tpu.memory_space<hbm>>
        tpu.enqueue_dma source(%dma_start3A_202 : memref<32x128xf32, #tpu.memory_space<hbm>>) target(%arg19 : memref<32x128xf32, #tpu.memory_space<vmem>>) target_semaphore(%arg39 : memref<!tpu.dma_semaphore, #tpu.memory_space<semaphore_mem>>)
        %dma_start3A_203 = arith.constant 0 : i32
        %dma_start3A_204 = tpu.memref_slice %arg7[%mul3A_184, %dma_start3A_203] : memref<160000x8xf32, #tpu.memory_space<hbm>> -> memref<32x8xf32, #tpu.memory_space<hbm>>
        %dma_start3A_205 = arith.constant 0 : i32
        %dma_start3A_206 = tpu.memref_slice %arg7[%mul3A_184, %dma_start3A_205] : memref<160000x8xf32, #tpu.memory_space<hbm>> -> memref<32x8xf32, #tpu.memory_space<hbm>>
        tpu.enqueue_dma source(%dma_start3A_206 : memref<32x8xf32, #tpu.memory_space<hbm>>) target(%arg25 : memref<32x8xf32, #tpu.memory_space<vmem>>) target_semaphore(%arg39 : memref<!tpu.dma_semaphore, #tpu.memory_space<semaphore_mem>>)
      } else {
      }
      %sub3A_146 = arith.constant 2 : i32
      %sub3A_147 = arith.subi %add3A_84, %sub3A_146 : i32
      %mul3A_148 = arith.constant 32 : i32
      %mul3A_149 = arith.muli %mul3A_148, %sub3A_147 : i32
      %add3A_150 = arith.addi %add3A, %mul3A_149 : i32
      %ge3A_151 = arith.constant 0 : i32
      %ge3A_152 = arith.cmpi sge, %add3A_150, %ge3A_151 : i32
      %lt3A_153 = arith.constant 5000 : i32
      %lt3A_154 = arith.cmpi slt, %add3A_150, %lt3A_153 : i32
      %and3A_155 = arith.andi %ge3A_152, %lt3A_154 : i1
      %convert_element_type3A_156 = arith.extui %and3A_155 : i1 to i32
      %cond3A_157 = arith.constant 0 : i32
      %cond3A_158 = arith.cmpi ne, %convert_element_type3A_156, %cond3A_157 : i32
      scf.if %cond3A_158 {
        %mul3A_183 = arith.constant 32 : i32
        %mul3A_184 = arith.muli %add3A_150, %mul3A_183 : i32
        %dma_wait3A = arith.constant 0 : i32
        %dma_wait3A_185 = tpu.memref_slice %arg9[%mul3A_184, %dma_wait3A] : memref<160000x128xf32, #tpu.memory_space<hbm>> -> memref<32x128xf32, #tpu.memory_space<hbm>>
        %dma_wait3A_186 = arith.constant 0 : i32
        %dma_wait3A_187 = tpu.memref_slice %arg9[%mul3A_184, %dma_wait3A_186] : memref<160000x128xf32, #tpu.memory_space<hbm>> -> memref<32x128xf32, #tpu.memory_space<hbm>>
        tpu.wait_dma2 semaphore(%arg42 : memref<!tpu.dma_semaphore, #tpu.memory_space<semaphore_mem>>) src(%arg31 : memref<32x128xf32, #tpu.memory_space<vmem>>) dst(%dma_wait3A_187 : memref<32x128xf32, #tpu.memory_space<hbm>>)
      } else {
      }
      %mul3A_159 = arith.constant 32 : i32
      %mul3A_160 = arith.muli %mul3A_159, %add3A_84 : i32
      %add3A_161 = arith.addi %add3A, %mul3A_160 : i32
      %ge3A_162 = arith.constant 0 : i32
      %ge3A_163 = arith.cmpi sge, %add3A_161, %ge3A_162 : i32
      %lt3A_164 = arith.constant 5000 : i32
      %lt3A_165 = arith.cmpi slt, %add3A_161, %lt3A_164 : i32
      %and3A_166 = arith.andi %ge3A_163, %lt3A_165 : i1
      %convert_element_type3A_167 = arith.extui %and3A_166 : i1 to i32
      %cond3A_168 = arith.constant 0 : i32
      %cond3A_169 = arith.cmpi ne, %convert_element_type3A_167, %cond3A_168 : i32
      scf.if %cond3A_169 {
        %mul3A_183 = arith.constant 32 : i32
        %mul3A_184 = arith.muli %add3A_161, %mul3A_183 : i32
        %dma_wait3A = arith.constant 0 : i32
        %dma_wait3A_185 = arith.constant 0 : i32
        %dma_wait3A_186 = tpu.memref_slice %arg2[%dma_wait3A, %dma_wait3A_185] : memref<10000x128xf32, #tpu.memory_space<hbm>> -> memref<32x128xf32, #tpu.memory_space<hbm>>
        %dma_wait3A_187 = arith.constant 0 : i32
        %dma_wait3A_188 = arith.constant 0 : i32
        %dma_wait3A_189 = tpu.memref_slice %arg2[%dma_wait3A_187, %dma_wait3A_188] : memref<10000x128xf32, #tpu.memory_space<hbm>> -> memref<32x128xf32, #tpu.memory_space<hbm>>
        tpu.wait_dma2 semaphore(%arg40 : memref<!tpu.dma_semaphore, #tpu.memory_space<semaphore_mem>>) src(%dma_wait3A_189 : memref<32x128xf32, #tpu.memory_space<hbm>>) dst(%arg20 : memref<32x128xf32, #tpu.memory_space<vmem>>)
        %dma_wait3A_190 = arith.constant 0 : i32
        %dma_wait3A_191 = arith.constant 0 : i32
        %dma_wait3A_192 = tpu.memref_slice %arg2[%dma_wait3A_190, %dma_wait3A_191] : memref<10000x128xf32, #tpu.memory_space<hbm>> -> memref<32x128xf32, #tpu.memory_space<hbm>>
        %dma_wait3A_193 = arith.constant 0 : i32
        %dma_wait3A_194 = arith.constant 0 : i32
        %dma_wait3A_195 = tpu.memref_slice %arg2[%dma_wait3A_193, %dma_wait3A_194] : memref<10000x128xf32, #tpu.memory_space<hbm>> -> memref<32x128xf32, #tpu.memory_space<hbm>>
        tpu.wait_dma2 semaphore(%arg40 : memref<!tpu.dma_semaphore, #tpu.memory_space<semaphore_mem>>) src(%dma_wait3A_195 : memref<32x128xf32, #tpu.memory_space<hbm>>) dst(%arg21 : memref<32x128xf32, #tpu.memory_space<vmem>>)
        %dma_wait3A_196 = arith.constant 0 : i32
        %dma_wait3A_197 = arith.constant 0 : i32
        %dma_wait3A_198 = tpu.memref_slice %arg6[%dma_wait3A_196, %dma_wait3A_197] : memref<10000x8xf32, #tpu.memory_space<hbm>> -> memref<32x8xf32, #tpu.memory_space<hbm>>
        %dma_wait3A_199 = arith.constant 0 : i32
        %dma_wait3A_200 = arith.constant 0 : i32
        %dma_wait3A_201 = tpu.memref_slice %arg6[%dma_wait3A_199, %dma_wait3A_200] : memref<10000x8xf32, #tpu.memory_space<hbm>> -> memref<32x8xf32, #tpu.memory_space<hbm>>
        tpu.wait_dma2 semaphore(%arg40 : memref<!tpu.dma_semaphore, #tpu.memory_space<semaphore_mem>>) src(%dma_wait3A_201 : memref<32x8xf32, #tpu.memory_space<hbm>>) dst(%arg26 : memref<32x8xf32, #tpu.memory_space<vmem>>)
        %dma_wait3A_202 = arith.constant 0 : i32
        %dma_wait3A_203 = arith.constant 0 : i32
        %dma_wait3A_204 = tpu.memref_slice %arg6[%dma_wait3A_202, %dma_wait3A_203] : memref<10000x8xf32, #tpu.memory_space<hbm>> -> memref<32x8xf32, #tpu.memory_space<hbm>>
        %dma_wait3A_205 = arith.constant 0 : i32
        %dma_wait3A_206 = arith.constant 0 : i32
        %dma_wait3A_207 = tpu.memref_slice %arg6[%dma_wait3A_205, %dma_wait3A_206] : memref<10000x8xf32, #tpu.memory_space<hbm>> -> memref<32x8xf32, #tpu.memory_space<hbm>>
        tpu.wait_dma2 semaphore(%arg40 : memref<!tpu.dma_semaphore, #tpu.memory_space<semaphore_mem>>) src(%dma_wait3A_207 : memref<32x8xf32, #tpu.memory_space<hbm>>) dst(%arg27 : memref<32x8xf32, #tpu.memory_space<vmem>>)
        %dma_wait3A_208 = arith.constant 0 : i32
        %dma_wait3A_209 = tpu.memref_slice %arg3[%mul3A_184, %dma_wait3A_208] : memref<160000x128xf32, #tpu.memory_space<hbm>> -> memref<32x128xf32, #tpu.memory_space<hbm>>
        %dma_wait3A_210 = arith.constant 0 : i32
        %dma_wait3A_211 = tpu.memref_slice %arg3[%mul3A_184, %dma_wait3A_210] : memref<160000x128xf32, #tpu.memory_space<hbm>> -> memref<32x128xf32, #tpu.memory_space<hbm>>
        tpu.wait_dma2 semaphore(%arg40 : memref<!tpu.dma_semaphore, #tpu.memory_space<semaphore_mem>>) src(%dma_wait3A_211 : memref<32x128xf32, #tpu.memory_space<hbm>>) dst(%arg22 : memref<32x128xf32, #tpu.memory_space<vmem>>)
        %dma_wait3A_212 = arith.constant 0 : i32
        %dma_wait3A_213 = tpu.memref_slice %arg7[%mul3A_184, %dma_wait3A_212] : memref<160000x8xf32, #tpu.memory_space<hbm>> -> memref<32x8xf32, #tpu.memory_space<hbm>>
        %dma_wait3A_214 = arith.constant 0 : i32
        %dma_wait3A_215 = tpu.memref_slice %arg7[%mul3A_184, %dma_wait3A_214] : memref<160000x8xf32, #tpu.memory_space<hbm>> -> memref<32x8xf32, #tpu.memory_space<hbm>>
        tpu.wait_dma2 semaphore(%arg40 : memref<!tpu.dma_semaphore, #tpu.memory_space<semaphore_mem>>) src(%dma_wait3A_215 : memref<32x8xf32, #tpu.memory_space<hbm>>) dst(%arg28 : memref<32x8xf32, #tpu.memory_space<vmem>>)
        %scan3A_216 = arith.constant 0 : i32
        %scan3A_217 = arith.constant 2 : i32
        %scan3A_218 = arith.addi %scan3A_216, %scan3A_217 : i32
        %scan3A_219 = arith.constant 1 : i32
        scf.for %scan3A_229 = %scan3A_216 to %scan3A_218 step %scan3A_219  : i32 {
          %mul3A_230 = arith.constant 1 : i32
          %mul3A_231 = arith.muli %scan3A_229, %mul3A_230 : i32
          %add3A_232 = arith.constant 0 : i32
          %add3A_233 = arith.addi %add3A_232, %mul3A_231 : i32
          %mul3A_234 = arith.constant 16 : i32
          %mul3A_235 = arith.muli %add3A_233, %mul3A_234 : i32
          %iota3A = tpu.iota {dimensions = array<i32: 0>} : vector<16xi32>
          %mul3A_236 = arith.constant 16 : i32
          %mul3A_237 = arith.muli %add3A_233, %mul3A_236 : i32
          %add3A_238 = vector.broadcast %mul3A_237 : i32 to vector<16xi32>
          %add3A_239 = arith.addi %iota3A, %add3A_238 : vector<16xi32>
          %broadcast_in_dim3A = arith.constant 0 : i32
          %broadcast_in_dim3A_240 = vector.broadcast %broadcast_in_dim3A : i32 to vector<16xi32>
          %get3A = arith.index_cast %mul3A_235 : i32 to index
          %get3A_241 = tpu.vector_load %arg13[%get3A] {strides = array<i32>} : memref<32xi32, #tpu.memory_space<vmem>>, vector<16xi32>,
          %swap3A = arith.index_cast %mul3A_235 : i32 to index
          %swap3A_242 = tpu.vector_load %arg16[%swap3A] {strides = array<i32>} : memref<32xi32, #tpu.memory_space<vmem>>, vector<16xi32>,
          tpu.vector_store %arg16[%swap3A], %get3A_241 {strides = array<i32>} : memref<32xi32, #tpu.memory_space<vmem>>, vector<16xi32>,
          %gather3A = tpu.vector_load_idx %arg26[%add3A_239, %broadcast_in_dim3A_240] : memref<32x8xf32, #tpu.memory_space<vmem>>[vector<16xi32>, vector<16xi32>], vector<16xf32>,
          %gather3A_243 = tpu.vector_load_idx %arg28[%add3A_239, %broadcast_in_dim3A_240] : memref<32x8xf32, #tpu.memory_space<vmem>>[vector<16xi32>, vector<16xi32>], vector<16xf32>,
          %add3A_244 = arith.addf %gather3A, %gather3A_243 : vector<16xf32>
          %add3A_245 = arith.constant 1 : i32
          %add3A_246 = vector.broadcast %add3A_245 : i32 to vector<16xi32>
          %add3A_247 = arith.addi %broadcast_in_dim3A_240, %add3A_246 : vector<16xi32>
          %gather3A_248 = tpu.vector_load_idx %arg27[%add3A_239, %add3A_247] : memref<32x8xf32, #tpu.memory_space<vmem>>[vector<16xi32>, vector<16xi32>], vector<16xf32>,
          %add3A_249 = arith.constant 1 : i32
          %add3A_250 = vector.broadcast %add3A_249 : i32 to vector<16xi32>
          %add3A_251 = arith.addi %broadcast_in_dim3A_240, %add3A_250 : vector<16xi32>
          %gather3A_252 = tpu.vector_load_idx %arg28[%add3A_239, %add3A_251] : memref<32x8xf32, #tpu.memory_space<vmem>>[vector<16xi32>, vector<16xi32>], vector<16xf32>,
          %add3A_253 = arith.addf %gather3A_248, %gather3A_252 : vector<16xf32>
          %add3A_254 = arith.constant 2 : i32
          %add3A_255 = vector.broadcast %add3A_254 : i32 to vector<16xi32>
          %add3A_256 = arith.addi %broadcast_in_dim3A_240, %add3A_255 : vector<16xi32>
          %gather3A_257 = tpu.vector_load_idx %arg26[%add3A_239, %add3A_256] : memref<32x8xf32, #tpu.memory_space<vmem>>[vector<16xi32>, vector<16xi32>], vector<16xf32>,
          %add3A_258 = arith.constant 2 : i32
          %add3A_259 = vector.broadcast %add3A_258 : i32 to vector<16xi32>
          %add3A_260 = arith.addi %broadcast_in_dim3A_240, %add3A_259 : vector<16xi32>
          %gather3A_261 = tpu.vector_load_idx %arg28[%add3A_239, %add3A_260] : memref<32x8xf32, #tpu.memory_space<vmem>>[vector<16xi32>, vector<16xi32>], vector<16xf32>,
          %add3A_262 = arith.addf %gather3A_257, %gather3A_261 : vector<16xf32>
          %add3A_263 = arith.constant 3 : i32
          %add3A_264 = vector.broadcast %add3A_263 : i32 to vector<16xi32>
          %add3A_265 = arith.addi %broadcast_in_dim3A_240, %add3A_264 : vector<16xi32>
          %gather3A_266 = tpu.vector_load_idx %arg27[%add3A_239, %add3A_265] : memref<32x8xf32, #tpu.memory_space<vmem>>[vector<16xi32>, vector<16xi32>], vector<16xf32>,
          %add3A_267 = arith.constant 3 : i32
          %add3A_268 = vector.broadcast %add3A_267 : i32 to vector<16xi32>
          %add3A_269 = arith.addi %broadcast_in_dim3A_240, %add3A_268 : vector<16xi32>
          %gather3A_270 = tpu.vector_load_idx %arg28[%add3A_239, %add3A_269] : memref<32x8xf32, #tpu.memory_space<vmem>>[vector<16xi32>, vector<16xi32>], vector<16xf32>,
          %add3A_271 = arith.addf %gather3A_266, %gather3A_270 : vector<16xf32>
          %neg3A = arith.constant 0.000000e+00 : f32
          %neg3A_272 = vector.broadcast %neg3A : f32 to vector<16xf32>
          %neg3A_273 = arith.subf %neg3A_272, %add3A_244 : vector<16xf32>
          %exp3A = math.exp %neg3A_273 : vector<16xf32>
          %add3A_274 = arith.constant 1.000000e+00 : f32
          %add3A_275 = vector.broadcast %add3A_274 : f32 to vector<16xf32>
          %add3A_276 = arith.addf %add3A_275, %exp3A : vector<16xf32>
          %div3A_277 = arith.constant 1.000000e+00 : f32
          %div3A_278 = vector.broadcast %div3A_277 : f32 to vector<16xf32>
          %div3A_279 = arith.divf %div3A_278, %add3A_276 : vector<16xf32>
          %neg3A_280 = arith.constant 0.000000e+00 : f32
          %neg3A_281 = vector.broadcast %neg3A_280 : f32 to vector<16xf32>
          %neg3A_282 = arith.subf %neg3A_281, %add3A_253 : vector<16xf32>
          %exp3A_283 = math.exp %neg3A_282 : vector<16xf32>
          %add3A_284 = arith.constant 1.000000e+00 : f32
          %add3A_285 = vector.broadcast %add3A_284 : f32 to vector<16xf32>
          %add3A_286 = arith.addf %add3A_285, %exp3A_283 : vector<16xf32>
          %div3A_287 = arith.constant 1.000000e+00 : f32
          %div3A_288 = vector.broadcast %div3A_287 : f32 to vector<16xf32>
          %div3A_289 = arith.divf %div3A_288, %add3A_286 : vector<16xf32>
          %add3A_290 = arith.addf %div3A_279, %div3A_289 : vector<16xf32>
          %swap3A_291 = arith.index_cast %mul3A_235 : i32 to index
          %swap3A_292 = tpu.vector_load %arg33[%swap3A_291] {strides = array<i32>} : memref<32xf32, #tpu.memory_space<vmem>>, vector<16xf32>,
          tpu.vector_store %arg33[%swap3A_291], %add3A_290 {strides = array<i32>} : memref<32xf32, #tpu.memory_space<vmem>>, vector<16xf32>,
          %neg3A_293 = arith.constant 0.000000e+00 : f32
          %neg3A_294 = vector.broadcast %neg3A_293 : f32 to vector<16xf32>
          %neg3A_295 = arith.subf %neg3A_294, %add3A_262 : vector<16xf32>
          %exp3A_296 = math.exp %neg3A_295 : vector<16xf32>
          %add3A_297 = arith.constant 1.000000e+00 : f32
          %add3A_298 = vector.broadcast %add3A_297 : f32 to vector<16xf32>
          %add3A_299 = arith.addf %add3A_298, %exp3A_296 : vector<16xf32>
          %div3A_300 = arith.constant 1.000000e+00 : f32
          %div3A_301 = vector.broadcast %div3A_300 : f32 to vector<16xf32>
          %div3A_302 = arith.divf %div3A_301, %add3A_299 : vector<16xf32>
          %swap3A_303 = arith.index_cast %mul3A_235 : i32 to index
          %swap3A_304 = tpu.vector_load %arg34[%swap3A_303] {strides = array<i32>} : memref<32xf32, #tpu.memory_space<vmem>>, vector<16xf32>,
          tpu.vector_store %arg34[%swap3A_303], %div3A_302 {strides = array<i32>} : memref<32xf32, #tpu.memory_space<vmem>>, vector<16xf32>,
          %neg3A_305 = arith.constant 0.000000e+00 : f32
          %neg3A_306 = vector.broadcast %neg3A_305 : f32 to vector<16xf32>
          %neg3A_307 = arith.subf %neg3A_306, %add3A_271 : vector<16xf32>
          %exp3A_308 = math.exp %neg3A_307 : vector<16xf32>
          %add3A_309 = arith.constant 1.000000e+00 : f32
          %add3A_310 = vector.broadcast %add3A_309 : f32 to vector<16xf32>
          %add3A_311 = arith.addf %add3A_310, %exp3A_308 : vector<16xf32>
          %div3A_312 = arith.constant 1.000000e+00 : f32
          %div3A_313 = vector.broadcast %div3A_312 : f32 to vector<16xf32>
          %div3A_314 = arith.divf %div3A_313, %add3A_311 : vector<16xf32>
          %swap3A_315 = arith.index_cast %mul3A_235 : i32 to index
          %swap3A_316 = tpu.vector_load %arg35[%swap3A_315] {strides = array<i32>} : memref<32xf32, #tpu.memory_space<vmem>>, vector<16xf32>,
          tpu.vector_store %arg35[%swap3A_315], %div3A_314 {strides = array<i32>} : memref<32xf32, #tpu.memory_space<vmem>>, vector<16xf32>,
        }
        %scan3A_220 = arith.constant 2 : i32
        %scan3A_221 = arith.constant 0 : i32
        %scan3A_222 = arith.constant 32 : i32
        %scan3A_223 = arith.addi %scan3A_221, %scan3A_222 : i32
        %scan3A_224 = arith.constant 1 : i32
        scf.for %scan3A_229 = %scan3A_221 to %scan3A_223 step %scan3A_224  : i32 {
          %mul3A_230 = arith.constant 1 : i32
          %mul3A_231 = arith.muli %scan3A_229, %mul3A_230 : i32
          %add3A_232 = arith.constant 0 : i32
          %add3A_233 = arith.addi %add3A_232, %mul3A_231 : i32
          %broadcast_in_dim3A = arith.constant 0 : i32
          %broadcast_in_dim3A_234 = vector.broadcast %broadcast_in_dim3A : i32 to vector<16xi32>
          %add3A_235 = vector.broadcast %add3A_233 : i32 to vector<16xi32>
          %add3A_236 = arith.addi %broadcast_in_dim3A_234, %add3A_235 : vector<16xi32>
          %gather3A = tpu.vector_load_idx %arg33[%add3A_236] : memref<32xf32, #tpu.memory_space<vmem>>[vector<16xi32>], vector<16xf32>,
          %gather3A_237 = tpu.vector_load_idx %arg34[%add3A_236] : memref<32xf32, #tpu.memory_space<vmem>>[vector<16xi32>], vector<16xf32>,
          %gather3A_238 = tpu.vector_load_idx %arg35[%add3A_236] : memref<32xf32, #tpu.memory_space<vmem>>[vector<16xi32>], vector<16xf32>,
          %get3A = arith.index_cast %add3A_233 : i32 to index
          %get3A_239 = arith.constant 0 : index
          %get3A_240 = tpu.vector_load %arg22[%get3A, %get3A_239] {strides = array<i32>} : memref<32x128xf32, #tpu.memory_space<vmem>>, vector<16xf32>,
          %mul3A_241 = arith.mulf %gather3A, %get3A_240 : vector<16xf32>
          %swap3A = arith.index_cast %add3A_233 : i32 to index
          %swap3A_242 = arith.constant 0 : index
          %swap3A_243 = tpu.vector_load %arg32[%swap3A, %swap3A_242] {strides = array<i32>} : memref<32x128xf32, #tpu.memory_space<vmem>>, vector<16xf32>,
          tpu.vector_store %arg32[%swap3A, %swap3A_242], %mul3A_241 {strides = array<i32>} : memref<32x128xf32, #tpu.memory_space<vmem>>, vector<16xf32>,
          %get3A_244 = arith.index_cast %add3A_233 : i32 to index
          %get3A_245 = arith.constant 0 : index
          %get3A_246 = tpu.vector_load %arg20[%get3A_244, %get3A_245] {strides = array<i32>} : memref<32x128xf32, #tpu.memory_space<vmem>>, vector<16xf32>,
          %mul3A_247 = arith.mulf %gather3A_237, %get3A_246 : vector<16xf32>
          %get3A_248 = arith.index_cast %add3A_233 : i32 to index
          %get3A_249 = arith.constant 0 : index
          %get3A_250 = tpu.vector_load %arg21[%get3A_248, %get3A_249] {strides = array<i32>} : memref<32x128xf32, #tpu.memory_space<vmem>>, vector<16xf32>,
          %mul3A_251 = arith.mulf %gather3A_238, %get3A_250 : vector<16xf32>
          %add3A_252 = arith.addf %mul3A_247, %mul3A_251 : vector<16xf32>
          %swap3A_253 = arith.index_cast %add3A_233 : i32 to index
          %swap3A_254 = arith.constant 0 : index
          %swap3A_255 = tpu.vector_load %arg31[%swap3A_253, %swap3A_254] {strides = array<i32>} : memref<32x128xf32, #tpu.memory_space<vmem>>, vector<16xf32>,
          tpu.vector_store %arg31[%swap3A_253, %swap3A_254], %add3A_252 {strides = array<i32>} : memref<32x128xf32, #tpu.memory_space<vmem>>, vector<16xf32>,
          %get3A_256 = arith.index_cast %add3A_233 : i32 to index
          %get3A_257 = arith.constant 16 : index
          %get3A_258 = tpu.vector_load %arg22[%get3A_256, %get3A_257] {strides = array<i32>} : memref<32x128xf32, #tpu.memory_space<vmem>>, vector<16xf32>,
          %mul3A_259 = arith.mulf %gather3A, %get3A_258 : vector<16xf32>
          %swap3A_260 = arith.index_cast %add3A_233 : i32 to index
          %swap3A_261 = arith.constant 16 : index
          %swap3A_262 = tpu.vector_load %arg32[%swap3A_260, %swap3A_261] {strides = array<i32>} : memref<32x128xf32, #tpu.memory_space<vmem>>, vector<16xf32>,
          tpu.vector_store %arg32[%swap3A_260, %swap3A_261], %mul3A_259 {strides = array<i32>} : memref<32x128xf32, #tpu.memory_space<vmem>>, vector<16xf32>,
          %get3A_263 = arith.index_cast %add3A_233 : i32 to index
          %get3A_264 = arith.constant 16 : index
          %get3A_265 = tpu.vector_load %arg20[%get3A_263, %get3A_264] {strides = array<i32>} : memref<32x128xf32, #tpu.memory_space<vmem>>, vector<16xf32>,
          %mul3A_266 = arith.mulf %gather3A_237, %get3A_265 : vector<16xf32>
          %get3A_267 = arith.index_cast %add3A_233 : i32 to index
          %get3A_268 = arith.constant 16 : index
          %get3A_269 = tpu.vector_load %arg21[%get3A_267, %get3A_268] {strides = array<i32>} : memref<32x128xf32, #tpu.memory_space<vmem>>, vector<16xf32>,
          %mul3A_270 = arith.mulf %gather3A_238, %get3A_269 : vector<16xf32>
          %add3A_271 = arith.addf %mul3A_266, %mul3A_270 : vector<16xf32>
          %swap3A_272 = arith.index_cast %add3A_233 : i32 to index
          %swap3A_273 = arith.constant 16 : index
          %swap3A_274 = tpu.vector_load %arg31[%swap3A_272, %swap3A_273] {strides = array<i32>} : memref<32x128xf32, #tpu.memory_space<vmem>>, vector<16xf32>,
          tpu.vector_store %arg31[%swap3A_272, %swap3A_273], %add3A_271 {strides = array<i32>} : memref<32x128xf32, #tpu.memory_space<vmem>>, vector<16xf32>,
          %get3A_275 = arith.index_cast %add3A_233 : i32 to index
          %get3A_276 = arith.constant 32 : index
          %get3A_277 = tpu.vector_load %arg22[%get3A_275, %get3A_276] {strides = array<i32>} : memref<32x128xf32, #tpu.memory_space<vmem>>, vector<16xf32>,
          %mul3A_278 = arith.mulf %gather3A, %get3A_277 : vector<16xf32>
          %swap3A_279 = arith.index_cast %add3A_233 : i32 to index
          %swap3A_280 = arith.constant 32 : index
          %swap3A_281 = tpu.vector_load %arg32[%swap3A_279, %swap3A_280] {strides = array<i32>} : memref<32x128xf32, #tpu.memory_space<vmem>>, vector<16xf32>,
          tpu.vector_store %arg32[%swap3A_279, %swap3A_280], %mul3A_278 {strides = array<i32>} : memref<32x128xf32, #tpu.memory_space<vmem>>, vector<16xf32>,
          %get3A_282 = arith.index_cast %add3A_233 : i32 to index
          %get3A_283 = arith.constant 32 : index
          %get3A_284 = tpu.vector_load %arg20[%get3A_282, %get3A_283] {strides = array<i32>} : memref<32x128xf32, #tpu.memory_space<vmem>>, vector<16xf32>,
          %mul3A_285 = arith.mulf %gather3A_237, %get3A_284 : vector<16xf32>
          %get3A_286 = arith.index_cast %add3A_233 : i32 to index
          %get3A_287 = arith.constant 32 : index
          %get3A_288 = tpu.vector_load %arg21[%get3A_286, %get3A_287] {strides = array<i32>} : memref<32x128xf32, #tpu.memory_space<vmem>>, vector<16xf32>,
          %mul3A_289 = arith.mulf %gather3A_238, %get3A_288 : vector<16xf32>
          %add3A_290 = arith.addf %mul3A_285, %mul3A_289 : vector<16xf32>
          %swap3A_291 = arith.index_cast %add3A_233 : i32 to index
          %swap3A_292 = arith.constant 32 : index
          %swap3A_293 = tpu.vector_load %arg31[%swap3A_291, %swap3A_292] {strides = array<i32>} : memref<32x128xf32, #tpu.memory_space<vmem>>, vector<16xf32>,
          tpu.vector_store %arg31[%swap3A_291, %swap3A_292], %add3A_290 {strides = array<i32>} : memref<32x128xf32, #tpu.memory_space<vmem>>, vector<16xf32>,
          %get3A_294 = arith.index_cast %add3A_233 : i32 to index
          %get3A_295 = arith.constant 48 : index
          %get3A_296 = tpu.vector_load %arg22[%get3A_294, %get3A_295] {strides = array<i32>} : memref<32x128xf32, #tpu.memory_space<vmem>>, vector<16xf32>,
          %mul3A_297 = arith.mulf %gather3A, %get3A_296 : vector<16xf32>
          %swap3A_298 = arith.index_cast %add3A_233 : i32 to index
          %swap3A_299 = arith.constant 48 : index
          %swap3A_300 = tpu.vector_load %arg32[%swap3A_298, %swap3A_299] {strides = array<i32>} : memref<32x128xf32, #tpu.memory_space<vmem>>, vector<16xf32>,
          tpu.vector_store %arg32[%swap3A_298, %swap3A_299], %mul3A_297 {strides = array<i32>} : memref<32x128xf32, #tpu.memory_space<vmem>>, vector<16xf32>,
          %get3A_301 = arith.index_cast %add3A_233 : i32 to index
          %get3A_302 = arith.constant 48 : index
          %get3A_303 = tpu.vector_load %arg20[%get3A_301, %get3A_302] {strides = array<i32>} : memref<32x128xf32, #tpu.memory_space<vmem>>, vector<16xf32>,
          %mul3A_304 = arith.mulf %gather3A_237, %get3A_303 : vector<16xf32>
          %get3A_305 = arith.index_cast %add3A_233 : i32 to index
          %get3A_306 = arith.constant 48 : index
          %get3A_307 = tpu.vector_load %arg21[%get3A_305, %get3A_306] {strides = array<i32>} : memref<32x128xf32, #tpu.memory_space<vmem>>, vector<16xf32>,
          %mul3A_308 = arith.mulf %gather3A_238, %get3A_307 : vector<16xf32>
          %add3A_309 = arith.addf %mul3A_304, %mul3A_308 : vector<16xf32>
          %swap3A_310 = arith.index_cast %add3A_233 : i32 to index
          %swap3A_311 = arith.constant 48 : index
          %swap3A_312 = tpu.vector_load %arg31[%swap3A_310, %swap3A_311] {strides = array<i32>} : memref<32x128xf32, #tpu.memory_space<vmem>>, vector<16xf32>,
          tpu.vector_store %arg31[%swap3A_310, %swap3A_311], %add3A_309 {strides = array<i32>} : memref<32x128xf32, #tpu.memory_space<vmem>>, vector<16xf32>,
          %get3A_313 = arith.index_cast %add3A_233 : i32 to index
          %get3A_314 = arith.constant 64 : index
          %get3A_315 = tpu.vector_load %arg22[%get3A_313, %get3A_314] {strides = array<i32>} : memref<32x128xf32, #tpu.memory_space<vmem>>, vector<16xf32>,
          %mul3A_316 = arith.mulf %gather3A, %get3A_315 : vector<16xf32>
          %swap3A_317 = arith.index_cast %add3A_233 : i32 to index
          %swap3A_318 = arith.constant 64 : index
          %swap3A_319 = tpu.vector_load %arg32[%swap3A_317, %swap3A_318] {strides = array<i32>} : memref<32x128xf32, #tpu.memory_space<vmem>>, vector<16xf32>,
          tpu.vector_store %arg32[%swap3A_317, %swap3A_318], %mul3A_316 {strides = array<i32>} : memref<32x128xf32, #tpu.memory_space<vmem>>, vector<16xf32>,
          %get3A_320 = arith.index_cast %add3A_233 : i32 to index
          %get3A_321 = arith.constant 64 : index
          %get3A_322 = tpu.vector_load %arg20[%get3A_320, %get3A_321] {strides = array<i32>} : memref<32x128xf32, #tpu.memory_space<vmem>>, vector<16xf32>,
          %mul3A_323 = arith.mulf %gather3A_237, %get3A_322 : vector<16xf32>
          %get3A_324 = arith.index_cast %add3A_233 : i32 to index
          %get3A_325 = arith.constant 64 : index
          %get3A_326 = tpu.vector_load %arg21[%get3A_324, %get3A_325] {strides = array<i32>} : memref<32x128xf32, #tpu.memory_space<vmem>>, vector<16xf32>,
          %mul3A_327 = arith.mulf %gather3A_238, %get3A_326 : vector<16xf32>
          %add3A_328 = arith.addf %mul3A_323, %mul3A_327 : vector<16xf32>
          %swap3A_329 = arith.index_cast %add3A_233 : i32 to index
          %swap3A_330 = arith.constant 64 : index
          %swap3A_331 = tpu.vector_load %arg31[%swap3A_329, %swap3A_330] {strides = array<i32>} : memref<32x128xf32, #tpu.memory_space<vmem>>, vector<16xf32>,
          tpu.vector_store %arg31[%swap3A_329, %swap3A_330], %add3A_328 {strides = array<i32>} : memref<32x128xf32, #tpu.memory_space<vmem>>, vector<16xf32>,
          %get3A_332 = arith.index_cast %add3A_233 : i32 to index
          %get3A_333 = arith.constant 80 : index
          %get3A_334 = tpu.vector_load %arg22[%get3A_332, %get3A_333] {strides = array<i32>} : memref<32x128xf32, #tpu.memory_space<vmem>>, vector<16xf32>,
          %mul3A_335 = arith.mulf %gather3A, %get3A_334 : vector<16xf32>
          %swap3A_336 = arith.index_cast %add3A_233 : i32 to index
          %swap3A_337 = arith.constant 80 : index
          %swap3A_338 = tpu.vector_load %arg32[%swap3A_336, %swap3A_337] {strides = array<i32>} : memref<32x128xf32, #tpu.memory_space<vmem>>, vector<16xf32>,
          tpu.vector_store %arg32[%swap3A_336, %swap3A_337], %mul3A_335 {strides = array<i32>} : memref<32x128xf32, #tpu.memory_space<vmem>>, vector<16xf32>,
          %get3A_339 = arith.index_cast %add3A_233 : i32 to index
          %get3A_340 = arith.constant 80 : index
          %get3A_341 = tpu.vector_load %arg20[%get3A_339, %get3A_340] {strides = array<i32>} : memref<32x128xf32, #tpu.memory_space<vmem>>, vector<16xf32>,
          %mul3A_342 = arith.mulf %gather3A_237, %get3A_341 : vector<16xf32>
          %get3A_343 = arith.index_cast %add3A_233 : i32 to index
          %get3A_344 = arith.constant 80 : index
          %get3A_345 = tpu.vector_load %arg21[%get3A_343, %get3A_344] {strides = array<i32>} : memref<32x128xf32, #tpu.memory_space<vmem>>, vector<16xf32>,
          %mul3A_346 = arith.mulf %gather3A_238, %get3A_345 : vector<16xf32>
          %add3A_347 = arith.addf %mul3A_342, %mul3A_346 : vector<16xf32>
          %swap3A_348 = arith.index_cast %add3A_233 : i32 to index
          %swap3A_349 = arith.constant 80 : index
          %swap3A_350 = tpu.vector_load %arg31[%swap3A_348, %swap3A_349] {strides = array<i32>} : memref<32x128xf32, #tpu.memory_space<vmem>>, vector<16xf32>,
          tpu.vector_store %arg31[%swap3A_348, %swap3A_349], %add3A_347 {strides = array<i32>} : memref<32x128xf32, #tpu.memory_space<vmem>>, vector<16xf32>,
          %get3A_351 = arith.index_cast %add3A_233 : i32 to index
          %get3A_352 = arith.constant 96 : index
          %get3A_353 = tpu.vector_load %arg22[%get3A_351, %get3A_352] {strides = array<i32>} : memref<32x128xf32, #tpu.memory_space<vmem>>, vector<16xf32>,
          %mul3A_354 = arith.mulf %gather3A, %get3A_353 : vector<16xf32>
          %swap3A_355 = arith.index_cast %add3A_233 : i32 to index
          %swap3A_356 = arith.constant 96 : index
          %swap3A_357 = tpu.vector_load %arg32[%swap3A_355, %swap3A_356] {strides = array<i32>} : memref<32x128xf32, #tpu.memory_space<vmem>>, vector<16xf32>,
          tpu.vector_store %arg32[%swap3A_355, %swap3A_356], %mul3A_354 {strides = array<i32>} : memref<32x128xf32, #tpu.memory_space<vmem>>, vector<16xf32>,
          %get3A_358 = arith.index_cast %add3A_233 : i32 to index
          %get3A_359 = arith.constant 96 : index
          %get3A_360 = tpu.vector_load %arg20[%get3A_358, %get3A_359] {strides = array<i32>} : memref<32x128xf32, #tpu.memory_space<vmem>>, vector<16xf32>,
          %mul3A_361 = arith.mulf %gather3A_237, %get3A_360 : vector<16xf32>
          %get3A_362 = arith.index_cast %add3A_233 : i32 to index
          %get3A_363 = arith.constant 96 : index
          %get3A_364 = tpu.vector_load %arg21[%get3A_362, %get3A_363] {strides = array<i32>} : memref<32x128xf32, #tpu.memory_space<vmem>>, vector<16xf32>,
          %mul3A_365 = arith.mulf %gather3A_238, %get3A_364 : vector<16xf32>
          %add3A_366 = arith.addf %mul3A_361, %mul3A_365 : vector<16xf32>
          %swap3A_367 = arith.index_cast %add3A_233 : i32 to index
          %swap3A_368 = arith.constant 96 : index
          %swap3A_369 = tpu.vector_load %arg31[%swap3A_367, %swap3A_368] {strides = array<i32>} : memref<32x128xf32, #tpu.memory_space<vmem>>, vector<16xf32>,
          tpu.vector_store %arg31[%swap3A_367, %swap3A_368], %add3A_366 {strides = array<i32>} : memref<32x128xf32, #tpu.memory_space<vmem>>, vector<16xf32>,
          %get3A_370 = arith.index_cast %add3A_233 : i32 to index
          %get3A_371 = arith.constant 112 : index
          %get3A_372 = tpu.vector_load %arg22[%get3A_370, %get3A_371] {strides = array<i32>} : memref<32x128xf32, #tpu.memory_space<vmem>>, vector<16xf32>,
          %mul3A_373 = arith.mulf %gather3A, %get3A_372 : vector<16xf32>
          %swap3A_374 = arith.index_cast %add3A_233 : i32 to index
          %swap3A_375 = arith.constant 112 : index
          %swap3A_376 = tpu.vector_load %arg32[%swap3A_374, %swap3A_375] {strides = array<i32>} : memref<32x128xf32, #tpu.memory_space<vmem>>, vector<16xf32>,
          tpu.vector_store %arg32[%swap3A_374, %swap3A_375], %mul3A_373 {strides = array<i32>} : memref<32x128xf32, #tpu.memory_space<vmem>>, vector<16xf32>,
          %get3A_377 = arith.index_cast %add3A_233 : i32 to index
          %get3A_378 = arith.constant 112 : index
          %get3A_379 = tpu.vector_load %arg20[%get3A_377, %get3A_378] {strides = array<i32>} : memref<32x128xf32, #tpu.memory_space<vmem>>, vector<16xf32>,
          %mul3A_380 = arith.mulf %gather3A_237, %get3A_379 : vector<16xf32>
          %get3A_381 = arith.index_cast %add3A_233 : i32 to index
          %get3A_382 = arith.constant 112 : index
          %get3A_383 = tpu.vector_load %arg21[%get3A_381, %get3A_382] {strides = array<i32>} : memref<32x128xf32, #tpu.memory_space<vmem>>, vector<16xf32>,
          %mul3A_384 = arith.mulf %gather3A_238, %get3A_383 : vector<16xf32>
          %add3A_385 = arith.addf %mul3A_380, %mul3A_384 : vector<16xf32>
          %swap3A_386 = arith.index_cast %add3A_233 : i32 to index
          %swap3A_387 = arith.constant 112 : index
          %swap3A_388 = tpu.vector_load %arg31[%swap3A_386, %swap3A_387] {strides = array<i32>} : memref<32x128xf32, #tpu.memory_space<vmem>>, vector<16xf32>,
          tpu.vector_store %arg31[%swap3A_386, %swap3A_387], %add3A_385 {strides = array<i32>} : memref<32x128xf32, #tpu.memory_space<vmem>>, vector<16xf32>,
        }
        %scan3A_225 = arith.constant 32 : i32
        "tpu.region"() ({
          %run_scoped3A = tpu.sem_alloc : memref<!tpu.dma_semaphore, #tpu.memory_space<semaphore_mem>>
          %dma_start3A_229 = arith.constant 0 : i32
          %dma_start3A_230 = arith.constant 0 : i32
          %dma_start3A_231 = tpu.memref_slice %arg36[%dma_start3A_229, %dma_start3A_230] : memref<10000x128xf32, #tpu.memory_space<vmem_shared>> -> memref<10000x128xf32, #tpu.memory_space<vmem_shared>>
          tpu.enqueue_indirect_dma source(%arg32 : memref<32x128xf32, #tpu.memory_space<vmem>>) target(%dma_start3A_231 : memref<10000x128xf32, #tpu.memory_space<vmem_shared>>) offsets(%arg16 : memref<32xi32, #tpu.memory_space<vmem>>) semaphore(%run_scoped3A : memref<!tpu.dma_semaphore, #tpu.memory_space<semaphore_mem>>) {add = true}
          %dma_wait3A_232 = arith.constant 0 : i32
          %dma_wait3A_233 = arith.constant 0 : i32
          %dma_wait3A_234 = tpu.memref_slice %arg36[%dma_wait3A_232, %dma_wait3A_233] : memref<10000x128xf32, #tpu.memory_space<vmem_shared>> -> memref<10000x128xf32, #tpu.memory_space<vmem_shared>>
          tpu.wait_indirect_dma semaphore(%run_scoped3A : memref<!tpu.dma_semaphore, #tpu.memory_space<semaphore_mem>>) src(%arg32 : memref<32x128xf32, #tpu.memory_space<vmem>>) dst(%dma_wait3A_234 : memref<10000x128xf32, #tpu.memory_space<vmem_shared>>)
          tpu.yield
        }) : () -> ()
        %dma_start3A = arith.constant 0 : i32
        %dma_start3A_226 = tpu.memref_slice %arg9[%mul3A_184, %dma_start3A] : memref<160000x128xf32, #tpu.memory_space<hbm>> -> memref<32x128xf32, #tpu.memory_space<hbm>>
        %dma_start3A_227 = arith.constant 0 : i32
        %dma_start3A_228 = tpu.memref_slice %arg9[%mul3A_184, %dma_start3A_227] : memref<160000x128xf32, #tpu.memory_space<hbm>> -> memref<32x128xf32, #tpu.memory_space<hbm>>
        tpu.enqueue_dma source(%arg31 : memref<32x128xf32, #tpu.memory_space<vmem>>) target(%dma_start3A_228 : memref<32x128xf32, #tpu.memory_space<hbm>>) target_semaphore(%arg42 : memref<!tpu.dma_semaphore, #tpu.memory_space<semaphore_mem>>)
      } else {
      }
      %add3A_170 = arith.constant 2 : i32
      %add3A_171 = arith.addi %add3A_84, %add3A_170 : i32
      %mul3A_172 = arith.constant 32 : i32
      %mul3A_173 = arith.muli %mul3A_172, %add3A_171 : i32
      %add3A_174 = arith.addi %add3A, %mul3A_173 : i32
      %ge3A_175 = arith.constant 0 : i32
      %ge3A_176 = arith.cmpi sge, %add3A_174, %ge3A_175 : i32
      %lt3A_177 = arith.constant 5000 : i32
      %lt3A_178 = arith.cmpi slt, %add3A_174, %lt3A_177 : i32
      %and3A_179 = arith.andi %ge3A_176, %lt3A_178 : i1
      %convert_element_type3A_180 = arith.extui %and3A_179 : i1 to i32
      %cond3A_181 = arith.constant 0 : i32
      %cond3A_182 = arith.cmpi ne, %convert_element_type3A_180, %cond3A_181 : i32
      scf.if %cond3A_182 {
        %mul3A_183 = arith.constant 32 : i32
        %mul3A_184 = arith.muli %add3A_174, %mul3A_183 : i32
        %dma_start3A = tpu.memref_slice %arg5[%mul3A_184] : memref<160000xi32, #tpu.memory_space<hbm>> -> memref<32xi32, #tpu.memory_space<hbm>>
        %dma_start3A_185 = tpu.memref_slice %arg5[%mul3A_184] : memref<160000xi32, #tpu.memory_space<hbm>> -> memref<32xi32, #tpu.memory_space<hbm>>
        tpu.enqueue_dma source(%dma_start3A_185 : memref<32xi32, #tpu.memory_space<hbm>>) target(%arg13 : memref<32xi32, #tpu.memory_space<vmem>>) target_semaphore(%arg38 : memref<!tpu.dma_semaphore, #tpu.memory_space<semaphore_mem>>)
        %dma_start3A_186 = tpu.memref_slice %arg4[%mul3A_184] : memref<160000xi32, #tpu.memory_space<hbm>> -> memref<32xi32, #tpu.memory_space<hbm>>
        %dma_start3A_187 = tpu.memref_slice %arg4[%mul3A_184] : memref<160000xi32, #tpu.memory_space<hbm>> -> memref<32xi32, #tpu.memory_space<hbm>>
        tpu.enqueue_dma source(%dma_start3A_187 : memref<32xi32, #tpu.memory_space<hbm>>) target(%arg14 : memref<32xi32, #tpu.memory_space<vmem>>) target_semaphore(%arg38 : memref<!tpu.dma_semaphore, #tpu.memory_space<semaphore_mem>>)
      } else {
      }
    }
    %scan3A_50 = arith.constant 79 : i32
    %add3A_51 = arith.constant 4992 : i32
    %add3A_52 = arith.addi %add3A, %add3A_51 : i32
    %ge3A_53 = arith.constant 0 : i32
    %ge3A_54 = arith.cmpi sge, %add3A_52, %ge3A_53 : i32
    %lt3A_55 = arith.constant 5000 : i32
    %lt3A_56 = arith.cmpi slt, %add3A_52, %lt3A_55 : i32
    %and3A_57 = arith.andi %ge3A_54, %lt3A_56 : i1
    %convert_element_type3A_58 = arith.extui %and3A_57 : i1 to i32
    %cond3A_59 = arith.constant 0 : i32
    %cond3A_60 = arith.cmpi ne, %convert_element_type3A_58, %cond3A_59 : i32
    scf.if %cond3A_60 {
      %mul3A_76 = arith.constant 32 : i32
      %mul3A_77 = arith.muli %add3A_52, %mul3A_76 : i32
      %dma_wait3A = arith.constant 0 : i32
      %dma_wait3A_78 = tpu.memref_slice %arg9[%mul3A_77, %dma_wait3A] : memref<160000x128xf32, #tpu.memory_space<hbm>> -> memref<32x128xf32, #tpu.memory_space<hbm>>
      %dma_wait3A_79 = arith.constant 0 : i32
      %dma_wait3A_80 = tpu.memref_slice %arg9[%mul3A_77, %dma_wait3A_79] : memref<160000x128xf32, #tpu.memory_space<hbm>> -> memref<32x128xf32, #tpu.memory_space<hbm>>
      tpu.wait_dma2 semaphore(%arg41 : memref<!tpu.dma_semaphore, #tpu.memory_space<semaphore_mem>>) src(%arg29 : memref<32x128xf32, #tpu.memory_space<vmem>>) dst(%dma_wait3A_80 : memref<32x128xf32, #tpu.memory_space<hbm>>)
    } else {
    }
    %add3A_61 = arith.constant 5024 : i32
    %add3A_62 = arith.addi %add3A, %add3A_61 : i32
    %ge3A_63 = arith.constant 0 : i32
    %ge3A_64 = arith.cmpi sge, %add3A_62, %ge3A_63 : i32
    %lt3A_65 = arith.constant 5000 : i32
    %lt3A_66 = arith.cmpi slt, %add3A_62, %lt3A_65 : i32
    %and3A_67 = arith.andi %ge3A_64, %lt3A_66 : i1
    %convert_element_type3A_68 = arith.extui %and3A_67 : i1 to i32
    %cond3A_69 = arith.constant 0 : i32
    %cond3A_70 = arith.cmpi ne, %convert_element_type3A_68, %cond3A_69 : i32
    scf.if %cond3A_70 {
      %mul3A_76 = arith.constant 32 : i32
      %mul3A_77 = arith.muli %add3A_62, %mul3A_76 : i32
      %dma_wait3A = arith.constant 0 : i32
      %dma_wait3A_78 = tpu.memref_slice %arg9[%mul3A_77, %dma_wait3A] : memref<160000x128xf32, #tpu.memory_space<hbm>> -> memref<32x128xf32, #tpu.memory_space<hbm>>
      %dma_wait3A_79 = arith.constant 0 : i32
      %dma_wait3A_80 = tpu.memref_slice %arg9[%mul3A_77, %dma_wait3A_79] : memref<160000x128xf32, #tpu.memory_space<hbm>> -> memref<32x128xf32, #tpu.memory_space<hbm>>
      tpu.wait_dma2 semaphore(%arg42 : memref<!tpu.dma_semaphore, #tpu.memory_space<semaphore_mem>>) src(%arg31 : memref<32x128xf32, #tpu.memory_space<vmem>>) dst(%dma_wait3A_80 : memref<32x128xf32, #tpu.memory_space<hbm>>)
    } else {
    }
    %barrier3A_71 = arith.constant 0 : index
    tpu.barrier barrier_id(%barrier3A_71)
    %mul3A_72 = arith.constant 10000 : i32
    %mul3A_73 = arith.muli %arg0, %mul3A_72 : i32
    %add3A_74 = arith.addi %mul3A_73, %multiple_of3A : i32
    %multiple_of3A_75 = tpu.assume_multiple %add3A_74, 8 : i32
    "tpu.region"() ({
      %run_scoped3A = tpu.sem_alloc : memref<!tpu.dma_semaphore, #tpu.memory_space<semaphore_mem>>
      %dma_start3A = arith.constant 0 : i32
      %dma_start3A_76 = tpu.memref_slice %arg10[%multiple_of3A_75, %dma_start3A] : memref<20000x128xf32, #tpu.memory_space<hbm>> -> memref<632x128xf32, #tpu.memory_space<hbm>>
      %dma_start3A_77 = arith.constant 0 : i32
      %dma_start3A_78 = tpu.memref_slice %arg36[%multiple_of3A, %dma_start3A_77] : memref<10000x128xf32, #tpu.memory_space<vmem_shared>> -> memref<632x128xf32, #tpu.memory_space<vmem_shared>>
      tpu.enqueue_dma source(%dma_start3A_78 : memref<632x128xf32, #tpu.memory_space<vmem_shared>>) target(%dma_start3A_76 : memref<632x128xf32, #tpu.memory_space<hbm>>) target_semaphore(%run_scoped3A : memref<!tpu.dma_semaphore, #tpu.memory_space<semaphore_mem>>)
      %dma_wait3A = arith.constant 0 : i32
      %dma_wait3A_79 = tpu.memref_slice %arg10[%multiple_of3A_75, %dma_wait3A] : memref<20000x128xf32, #tpu.memory_space<hbm>> -> memref<632x128xf32, #tpu.memory_space<hbm>>
      %dma_wait3A_80 = arith.constant 0 : i32
      %dma_wait3A_81 = tpu.memref_slice %arg36[%multiple_of3A, %dma_wait3A_80] : memref<10000x128xf32, #tpu.memory_space<vmem_shared>> -> memref<632x128xf32, #tpu.memory_space<vmem_shared>>
      tpu.wait_dma2 semaphore(%run_scoped3A : memref<!tpu.dma_semaphore, #tpu.memory_space<semaphore_mem>>) src(%dma_wait3A_81 : memref<632x128xf32, #tpu.memory_space<vmem_shared>>) dst(%dma_wait3A_79 : memref<632x128xf32, #tpu.memory_space<hbm>>)
      tpu.yield
    }) : () -> ()
    return
  }
}

module attributes {stable_mosaic.version = 14 : i64} {
  func.func @_stage0_node_body(%arg0: i32, %arg1: memref<400x128xf32, #tpu.memory_space<vmem>>, %arg2: memref<128x384xf32, #tpu.memory_space<vmem>>, %arg3: memref<1x384xf32, #tpu.memory_space<vmem>>, %arg4: memref<1x384xf32, #tpu.memory_space<vmem>>, %arg5: memref<400x128xf32, #tpu.memory_space<vmem>>) attributes {dimension_semantics = [#tpu.dimension_semantics<arbitrary>], iteration_bounds = array<i64: 25>, scalar_prefetch = 0 : i64, scratch_operands = 0 : i64, tpu.core_type = #tpu.core_type<tc>, window_params = [{transform_indices = @transform_0, window_bounds = array<i64: 400, 128>}, {pipeline_mode = #tpu.pipeline_mode<synchronous>, transform_indices = @transform_1, window_bounds = array<i64: 128, 384>}, {pipeline_mode = #tpu.pipeline_mode<synchronous>, transform_indices = @transform_2, window_bounds = array<i64: 1, 384>}, {pipeline_mode = #tpu.pipeline_mode<synchronous>, transform_indices = @transform_3, window_bounds = array<i64: 1, 384>}, {transform_indices = @transform_4, window_bounds = array<i64: 400, 128>}]} {
    %get3A = arith.constant 0 : index
    %get3A_0 = arith.constant 0 : index
    %get3A_1 = vector.load %arg1[%get3A, %get3A_0] : memref<400x128xf32, #tpu.memory_space<vmem>>, vector<400x128xf32>
    %get3A_2 = arith.constant 0 : index
    %get3A_3 = arith.constant 0 : index
    %get3A_4 = vector.load %arg2[%get3A_2, %get3A_3] : memref<128x384xf32, #tpu.memory_space<vmem>>, vector<128x384xf32>
    %dot_general3A = arith.constant dense<0.000000e+00> : vector<400x384xf32>
    %dot_general3A_5 = tpu.matmul %get3A_1, %get3A_4, %dot_general3A {dimension_numbers = #tpu.dot_dimension_numbers<[1], [0], [0], [1], [0, 0, 1, 1], [], []>, transpose_lhs_hint = false} : vector<400x128xf32>, vector<128x384xf32>, vector<400x384xf32> -> vector<400x384xf32>
    %get3A_6 = arith.constant 0 : index
    %get3A_7 = arith.constant 0 : index
    %get3A_8 = vector.load %arg3[%get3A_6, %get3A_7] : memref<1x384xf32, #tpu.memory_space<vmem>>, vector<1x384xf32>
    %add3A = vector.broadcast %get3A_8 : vector<1x384xf32> to vector<400x384xf32>
    %add3A_9 = arith.addf %dot_general3A_5, %add3A : vector<400x384xf32>
    %get3A_10 = arith.constant 0 : index
    %get3A_11 = arith.constant 0 : index
    %get3A_12 = vector.load %arg4[%get3A_10, %get3A_11] : memref<1x384xf32, #tpu.memory_space<vmem>>, vector<1x384xf32>
    %slice3A = vector.extract_strided_slice %add3A_9 {offsets = [0, 0], sizes = [400, 128], strides = [1, 1]} : vector<400x384xf32> to vector<400x128xf32>
    %slice3A_13 = vector.extract_strided_slice %add3A_9 {offsets = [0, 128], sizes = [400, 128], strides = [1, 1]} : vector<400x384xf32> to vector<400x128xf32>
    %slice3A_14 = vector.extract_strided_slice %add3A_9 {offsets = [0, 256], sizes = [400, 128], strides = [1, 1]} : vector<400x384xf32> to vector<400x128xf32>
    %slice3A_15 = vector.extract_strided_slice %get3A_12 {offsets = [0, 0], sizes = [1, 128], strides = [1, 1]} : vector<1x384xf32> to vector<1x128xf32>
    %slice3A_16 = vector.extract_strided_slice %get3A_12 {offsets = [0, 128], sizes = [1, 128], strides = [1, 1]} : vector<1x384xf32> to vector<1x128xf32>
    %slice3A_17 = vector.extract_strided_slice %get3A_12 {offsets = [0, 256], sizes = [1, 128], strides = [1, 1]} : vector<1x384xf32> to vector<1x128xf32>
    %add3A_18 = vector.broadcast %slice3A_15 : vector<1x128xf32> to vector<400x128xf32>
    %add3A_19 = arith.addf %slice3A, %add3A_18 : vector<400x128xf32>
    %neg3A = arith.constant 0.000000e+00 : f32
    %neg3A_20 = vector.broadcast %neg3A : f32 to vector<400x128xf32>
    %neg3A_21 = arith.subf %neg3A_20, %add3A_19 : vector<400x128xf32>
    %exp3A = math.exp %neg3A_21 : vector<400x128xf32>
    %add3A_22 = arith.constant 1.000000e+00 : f32
    %add3A_23 = vector.broadcast %add3A_22 : f32 to vector<400x128xf32>
    %add3A_24 = arith.addf %add3A_23, %exp3A : vector<400x128xf32>
    %div3A = arith.constant 1.000000e+00 : f32
    %div3A_25 = vector.broadcast %div3A : f32 to vector<400x128xf32>
    %div3A_26 = arith.divf %div3A_25, %add3A_24 : vector<400x128xf32>
    %add3A_27 = vector.broadcast %slice3A_16 : vector<1x128xf32> to vector<400x128xf32>
    %add3A_28 = arith.addf %slice3A_13, %add3A_27 : vector<400x128xf32>
    %neg3A_29 = arith.constant 0.000000e+00 : f32
    %neg3A_30 = vector.broadcast %neg3A_29 : f32 to vector<400x128xf32>
    %neg3A_31 = arith.subf %neg3A_30, %add3A_28 : vector<400x128xf32>
    %exp3A_32 = math.exp %neg3A_31 : vector<400x128xf32>
    %add3A_33 = arith.constant 1.000000e+00 : f32
    %add3A_34 = vector.broadcast %add3A_33 : f32 to vector<400x128xf32>
    %add3A_35 = arith.addf %add3A_34, %exp3A_32 : vector<400x128xf32>
    %div3A_36 = arith.constant 1.000000e+00 : f32
    %div3A_37 = vector.broadcast %div3A_36 : f32 to vector<400x128xf32>
    %div3A_38 = arith.divf %div3A_37, %add3A_35 : vector<400x128xf32>
    %mul3A = vector.broadcast %slice3A_17 : vector<1x128xf32> to vector<400x128xf32>
    %mul3A_39 = arith.mulf %div3A_26, %mul3A : vector<400x128xf32>
    %add3A_40 = arith.addf %slice3A_14, %mul3A_39 : vector<400x128xf32>
    %tanh3A = math.tanh %add3A_40 : vector<400x128xf32>
    %sub3A = arith.constant 1.000000e+00 : f32
    %sub3A_41 = vector.broadcast %sub3A : f32 to vector<400x128xf32>
    %sub3A_42 = arith.subf %sub3A_41, %div3A_38 : vector<400x128xf32>
    %mul3A_43 = arith.mulf %sub3A_42, %tanh3A : vector<400x128xf32>
    %swap3A = arith.constant 0 : index
    %swap3A_44 = arith.constant 0 : index
    %swap3A_45 = vector.load %arg5[%swap3A, %swap3A_44] : memref<400x128xf32, #tpu.memory_space<vmem>>, vector<400x128xf32>
    tpu.vector_store %arg5[%swap3A, %swap3A_44], %mul3A_43 {strides = array<i32>} : memref<400x128xf32, #tpu.memory_space<vmem>>, vector<400x128xf32>,
    return
  }
  func.func @transform_0(%arg0: i32) -> (i32, i32) {
    %c0_i32 = arith.constant 0 : i32
    %c0_i32_0 = arith.constant 0 : i32
    return %arg0, %c0_i32 : i32, i32
  }
  func.func @transform_1(%arg0: i32) -> (i32, i32) {
    %c0_i32 = arith.constant 0 : i32
    %c0_i32_0 = arith.constant 0 : i32
    %c0_i32_1 = arith.constant 0 : i32
    return %c0_i32, %c0_i32_0 : i32, i32
  }
  func.func @transform_2(%arg0: i32) -> (i32, i32) {
    %c0_i32 = arith.constant 0 : i32
    %c0_i32_0 = arith.constant 0 : i32
    %c0_i32_1 = arith.constant 0 : i32
    return %c0_i32, %c0_i32_0 : i32, i32
  }
  func.func @transform_3(%arg0: i32) -> (i32, i32) {
    %c0_i32 = arith.constant 0 : i32
    %c0_i32_0 = arith.constant 0 : i32
    %c0_i32_1 = arith.constant 0 : i32
    return %c0_i32, %c0_i32_0 : i32, i32
  }
  func.func @transform_4(%arg0: i32) -> (i32, i32) {
    %c0_i32 = arith.constant 0 : i32
    %c0_i32_0 = arith.constant 0 : i32
    return %arg0, %c0_i32 : i32, i32
  }
}

module attributes {stable_mosaic.version = 14 : i64} {
  func.func @_gate_st_body(%arg0: i32, %arg1: memref<10000x128xf32, #tpu.memory_space<vmem>>, %arg2: memref<8x128xf32, #tpu.memory_space<vmem>>, %arg3: memref<10000x8xf32, #tpu.memory_space<vmem>>) attributes {dimension_semantics = [#tpu.dimension_semantics<arbitrary>], iteration_bounds = array<i64: 1>, scalar_prefetch = 0 : i64, scratch_operands = 0 : i64, tpu.core_type = #tpu.core_type<tc>, window_params = [{pipeline_mode = #tpu.pipeline_mode<synchronous>, transform_indices = @transform_0, window_bounds = array<i64: 10000, 128>}, {pipeline_mode = #tpu.pipeline_mode<synchronous>, transform_indices = @transform_1, window_bounds = array<i64: 8, 128>}, {pipeline_mode = #tpu.pipeline_mode<synchronous>, transform_indices = @transform_2, window_bounds = array<i64: 10000, 8>}]} {
    %get3A = arith.constant 0 : index
    %get3A_0 = arith.constant 0 : index
    %get3A_1 = vector.load %arg1[%get3A, %get3A_0] : memref<10000x128xf32, #tpu.memory_space<vmem>>, vector<10000x128xf32>
    %get3A_2 = arith.constant 0 : index
    %get3A_3 = arith.constant 0 : index
    %get3A_4 = vector.load %arg2[%get3A_2, %get3A_3] : memref<8x128xf32, #tpu.memory_space<vmem>>, vector<8x128xf32>
    %dot_general3A = arith.constant dense<0.000000e+00> : vector<10000x8xf32>
    %dot_general3A_5 = tpu.matmul %get3A_1, %get3A_4, %dot_general3A {dimension_numbers = #tpu.dot_dimension_numbers<[1], [1], [0], [0], [0, 0, 1, 0], [], []>, transpose_lhs_hint = false} : vector<10000x128xf32>, vector<8x128xf32>, vector<10000x8xf32> -> vector<10000x8xf32>
    %swap3A = arith.constant 0 : index
    %swap3A_6 = arith.constant 0 : index
    %swap3A_7 = vector.load %arg3[%swap3A, %swap3A_6] : memref<10000x8xf32, #tpu.memory_space<vmem>>, vector<10000x8xf32>
    tpu.vector_store %arg3[%swap3A, %swap3A_6], %dot_general3A_5 {strides = array<i32>} : memref<10000x8xf32, #tpu.memory_space<vmem>>, vector<10000x8xf32>,
    return
  }
  func.func @transform_0(%arg0: i32) -> (i32, i32) {
    %c0_i32 = arith.constant 0 : i32
    %c0_i32_0 = arith.constant 0 : i32
    %c0_i32_1 = arith.constant 0 : i32
    return %c0_i32, %c0_i32_0 : i32, i32
  }
  func.func @transform_1(%arg0: i32) -> (i32, i32) {
    %c0_i32 = arith.constant 0 : i32
    %c0_i32_0 = arith.constant 0 : i32
    %c0_i32_1 = arith.constant 0 : i32
    return %c0_i32, %c0_i32_0 : i32, i32
  }
  func.func @transform_2(%arg0: i32) -> (i32, i32) {
    %c0_i32 = arith.constant 0 : i32
    %c0_i32_0 = arith.constant 0 : i32
    %c0_i32_1 = arith.constant 0 : i32
    return %c0_i32, %c0_i32_0 : i32, i32
  }
}

module attributes {stable_mosaic.version = 14 : i64} {
  func.func @_stage0_body(%arg0: i32, %arg1: memref<640x128xf32, #tpu.memory_space<vmem>>, %arg2: memref<128x384xf32, #tpu.memory_space<vmem>>, %arg3: memref<1x384xf32, #tpu.memory_space<vmem>>, %arg4: memref<1x384xf32, #tpu.memory_space<vmem>>, %arg5: memref<8x128xf32, #tpu.memory_space<vmem>>, %arg6: memref<1x8xf32, #tpu.memory_space<vmem>>, %arg7: memref<640x128xf32, #tpu.memory_space<vmem>>, %arg8: memref<640x8xf32, #tpu.memory_space<vmem>>) attributes {dimension_semantics = [#tpu.dimension_semantics<arbitrary>], iteration_bounds = array<i64: 250>, scalar_prefetch = 0 : i64, scratch_operands = 0 : i64, tpu.core_type = #tpu.core_type<tc>, window_params = [{transform_indices = @transform_0, window_bounds = array<i64: 640, 128>}, {pipeline_mode = #tpu.pipeline_mode<synchronous>, transform_indices = @transform_1, window_bounds = array<i64: 128, 384>}, {pipeline_mode = #tpu.pipeline_mode<synchronous>, transform_indices = @transform_2, window_bounds = array<i64: 1, 384>}, {pipeline_mode = #tpu.pipeline_mode<synchronous>, transform_indices = @transform_3, window_bounds = array<i64: 1, 384>}, {pipeline_mode = #tpu.pipeline_mode<synchronous>, transform_indices = @transform_4, window_bounds = array<i64: 8, 128>}, {pipeline_mode = #tpu.pipeline_mode<synchronous>, transform_indices = @transform_5, window_bounds = array<i64: 1, 8>}, {transform_indices = @transform_6, window_bounds = array<i64: 640, 128>}, {transform_indices = @transform_7, window_bounds = array<i64: 640, 8>}]} {
    %get3A = arith.constant 0 : index
    %get3A_0 = arith.constant 0 : index
    %get3A_1 = vector.load %arg1[%get3A, %get3A_0] : memref<640x128xf32, #tpu.memory_space<vmem>>, vector<640x128xf32>
    %get3A_2 = arith.constant 0 : index
    %get3A_3 = arith.constant 0 : index
    %get3A_4 = vector.load %arg2[%get3A_2, %get3A_3] : memref<128x384xf32, #tpu.memory_space<vmem>>, vector<128x384xf32>
    %dot_general3A = arith.constant dense<0.000000e+00> : vector<640x384xf32>
    %dot_general3A_5 = tpu.matmul %get3A_1, %get3A_4, %dot_general3A {dimension_numbers = #tpu.dot_dimension_numbers<[1], [0], [0], [1], [0, 0, 1, 1], [], []>, transpose_lhs_hint = false} : vector<640x128xf32>, vector<128x384xf32>, vector<640x384xf32> -> vector<640x384xf32>
    %get3A_6 = arith.constant 0 : index
    %get3A_7 = arith.constant 0 : index
    %get3A_8 = vector.load %arg3[%get3A_6, %get3A_7] : memref<1x384xf32, #tpu.memory_space<vmem>>, vector<1x384xf32>
    %add3A = vector.broadcast %get3A_8 : vector<1x384xf32> to vector<640x384xf32>
    %add3A_9 = arith.addf %dot_general3A_5, %add3A : vector<640x384xf32>
    %get3A_10 = arith.constant 0 : index
    %get3A_11 = arith.constant 0 : index
    %get3A_12 = vector.load %arg4[%get3A_10, %get3A_11] : memref<1x384xf32, #tpu.memory_space<vmem>>, vector<1x384xf32>
    %slice3A = vector.extract_strided_slice %add3A_9 {offsets = [0, 0], sizes = [640, 128], strides = [1, 1]} : vector<640x384xf32> to vector<640x128xf32>
    %slice3A_13 = vector.extract_strided_slice %add3A_9 {offsets = [0, 128], sizes = [640, 128], strides = [1, 1]} : vector<640x384xf32> to vector<640x128xf32>
    %slice3A_14 = vector.extract_strided_slice %add3A_9 {offsets = [0, 256], sizes = [640, 128], strides = [1, 1]} : vector<640x384xf32> to vector<640x128xf32>
    %slice3A_15 = vector.extract_strided_slice %get3A_12 {offsets = [0, 0], sizes = [1, 128], strides = [1, 1]} : vector<1x384xf32> to vector<1x128xf32>
    %slice3A_16 = vector.extract_strided_slice %get3A_12 {offsets = [0, 128], sizes = [1, 128], strides = [1, 1]} : vector<1x384xf32> to vector<1x128xf32>
    %slice3A_17 = vector.extract_strided_slice %get3A_12 {offsets = [0, 256], sizes = [1, 128], strides = [1, 1]} : vector<1x384xf32> to vector<1x128xf32>
    %add3A_18 = vector.broadcast %slice3A_15 : vector<1x128xf32> to vector<640x128xf32>
    %add3A_19 = arith.addf %slice3A, %add3A_18 : vector<640x128xf32>
    %neg3A = arith.constant 0.000000e+00 : f32
    %neg3A_20 = vector.broadcast %neg3A : f32 to vector<640x128xf32>
    %neg3A_21 = arith.subf %neg3A_20, %add3A_19 : vector<640x128xf32>
    %exp3A = math.exp %neg3A_21 : vector<640x128xf32>
    %add3A_22 = arith.constant 1.000000e+00 : f32
    %add3A_23 = vector.broadcast %add3A_22 : f32 to vector<640x128xf32>
    %add3A_24 = arith.addf %add3A_23, %exp3A : vector<640x128xf32>
    %div3A = arith.constant 1.000000e+00 : f32
    %div3A_25 = vector.broadcast %div3A : f32 to vector<640x128xf32>
    %div3A_26 = arith.divf %div3A_25, %add3A_24 : vector<640x128xf32>
    %add3A_27 = vector.broadcast %slice3A_16 : vector<1x128xf32> to vector<640x128xf32>
    %add3A_28 = arith.addf %slice3A_13, %add3A_27 : vector<640x128xf32>
    %neg3A_29 = arith.constant 0.000000e+00 : f32
    %neg3A_30 = vector.broadcast %neg3A_29 : f32 to vector<640x128xf32>
    %neg3A_31 = arith.subf %neg3A_30, %add3A_28 : vector<640x128xf32>
    %exp3A_32 = math.exp %neg3A_31 : vector<640x128xf32>
    %add3A_33 = arith.constant 1.000000e+00 : f32
    %add3A_34 = vector.broadcast %add3A_33 : f32 to vector<640x128xf32>
    %add3A_35 = arith.addf %add3A_34, %exp3A_32 : vector<640x128xf32>
    %div3A_36 = arith.constant 1.000000e+00 : f32
    %div3A_37 = vector.broadcast %div3A_36 : f32 to vector<640x128xf32>
    %div3A_38 = arith.divf %div3A_37, %add3A_35 : vector<640x128xf32>
    %mul3A = vector.broadcast %slice3A_17 : vector<1x128xf32> to vector<640x128xf32>
    %mul3A_39 = arith.mulf %div3A_26, %mul3A : vector<640x128xf32>
    %add3A_40 = arith.addf %slice3A_14, %mul3A_39 : vector<640x128xf32>
    %tanh3A = math.tanh %add3A_40 : vector<640x128xf32>
    %sub3A = arith.constant 1.000000e+00 : f32
    %sub3A_41 = vector.broadcast %sub3A : f32 to vector<640x128xf32>
    %sub3A_42 = arith.subf %sub3A_41, %div3A_38 : vector<640x128xf32>
    %mul3A_43 = arith.mulf %sub3A_42, %tanh3A : vector<640x128xf32>
    %swap3A = arith.constant 0 : index
    %swap3A_44 = arith.constant 0 : index
    %swap3A_45 = vector.load %arg7[%swap3A, %swap3A_44] : memref<640x128xf32, #tpu.memory_space<vmem>>, vector<640x128xf32>
    tpu.vector_store %arg7[%swap3A, %swap3A_44], %mul3A_43 {strides = array<i32>} : memref<640x128xf32, #tpu.memory_space<vmem>>, vector<640x128xf32>,
    %get3A_46 = arith.constant 0 : index
    %get3A_47 = arith.constant 0 : index
    %get3A_48 = vector.load %arg5[%get3A_46, %get3A_47] : memref<8x128xf32, #tpu.memory_space<vmem>>, vector<8x128xf32>
    %get3A_49 = arith.constant 0 : index
    %get3A_50 = arith.constant 0 : index
    %get3A_51 = vector.load %arg6[%get3A_49, %get3A_50] : memref<1x8xf32, #tpu.memory_space<vmem>>, vector<1x8xf32>
    %dot_general3A_52 = arith.constant dense<0.000000e+00> : vector<640x8xf32>
    %dot_general3A_53 = tpu.matmul %mul3A_43, %get3A_48, %dot_general3A_52 {dimension_numbers = #tpu.dot_dimension_numbers<[1], [1], [0], [0], [0, 0, 1, 0], [], []>, transpose_lhs_hint = false} : vector<640x128xf32>, vector<8x128xf32>, vector<640x8xf32> -> vector<640x8xf32>
    %add3A_54 = vector.broadcast %get3A_51 : vector<1x8xf32> to vector<640x8xf32>
    %add3A_55 = arith.addf %dot_general3A_53, %add3A_54 : vector<640x8xf32>
    %swap3A_56 = arith.constant 0 : index
    %swap3A_57 = arith.constant 0 : index
    %swap3A_58 = vector.load %arg8[%swap3A_56, %swap3A_57] : memref<640x8xf32, #tpu.memory_space<vmem>>, vector<640x8xf32>
    tpu.vector_store %arg8[%swap3A_56, %swap3A_57], %add3A_55 {strides = array<i32>} : memref<640x8xf32, #tpu.memory_space<vmem>>, vector<640x8xf32>,
    return
  }
  func.func @transform_0(%arg0: i32) -> (i32, i32) {
    %c0_i32 = arith.constant 0 : i32
    %c0_i32_0 = arith.constant 0 : i32
    return %arg0, %c0_i32 : i32, i32
  }
  func.func @transform_1(%arg0: i32) -> (i32, i32) {
    %c0_i32 = arith.constant 0 : i32
    %c0_i32_0 = arith.constant 0 : i32
    %c0_i32_1 = arith.constant 0 : i32
    return %c0_i32, %c0_i32_0 : i32, i32
  }
  func.func @transform_2(%arg0: i32) -> (i32, i32) {
    %c0_i32 = arith.constant 0 : i32
    %c0_i32_0 = arith.constant 0 : i32
    %c0_i32_1 = arith.constant 0 : i32
    return %c0_i32, %c0_i32_0 : i32, i32
  }
  func.func @transform_3(%arg0: i32) -> (i32, i32) {
    %c0_i32 = arith.constant 0 : i32
    %c0_i32_0 = arith.constant 0 : i32
    %c0_i32_1 = arith.constant 0 : i32
    return %c0_i32, %c0_i32_0 : i32, i32
  }
  func.func @transform_4(%arg0: i32) -> (i32, i32) {
    %c0_i32 = arith.constant 0 : i32
    %c0_i32_0 = arith.constant 0 : i32
    %c0_i32_1 = arith.constant 0 : i32
    return %c0_i32, %c0_i32_0 : i32, i32
  }
  func.func @transform_5(%arg0: i32) -> (i32, i32) {
    %c0_i32 = arith.constant 0 : i32
    %c0_i32_0 = arith.constant 0 : i32
    %c0_i32_1 = arith.constant 0 : i32
    return %c0_i32, %c0_i32_0 : i32, i32
  }
  func.func @transform_6(%arg0: i32) -> (i32, i32) {
    %c0_i32 = arith.constant 0 : i32
    %c0_i32_0 = arith.constant 0 : i32
    return %arg0, %c0_i32 : i32, i32
  }
  func.func @transform_7(%arg0: i32) -> (i32, i32) {
    %c0_i32 = arith.constant 0 : i32
    %c0_i32_0 = arith.constant 0 : i32
    return %arg0, %c0_i32 : i32, i32
  }
}

module attributes {stable_mosaic.version = 14 : i64} {
  func.func @_node_layer_body(%arg0: i32, %arg1: memref<400x128xf32, #tpu.memory_space<vmem>>, %arg2: memref<400x128xf32, #tpu.memory_space<vmem>>, %arg3: memref<400x8xf32, #tpu.memory_space<vmem>>, %arg4: memref<400x8xf32, #tpu.memory_space<vmem>>, %arg5: memref<400x128xf32, #tpu.memory_space<vmem>>, %arg6: memref<128x384xf32, #tpu.memory_space<vmem>>, %arg7: memref<128x384xf32, #tpu.memory_space<vmem>>, %arg8: memref<1x384xf32, #tpu.memory_space<vmem>>, %arg9: memref<1x384xf32, #tpu.memory_space<vmem>>, %arg10: memref<400x128xf32, #tpu.memory_space<vmem>>) attributes {dimension_semantics = [#tpu.dimension_semantics<arbitrary>], iteration_bounds = array<i64: 25>, scalar_prefetch = 0 : i64, scratch_operands = 0 : i64, tpu.core_type = #tpu.core_type<tc>, window_params = [{transform_indices = @transform_0, window_bounds = array<i64: 400, 128>}, {transform_indices = @transform_1, window_bounds = array<i64: 400, 128>}, {transform_indices = @transform_2, window_bounds = array<i64: 400, 8>}, {transform_indices = @transform_3, window_bounds = array<i64: 400, 8>}, {transform_indices = @transform_4, window_bounds = array<i64: 400, 128>}, {pipeline_mode = #tpu.pipeline_mode<synchronous>, transform_indices = @transform_5, window_bounds = array<i64: 128, 384>}, {pipeline_mode = #tpu.pipeline_mode<synchronous>, transform_indices = @transform_6, window_bounds = array<i64: 128, 384>}, {pipeline_mode = #tpu.pipeline_mode<synchronous>, transform_indices = @transform_7, window_bounds = array<i64: 1, 384>}, {pipeline_mode = #tpu.pipeline_mode<synchronous>, transform_indices = @transform_8, window_bounds = array<i64: 1, 384>}, {transform_indices = @transform_9, window_bounds = array<i64: 400, 128>}]} {
    %get3A = arith.constant 0 : index
    %get3A_0 = arith.constant 0 : index
    %get3A_1 = vector.load %arg3[%get3A, %get3A_0] : memref<400x8xf32, #tpu.memory_space<vmem>>, vector<400x8xf32>
    %slice3A = vector.extract_strided_slice %get3A_1 {offsets = [0, 0], sizes = [400, 1], strides = [1, 1]} : vector<400x8xf32> to vector<400x1xf32>
    %get3A_2 = arith.constant 0 : index
    %get3A_3 = arith.constant 0 : index
    %get3A_4 = vector.load %arg4[%get3A_2, %get3A_3] : memref<400x8xf32, #tpu.memory_space<vmem>>, vector<400x8xf32>
    %slice3A_5 = vector.extract_strided_slice %get3A_4 {offsets = [0, 0], sizes = [400, 1], strides = [1, 1]} : vector<400x8xf32> to vector<400x1xf32>
    %add3A = arith.addf %slice3A, %slice3A_5 : vector<400x1xf32>
    %get3A_6 = arith.constant 0 : index
    %get3A_7 = arith.constant 0 : index
    %get3A_8 = vector.load %arg1[%get3A_6, %get3A_7] : memref<400x128xf32, #tpu.memory_space<vmem>>, vector<400x128xf32>
    %get3A_9 = arith.constant 0 : index
    %get3A_10 = arith.constant 0 : index
    %get3A_11 = vector.load %arg2[%get3A_9, %get3A_10] : memref<400x128xf32, #tpu.memory_space<vmem>>, vector<400x128xf32>
    %add3A_12 = arith.addf %get3A_8, %get3A_11 : vector<400x128xf32>
    %max3A = arith.constant 1.000000e+00 : f32
    %max3A_13 = vector.broadcast %max3A : f32 to vector<400x1xf32>
    %max3A_14 = arith.maximumf %add3A, %max3A_13 : vector<400x1xf32>
    %div3A = vector.broadcast %max3A_14 : vector<400x1xf32> to vector<400x128xf32>
    %div3A_15 = arith.divf %add3A_12, %div3A : vector<400x128xf32>
    %get3A_16 = arith.constant 0 : index
    %get3A_17 = arith.constant 0 : index
    %get3A_18 = vector.load %arg5[%get3A_16, %get3A_17] : memref<400x128xf32, #tpu.memory_space<vmem>>, vector<400x128xf32>
    %get3A_19 = arith.constant 0 : index
    %get3A_20 = arith.constant 0 : index
    %get3A_21 = vector.load %arg6[%get3A_19, %get3A_20] : memref<128x384xf32, #tpu.memory_space<vmem>>, vector<128x384xf32>
    %dot_general3A = arith.constant dense<0.000000e+00> : vector<400x384xf32>
    %dot_general3A_22 = tpu.matmul %div3A_15, %get3A_21, %dot_general3A {dimension_numbers = #tpu.dot_dimension_numbers<[1], [0], [0], [1], [0, 0, 1, 1], [], []>, transpose_lhs_hint = false} : vector<400x128xf32>, vector<128x384xf32>, vector<400x384xf32> -> vector<400x384xf32>
    %get3A_23 = arith.constant 0 : index
    %get3A_24 = arith.constant 0 : index
    %get3A_25 = vector.load %arg8[%get3A_23, %get3A_24] : memref<1x384xf32, #tpu.memory_space<vmem>>, vector<1x384xf32>
    %add3A_26 = vector.broadcast %get3A_25 : vector<1x384xf32> to vector<400x384xf32>
    %add3A_27 = arith.addf %dot_general3A_22, %add3A_26 : vector<400x384xf32>
    %get3A_28 = arith.constant 0 : index
    %get3A_29 = arith.constant 0 : index
    %get3A_30 = vector.load %arg7[%get3A_28, %get3A_29] : memref<128x384xf32, #tpu.memory_space<vmem>>, vector<128x384xf32>
    %dot_general3A_31 = arith.constant dense<0.000000e+00> : vector<400x384xf32>
    %dot_general3A_32 = tpu.matmul %get3A_18, %get3A_30, %dot_general3A_31 {dimension_numbers = #tpu.dot_dimension_numbers<[1], [0], [0], [1], [0, 0, 1, 1], [], []>, transpose_lhs_hint = false} : vector<400x128xf32>, vector<128x384xf32>, vector<400x384xf32> -> vector<400x384xf32>
    %get3A_33 = arith.constant 0 : index
    %get3A_34 = arith.constant 0 : index
    %get3A_35 = vector.load %arg9[%get3A_33, %get3A_34] : memref<1x384xf32, #tpu.memory_space<vmem>>, vector<1x384xf32>
    %add3A_36 = vector.broadcast %get3A_35 : vector<1x384xf32> to vector<400x384xf32>
    %add3A_37 = arith.addf %dot_general3A_32, %add3A_36 : vector<400x384xf32>
    %slice3A_38 = vector.extract_strided_slice %add3A_27 {offsets = [0, 0], sizes = [400, 128], strides = [1, 1]} : vector<400x384xf32> to vector<400x128xf32>
    %slice3A_39 = vector.extract_strided_slice %add3A_27 {offsets = [0, 128], sizes = [400, 128], strides = [1, 1]} : vector<400x384xf32> to vector<400x128xf32>
    %slice3A_40 = vector.extract_strided_slice %add3A_27 {offsets = [0, 256], sizes = [400, 128], strides = [1, 1]} : vector<400x384xf32> to vector<400x128xf32>
    %slice3A_41 = vector.extract_strided_slice %add3A_37 {offsets = [0, 0], sizes = [400, 128], strides = [1, 1]} : vector<400x384xf32> to vector<400x128xf32>
    %slice3A_42 = vector.extract_strided_slice %add3A_37 {offsets = [0, 128], sizes = [400, 128], strides = [1, 1]} : vector<400x384xf32> to vector<400x128xf32>
    %slice3A_43 = vector.extract_strided_slice %add3A_37 {offsets = [0, 256], sizes = [400, 128], strides = [1, 1]} : vector<400x384xf32> to vector<400x128xf32>
    %add3A_44 = arith.addf %slice3A_38, %slice3A_41 : vector<400x128xf32>
    %neg3A = arith.constant 0.000000e+00 : f32
    %neg3A_45 = vector.broadcast %neg3A : f32 to vector<400x128xf32>
    %neg3A_46 = arith.subf %neg3A_45, %add3A_44 : vector<400x128xf32>
    %exp3A = math.exp %neg3A_46 : vector<400x128xf32>
    %add3A_47 = arith.constant 1.000000e+00 : f32
    %add3A_48 = vector.broadcast %add3A_47 : f32 to vector<400x128xf32>
    %add3A_49 = arith.addf %add3A_48, %exp3A : vector<400x128xf32>
    %div3A_50 = arith.constant 1.000000e+00 : f32
    %div3A_51 = vector.broadcast %div3A_50 : f32 to vector<400x128xf32>
    %div3A_52 = arith.divf %div3A_51, %add3A_49 : vector<400x128xf32>
    %add3A_53 = arith.addf %slice3A_39, %slice3A_42 : vector<400x128xf32>
    %neg3A_54 = arith.constant 0.000000e+00 : f32
    %neg3A_55 = vector.broadcast %neg3A_54 : f32 to vector<400x128xf32>
    %neg3A_56 = arith.subf %neg3A_55, %add3A_53 : vector<400x128xf32>
    %exp3A_57 = math.exp %neg3A_56 : vector<400x128xf32>
    %add3A_58 = arith.constant 1.000000e+00 : f32
    %add3A_59 = vector.broadcast %add3A_58 : f32 to vector<400x128xf32>
    %add3A_60 = arith.addf %add3A_59, %exp3A_57 : vector<400x128xf32>
    %div3A_61 = arith.constant 1.000000e+00 : f32
    %div3A_62 = vector.broadcast %div3A_61 : f32 to vector<400x128xf32>
    %div3A_63 = arith.divf %div3A_62, %add3A_60 : vector<400x128xf32>
    %mul3A = arith.mulf %div3A_52, %slice3A_43 : vector<400x128xf32>
    %add3A_64 = arith.addf %slice3A_40, %mul3A : vector<400x128xf32>
    %tanh3A = math.tanh %add3A_64 : vector<400x128xf32>
    %sub3A = arith.constant 1.000000e+00 : f32
    %sub3A_65 = vector.broadcast %sub3A : f32 to vector<400x128xf32>
    %sub3A_66 = arith.subf %sub3A_65, %div3A_63 : vector<400x128xf32>
    %mul3A_67 = arith.mulf %sub3A_66, %tanh3A : vector<400x128xf32>
    %mul3A_68 = arith.mulf %div3A_63, %get3A_18 : vector<400x128xf32>
    %add3A_69 = arith.addf %mul3A_67, %mul3A_68 : vector<400x128xf32>
    %swap3A = arith.constant 0 : index
    %swap3A_70 = arith.constant 0 : index
    %swap3A_71 = vector.load %arg10[%swap3A, %swap3A_70] : memref<400x128xf32, #tpu.memory_space<vmem>>, vector<400x128xf32>
    tpu.vector_store %arg10[%swap3A, %swap3A_70], %add3A_69 {strides = array<i32>} : memref<400x128xf32, #tpu.memory_space<vmem>>, vector<400x128xf32>,
    return
  }
  func.func @transform_0(%arg0: i32) -> (i32, i32) {
    %c0_i32 = arith.constant 0 : i32
    %c0_i32_0 = arith.constant 0 : i32
    return %arg0, %c0_i32 : i32, i32
  }
  func.func @transform_1(%arg0: i32) -> (i32, i32) {
    %add3A = arith.constant 25 : i32
    %add3A_0 = arith.addi %arg0, %add3A : i32
    %c0_i32 = arith.constant 0 : i32
    %c0_i32_1 = arith.constant 0 : i32
    return %add3A_0, %c0_i32 : i32, i32
  }
  func.func @transform_2(%arg0: i32) -> (i32, i32) {
    %c0_i32 = arith.constant 0 : i32
    %c0_i32_0 = arith.constant 0 : i32
    return %arg0, %c0_i32 : i32, i32
  }
  func.func @transform_3(%arg0: i32) -> (i32, i32) {
    %add3A = arith.constant 25 : i32
    %add3A_0 = arith.addi %arg0, %add3A : i32
    %c0_i32 = arith.constant 0 : i32
    %c0_i32_1 = arith.constant 0 : i32
    return %add3A_0, %c0_i32 : i32, i32
  }
  func.func @transform_4(%arg0: i32) -> (i32, i32) {
    %c0_i32 = arith.constant 0 : i32
    %c0_i32_0 = arith.constant 0 : i32
    return %arg0, %c0_i32 : i32, i32
  }
  func.func @transform_5(%arg0: i32) -> (i32, i32) {
    %c0_i32 = arith.constant 0 : i32
    %c0_i32_0 = arith.constant 0 : i32
    %c0_i32_1 = arith.constant 0 : i32
    return %c0_i32, %c0_i32_0 : i32, i32
  }
  func.func @transform_6(%arg0: i32) -> (i32, i32) {
    %c0_i32 = arith.constant 0 : i32
    %c0_i32_0 = arith.constant 0 : i32
    %c0_i32_1 = arith.constant 0 : i32
    return %c0_i32, %c0_i32_0 : i32, i32
  }
  func.func @transform_7(%arg0: i32) -> (i32, i32) {
    %c0_i32 = arith.constant 0 : i32
    %c0_i32_0 = arith.constant 0 : i32
    %c0_i32_1 = arith.constant 0 : i32
    return %c0_i32, %c0_i32_0 : i32, i32
  }
  func.func @transform_8(%arg0: i32) -> (i32, i32) {
    %c0_i32 = arith.constant 0 : i32
    %c0_i32_0 = arith.constant 0 : i32
    %c0_i32_1 = arith.constant 0 : i32
    return %c0_i32, %c0_i32_0 : i32, i32
  }
  func.func @transform_9(%arg0: i32) -> (i32, i32) {
    %c0_i32 = arith.constant 0 : i32
    %c0_i32_0 = arith.constant 0 : i32
    return %arg0, %c0_i32 : i32, i32
  }
}

module attributes {stable_mosaic.version = 14 : i64} {
  func.func @_edge_layer_body(%arg0: i32, %arg1: memref<640x128xf32, #tpu.memory_space<vmem>>, %arg2: memref<640x128xf32, #tpu.memory_space<vmem>>, %arg3: memref<128x384xf32, #tpu.memory_space<vmem>>, %arg4: memref<128x384xf32, #tpu.memory_space<vmem>>, %arg5: memref<1x384xf32, #tpu.memory_space<vmem>>, %arg6: memref<1x384xf32, #tpu.memory_space<vmem>>, %arg7: memref<8x128xf32, #tpu.memory_space<vmem>>, %arg8: memref<1x8xf32, #tpu.memory_space<vmem>>, %arg9: memref<640x128xf32, #tpu.memory_space<vmem>>, %arg10: memref<640x8xf32, #tpu.memory_space<vmem>>) attributes {dimension_semantics = [#tpu.dimension_semantics<arbitrary>], iteration_bounds = array<i64: 250>, scalar_prefetch = 0 : i64, scratch_operands = 0 : i64, tpu.core_type = #tpu.core_type<tc>, window_params = [{transform_indices = @transform_0, window_bounds = array<i64: 640, 128>}, {transform_indices = @transform_1, window_bounds = array<i64: 640, 128>}, {pipeline_mode = #tpu.pipeline_mode<synchronous>, transform_indices = @transform_2, window_bounds = array<i64: 128, 384>}, {pipeline_mode = #tpu.pipeline_mode<synchronous>, transform_indices = @transform_3, window_bounds = array<i64: 128, 384>}, {pipeline_mode = #tpu.pipeline_mode<synchronous>, transform_indices = @transform_4, window_bounds = array<i64: 1, 384>}, {pipeline_mode = #tpu.pipeline_mode<synchronous>, transform_indices = @transform_5, window_bounds = array<i64: 1, 384>}, {pipeline_mode = #tpu.pipeline_mode<synchronous>, transform_indices = @transform_6, window_bounds = array<i64: 8, 128>}, {pipeline_mode = #tpu.pipeline_mode<synchronous>, transform_indices = @transform_7, window_bounds = array<i64: 1, 8>}, {transform_indices = @transform_8, window_bounds = array<i64: 640, 128>}, {transform_indices = @transform_9, window_bounds = array<i64: 640, 8>}]} {
    %get3A = arith.constant 0 : index
    %get3A_0 = arith.constant 0 : index
    %get3A_1 = vector.load %arg2[%get3A, %get3A_0] : memref<640x128xf32, #tpu.memory_space<vmem>>, vector<640x128xf32>
    %get3A_2 = arith.constant 0 : index
    %get3A_3 = arith.constant 0 : index
    %get3A_4 = vector.load %arg1[%get3A_2, %get3A_3] : memref<640x128xf32, #tpu.memory_space<vmem>>, vector<640x128xf32>
    %get3A_5 = arith.constant 0 : index
    %get3A_6 = arith.constant 0 : index
    %get3A_7 = vector.load %arg3[%get3A_5, %get3A_6] : memref<128x384xf32, #tpu.memory_space<vmem>>, vector<128x384xf32>
    %dot_general3A = arith.constant dense<0.000000e+00> : vector<640x384xf32>
    %dot_general3A_8 = tpu.matmul %get3A_4, %get3A_7, %dot_general3A {dimension_numbers = #tpu.dot_dimension_numbers<[1], [0], [0], [1], [0, 0, 1, 1], [], []>, transpose_lhs_hint = false} : vector<640x128xf32>, vector<128x384xf32>, vector<640x384xf32> -> vector<640x384xf32>
    %get3A_9 = arith.constant 0 : index
    %get3A_10 = arith.constant 0 : index
    %get3A_11 = vector.load %arg5[%get3A_9, %get3A_10] : memref<1x384xf32, #tpu.memory_space<vmem>>, vector<1x384xf32>
    %add3A = vector.broadcast %get3A_11 : vector<1x384xf32> to vector<640x384xf32>
    %add3A_12 = arith.addf %dot_general3A_8, %add3A : vector<640x384xf32>
    %get3A_13 = arith.constant 0 : index
    %get3A_14 = arith.constant 0 : index
    %get3A_15 = vector.load %arg4[%get3A_13, %get3A_14] : memref<128x384xf32, #tpu.memory_space<vmem>>, vector<128x384xf32>
    %dot_general3A_16 = arith.constant dense<0.000000e+00> : vector<640x384xf32>
    %dot_general3A_17 = tpu.matmul %get3A_1, %get3A_15, %dot_general3A_16 {dimension_numbers = #tpu.dot_dimension_numbers<[1], [0], [0], [1], [0, 0, 1, 1], [], []>, transpose_lhs_hint = false} : vector<640x128xf32>, vector<128x384xf32>, vector<640x384xf32> -> vector<640x384xf32>
    %get3A_18 = arith.constant 0 : index
    %get3A_19 = arith.constant 0 : index
    %get3A_20 = vector.load %arg6[%get3A_18, %get3A_19] : memref<1x384xf32, #tpu.memory_space<vmem>>, vector<1x384xf32>
    %add3A_21 = vector.broadcast %get3A_20 : vector<1x384xf32> to vector<640x384xf32>
    %add3A_22 = arith.addf %dot_general3A_17, %add3A_21 : vector<640x384xf32>
    %slice3A = vector.extract_strided_slice %add3A_12 {offsets = [0, 0], sizes = [640, 128], strides = [1, 1]} : vector<640x384xf32> to vector<640x128xf32>
    %slice3A_23 = vector.extract_strided_slice %add3A_12 {offsets = [0, 128], sizes = [640, 128], strides = [1, 1]} : vector<640x384xf32> to vector<640x128xf32>
    %slice3A_24 = vector.extract_strided_slice %add3A_12 {offsets = [0, 256], sizes = [640, 128], strides = [1, 1]} : vector<640x384xf32> to vector<640x128xf32>
    %slice3A_25 = vector.extract_strided_slice %add3A_22 {offsets = [0, 0], sizes = [640, 128], strides = [1, 1]} : vector<640x384xf32> to vector<640x128xf32>
    %slice3A_26 = vector.extract_strided_slice %add3A_22 {offsets = [0, 128], sizes = [640, 128], strides = [1, 1]} : vector<640x384xf32> to vector<640x128xf32>
    %slice3A_27 = vector.extract_strided_slice %add3A_22 {offsets = [0, 256], sizes = [640, 128], strides = [1, 1]} : vector<640x384xf32> to vector<640x128xf32>
    %add3A_28 = arith.addf %slice3A, %slice3A_25 : vector<640x128xf32>
    %neg3A = arith.constant 0.000000e+00 : f32
    %neg3A_29 = vector.broadcast %neg3A : f32 to vector<640x128xf32>
    %neg3A_30 = arith.subf %neg3A_29, %add3A_28 : vector<640x128xf32>
    %exp3A = math.exp %neg3A_30 : vector<640x128xf32>
    %add3A_31 = arith.constant 1.000000e+00 : f32
    %add3A_32 = vector.broadcast %add3A_31 : f32 to vector<640x128xf32>
    %add3A_33 = arith.addf %add3A_32, %exp3A : vector<640x128xf32>
    %div3A = arith.constant 1.000000e+00 : f32
    %div3A_34 = vector.broadcast %div3A : f32 to vector<640x128xf32>
    %div3A_35 = arith.divf %div3A_34, %add3A_33 : vector<640x128xf32>
    %add3A_36 = arith.addf %slice3A_23, %slice3A_26 : vector<640x128xf32>
    %neg3A_37 = arith.constant 0.000000e+00 : f32
    %neg3A_38 = vector.broadcast %neg3A_37 : f32 to vector<640x128xf32>
    %neg3A_39 = arith.subf %neg3A_38, %add3A_36 : vector<640x128xf32>
    %exp3A_40 = math.exp %neg3A_39 : vector<640x128xf32>
    %add3A_41 = arith.constant 1.000000e+00 : f32
    %add3A_42 = vector.broadcast %add3A_41 : f32 to vector<640x128xf32>
    %add3A_43 = arith.addf %add3A_42, %exp3A_40 : vector<640x128xf32>
    %div3A_44 = arith.constant 1.000000e+00 : f32
    %div3A_45 = vector.broadcast %div3A_44 : f32 to vector<640x128xf32>
    %div3A_46 = arith.divf %div3A_45, %add3A_43 : vector<640x128xf32>
    %mul3A = arith.mulf %div3A_35, %slice3A_27 : vector<640x128xf32>
    %add3A_47 = arith.addf %slice3A_24, %mul3A : vector<640x128xf32>
    %tanh3A = math.tanh %add3A_47 : vector<640x128xf32>
    %sub3A = arith.constant 1.000000e+00 : f32
    %sub3A_48 = vector.broadcast %sub3A : f32 to vector<640x128xf32>
    %sub3A_49 = arith.subf %sub3A_48, %div3A_46 : vector<640x128xf32>
    %mul3A_50 = arith.mulf %sub3A_49, %tanh3A : vector<640x128xf32>
    %mul3A_51 = arith.mulf %div3A_46, %get3A_1 : vector<640x128xf32>
    %add3A_52 = arith.addf %mul3A_50, %mul3A_51 : vector<640x128xf32>
    %swap3A = arith.constant 0 : index
    %swap3A_53 = arith.constant 0 : index
    %swap3A_54 = vector.load %arg9[%swap3A, %swap3A_53] : memref<640x128xf32, #tpu.memory_space<vmem>>, vector<640x128xf32>
    tpu.vector_store %arg9[%swap3A, %swap3A_53], %add3A_52 {strides = array<i32>} : memref<640x128xf32, #tpu.memory_space<vmem>>, vector<640x128xf32>,
    %get3A_55 = arith.constant 0 : index
    %get3A_56 = arith.constant 0 : index
    %get3A_57 = vector.load %arg7[%get3A_55, %get3A_56] : memref<8x128xf32, #tpu.memory_space<vmem>>, vector<8x128xf32>
    %get3A_58 = arith.constant 0 : index
    %get3A_59 = arith.constant 0 : index
    %get3A_60 = vector.load %arg8[%get3A_58, %get3A_59] : memref<1x8xf32, #tpu.memory_space<vmem>>, vector<1x8xf32>
    %dot_general3A_61 = arith.constant dense<0.000000e+00> : vector<640x8xf32>
    %dot_general3A_62 = tpu.matmul %add3A_52, %get3A_57, %dot_general3A_61 {dimension_numbers = #tpu.dot_dimension_numbers<[1], [1], [0], [0], [0, 0, 1, 0], [], []>, transpose_lhs_hint = false} : vector<640x128xf32>, vector<8x128xf32>, vector<640x8xf32> -> vector<640x8xf32>
    %add3A_63 = vector.broadcast %get3A_60 : vector<1x8xf32> to vector<640x8xf32>
    %add3A_64 = arith.addf %dot_general3A_62, %add3A_63 : vector<640x8xf32>
    %swap3A_65 = arith.constant 0 : index
    %swap3A_66 = arith.constant 0 : index
    %swap3A_67 = vector.load %arg10[%swap3A_65, %swap3A_66] : memref<640x8xf32, #tpu.memory_space<vmem>>, vector<640x8xf32>
    tpu.vector_store %arg10[%swap3A_65, %swap3A_66], %add3A_64 {strides = array<i32>} : memref<640x8xf32, #tpu.memory_space<vmem>>, vector<640x8xf32>,
    return
  }
  func.func @transform_0(%arg0: i32) -> (i32, i32) {
    %c0_i32 = arith.constant 0 : i32
    %c0_i32_0 = arith.constant 0 : i32
    return %arg0, %c0_i32 : i32, i32
  }
  func.func @transform_1(%arg0: i32) -> (i32, i32) {
    %c0_i32 = arith.constant 0 : i32
    %c0_i32_0 = arith.constant 0 : i32
    return %arg0, %c0_i32 : i32, i32
  }
  func.func @transform_2(%arg0: i32) -> (i32, i32) {
    %c0_i32 = arith.constant 0 : i32
    %c0_i32_0 = arith.constant 0 : i32
    %c0_i32_1 = arith.constant 0 : i32
    return %c0_i32, %c0_i32_0 : i32, i32
  }
  func.func @transform_3(%arg0: i32) -> (i32, i32) {
    %c0_i32 = arith.constant 0 : i32
    %c0_i32_0 = arith.constant 0 : i32
    %c0_i32_1 = arith.constant 0 : i32
    return %c0_i32, %c0_i32_0 : i32, i32
  }
  func.func @transform_4(%arg0: i32) -> (i32, i32) {
    %c0_i32 = arith.constant 0 : i32
    %c0_i32_0 = arith.constant 0 : i32
    %c0_i32_1 = arith.constant 0 : i32
    return %c0_i32, %c0_i32_0 : i32, i32
  }
  func.func @transform_5(%arg0: i32) -> (i32, i32) {
    %c0_i32 = arith.constant 0 : i32
    %c0_i32_0 = arith.constant 0 : i32
    %c0_i32_1 = arith.constant 0 : i32
    return %c0_i32, %c0_i32_0 : i32, i32
  }
  func.func @transform_6(%arg0: i32) -> (i32, i32) {
    %c0_i32 = arith.constant 0 : i32
    %c0_i32_0 = arith.constant 0 : i32
    %c0_i32_1 = arith.constant 0 : i32
    return %c0_i32, %c0_i32_0 : i32, i32
  }
  func.func @transform_7(%arg0: i32) -> (i32, i32) {
    %c0_i32 = arith.constant 0 : i32
    %c0_i32_0 = arith.constant 0 : i32
    %c0_i32_1 = arith.constant 0 : i32
    return %c0_i32, %c0_i32_0 : i32, i32
  }
  func.func @transform_8(%arg0: i32) -> (i32, i32) {
    %c0_i32 = arith.constant 0 : i32
    %c0_i32_0 = arith.constant 0 : i32
    return %arg0, %c0_i32 : i32, i32
  }
  func.func @transform_9(%arg0: i32) -> (i32, i32) {
    %c0_i32 = arith.constant 0 : i32
    %c0_i32_0 = arith.constant 0 : i32
    return %arg0, %c0_i32 : i32, i32
  }
}

module attributes {stable_mosaic.version = 14 : i64} {
  func.func @_node_layer_body(%arg0: i32, %arg1: memref<400x128xf32, #tpu.memory_space<vmem>>, %arg2: memref<400x128xf32, #tpu.memory_space<vmem>>, %arg3: memref<400x8xf32, #tpu.memory_space<vmem>>, %arg4: memref<400x8xf32, #tpu.memory_space<vmem>>, %arg5: memref<400x128xf32, #tpu.memory_space<vmem>>, %arg6: memref<128x384xf32, #tpu.memory_space<vmem>>, %arg7: memref<128x384xf32, #tpu.memory_space<vmem>>, %arg8: memref<1x384xf32, #tpu.memory_space<vmem>>, %arg9: memref<1x384xf32, #tpu.memory_space<vmem>>, %arg10: memref<400x128xf32, #tpu.memory_space<vmem>>) attributes {dimension_semantics = [#tpu.dimension_semantics<arbitrary>], iteration_bounds = array<i64: 25>, scalar_prefetch = 0 : i64, scratch_operands = 0 : i64, tpu.core_type = #tpu.core_type<tc>, window_params = [{transform_indices = @transform_0, window_bounds = array<i64: 400, 128>}, {transform_indices = @transform_1, window_bounds = array<i64: 400, 128>}, {transform_indices = @transform_2, window_bounds = array<i64: 400, 8>}, {transform_indices = @transform_3, window_bounds = array<i64: 400, 8>}, {transform_indices = @transform_4, window_bounds = array<i64: 400, 128>}, {pipeline_mode = #tpu.pipeline_mode<synchronous>, transform_indices = @transform_5, window_bounds = array<i64: 128, 384>}, {pipeline_mode = #tpu.pipeline_mode<synchronous>, transform_indices = @transform_6, window_bounds = array<i64: 128, 384>}, {pipeline_mode = #tpu.pipeline_mode<synchronous>, transform_indices = @transform_7, window_bounds = array<i64: 1, 384>}, {pipeline_mode = #tpu.pipeline_mode<synchronous>, transform_indices = @transform_8, window_bounds = array<i64: 1, 384>}, {transform_indices = @transform_9, window_bounds = array<i64: 400, 128>}]} {
    %get3A = arith.constant 0 : index
    %get3A_0 = arith.constant 0 : index
    %get3A_1 = vector.load %arg3[%get3A, %get3A_0] : memref<400x8xf32, #tpu.memory_space<vmem>>, vector<400x8xf32>
    %slice3A = vector.extract_strided_slice %get3A_1 {offsets = [0, 0], sizes = [400, 1], strides = [1, 1]} : vector<400x8xf32> to vector<400x1xf32>
    %get3A_2 = arith.constant 0 : index
    %get3A_3 = arith.constant 0 : index
    %get3A_4 = vector.load %arg4[%get3A_2, %get3A_3] : memref<400x8xf32, #tpu.memory_space<vmem>>, vector<400x8xf32>
    %slice3A_5 = vector.extract_strided_slice %get3A_4 {offsets = [0, 0], sizes = [400, 1], strides = [1, 1]} : vector<400x8xf32> to vector<400x1xf32>
    %add3A = arith.addf %slice3A, %slice3A_5 : vector<400x1xf32>
    %get3A_6 = arith.constant 0 : index
    %get3A_7 = arith.constant 0 : index
    %get3A_8 = vector.load %arg1[%get3A_6, %get3A_7] : memref<400x128xf32, #tpu.memory_space<vmem>>, vector<400x128xf32>
    %get3A_9 = arith.constant 0 : index
    %get3A_10 = arith.constant 0 : index
    %get3A_11 = vector.load %arg2[%get3A_9, %get3A_10] : memref<400x128xf32, #tpu.memory_space<vmem>>, vector<400x128xf32>
    %add3A_12 = arith.addf %get3A_8, %get3A_11 : vector<400x128xf32>
    %max3A = arith.constant 1.000000e+00 : f32
    %max3A_13 = vector.broadcast %max3A : f32 to vector<400x1xf32>
    %max3A_14 = arith.maximumf %add3A, %max3A_13 : vector<400x1xf32>
    %div3A = vector.broadcast %max3A_14 : vector<400x1xf32> to vector<400x128xf32>
    %div3A_15 = arith.divf %add3A_12, %div3A : vector<400x128xf32>
    %get3A_16 = arith.constant 0 : index
    %get3A_17 = arith.constant 0 : index
    %get3A_18 = vector.load %arg5[%get3A_16, %get3A_17] : memref<400x128xf32, #tpu.memory_space<vmem>>, vector<400x128xf32>
    %get3A_19 = arith.constant 0 : index
    %get3A_20 = arith.constant 0 : index
    %get3A_21 = vector.load %arg6[%get3A_19, %get3A_20] : memref<128x384xf32, #tpu.memory_space<vmem>>, vector<128x384xf32>
    %dot_general3A = arith.constant dense<0.000000e+00> : vector<400x384xf32>
    %dot_general3A_22 = tpu.matmul %div3A_15, %get3A_21, %dot_general3A {dimension_numbers = #tpu.dot_dimension_numbers<[1], [0], [0], [1], [0, 0, 1, 1], [], []>, transpose_lhs_hint = false} : vector<400x128xf32>, vector<128x384xf32>, vector<400x384xf32> -> vector<400x384xf32>
    %get3A_23 = arith.constant 0 : index
    %get3A_24 = arith.constant 0 : index
    %get3A_25 = vector.load %arg8[%get3A_23, %get3A_24] : memref<1x384xf32, #tpu.memory_space<vmem>>, vector<1x384xf32>
    %add3A_26 = vector.broadcast %get3A_25 : vector<1x384xf32> to vector<400x384xf32>
    %add3A_27 = arith.addf %dot_general3A_22, %add3A_26 : vector<400x384xf32>
    %get3A_28 = arith.constant 0 : index
    %get3A_29 = arith.constant 0 : index
    %get3A_30 = vector.load %arg7[%get3A_28, %get3A_29] : memref<128x384xf32, #tpu.memory_space<vmem>>, vector<128x384xf32>
    %dot_general3A_31 = arith.constant dense<0.000000e+00> : vector<400x384xf32>
    %dot_general3A_32 = tpu.matmul %get3A_18, %get3A_30, %dot_general3A_31 {dimension_numbers = #tpu.dot_dimension_numbers<[1], [0], [0], [1], [0, 0, 1, 1], [], []>, transpose_lhs_hint = false} : vector<400x128xf32>, vector<128x384xf32>, vector<400x384xf32> -> vector<400x384xf32>
    %get3A_33 = arith.constant 0 : index
    %get3A_34 = arith.constant 0 : index
    %get3A_35 = vector.load %arg9[%get3A_33, %get3A_34] : memref<1x384xf32, #tpu.memory_space<vmem>>, vector<1x384xf32>
    %add3A_36 = vector.broadcast %get3A_35 : vector<1x384xf32> to vector<400x384xf32>
    %add3A_37 = arith.addf %dot_general3A_32, %add3A_36 : vector<400x384xf32>
    %slice3A_38 = vector.extract_strided_slice %add3A_27 {offsets = [0, 0], sizes = [400, 128], strides = [1, 1]} : vector<400x384xf32> to vector<400x128xf32>
    %slice3A_39 = vector.extract_strided_slice %add3A_27 {offsets = [0, 128], sizes = [400, 128], strides = [1, 1]} : vector<400x384xf32> to vector<400x128xf32>
    %slice3A_40 = vector.extract_strided_slice %add3A_27 {offsets = [0, 256], sizes = [400, 128], strides = [1, 1]} : vector<400x384xf32> to vector<400x128xf32>
    %slice3A_41 = vector.extract_strided_slice %add3A_37 {offsets = [0, 0], sizes = [400, 128], strides = [1, 1]} : vector<400x384xf32> to vector<400x128xf32>
    %slice3A_42 = vector.extract_strided_slice %add3A_37 {offsets = [0, 128], sizes = [400, 128], strides = [1, 1]} : vector<400x384xf32> to vector<400x128xf32>
    %slice3A_43 = vector.extract_strided_slice %add3A_37 {offsets = [0, 256], sizes = [400, 128], strides = [1, 1]} : vector<400x384xf32> to vector<400x128xf32>
    %add3A_44 = arith.addf %slice3A_38, %slice3A_41 : vector<400x128xf32>
    %neg3A = arith.constant 0.000000e+00 : f32
    %neg3A_45 = vector.broadcast %neg3A : f32 to vector<400x128xf32>
    %neg3A_46 = arith.subf %neg3A_45, %add3A_44 : vector<400x128xf32>
    %exp3A = math.exp %neg3A_46 : vector<400x128xf32>
    %add3A_47 = arith.constant 1.000000e+00 : f32
    %add3A_48 = vector.broadcast %add3A_47 : f32 to vector<400x128xf32>
    %add3A_49 = arith.addf %add3A_48, %exp3A : vector<400x128xf32>
    %div3A_50 = arith.constant 1.000000e+00 : f32
    %div3A_51 = vector.broadcast %div3A_50 : f32 to vector<400x128xf32>
    %div3A_52 = arith.divf %div3A_51, %add3A_49 : vector<400x128xf32>
    %add3A_53 = arith.addf %slice3A_39, %slice3A_42 : vector<400x128xf32>
    %neg3A_54 = arith.constant 0.000000e+00 : f32
    %neg3A_55 = vector.broadcast %neg3A_54 : f32 to vector<400x128xf32>
    %neg3A_56 = arith.subf %neg3A_55, %add3A_53 : vector<400x128xf32>
    %exp3A_57 = math.exp %neg3A_56 : vector<400x128xf32>
    %add3A_58 = arith.constant 1.000000e+00 : f32
    %add3A_59 = vector.broadcast %add3A_58 : f32 to vector<400x128xf32>
    %add3A_60 = arith.addf %add3A_59, %exp3A_57 : vector<400x128xf32>
    %div3A_61 = arith.constant 1.000000e+00 : f32
    %div3A_62 = vector.broadcast %div3A_61 : f32 to vector<400x128xf32>
    %div3A_63 = arith.divf %div3A_62, %add3A_60 : vector<400x128xf32>
    %mul3A = arith.mulf %div3A_52, %slice3A_43 : vector<400x128xf32>
    %add3A_64 = arith.addf %slice3A_40, %mul3A : vector<400x128xf32>
    %tanh3A = math.tanh %add3A_64 : vector<400x128xf32>
    %sub3A = arith.constant 1.000000e+00 : f32
    %sub3A_65 = vector.broadcast %sub3A : f32 to vector<400x128xf32>
    %sub3A_66 = arith.subf %sub3A_65, %div3A_63 : vector<400x128xf32>
    %mul3A_67 = arith.mulf %sub3A_66, %tanh3A : vector<400x128xf32>
    %mul3A_68 = arith.mulf %div3A_63, %get3A_18 : vector<400x128xf32>
    %add3A_69 = arith.addf %mul3A_67, %mul3A_68 : vector<400x128xf32>
    %swap3A = arith.constant 0 : index
    %swap3A_70 = arith.constant 0 : index
    %swap3A_71 = vector.load %arg10[%swap3A, %swap3A_70] : memref<400x128xf32, #tpu.memory_space<vmem>>, vector<400x128xf32>
    tpu.vector_store %arg10[%swap3A, %swap3A_70], %add3A_69 {strides = array<i32>} : memref<400x128xf32, #tpu.memory_space<vmem>>, vector<400x128xf32>,
    return
  }
  func.func @transform_0(%arg0: i32) -> (i32, i32) {
    %c0_i32 = arith.constant 0 : i32
    %c0_i32_0 = arith.constant 0 : i32
    return %arg0, %c0_i32 : i32, i32
  }
  func.func @transform_1(%arg0: i32) -> (i32, i32) {
    %add3A = arith.constant 25 : i32
    %add3A_0 = arith.addi %arg0, %add3A : i32
    %c0_i32 = arith.constant 0 : i32
    %c0_i32_1 = arith.constant 0 : i32
    return %add3A_0, %c0_i32 : i32, i32
  }
  func.func @transform_2(%arg0: i32) -> (i32, i32) {
    %c0_i32 = arith.constant 0 : i32
    %c0_i32_0 = arith.constant 0 : i32
    return %arg0, %c0_i32 : i32, i32
  }
  func.func @transform_3(%arg0: i32) -> (i32, i32) {
    %add3A = arith.constant 25 : i32
    %add3A_0 = arith.addi %arg0, %add3A : i32
    %c0_i32 = arith.constant 0 : i32
    %c0_i32_1 = arith.constant 0 : i32
    return %add3A_0, %c0_i32 : i32, i32
  }
  func.func @transform_4(%arg0: i32) -> (i32, i32) {
    %c0_i32 = arith.constant 0 : i32
    %c0_i32_0 = arith.constant 0 : i32
    return %arg0, %c0_i32 : i32, i32
  }
  func.func @transform_5(%arg0: i32) -> (i32, i32) {
    %c0_i32 = arith.constant 0 : i32
    %c0_i32_0 = arith.constant 0 : i32
    %c0_i32_1 = arith.constant 0 : i32
    return %c0_i32, %c0_i32_0 : i32, i32
  }
  func.func @transform_6(%arg0: i32) -> (i32, i32) {
    %c0_i32 = arith.constant 0 : i32
    %c0_i32_0 = arith.constant 0 : i32
    %c0_i32_1 = arith.constant 0 : i32
    return %c0_i32, %c0_i32_0 : i32, i32
  }
  func.func @transform_7(%arg0: i32) -> (i32, i32) {
    %c0_i32 = arith.constant 0 : i32
    %c0_i32_0 = arith.constant 0 : i32
    %c0_i32_1 = arith.constant 0 : i32
    return %c0_i32, %c0_i32_0 : i32, i32
  }
  func.func @transform_8(%arg0: i32) -> (i32, i32) {
    %c0_i32 = arith.constant 0 : i32
    %c0_i32_0 = arith.constant 0 : i32
    %c0_i32_1 = arith.constant 0 : i32
    return %c0_i32, %c0_i32_0 : i32, i32
  }
  func.func @transform_9(%arg0: i32) -> (i32, i32) {
    %c0_i32 = arith.constant 0 : i32
    %c0_i32_0 = arith.constant 0 : i32
    return %arg0, %c0_i32 : i32, i32
  }
}

</mosaic_0001>

<sc_bundles>
// kernel: kernel.13.cloned.1.call-start
scs
__scs_entry_jumppad:
0x0: {  	(pc) =	sbr.rel $0x88, $3  }
0x1: {  	(tag) =	ssettag $0x0;
	lr =	simm.s32 $0x1  }
0x2: {  	[smem:$0x3F8E] =	sst lr;
	_ =	strace $0xD0000000  }
0x3: {  	_ = 	snop  }
0x4: {  	_ = 	snop  }
0x5: {  	_ = 	snop  }
0x6: {  	_ = 	snop  }
0x7: {  	_ = 	snop  }
__scs_overlays_trampoline_lowered:
0x8: {  	[smem:$0x3F9D] =	sst s0  }
0x9: {  	[smem:$0x3F9E] =	sst s1  }
0xa: {  	[smem:$0x3F9F] =	sst s2  }
0xb: {  	[smem:$0x3FA0] =	sst s3  }
0xc: {  	[smem:$0x3FA1] =	sst s4  }
0xd: {  	[smem:$0x3FA2] =	sst s5  }
0xe: {  	[smem:$0x3FA3] =	sst s6  }
0xf: {  	[smem:$0x3FA4] =	sst s7  }
0x10: {  	[smem:$0x3FA5] =	sst s8  }
0x11: {  	[smem:$0x3FA6] =	sst s9;
	s0 =	simm.s32 @!p0 $0x0  }
0x12: {  	s1 =	sld [smem:$0x3F8C];
	s0 =	simm.s32 @p0 $0x1  }
0x13: {  	[smem:$0x3FA7] =	sst s0;
	s0 =	simm.s32 @!p1 $0x0  }
0x14: {  	s2 =	sld [smem:$0x3F8B];
	s0 =	simm.s32 @p1 $0x1  }
0x15: {  	[smem:$0x3FA8] =	sst s0;
	s0 =	simm.s32 @!p2 $0x0  }
0x16: {  	s3 =	sld [smem:$0x3FDB];
	s0 =	simm.s32 @p2 $0x1  }
0x17: {  	s4 =	simm.s32 $0x1BF5;
	[smem:$0x3FAA] =	sst s0  }
0x18: {  	s0 =	sld [smem:$0x3F8D];
	_ =	swait.ge [sflag:s4], $0x0  }
0x19: {  	s7 =	sld [smem:$0x3F8E]  }
0x1a: {  	s8 =	sadd.s32 $0xFFFFE003, lr  }
0x1b: {  	s9 =	sadd.s32 $0xFFFFFEF7, lr;
	s5 =	simm.s32 $0xFFFFFFFF;
	p2 =	slt.u32 s8, $0xFFFFF086  }
0x1c: {  	p1 =	slt.u32 s9, $0xF7A;
	s5 =	simm.s32 @!p2 $0x0  }
0x1d: {  	s5 =	simm.s32 @p1 $0x1;
	p0 =	seq.s32 s7, s2  }
0x1e: {  	s7 =	smul.u32 @!p0 $0xF7A, s2;
	p2 =	seq.s32 @!p0 s5, $0x0  }
0x1f: {  	s9 =	smul.u32 $0xF7A, s1;
	s8 =	simm.s32 @!p0 $0x1BF5;
	p2 =	por !p2, p0  }
0x20: {  	[sflag:s8] =	ssyncset.s32 @!p0 $0xFFFFF086;
	s6 =	sadd.s32 @!p0 s3, s7;
	s7 =	simm.s32 @!p0 $0x108  }
0x21: {  	s3 =	sadd.s32 s3, s9;
	s6 =	sadd.s32 @!p0 $0x88, s6;
	s7 =	simm.s32 @p2 $0x1082  }
0x22: {  	[simem:s7], [sflag:s8] =	dma.local @!p0 [hbm:s6], $0xF7A  }
0x23: {  	s9 =	sor.u32 $0xD0000000, s2;
	s6 =	simm.s32 $0x108;
	_ =	swait.ge @!p0 [sflag:s8], $0x0  }
0x24: {  	s3 =	sadd.s32 $0x88, s3;
	s6 =	simm.s32 @!p1 $0x1082;
	[sflag:s4] =	ssyncset.s32 $0xFFFFF086  }
0x25: {  	[simem:s6], [sflag:s4] =	dma.local [hbm:s3], $0xF7A  }
0x26: {  	[smem:$0x3F8E] =	sst s1;
	(tag) =	ssettag s2;
	_ =	strace s9  }
0x27: {  	s1 =	sld [smem:$0x3F9E]  }
0x28: {  	s2 =	sld [smem:$0x3F9F]  }
0x29: {  	s4 =	sld [smem:$0x3FA1]  }
0x2a: {  	p0 =	seq.s32 s5, $0x0;
	s5 =	sld [smem:$0x3FA2]  }
0x2b: {  	s6 =	sld [smem:$0x3FA3]  }
0x2c: {  	s7 =	sld [smem:$0x3FA4]  }
0x2d: {  	s3 =	simm.s32 $0x108;
	s8 =	sld [smem:$0x3FA5]  }
0x2e: {  	s3 =	simm.s32 @!p0 $0x1082;
	s9 =	sld [smem:$0x3FA6]  }
0x2f: {  	lr =	sadd.s32 s0, s3;
	s0 =	sld [smem:$0x3F9D]  }
0x30: {  	s3 =	sld [smem:$0x3FA0]  }
0x31: {  	[smem:$0x3FA9] =	sst s10  }
0x32: {  	s10 =	sld [smem:$0x3FA7];
	_ =	sdelay $0x3  }
0x33: {  	p0 =	seq.s32 s10, $0x1;
	s10 =	sld [smem:$0x3FA9];
	_ =	sdelay $0x3  }
0x34: {  	[smem:$0x3FA9] =	sst s10  }
0x35: {  	s10 =	sld [smem:$0x3FA8];
	_ =	sdelay $0x3  }
0x36: {  	p1 =	seq.s32 s10, $0x1;
	s10 =	sld [smem:$0x3FA9];
	_ =	sdelay $0x3  }
0x37: {  	[smem:$0x3FA9] =	sst s10  }
0x38: {  	s10 =	sld [smem:$0x3FAA]  }
0x39: {  	_ = 	snop;
	(pc) =	sbr.ind lr, $3  }
0x3a: {  	_ = 	snop  }
0x3b: {  	_ = 	snop  }
0x3c: {  	p2 =	seq.s32 s10, $0x1;
	s10 =	sld [smem:$0x3FA9]  }
0x3d: {  	_ =	shalt  }
0x3e: {  	_ =	shalt  }
0x3f: {  	_ =	shalt  }
0x40: {  	_ =	shalt  }
0x41: {  	_ =	shalt  }
0x42: {  	_ =	shalt  }
0x43: {  	_ =	shalt  }
0x44: {  	_ =	shalt  }
0x45: {  	_ =	shalt  }
0x46: {  	_ =	shalt  }
0x47: {  	_ =	shalt  }
0x48: {  	_ =	shalt  }
0x49: {  	_ =	shalt  }
0x4a: {  	_ =	shalt  }
0x4b: {  	_ =	shalt  }
0x4c: {  	_ =	shalt  }
0x4d: {  	_ =	shalt  }
0x4e: {  	_ =	shalt  }
0x4f: {  	_ =	shalt  }
0x50: {  	_ =	shalt  }
0x51: {  	_ =	shalt  }
0x52: {  	_ =	shalt  }
0x53: {  	_ =	shalt  }
0x54: {  	_ =	shalt  }
0x55: {  	_ =	shalt  }
0x56: {  	_ =	shalt  }
0x57: {  	_ =	shalt  }
0x58: {  	_ =	shalt  }
0x59: {  	_ =	shalt  }
0x5a: {  	_ =	shalt  }
0x5b: {  	_ =	shalt  }
0x5c: {  	_ =	shalt  }
0x5d: {  	_ =	shalt  }
0x5e: {  	_ =	shalt  }
0x5f: {  	_ =	shalt  }
0x60: {  	_ =	shalt  }
0x61: {  	_ =	shalt  }
0x62: {  	_ =	shalt  }
0x63: {  	_ =	shalt  }
0x64: {  	_ =	shalt  }
0x65: {  	_ =	shalt  }
0x66: {  	_ =	shalt  }
0x67: {  	_ =	shalt  }
0x68: {  	_ =	shalt  }
0x69: {  	_ =	shalt  }
0x6a: {  	_ =	shalt  }
0x6b: {  	_ =	shalt  }
0x6c: {  	_ =	shalt  }
0x6d: {  	_ =	shalt  }
0x6e: {  	_ =	shalt  }
0x6f: {  	_ =	shalt  }
0x70: {  	_ =	shalt  }
0x71: {  	_ =	shalt  }
0x72: {  	_ =	shalt  }
0x73: {  	_ =	shalt  }
0x74: {  	_ =	shalt  }
0x75: {  	_ =	shalt  }
0x76: {  	_ =	shalt  }
0x77: {  	_ =	shalt  }
0x78: {  	_ =	shalt  }
0x79: {  	_ =	shalt  }
0x7a: {  	_ =	shalt  }
0x7b: {  	_ =	shalt  }
0x7c: {  	_ =	shalt  }
0x7d: {  	_ =	shalt  }
0x7e: {  	_ =	shalt  }
0x7f: {  	_ =	shalt  }
0x80: {  	_ =	shalt  }
0x81: {  	_ =	shalt  }
0x82: {  	_ =	shalt  }
0x83: {  	_ =	shalt  }
0x84: {  	_ =	shalt  }
0x85: {  	_ =	shalt  }
0x86: {  	_ =	shalt  }
0x87: {  	_ =	shalt  }
.Lfunc_end0:
.L_simem_size_0:
called_computation_lowered:
.L_overlay_start_0:
0x88: {  	s2 =	sld [smem:$0x3FD9]  }
0x89: {  	s3 =	sld [smem:$0x3FFE];
	_ =	sdelay $0x1  }
0x8a: {  	s1 =	srdreg.scid  }
0x8b: {  	s0 =	sand.u32 $0x1, s1  }
0x8c: {  	s16 =	sshll.u32 s0, $0xA;
	s2 =	sadd.s32 s3, s2  }
0x8d: {  	s2 =	sadd.s32 s2, s16  }
0x8e: {  	[smem:$0x3FB5] =	sst s2  }
0x8f: {  	_ = 	snop  }
0x90: {  	(tm) =	ssettm $0x1  }
0x91: {  	s17 =	sld [smem:$0x3FFB];
	_ =	sdelay $0x3  }
0x92: {  	_ =	strace s17  }
0x93: {  	s2 =	sld [smem:$0x3FFC];
	_ =	sdelay $0x3  }
0x94: {  	_ =	strace s2  }
0x95: {  	s2 =	sld [smem:$0x3FFD];
	_ =	sdelay $0x3  }
0x96: {  	_ =	strace s2  }
0x97: {  	_ =	strace $0x8FFFFFFF  }
0x98: {  	s18 =	sld [smem:$0x3FDB];
	_ =	sdelay $0x1  }
0x99: {  	s19 =	simm.s32 $_scs_section_size  }
0x9a: {  	s4 =	simm.s32 $_size__tile_overlayer_lowered;
	s5 =	simm.s32 $_tile_overlayer_lowered  }
0x9b: {  	s22 =	simm.s32 $0x1BFF;
	s21 =	sshll.u32 s5, $0x1;
	s2 =	sadd.s32 s19, s18  }
0x9c: {  	s6 =	simm.s32 $0x0;
	s20 =	sshll.u32 s4, $0x1;
	s4 =	sadd.s32 s21, s2  }
0x9d: {  	[timem:s6], [sflag:s22] =	dma.local [hbm:s4], s20  }
0x9e: {  	_ =	swait.ge [sflag:s22], s20  }
0x9f: {  	s3 =	ssub.s32 $0x0, s20;
	[sflag:s22] =	ssyncset.done $0x0  }
0xa0: {  	[sflag:s22] =	ssyncadd.s32 s3;
	_ =	sdelay $0x1  }
0xa1: {  	s23 =	simm.s32 $0x1B8B  }
0xa2: {  	_ =	swait.ge [sflag:s23], $0x1  }
0xa3: {  	[sflag:s23] =	ssyncset.done $0x0  }
0xa4: {  	s25 =	simm.s32 $0x1B8E;
	s24 =	sld [smem:$0x3FFE];
	[sflag:s23] =	ssyncadd.s32 $0xFFFFFFFF  }
0xa5: {  	s26 =	simm.s32 $execute0_lowered;
	[smem:$0x3FD2] =	sst s25  }
0xa6: {  	s4 =	sshll.u32 s26, $0x1;
	_ =	strace $0x80000046;
	[dreg:$0x1] =	wrdreg $0xFFFFFFFF  }
0xa7: {  	s28 =	simm.s32 $_size_execute0_lowered;
	s2 =	sadd.s32 s2, s4;
	[dreg:$0x0] =	wrdreg $0x0  }
0xa8: {  	s4 =	sshll.u32 s28, $0x1;
	[dreg:$0x2] =	wrdreg s2  }
0xa9: {  	[dreg:$0x3] =	wrdreg s4  }
0xaa: {  	[dreg:$0x4] =	wrdreg $0xC0  }
0xab: {  	_ =	task [dreg:s6], $0x5FFFF  }
0xac: {  	[dreg:$0x1] =	wrdreg $0xFFFFFFFF  }
0xad: {  	[dreg:$0x0] =	wrdreg $0x60  }
0xae: {  	[dreg:$0x2] =	wrdreg s24  }
0xaf: {  	[dreg:$0x3] =	wrdreg $0x4800  }
0xb0: {  	[dreg:$0x4] =	wrdreg $0x9  }
0xb1: {  	_ =	task.clear_ibuf [dreg:s6], $0x5FFFF;
	_ =	strace $0x90000046  }
0xb2: {  	s29 =	simm.s32 $0x9;
	_ =	strace $0x80000048  }
0xb3: {  	_ =	swait.ge [sflag:s29], $0x1  }
0xb4: {  	[sflag:s29] =	ssyncadd.s32 $0xFFFFFFFF  }
0xb5: {  	_ =	strace $0x90000048  }
0xb6: {  	_ =	sfence  }
0xb7: {  	s30 =	sld [smem:$0x0];
	_ =	sdelay $0x2  }
0xb8: {  	s31 =	sshll.u32 s1, $0xD;
	s1 =	sshrl.u32 s1, $0x2  }
0xb9: {  	s3 =	sand.u32 $0x4000, s31;
	s1 =	sadd.s32 s1, s30  }
0xba: {  	s0 =	sor.u32 s3, s0;
	s1 =	sshll.u32 s1, $0x11  }
0xbb: {  	s0 =	sor.u32 s1, s0  }
0xbc: {  	s0 =	sadd.s32 $0x8F2B, s0  }
0xbd: {  	[sflag:s0] =	ssyncadd.remote.s32 $0x1  }
0xbe: {  	_ =	sfence.sel $0xFFFF  }
0xbf: {  	[dreg:$0x0] =	wrdreg $0xFFFFFFFF;
	(pc) =	sbr.abs _section_cstart, $3  }
0xc0: {  	[dreg:$0x1] =	wrdreg $0xFFFFFFFF  }
0xc1: {  	_ =	task.clear_ibuf [dreg:s6], $0x2FFFF;
	_ =	strace $0x9FFFFFFF  }
0xc2: {  	(tm) =	ssettm $0x7FFFFFFF  }
0xc3: {  	_ =	shalt  }
tec
execute0_lowered:
.L_overlay_start_1:
0x0: {  	(tag) =	ssettag $0x1  }
0x1: {  	s5 =	rddreg [dreg:$0x0]  }
0x2: {  	s2 =	rddreg [dreg:$0x1]  }
0x3: {  	s0 =	rddreg [dreg:$0x2];
	s1 =	stileid.u32  }
0x4: {  	s4 =	srdreg.scid;
	s3 =	simm.s32 $0x0;
	s14 =	simm.s32 $0x0  }
0x5: {  	s6 =	smul.u32 $0x1388, s1;
	s7 =	sand.u32 $0x1, s4;
	[smem:$0x7FF] =	sst s3  }
0x6: {  	s28 =	sshll.u32 s1, $0x5;
	s4 =	sadd.s32 $0xF000, s5;
	s30 =	sshll.u32 s1, $0x6  }
0x7: {  	s8 =	smul.u32 $0x13880, s7;
	_ =	strace $0x80000047;
	s9 =	sadd.s32 s28, s5  }
0x8: {  	s11 =	ssub.s32 $0x2, s7;
	s13 =	sshll.u32 s7, $0x4;
	s7 =	sor.u32 $0x1C01, s30  }
0x9: {  	s6 =	sand.u32 $0x1FFC0, s6;
	s29 =	sshrl.u32 s11, $0x1;
	s31 =	sadd.s32 s13, s9  }
0xa: {  	s13 =	simm.s32 $0x80;
	s8 =	sadd.s32 s8, s6;
	s10 =	sshrl.u32 s6, $0x3  }
0xb: {  	s11 =	ssub.s32 s11, s29;
	s12 =	sadd.s32 s6, s2;
	s8 =	sshrl.u32 s8, $0x3  }
0xc: {  	s10 =	sadd.s32 s10, s5;
	s9 =	smax.u32 s11, $0x1;
	s11 =	sshrl.u32 s12, $0x3  }
0xd: {  	s12 =	simm.s32 $0x1;
	s8 =	sadd.s32 s8, s5;
	s5 =	sshll.u32 s1, $0x1  }
0xe: {  	s6 =	sadd.s32 $0xF200, s10;
	s10 =	sadd.s32 $0x5000, s31;
	s8 =	sadd.s32 $0x11A00, s8  }
.LBB2_1:
0xf: {  	[spmem:s11], [sflag:s7] =	dma.local [hbm:s6], $0x278  }
0x10: {  	_ =	swait.ge [sflag:s12], $0x278  }
0x11: {  	[sflag:s12] =	ssyncset.done $0x0  }
0x12: {  	[sflag:s12] =	ssyncadd.s32 $0xFFFFFD88  }
0x13: {  	[tilespmem:s13], [sflag:$0x1] =	stream.linear.gather [hbm4b:s4+s3], $0x400, $0x38;
	[tilespmem:$0x1808] =	vst v63  }
0x14: {  	_ =	swait.ge [sflag:s12], $0x400  }
0x15: {  	s15 =	sadd.s32 $0x0, s5;
	[sflag:s12] =	ssyncset.done $0x0  }
0x16: {  	p0 =	sgt.u32 s15, $0x4E1;
	[sflag:s12] =	ssyncadd.s32 $0xFFFFFC00  }
0x17: {  	s16 =	simm.s32 @!p0 $0x0;
	s17 =	simm.s32 @!p0 $0x2;
	[bflag:$0x0] =	sbarrier.arrive $0xFFFF  }
0x18: {  	[tilespmem:s16], [sflag:$0x2] =	stream.linear.gather @!p0 [hbm4b:s10+s16], $0x80, $0x38;
	[tilespmem:$0x1808] =	vst v63  }
0x19: {  	_ =	swait.ge @!p0 [sflag:s17], $0x80  }
0x1a: {  	s31 =	sadd.s32 $0x20, s5;
	[sflag:s17] =	ssyncset.done @!p0 $0x0  }
0x1b: {  	s18 =	simm.s32 @!p0 $0x80;
	[sflag:s17] =	ssyncadd.s32 @!p0 $0xFFFFFF80;
	s17 =	simm.s32 @!p0 $0x1  }
0x1c: {  	[spmem:s2] =	stream.indirect.scatter.add.f32 @!p0 [tilespmem:s18], [sflag:$0x1], $0x8, s16, s18, $0xb8;
	[tilespmem:$0x1808] =	vst v63  }
0x1d: {  	s15 =	simm.s32 $0x40;
	p1 =	por p0, p0;
	_ =	swait.ge @!p0 [sflag:s17], $0x400  }
0x1e: {  	s16 =	sadd.s32 $0x200, s10;
	p0 =	sgt.u32 s31, $0x4E1;
	[sflag:s17] =	ssyncset.done @!p1 $0x0  }
.LBB2_2:
0x1f: {  	s18 =	simm.s32 @!p0 $0x0;
	s19 =	simm.s32 @!p0 $0x2  }
0x20: {  	[sflag:s17] =	ssyncadd.s32 @!p1 $0xFFFFFC00;
	s20 =	smov.u32 s15;
	s15 =	sadd.s32 $0x20, s15  }
0x21: {  	[tilespmem:s18], [sflag:$0x2] =	stream.linear.gather @!p0 [hbm4b:s16+s18], $0x80, $0x38;
	[tilespmem:$0x1808] =	vst v63  }
0x22: {  	p2 =	sne.s32 s15, $0x500;
	_ =	swait.ge @!p0 [sflag:s19], $0x80  }
.Ltmp0:
0x23: {  	[sflag:s19] =	ssyncset.done @!p0 $0x0;
	(pc) =	sbr.rel @p2 .LBB2_2-.Ltmp0, $4  }
0x24: {  	s17 =	simm.s32 @!p0 $0x1;
	[sflag:s19] =	ssyncadd.s32 @!p0 $0xFFFFFF80;
	s19 =	simm.s32 @!p0 $0x80  }
0x25: {  	[spmem:s2] =	stream.indirect.scatter.add.f32 @!p0 [tilespmem:s19], [sflag:$0x1], $0x8, s18, s19, $0xb8;
	[tilespmem:$0x1808] =	vst v63  }
0x26: {  	p1 =	por p0, p0;
	s18 =	sadd.s32 s20, s5;
	_ =	swait.ge @!p0 [sflag:s17], $0x400  }
0x27: {  	s16 =	sadd.s32 $0x200, s16;
	p0 =	sgt.u32 s18, $0x4E1;
	[sflag:s17] =	ssyncset.done @!p1 $0x0  }
0x28: {  	s15 =	simm.s32 @!p0 $0x0;
	s18 =	simm.s32 @!p0 $0x2;
	[sflag:s17] =	ssyncadd.s32 @!p1 $0xFFFFFC00  }
0x29: {  	[tilespmem:s15], [sflag:$0x2] =	stream.linear.gather @!p0 [hbm4b:s16+s15], $0x80, $0x38;
	[tilespmem:$0x1808] =	vst v63  }
0x2a: {  	_ =	swait.ge @!p0 [sflag:s18], $0x80  }
0x2b: {  	[sflag:s18] =	ssyncset.done @!p0 $0x0  }
0x2c: {  	s17 =	simm.s32 @!p0 $0x1;
	s16 =	simm.s32 @!p0 $0x80;
	[sflag:s18] =	ssyncadd.s32 @!p0 $0xFFFFFF80  }
0x2d: {  	[spmem:s2] =	stream.indirect.scatter.add.f32 @!p0 [tilespmem:s16], [sflag:$0x1], $0x8, s15, s16, $0xb8;
	[tilespmem:$0x1808] =	vst v63  }
0x2e: {  	_ =	swait.ge @!p0 [sflag:s17], $0x400;
	p0 =	por p0, p0  }
0x2f: {  	s14 =	sadd.s32 $0x1, s14;
	[sflag:s17] =	ssyncset.done @!p0 $0x0  }
0x30: {  	[sflag:s17] =	ssyncadd.s32 @!p0 $0xFFFFFC00;
	p0 =	sne.s32 s14, s9  }
.Ltmp1:
0x31: {  	[bflag:$0x0] =	sbarrier.arrive $0xFFFF;
	(pc) =	sbr.rel @p0 .LBB2_1-.Ltmp1, $4  }
0x32: {  	[hbm:s8], [sflag:s7] =	dma.local [spmem:s11], $0x278  }
0x33: {  	_ =	swait.ge [sflag:s12], $0x278  }
0x34: {  	[sflag:s12] =	ssyncset.done $0x0  }
0x35: {  	[sflag:s12] =	ssyncadd.s32 $0xFFFFFD88  }
0x36: {  	_ =	sfence.sel $0x180000  }
0x37: {  	[bflag:$0x0] =	sbarrier.arrive $0xFFFF  }
0x38: {  	p0 =	sne.s32 s1, $0x0;
	_ =	strace $0x90000047  }
0x39: {  	s0 =	sadd.s32 @!p0 $0x100000, s0;
	[bflag:$0x2] =	sbarrier.arrive $0xFFFF  }
0x3a: {  	[sflag:s0] =	ssyncadd.tile.s32 @!p0 $0x1;
	_ =	shalt  }
.Lfunc_end2:
_tile_overlayer_lowered:
.L_overlay_start_2:
0x3b: {  	(tag) =	ssettag $0x2  }
0x3c: {  	s0 =	rddreg [dreg:$0x0];
	s2 =	stileid.u32  }
0x3d: {  	s1 =	rddreg [dreg:$0x1];
	p0 =	sne.s32 s2, $0x0  }
0x3e: {  	s3 =	rddreg [dreg:$0x2];
	[bflag:$0x3] =	sbarrier.arrive $0xFFFF;
	s2 =	simm.s32 @!p0 $0x1C01  }
0x3f: {  	[timem:s3], [sflag:s2] =	dma.local @!p0 [hbm:s0], s1  }
0x40: {  	s0 =	simm.s32 @!p0 $0x1  }
0x41: {  	_ =	swait.ge @!p0 [sflag:s0], s1  }
0x42: {  	s1 =	ssub.s32 @!p0 $0x0, s1;
	[sflag:s0] =	ssyncset.done @!p0 $0x0  }
0x43: {  	[sflag:s0] =	ssyncadd.s32 @!p0 s1  }
0x44: {  	[bflag:$0x3] =	sbarrier.arrive $0xFFFF  }
0x45: {  	_ =	shalt  }

// kernel: kernel.16.cloned.1.call-start
scs
__scs_entry_jumppad:
0x0: {  	(pc) =	sbr.rel $0x88, $3  }
0x1: {  	(tag) =	ssettag $0x0;
	lr =	simm.s32 $0x1  }
0x2: {  	[smem:$0x3F8E] =	sst lr;
	_ =	strace $0xD0000000  }
0x3: {  	_ = 	snop  }
0x4: {  	_ = 	snop  }
0x5: {  	_ = 	snop  }
0x6: {  	_ = 	snop  }
0x7: {  	_ = 	snop  }
__scs_overlays_trampoline_lowered:
0x8: {  	[smem:$0x3F9D] =	sst s0  }
0x9: {  	[smem:$0x3F9E] =	sst s1  }
0xa: {  	[smem:$0x3F9F] =	sst s2  }
0xb: {  	[smem:$0x3FA0] =	sst s3  }
0xc: {  	[smem:$0x3FA1] =	sst s4  }
0xd: {  	[smem:$0x3FA2] =	sst s5  }
0xe: {  	[smem:$0x3FA3] =	sst s6  }
0xf: {  	[smem:$0x3FA4] =	sst s7  }
0x10: {  	[smem:$0x3FA5] =	sst s8  }
0x11: {  	[smem:$0x3FA6] =	sst s9;
	s0 =	simm.s32 @!p0 $0x0  }
0x12: {  	s1 =	sld [smem:$0x3F8C];
	s0 =	simm.s32 @p0 $0x1  }
0x13: {  	[smem:$0x3FA7] =	sst s0;
	s0 =	simm.s32 @!p1 $0x0  }
0x14: {  	s2 =	sld [smem:$0x3F8B];
	s0 =	simm.s32 @p1 $0x1  }
0x15: {  	[smem:$0x3FA8] =	sst s0;
	s0 =	simm.s32 @!p2 $0x0  }
0x16: {  	s3 =	sld [smem:$0x3FDB];
	s0 =	simm.s32 @p2 $0x1  }
0x17: {  	s4 =	simm.s32 $0x1BF5;
	[smem:$0x3FAA] =	sst s0  }
0x18: {  	s0 =	sld [smem:$0x3F8D];
	_ =	swait.ge [sflag:s4], $0x0  }
0x19: {  	s7 =	sld [smem:$0x3F8E]  }
0x1a: {  	s8 =	sadd.s32 $0xFFFFE003, lr  }
0x1b: {  	s9 =	sadd.s32 $0xFFFFFEF7, lr;
	s5 =	simm.s32 $0xFFFFFFFF;
	p2 =	slt.u32 s8, $0xFFFFF086  }
0x1c: {  	p1 =	slt.u32 s9, $0xF7A;
	s5 =	simm.s32 @!p2 $0x0  }
0x1d: {  	s5 =	simm.s32 @p1 $0x1;
	p0 =	seq.s32 s7, s2  }
0x1e: {  	s7 =	smul.u32 @!p0 $0xF7A, s2;
	p2 =	seq.s32 @!p0 s5, $0x0  }
0x1f: {  	s9 =	smul.u32 $0xF7A, s1;
	s8 =	simm.s32 @!p0 $0x1BF5;
	p2 =	por !p2, p0  }
0x20: {  	[sflag:s8] =	ssyncset.s32 @!p0 $0xFFFFF086;
	s6 =	sadd.s32 @!p0 s3, s7;
	s7 =	simm.s32 @!p0 $0x108  }
0x21: {  	s3 =	sadd.s32 s3, s9;
	s6 =	sadd.s32 @!p0 $0x88, s6;
	s7 =	simm.s32 @p2 $0x1082  }
0x22: {  	[simem:s7], [sflag:s8] =	dma.local @!p0 [hbm:s6], $0xF7A  }
0x23: {  	s9 =	sor.u32 $0xD0000000, s2;
	s6 =	simm.s32 $0x108;
	_ =	swait.ge @!p0 [sflag:s8], $0x0  }
0x24: {  	s3 =	sadd.s32 $0x88, s3;
	s6 =	simm.s32 @!p1 $0x1082;
	[sflag:s4] =	ssyncset.s32 $0xFFFFF086  }
0x25: {  	[simem:s6], [sflag:s4] =	dma.local [hbm:s3], $0xF7A  }
0x26: {  	[smem:$0x3F8E] =	sst s1;
	(tag) =	ssettag s2;
	_ =	strace s9  }
0x27: {  	s1 =	sld [smem:$0x3F9E]  }
0x28: {  	s2 =	sld [smem:$0x3F9F]  }
0x29: {  	s4 =	sld [smem:$0x3FA1]  }
0x2a: {  	p0 =	seq.s32 s5, $0x0;
	s5 =	sld [smem:$0x3FA2]  }
0x2b: {  	s6 =	sld [smem:$0x3FA3]  }
0x2c: {  	s7 =	sld [smem:$0x3FA4]  }
0x2d: {  	s3 =	simm.s32 $0x108;
	s8 =	sld [smem:$0x3FA5]  }
0x2e: {  	s3 =	simm.s32 @!p0 $0x1082;
	s9 =	sld [smem:$0x3FA6]  }
0x2f: {  	lr =	sadd.s32 s0, s3;
	s0 =	sld [smem:$0x3F9D]  }
0x30: {  	s3 =	sld [smem:$0x3FA0]  }
0x31: {  	[smem:$0x3FA9] =	sst s10  }
0x32: {  	s10 =	sld [smem:$0x3FA7];
	_ =	sdelay $0x3  }
0x33: {  	p0 =	seq.s32 s10, $0x1;
	s10 =	sld [smem:$0x3FA9];
	_ =	sdelay $0x3  }
0x34: {  	[smem:$0x3FA9] =	sst s10  }
0x35: {  	s10 =	sld [smem:$0x3FA8];
	_ =	sdelay $0x3  }
0x36: {  	p1 =	seq.s32 s10, $0x1;
	s10 =	sld [smem:$0x3FA9];
	_ =	sdelay $0x3  }
0x37: {  	[smem:$0x3FA9] =	sst s10  }
0x38: {  	s10 =	sld [smem:$0x3FAA]  }
0x39: {  	_ = 	snop;
	(pc) =	sbr.ind lr, $3  }
0x3a: {  	_ = 	snop  }
0x3b: {  	_ = 	snop  }
0x3c: {  	p2 =	seq.s32 s10, $0x1;
	s10 =	sld [smem:$0x3FA9]  }
0x3d: {  	_ =	shalt  }
0x3e: {  	_ =	shalt  }
0x3f: {  	_ =	shalt  }
0x40: {  	_ =	shalt  }
0x41: {  	_ =	shalt  }
0x42: {  	_ =	shalt  }
0x43: {  	_ =	shalt  }
0x44: {  	_ =	shalt  }
0x45: {  	_ =	shalt  }
0x46: {  	_ =	shalt  }
0x47: {  	_ =	shalt  }
0x48: {  	_ =	shalt  }
0x49: {  	_ =	shalt  }
0x4a: {  	_ =	shalt  }
0x4b: {  	_ =	shalt  }
0x4c: {  	_ =	shalt  }
0x4d: {  	_ =	shalt  }
0x4e: {  	_ =	shalt  }
0x4f: {  	_ =	shalt  }
0x50: {  	_ =	shalt  }
0x51: {  	_ =	shalt  }
0x52: {  	_ =	shalt  }
0x53: {  	_ =	shalt  }
0x54: {  	_ =	shalt  }
0x55: {  	_ =	shalt  }
0x56: {  	_ =	shalt  }
0x57: {  	_ =	shalt  }
0x58: {  	_ =	shalt  }
0x59: {  	_ =	shalt  }
0x5a: {  	_ =	shalt  }
0x5b: {  	_ =	shalt  }
0x5c: {  	_ =	shalt  }
0x5d: {  	_ =	shalt  }
0x5e: {  	_ =	shalt  }
0x5f: {  	_ =	shalt  }
0x60: {  	_ =	shalt  }
0x61: {  	_ =	shalt  }
0x62: {  	_ =	shalt  }
0x63: {  	_ =	shalt  }
0x64: {  	_ =	shalt  }
0x65: {  	_ =	shalt  }
0x66: {  	_ =	shalt  }
0x67: {  	_ =	shalt  }
0x68: {  	_ =	shalt  }
0x69: {  	_ =	shalt  }
0x6a: {  	_ =	shalt  }
0x6b: {  	_ =	shalt  }
0x6c: {  	_ =	shalt  }
0x6d: {  	_ =	shalt  }
0x6e: {  	_ =	shalt  }
0x6f: {  	_ =	shalt  }
0x70: {  	_ =	shalt  }
0x71: {  	_ =	shalt  }
0x72: {  	_ =	shalt  }
0x73: {  	_ =	shalt  }
0x74: {  	_ =	shalt  }
0x75: {  	_ =	shalt  }
0x76: {  	_ =	shalt  }
0x77: {  	_ =	shalt  }
0x78: {  	_ =	shalt  }
0x79: {  	_ =	shalt  }
0x7a: {  	_ =	shalt  }
0x7b: {  	_ =	shalt  }
0x7c: {  	_ =	shalt  }
0x7d: {  	_ =	shalt  }
0x7e: {  	_ =	shalt  }
0x7f: {  	_ =	shalt  }
0x80: {  	_ =	shalt  }
0x81: {  	_ =	shalt  }
0x82: {  	_ =	shalt  }
0x83: {  	_ =	shalt  }
0x84: {  	_ =	shalt  }
0x85: {  	_ =	shalt  }
0x86: {  	_ =	shalt  }
0x87: {  	_ =	shalt  }
.Lfunc_end0:
.L_simem_size_0:
called_computation.1_lowered:
.L_overlay_start_0:
0x88: {  	s2 =	sld [smem:$0x3FD9]  }
0x89: {  	s3 =	sld [smem:$0x3FFE];
	_ =	sdelay $0x1  }
0x8a: {  	s1 =	srdreg.scid  }
0x8b: {  	s0 =	sand.u32 $0x1, s1  }
0x8c: {  	s15 =	sshll.u32 s0, $0xA;
	s2 =	sadd.s32 s3, s2  }
0x8d: {  	s2 =	sadd.s32 s2, s15  }
0x8e: {  	[smem:$0x3FB5] =	sst s2  }
0x8f: {  	_ = 	snop  }
0x90: {  	s2 =	sld [smem:$0x3FD0];
	_ =	sdelay $0x2  }
0x91: {  	s4 =	simm.s32 $0xB;
	s16 =	simm.s32 $0x10  }
0x92: {  	[smem:s16], [sflag:s4] =	dma.local [hbm:s2], $0x1  }
0x93: {  	_ =	swait.eq [sflag:s4], $0x1  }
0x94: {  	[sflag:s4] =	ssyncset.done $0x0  }
0x95: {  	s17 =	sld [smem:$0x10];
	[sflag:s4] =	ssyncadd.s32 $0xFFFFFFFF  }
0x96: {  	s18 =	sld [smem:$0x11];
	(tm) =	ssettm $0x1  }
0x97: {  	s19 =	sld [smem:$0x3FFB];
	_ =	sdelay $0x3  }
0x98: {  	_ =	strace s19  }
0x99: {  	s2 =	sld [smem:$0x3FFC];
	_ =	sdelay $0x3  }
0x9a: {  	_ =	strace s2  }
0x9b: {  	s2 =	sld [smem:$0x3FFD];
	_ =	sdelay $0x3  }
0x9c: {  	_ =	strace s2  }
0x9d: {  	_ =	strace $0x8FFFFFFF  }
0x9e: {  	s20 =	sld [smem:$0x3FDB];
	_ =	sdelay $0x1  }
0x9f: {  	s5 =	simm.s32 $_scs_section_size  }
0xa0: {  	s6 =	simm.s32 $_size__tile_overlayer_lowered;
	s7 =	simm.s32 $_tile_overlayer_lowered  }
0xa1: {  	s8 =	simm.s32 $0x1BFF;
	s21 =	sshll.u32 s7, $0x1;
	s5 =	sadd.s32 s5, s20  }
0xa2: {  	s22 =	simm.s32 $0x0;
	s6 =	sshll.u32 s6, $0x1;
	s7 =	sadd.s32 s21, s5  }
0xa3: {  	[timem:s22], [sflag:s8] =	dma.local [hbm:s7], s6  }
0xa4: {  	_ =	swait.ge [sflag:s8], s6  }
0xa5: {  	s6 =	ssub.s32 $0x0, s6;
	[sflag:s8] =	ssyncset.done $0x0  }
0xa6: {  	[sflag:s8] =	ssyncadd.s32 s6;
	_ =	sdelay $0x1  }
0xa7: {  	s23 =	simm.s32 $0x1B8B  }
0xa8: {  	_ =	swait.ge [sflag:s23], $0x1  }
0xa9: {  	[sflag:s23] =	ssyncset.done $0x0  }
0xaa: {  	[sflag:s23] =	ssyncadd.s32 $0xFFFFFFFF  }
0xab: {  	s6 =	sld [smem:$0x0]  }
0xac: {  	s7 =	sand.u32 $0xFFFFFFFE, s1  }
0xad: {  	p0 =	sne.s32 s1, s7  }
0xae: {  	s7 =	sshll.u32 @p0 s7, $0xE  }
0xaf: {  	s7 =	sadd.s32 @p0 $0x11B8D, s7;
	s8 =	sshll.u32 @p0 s6, $0x11  }
0xb0: {  	s7 =	sor.u32 @p0 s8, s7  }
0xb1: {  	[sflag:s7] =	ssyncadd.remote.s32 @p0 $0x1;
	_ =	sdelay $0x1  }
0xb2: {  	s7 =	simm.s32 @p0 $0x1B8D  }
0xb3: {  	_ =	swait.eq @p0 [sflag:s7], $0x1  }
0xb4: {  	[sflag:s7] =	ssyncadd.s32 @p0 $0xFFFFFFFF  }
0xb5: {  	s8 =	sshll.u32 @!p0 s1, $0xE  }
0xb6: {  	s8 =	sor.u32 @!p0 $0x4000, s8;
	s7 =	simm.s32 @!p0 $0x1B8D  }
0xb7: {  	s6 =	sshll.u32 @!p0 s6, $0x11;
	s8 =	sadd.s32 @!p0 $0x11B8D, s8;
	_ =	swait.eq @!p0 [sflag:s7], $0x1  }
0xb8: {  	s6 =	sor.u32 @!p0 s6, s8;
	[sflag:s7] =	ssyncadd.s32 @!p0 $0xFFFFFFFF  }
0xb9: {  	s25 =	simm.s32 $0x1B8E;
	s24 =	sld [smem:$0x3FFE];
	[sflag:s6] =	ssyncadd.remote.s32 @!p0 $0x1  }
0xba: {  	s26 =	simm.s32 $execute0_lowered;
	[smem:$0x3FD2] =	sst s25  }
0xbb: {  	s7 =	sshll.u32 s26, $0x1;
	_ =	strace $0x80000049;
	[dreg:$0x1] =	wrdreg $0xFFFFFFFF  }
0xbc: {  	s28 =	simm.s32 $_size_execute0_lowered;
	s5 =	sadd.s32 s5, s7;
	[dreg:$0x0] =	wrdreg $0x0  }
0xbd: {  	s7 =	sshll.u32 s28, $0x1;
	[dreg:$0x2] =	wrdreg s5  }
0xbe: {  	[dreg:$0x3] =	wrdreg s7  }
0xbf: {  	[dreg:$0x4] =	wrdreg $0xC0  }
0xc0: {  	_ =	task [dreg:s22], $0x5FFFF  }
0xc1: {  	[dreg:$0x1] =	wrdreg $0xFFFFFFFF  }
0xc2: {  	[dreg:$0x0] =	wrdreg $0x60  }
0xc3: {  	[dreg:$0x2] =	wrdreg s17  }
0xc4: {  	[dreg:$0x3] =	wrdreg s18  }
0xc5: {  	[dreg:$0x4] =	wrdreg s24  }
0xc6: {  	[dreg:$0x5] =	wrdreg $0xA7200  }
0xc7: {  	[dreg:$0x6] =	wrdreg $0xA  }
0xc8: {  	_ =	task.clear_ibuf [dreg:s22], $0x7FFFF;
	_ =	strace $0x90000049  }
0xc9: {  	s29 =	simm.s32 $0xA;
	_ =	strace $0x8000004B  }
0xca: {  	_ =	swait.ge [sflag:s29], $0x1  }
0xcb: {  	[sflag:s29] =	ssyncadd.s32 $0xFFFFFFFF  }
0xcc: {  	_ =	strace $0x9000004B  }
0xcd: {  	_ =	sfence  }
0xce: {  	s30 =	sld [smem:$0x0];
	_ =	sdelay $0x2  }
0xcf: {  	s31 =	sshll.u32 s1, $0xD;
	s1 =	sshrl.u32 s1, $0x2  }
0xd0: {  	s4 =	sand.u32 $0x4000, s31;
	s1 =	sadd.s32 s1, s30  }
0xd1: {  	s0 =	sor.u32 s4, s0;
	s1 =	sshll.u32 s1, $0x11  }
0xd2: {  	s0 =	sor.u32 s1, s0  }
0xd3: {  	s0 =	sadd.s32 $0x8F2B, s0  }
0xd4: {  	[sflag:s0] =	ssyncadd.remote.s32 $0x1  }
0xd5: {  	_ =	sfence.sel $0xFFFF  }
0xd6: {  	[dreg:$0x0] =	wrdreg $0xFFFFFFFF;
	(pc) =	sbr.abs _section_cstart, $3  }
0xd7: {  	[dreg:$0x1] =	wrdreg $0xFFFFFFFF  }
0xd8: {  	_ =	task.clear_ibuf [dreg:s22], $0x2FFFF;
	_ =	strace $0x9FFFFFFF  }
0xd9: {  	(tm) =	ssettm $0x7FFFFFFF  }
tec
execute0_lowered:
.L_overlay_start_1:
0x0: {  	(tag) =	ssettag $0x1  }
0x1: {  	s1 =	rddreg [dreg:$0x0]  }
0x2: {  	s29 =	rddreg [dreg:$0x1]  }
0x3: {  	s0 =	rddreg [dreg:$0x2]  }
0x4: {  	s13 =	rddreg [dreg:$0x3];
	s2 =	simm.s32 $0x0  }
0x5: {  	s12 =	stileid.u32;
	s3 =	srdreg.scid;
	s28 =	simm.s32 $0x7  }
0x6: {  	[smem:$0x7FF] =	sst s2;
	s15 =	smul.u32 $0x13880, s12;
	s6 =	sadd.s32 $0xA000, s0  }
0x7: {  	s7 =	sadd.s32 $0x5000, s0;
	s3 =	sand.u32 $0x1, s3;
	s8 =	sadd.s32 $0x18800, s0  }
0x8: {  	s9 =	sadd.s32 $0x28C000, s0;
	s11 =	sadd.s32 $0x2B3200, s0;
	s18 =	sshll.u32 s12, $0x1  }
0x9: {  	s19 =	sshll.u32 s12, $0x6;
	p0 =	sgt.u32 s12, $0x3;
	s12 =	simm.s32 $0x3  }
0xa: {  	_ =	strace $0x8000004A;
	s4 =	smul.u32 $0x138800, s3;
	s10 =	ssub.s32 $0x2, s3  }
0xb: {  	[dreg:$0x5] =	wrdreg s11;
	s23 =	sor.u32 s3, s18;
	s2 =	sand.u32 $0x1FFC00, s15  }
0xc: {  	s16 =	sshrl.u32 s10, $0x1;
	s21 =	sshll.u32 s23, $0x2;
	s25 =	sshll.u32 s23, $0x9  }
0xd: {  	s26 =	sshll.u32 s23, $0x5;
	s14 =	sor.u32 $0x60, s23;
	s15 =	simm.s32 $0xA6E0  }
0xe: {  	s5 =	sshrl.u32 s2, $0x3;
	s4 =	sadd.s32 s4, s2;
	s17 =	ssub.s32 s10, s16  }
0xf: {  	s2 =	sadd.s32 s2, s13;
	s22 =	sadd.s32 s7, s21;
	s24 =	sadd.s32 s6, s21  }
0x10: {  	s3 =	sadd.s32 s29, s25;
	s13 =	simm.s32 $0xA6C0;
	[dreg:$0x6] =	wrdreg s2  }
0x11: {  	s16 =	simm.s32 $0xA700;
	s25 =	simm.s32 $0x65C0;
	[dreg:$0x9] =	wrdreg s22  }
0x12: {  	s5 =	sadd.s32 s5, s0;
	s4 =	sshrl.u32 s4, $0x3;
	[dreg:$0xa] =	wrdreg s24  }
0x13: {  	[dreg:$0xb] =	wrdreg s3;
	s2 =	sor.u32 $0x80, s21;
	s3 =	sadd.s32 s9, s26  }
0x14: {  	s26 =	sor.u32 $0xFFFFFFC0, s18;
	s31 =	smax.u32 s17, $0x1;
	[dreg:$0xc] =	wrdreg s3  }
0x15: {  	v0 =	vlaneseq.u32;
	s24 =	sor.u32 $0xFFFFFFE0, s18;
	s20 =	sadd.s32 $0x1B000, s5;
	[dreg:$0x10] =	wrdreg s31  }
.Ltmp0:
0x16: {  	v0 =	vmul.u32 $0x8, v0;
	s30 =	sadd.s32 s7, s2;
	[dreg:$0x7] =	wrdreg s20;
	(pc) =	sbr.rel .LBB2_1-.Ltmp0, $4  }
0x17: {  	s0 =	sadd.s32 s4, s0;
	s2 =	sadd.s32 s6, s2;
	[dreg:$0xd] =	wrdreg s30  }
0x18: {  	v1 =	vor.u32 $0x1, v0;
	s5 =	sor.u32 $0x1C07, s19;
	s3 =	sor.u32 $0x40, s23;
	[dreg:$0xe] =	wrdreg s2  }
0x19: {  	v2 =	vor.u32 $0x2, v0;
	v3 =	vor.u32 $0x3, v0;
	v4 =	vor.u32 $0x80, v0;
	s4 =	simm.s32 $0x0;
	s0 =	sadd.s32 $0x42200, s0;
	[dreg:$0x8] =	wrdreg s5  }
0x1a: {  	v5 =	vor.u32 $0x81, v0;
	v6 =	vor.u32 $0x82, v0;
	v7 =	vor.u32 $0x83, v0;
	s20 =	simm.s32 $0x4;
	[dreg:$0xf] =	wrdreg s0;
	s0 =	simm.s32 $0x62C0  }
.LBB2_11:
0x1b: {  	s2 =	simm.s32 @!p0 $0x5  }
0x1c: {  	_ =	swait.ge @!p0 [sflag:s2], $0x1000  }
0x1d: {  	[sflag:s2] =	ssyncset.done @!p0 $0x0  }
0x1e: {  	[sflag:s2] =	ssyncadd.s32 @!p0 $0xFFFFF000  }
0x1f: {  	[bflag:$0x0] =	sbarrier.arrive $0xFFFF  }
0x20: {  	s5 =	rddreg [dreg:$0x8]  }
0x21: {  	s22 =	rddreg [dreg:$0xf]  }
0x22: {  	s4 =	rddreg [dreg:$0x12]  }
0x23: {  	[hbm:s22], [sflag:s5] =	dma.local [spmem:s4], $0x2780  }
0x24: {  	_ =	swait.ge [sflag:s28], $0x2780  }
0x25: {  	s30 =	rddreg [dreg:$0x11]  }
0x26: {  	s31 =	rddreg [dreg:$0x10];
	s4 =	sadd.s32 $0x1, s30  }
0x27: {  	p1 =	sne.s32 s4, s31  }
.Ltmp1:
0x28: {  	_ = 	snop;
	(pc) =	sbr.rel @!p1 .LBB2_12-.Ltmp1, $3  }
0x29: {  	_ =	sdelay $0x1  }
0x2a: {  	[sflag:s28] =	ssyncset.done $0x0  }
0x2b: {  	[sflag:s28] =	ssyncadd.s32 $0xFFFFD880  }
.LBB2_1:
0x2c: {  	[dreg:$0x11] =	wrdreg s4  }
0x2d: {  	s2 =	rddreg [dreg:$0x6]  }
0x2e: {  	s17 =	rddreg [dreg:$0x7];
	s11 =	sshrl.u32 s2, $0x3  }
0x2f: {  	[dreg:$0x12] =	wrdreg s11  }
0x30: {  	[spmem:s11], [sflag:s5] =	dma.local [hbm:s17], $0x2780  }
0x31: {  	_ =	swait.ge [sflag:s28], $0x2780  }
0x32: {  	[sflag:s28] =	ssyncset.done $0x0  }
0x33: {  	[sflag:s28] =	ssyncadd.s32 $0xFFFFD880  }
0x34: {  	[bflag:$0x0] =	sbarrier.arrive $0xFFFF  }
0x35: {  	s2 =	simm.s32 $0x0;
	s18 =	rddreg [dreg:$0x9]  }
0x36: {  	[tilespmem:s2], [sflag:$0x1] =	stream.linear.gather [hbm4b:s18+s2], $0x20, $0x38;
	[tilespmem:$0x1DFA0] =	vst v63  }
0x37: {  	s21 =	simm.s32 $0x20;
	s22 =	simm.s32 $0x1;
	s19 =	rddreg [dreg:$0xa]  }
0x38: {  	[tilespmem:s21], [sflag:$0x1] =	stream.linear.gather [hbm4b:s19+s2], $0x20, $0x38;
	[tilespmem:$0x1DFA0] =	vst v63  }
0x39: {  	_ =	swait.ge [sflag:s22], $0x20  }
0x3a: {  	[sflag:s22] =	ssyncset.done $0x0  }
0x3b: {  	[sflag:s22] =	ssyncadd.s32 $0xFFFFFFE0  }
0x3c: {  	_ =	swait.ge [sflag:s22], $0x20  }
0x3d: {  	[sflag:s22] =	ssyncset.done $0x0  }
0x3e: {  	s30 =	simm.s32 $0xC0;
	[sflag:s22] =	ssyncadd.s32 $0xFFFFFFE0  }
0x3f: {  	[tilespmem:s30], [sflag:$0x3] =	stream.indirect.gather [hbm4b:s1+s21], $0x80, s2, s21, $0xb8;
	[tilespmem:$0x1DFA0] =	vst v63  }
0x40: {  	s31 =	simm.s32 $0x10C0  }
0x41: {  	[tilespmem:s31], [sflag:$0x3] =	stream.indirect.gather [hbm4b:s1+s21], $0x80, s21, s21, $0xb8;
	[tilespmem:$0x1DFA0] =	vst v63  }
0x42: {  	s10 =	simm.s32 $0x60C0  }
0x43: {  	[tilespmem:s10], [sflag:$0x3] =	stream.indirect.gather [hbm4b:s8+s21], $0x8, s2, s21, $0xb8;
	[tilespmem:$0x1DFA0] =	vst v63  }
0x44: {  	s11 =	simm.s32 $0x61C0  }
0x45: {  	[tilespmem:s11], [sflag:$0x3] =	stream.indirect.gather [hbm4b:s8+s21], $0x8, s21, s21, $0xb8;
	[tilespmem:$0x1DFA0] =	vst v63  }
0x46: {  	s18 =	simm.s32 $0x20C0;
	s17 =	rddreg [dreg:$0xb]  }
0x47: {  	[tilespmem:s18], [sflag:$0x3] =	stream.linear.gather [hbm4b:s17+s2], $0x1000, $0x38;
	[tilespmem:$0x1DFA0] =	vst v63  }
0x48: {  	s19 =	rddreg [dreg:$0xc]  }
0x49: {  	[tilespmem:s0], [sflag:$0x3] =	stream.linear.gather [hbm4b:s19+s2], $0x100, $0x38;
	[tilespmem:$0x1DFA0] =	vst v63  }
.Ltmp2:
0x4a: {  	_ = 	snop;
	(pc) =	sbr.rel .LBB2_2-.Ltmp2, $4  }
0x4b: {  	s22 =	simm.s32 $0x40;
	s21 =	rddreg [dreg:$0xd]  }
0x4c: {  	[tilespmem:s22], [sflag:$0x2] =	stream.linear.gather [hbm4b:s21+s2], $0x20, $0x38;
	[tilespmem:$0x1DFA0] =	vst v63  }
0x4d: {  	s30 =	rddreg [dreg:$0xe];
	s31 =	simm.s32 $0x60;
	s19 =	simm.s32 $0x0  }
0x4e: {  	[tilespmem:s31], [sflag:$0x2] =	stream.linear.gather [hbm4b:s30+s2], $0x20, $0x38;
	[tilespmem:$0x1DFA0] =	vst v63  }
.LBB2_10:
0x4f: {  	s2 =	sadd.s32 s14, s30  }
0x50: {  	p1 =	sgt.u32 s2, $0x1387  }
0x51: {  	s2 =	sshll.u32 @!p1 s2, $0x2  }
0x52: {  	s5 =	simm.s32 @!p1 $0x0;
	s10 =	simm.s32 @!p1 $0x40;
	s4 =	sadd.s32 @!p1 s7, s2  }
0x53: {  	[tilespmem:s10], [sflag:$0x2] =	stream.linear.gather @!p1 [hbm4b:s4+s5], $0x20, $0x38;
	[tilespmem:$0x1DFA0] =	vst v63  }
0x54: {  	s19 =	sadd.s32 $0x1, s19;
	s2 =	sadd.s32 @!p1 s6, s2;
	s4 =	simm.s32 @!p1 $0x60  }
0x55: {  	[tilespmem:s4], [sflag:$0x2] =	stream.linear.gather @!p1 [hbm4b:s2+s5], $0x20, $0x38;
	[tilespmem:$0x1DFA0] =	vst v63  }
0x56: {  	p1 =	sne.s32 s19, $0x4F  }
.Ltmp3:
0x57: {  	_ = 	snop;
	(pc) =	sbr.rel @!p1 .LBB2_11-.Ltmp3, $1  }
0x58: {  	_ =	sdelay $0x3  }
.LBB2_2:
0x59: {  	s30 =	sshll.u32 s19, $0x6  }
0x5a: {  	s18 =	sor.u32 s30, s23  }
0x5b: {  	s17 =	sor.u32 $0x20, s18  }
0x5c: {  	p1 =	sgt.u32 s17, $0x1387  }
0x5d: {  	s2 =	simm.s32 @!p1 $0x2  }
0x5e: {  	_ =	swait.ge @!p1 [sflag:s2], $0x20  }
0x5f: {  	[sflag:s2] =	ssyncset.done @!p1 $0x0  }
0x60: {  	[sflag:s2] =	ssyncadd.s32 @!p1 $0xFFFFFFE0  }
0x61: {  	_ =	swait.ge @!p1 [sflag:s2], $0x20  }
0x62: {  	s4 =	simm.s32 @!p1 $0x40;
	[sflag:s2] =	ssyncset.done @!p1 $0x0  }
0x63: {  	s5 =	simm.s32 @!p1 $0x30C0;
	[sflag:s2] =	ssyncadd.s32 @!p1 $0xFFFFFFE0;
	s2 =	simm.s32 @!p1 $0x20  }
0x64: {  	[tilespmem:s5], [sflag:$0x4] =	stream.indirect.gather @!p1 [hbm4b:s1+s2], $0x80, s4, s2, $0xb8;
	[tilespmem:$0x1DFA0] =	vst v63  }
0x65: {  	s10 =	simm.s32 @!p1 $0x40C0;
	s5 =	simm.s32 @!p1 $0x60  }
0x66: {  	[tilespmem:s10], [sflag:$0x4] =	stream.indirect.gather @!p1 [hbm4b:s1+s2], $0x80, s5, s2, $0xb8;
	[tilespmem:$0x1DFA0] =	vst v63  }
0x67: {  	s10 =	simm.s32 @!p1 $0x63C0  }
0x68: {  	[tilespmem:s10], [sflag:$0x4] =	stream.indirect.gather @!p1 [hbm4b:s8+s2], $0x8, s4, s2, $0xb8;
	[tilespmem:$0x1DFA0] =	vst v63  }
0x69: {  	s4 =	simm.s32 @!p1 $0x64C0  }
0x6a: {  	[tilespmem:s4], [sflag:$0x4] =	stream.indirect.gather @!p1 [hbm4b:s8+s2], $0x8, s5, s2, $0xb8;
	[tilespmem:$0x1DFA0] =	vst v63  }
0x6b: {  	s2 =	sshll.u32 @!p1 s17, $0x9  }
0x6c: {  	s4 =	simm.s32 @!p1 $0x0;
	s5 =	simm.s32 @!p1 $0x50C0;
	s2 =	sadd.s32 @!p1 s29, s2  }
0x6d: {  	[tilespmem:s5], [sflag:$0x4] =	stream.linear.gather @!p1 [hbm4b:s2+s4], $0x1000, $0x38;
	[tilespmem:$0x1DFA0] =	vst v63  }
0x6e: {  	s31 =	sadd.s32 s26, s30;
	s2 =	sshll.u32 @!p1 s17, $0x5  }
0x6f: {  	p3 =	sgt.u32 s18, $0x1387;
	s5 =	simm.s32 @!p1 $0x65C0;
	s2 =	sadd.s32 @!p1 s9, s2  }
0x70: {  	[tilespmem:s5], [sflag:$0x4] =	stream.linear.gather @!p1 [hbm4b:s2+s4], $0x100, $0x38;
	[tilespmem:$0x1DFA0] =	vst v63  }
.Ltmp4:
0x71: {  	p2 =	sgt.u32 s31, $0x1387;
	(pc) =	sbr.rel @p3 .LBB2_6-.Ltmp4, $4  }
0x72: {  	s2 =	simm.s32 @!p2 $0x5  }
0x73: {  	_ =	swait.ge @!p2 [sflag:s2], $0x1000  }
0x74: {  	[sflag:s2] =	ssyncset.done @!p2 $0x0  }
0x75: {  	[sflag:s2] =	ssyncadd.s32 @!p2 $0xFFFFF000  }
0x76: {  	_ =	swait.ge [sflag:s12], $0x1000  }
0x77: {  	[sflag:s12] =	ssyncset.done $0x0  }
0x78: {  	[sflag:s12] =	ssyncadd.s32 $0xFFFFF000  }
0x79: {  	_ =	swait.ge [sflag:s12], $0x1000  }
0x7a: {  	[sflag:s12] =	ssyncset.done $0x0  }
0x7b: {  	[sflag:s12] =	ssyncadd.s32 $0xFFFFF000  }
0x7c: {  	_ =	swait.ge [sflag:s12], $0x100  }
0x7d: {  	[sflag:s12] =	ssyncset.done $0x0  }
0x7e: {  	[sflag:s12] =	ssyncadd.s32 $0xFFFFFF00  }
0x7f: {  	_ =	swait.ge [sflag:s12], $0x100  }
0x80: {  	[sflag:s12] =	ssyncset.done $0x0  }
0x81: {  	[sflag:s12] =	ssyncadd.s32 $0xFFFFFF00  }
0x82: {  	_ =	swait.ge [sflag:s12], $0x1000  }
0x83: {  	[sflag:s12] =	ssyncset.done $0x0  }
0x84: {  	[sflag:s12] =	ssyncadd.s32 $0xFFFFF000  }
0x85: {  	_ =	swait.ge [sflag:s12], $0x100  }
0x86: {  	[sflag:s12] =	ssyncset.done $0x0  }
0x87: {  	[sflag:s12] =	ssyncadd.s32 $0xFFFFFF00  }
0x88: {  	v8 =	vld [tilespmem:$0x0];
	_ =	sdelay $0x4  }
0x89: {  	s2 =	simm.s32 $0x60C0;
	[tilespmem:$0x80] =	vst v8  }
0x8a: {  	v8 =	vld.idx.msk [tilespmem:v0+s2+$0x0], $0xffff  }
0x8b: {  	v9 =	vld.idx.msk [tilespmem:v0+s0+$0x0], $0xffff;
	_ =	sdelay $0x4  }
0x8c: {  	v8 =	vadd.f32 v9, v8;
	_ =	sdelay $0x1  }
0x8d: {  	v8 =	vsub.f32 $0.0e+00, v8;
	_ =	sdelay $0x1  }
0x8e: {  	v8 =	vmul.f32 $1.442695020e+00, v8;
	_ =	sdelay $0x1  }
0x8f: {  	(erf) = vpow2.f32 v8  }
0x90: {  	s4 =	simm.s32 $0x61C0;
	v9 =	vld.idx.msk [tilespmem:v1+s0+$0x0], $0xffff  }
0x91: {  	v8 =	vld.idx.msk [tilespmem:v1+s4+$0x0], $0xffff;
	_ =	sdelay $0x4  }
0x92: {  	v8 =	vadd.f32 v9, v8;
	_ =	sdelay $0x1  }
0x93: {  	v8 =	vsub.f32 $0.0e+00, v8;
	v9 =	vpop (erf)  }
0x94: {  	v9 =	vadd.f32 $1.000000000e+00, v9  }
0x95: {  	v8 =	vmul.f32 $1.442695020e+00, v8  }
0x96: {  	(erf) = vrcp.f32 v9  }
0x97: {  	(erf) = vpow2.f32 v8  }
0x98: {  	v9 =	vld.idx.msk [tilespmem:v2+s0+$0x0], $0xffff  }
0x99: {  	v8 =	vld.idx.msk [tilespmem:v2+s2+$0x0], $0xffff;
	_ =	sdelay $0x4  }
0x9a: {  	v8 =	vadd.f32 v9, v8  }
0x9b: {  	v9 =	vpop (erf)  }
0x9c: {  	v8 =	vsub.f32 $0.0e+00, v8;
	v10 =	vpop (erf)  }
0x9d: {  	v10 =	vadd.f32 $1.000000000e+00, v10  }
0x9e: {  	v8 =	vmul.f32 $1.442695020e+00, v8  }
0x9f: {  	(erf) = vrcp.f32 v10  }
0xa0: {  	(erf) = vpow2.f32 v8  }
0xa1: {  	v10 =	vld.idx.msk [tilespmem:v3+s0+$0x0], $0xffff  }
0xa2: {  	v8 =	vld.idx.msk [tilespmem:v3+s4+$0x0], $0xffff;
	_ =	sdelay $0x4  }
0xa3: {  	v8 =	vadd.f32 v10, v8  }
0xa4: {  	v10 =	vpop (erf)  }
0xa5: {  	v8 =	vsub.f32 $0.0e+00, v8;
	v11 =	vpop (erf)  }
0xa6: {  	v11 =	vadd.f32 $1.000000000e+00, v11  }
0xa7: {  	v8 =	vmul.f32 $1.442695020e+00, v8  }
0xa8: {  	(erf) = vrcp.f32 v11  }
0xa9: {  	(erf) = vpow2.f32 v8;
	_ =	sdelay $0x7  }
0xaa: {  	v8 =	vpop (erf)  }
0xab: {  	v11 =	vpop (erf)  }
0xac: {  	v11 =	vadd.f32 $1.000000000e+00, v11;
	_ =	sdelay $0x1  }
0xad: {  	(erf) = vrcp.f32 v11;
	_ =	sdelay $0x2  }
0xae: {  	v9 =	vadd.f32 v10, v9;
	v10 =	vld [tilespmem:$0x10];
	_ =	sdelay $0x3  }
0xaf: {  	[tilespmem:$0xA6C0] =	vst v9  }
0xb0: {  	[tilespmem:$0x90] =	vst v10  }
0xb1: {  	[tilespmem:$0xA6E0] =	vst v8;
	v8 =	vpop (erf)  }
0xb2: {  	[tilespmem:$0xA700] =	vst v8  }
0xb3: {  	v8 =	vld.idx.msk [tilespmem:v4+s2+$0x0], $0xffff  }
0xb4: {  	v9 =	vld.idx.msk [tilespmem:v4+s0+$0x0], $0xffff;
	_ =	sdelay $0x4  }
0xb5: {  	v8 =	vadd.f32 v9, v8;
	_ =	sdelay $0x1  }
0xb6: {  	v8 =	vsub.f32 $0.0e+00, v8;
	_ =	sdelay $0x1  }
0xb7: {  	v8 =	vmul.f32 $1.442695020e+00, v8;
	_ =	sdelay $0x1  }
0xb8: {  	(erf) = vpow2.f32 v8  }
0xb9: {  	v9 =	vld.idx.msk [tilespmem:v5+s0+$0x0], $0xffff  }
0xba: {  	v8 =	vld.idx.msk [tilespmem:v5+s4+$0x0], $0xffff;
	_ =	sdelay $0x4  }
0xbb: {  	v8 =	vadd.f32 v9, v8;
	_ =	sdelay $0x1  }
0xbc: {  	v8 =	vsub.f32 $0.0e+00, v8;
	v9 =	vpop (erf)  }
0xbd: {  	v9 =	vadd.f32 $1.000000000e+00, v9  }
0xbe: {  	v8 =	vmul.f32 $1.442695020e+00, v8  }
0xbf: {  	(erf) = vrcp.f32 v9  }
0xc0: {  	(erf) = vpow2.f32 v8  }
0xc1: {  	v9 =	vld.idx.msk [tilespmem:v6+s0+$0x0], $0xffff  }
0xc2: {  	v8 =	vld.idx.msk [tilespmem:v6+s2+$0x0], $0xffff;
	_ =	sdelay $0x4  }
0xc3: {  	v8 =	vadd.f32 v9, v8  }
0xc4: {  	v9 =	vpop (erf)  }
0xc5: {  	v8 =	vsub.f32 $0.0e+00, v8;
	v10 =	vpop (erf)  }
0xc6: {  	v10 =	vadd.f32 $1.000000000e+00, v10  }
0xc7: {  	v8 =	vmul.f32 $1.442695020e+00, v8  }
0xc8: {  	(erf) = vrcp.f32 v10  }
0xc9: {  	(erf) = vpow2.f32 v8  }
0xca: {  	v10 =	vld.idx.msk [tilespmem:v7+s0+$0x0], $0xffff  }
0xcb: {  	v8 =	vld.idx.msk [tilespmem:v7+s4+$0x0], $0xffff;
	_ =	sdelay $0x4  }
0xcc: {  	v8 =	vadd.f32 v10, v8  }
0xcd: {  	v10 =	vpop (erf)  }
0xce: {  	v8 =	vsub.f32 $0.0e+00, v8;
	v11 =	vpop (erf)  }
0xcf: {  	v11 =	vadd.f32 $1.000000000e+00, v11  }
0xd0: {  	v8 =	vmul.f32 $1.442695020e+00, v8  }
0xd1: {  	(erf) = vrcp.f32 v11  }
0xd2: {  	(erf) = vpow2.f32 v8;
	_ =	sdelay $0x7  }
0xd3: {  	v8 =	vpop (erf)  }
0xd4: {  	v11 =	vpop (erf)  }
0xd5: {  	v11 =	vadd.f32 $1.000000000e+00, v11;
	_ =	sdelay $0x1  }
0xd6: {  	(erf) = vrcp.f32 v11;
	_ =	sdelay $0x4  }
0xd7: {  	s22 =	simm.s32 $0x0  }
0xd8: {  	v9 =	vadd.f32 v10, v9;
	v10 =	vmov s22;
	_ =	sdelay $0x1  }
0xd9: {  	[tilespmem:$0xA6D0] =	vst v9  }
0xda: {  	[tilespmem:$0xA6F0] =	vst v8;
	v8 =	vpop (erf)  }
0xdb: {  	[tilespmem:$0xA710] =	vst v8  }
0xdc: {  	s10 =	simm.s32 $0x2100;
	v11 =	vld.idx.msk [tilespmem:v10+s13+$0x0], $0xffff  }
0xdd: {  	v9 =	vld [tilespmem:s10+$0xFFFFFFC0];
	_ =	sdelay $0x4  }
0xde: {  	s31 =	smov.u32 s24;
	v12 =	vmul.f32 v9, v11  }
0xdf: {  	s24 =	smov.u32 s3;
	s3 =	smov.u32 s26;
	s4 =	simm.s32 $0x7700;
	v8 =	vld.idx.msk [tilespmem:v10+s16+$0x0], $0xffff  }
0xe0: {  	s26 =	smov.u32 s23;
	s23 =	smov.u32 s29;
	s29 =	simm.s32 $0x100;
	v9 =	vld.idx.msk [tilespmem:v10+s15+$0x0], $0xffff;
	[tilespmem:s4+$0xFFFFFFC0] =	vst v12  }
0xe1: {  	s5 =	simm.s32 $0x1100;
	v10 =	vld [tilespmem:s29+$0xFFFFFFC0]  }
0xe2: {  	v12 =	vld [tilespmem:s5+$0xFFFFFFC0];
	_ =	sdelay $0x4  }
0xe3: {  	v10 =	vmul.f32 v10, v9;
	v12 =	vmul.f32 v12, v8;
	_ =	sdelay $0x1  }
0xe4: {  	v10 =	vadd.f32 v12, v10  }
0xe5: {  	s2 =	simm.s32 $0x6700  }
0xe6: {  	[tilespmem:s2+$0xFFFFFFC0] =	vst v10  }
0xe7: {  	v10 =	vld [tilespmem:s10+$0xFFFFFFD0];
	_ =	sdelay $0x4  }
0xe8: {  	v10 =	vmul.f32 v10, v11;
	_ =	sdelay $0x1  }
0xe9: {  	[tilespmem:s4+$0xFFFFFFD0] =	vst v10  }
0xea: {  	v10 =	vld [tilespmem:s29+$0xFFFFFFD0]  }
0xeb: {  	v58 =	vld [tilespmem:s5+$0xFFFFFFD0];
	_ =	sdelay $0x4  }
0xec: {  	v10 =	vmul.f32 v10, v9;
	v12 =	vmul.f32 v58, v8;
	_ =	sdelay $0x1  }
0xed: {  	v10 =	vadd.f32 v12, v10;
	_ =	sdelay $0x1  }
0xee: {  	[tilespmem:s2+$0xFFFFFFD0] =	vst v10  }
0xef: {  	v10 =	vld [tilespmem:s10+$0xFFFFFFE0];
	_ =	sdelay $0x4  }
0xf0: {  	v10 =	vmul.f32 v10, v11;
	_ =	sdelay $0x1  }
0xf1: {  	[tilespmem:s4+$0xFFFFFFE0] =	vst v10  }
0xf2: {  	v10 =	vld [tilespmem:s29+$0xFFFFFFE0]  }
0xf3: {  	v59 =	vld [tilespmem:s5+$0xFFFFFFE0];
	_ =	sdelay $0x4  }
0xf4: {  	v10 =	vmul.f32 v10, v9;
	v12 =	vmul.f32 v59, v8;
	_ =	sdelay $0x1  }
0xf5: {  	v10 =	vadd.f32 v12, v10;
	_ =	sdelay $0x1  }
0xf6: {  	[tilespmem:s2+$0xFFFFFFE0] =	vst v10  }
0xf7: {  	v10 =	vld [tilespmem:s10+$0xFFFFFFF0];
	_ =	sdelay $0x4  }
0xf8: {  	v10 =	vmul.f32 v10, v11;
	_ =	sdelay $0x1  }
0xf9: {  	[tilespmem:s4+$0xFFFFFFF0] =	vst v10  }
0xfa: {  	v10 =	vld [tilespmem:s29+$0xFFFFFFF0]  }
0xfb: {  	v60 =	vld [tilespmem:s5+$0xFFFFFFF0];
	_ =	sdelay $0x4  }
0xfc: {  	v10 =	vmul.f32 v10, v9;
	v12 =	vmul.f32 v60, v8;
	_ =	sdelay $0x1  }
0xfd: {  	v10 =	vadd.f32 v12, v10;
	_ =	sdelay $0x1  }
0xfe: {  	[tilespmem:s2+$0xFFFFFFF0] =	vst v10  }
0xff: {  	v10 =	vld [tilespmem:s10+$0x0];
	_ =	sdelay $0x4  }
0x100: {  	v10 =	vmul.f32 v10, v11;
	_ =	sdelay $0x1  }
0x101: {  	[tilespmem:s4+$0x0] =	vst v10  }
0x102: {  	v10 =	vld [tilespmem:s29+$0x0]  }
0x103: {  	v61 =	vld [tilespmem:s5+$0x0];
	_ =	sdelay $0x4  }
0x104: {  	v10 =	vmul.f32 v10, v9;
	v12 =	vmul.f32 v61, v8;
	_ =	sdelay $0x1  }
0x105: {  	v10 =	vadd.f32 v12, v10;
	_ =	sdelay $0x1  }
0x106: {  	[tilespmem:s2+$0x0] =	vst v10  }
0x107: {  	v10 =	vld [tilespmem:s10+$0x10];
	_ =	sdelay $0x4  }
0x108: {  	v10 =	vmul.f32 v10, v11;
	_ =	sdelay $0x1  }
0x109: {  	[tilespmem:s4+$0x10] =	vst v10  }
0x10a: {  	v10 =	vld [tilespmem:s29+$0x10]  }
0x10b: {  	v62 =	vld [tilespmem:s5+$0x10];
	_ =	sdelay $0x4  }
0x10c: {  	v10 =	vmul.f32 v10, v9;
	v12 =	vmul.f32 v62, v8;
	_ =	sdelay $0x1  }
0x10d: {  	v10 =	vadd.f32 v12, v10;
	_ =	sdelay $0x1  }
0x10e: {  	[tilespmem:s2+$0x10] =	vst v10  }
0x10f: {  	v10 =	vld [tilespmem:s10+$0x20];
	_ =	sdelay $0x4  }
0x110: {  	v10 =	vmul.f32 v10, v11;
	_ =	sdelay $0x1  }
0x111: {  	[tilespmem:s4+$0x20] =	vst v10  }
0x112: {  	v10 =	vld [tilespmem:s29+$0x20]  }
0x113: {  	v63 =	vld [tilespmem:s5+$0x20];
	_ =	sdelay $0x4  }
0x114: {  	v10 =	vmul.f32 v10, v9;
	v12 =	vmul.f32 v63, v8;
	_ =	sdelay $0x1  }
0x115: {  	v10 =	vadd.f32 v12, v10;
	_ =	sdelay $0x1  }
0x116: {  	[tilespmem:s2+$0x20] =	vst v10  }
0x117: {  	v10 =	vld [tilespmem:s10+$0x30];
	_ =	sdelay $0x4  }
0x118: {  	v10 =	vmul.f32 v10, v11;
	_ =	sdelay $0x1  }
0x119: {  	[tilespmem:s4+$0x30] =	vst v10  }
0x11a: {  	v10 =	vld [tilespmem:s29+$0x30]  }
0x11b: {  	s11 =	simm.s32 $0x6780;
	s21 =	simm.s32 $0x2180;
	s10 =	simm.s32 $0x1;
	v11 =	vld [tilespmem:s5+$0x30]  }
.LBB2_4:
0x11c: {  	s4 =	sadd.s32 $0x80, s4;
	s29 =	sadd.s32 $0x80, s29;
	s5 =	sadd.s32 $0x80, s5  }
0x11d: {  	p2 =	sne.s32 s10, $0x1F;
	s22 =	smov.u32 s10;
	s10 =	sadd.s32 $0x1, s10  }
0x11e: {  	_ = 	snop  }
0x11f: {  	v9 =	vmul.f32 v10, v9  }
0x120: {  	v12 =	vmov s22;
	v8 =	vmul.f32 v11, v8;
	_ =	sdelay $0x1  }
0x121: {  	v8 =	vadd.f32 v8, v9;
	_ =	sdelay $0x1  }
0x122: {  	[tilespmem:s2+$0x30] =	vst v8;
	s2 =	smov.u32 s11  }
0x123: {  	v10 =	vld.idx.msk [tilespmem:v12+s13+$0x0], $0xffff  }
0x124: {  	v9 =	vld [tilespmem:s21+$0xFFFFFFC0];
	_ =	sdelay $0x4  }
0x125: {  	v8 =	vld.idx.msk [tilespmem:v12+s16+$0x0], $0xffff;
	v11 =	vmul.f32 v9, v10  }
0x126: {  	v9 =	vld.idx.msk [tilespmem:v12+s15+$0x0], $0xffff  }
0x127: {  	[tilespmem:s4+$0xFFFFFFC0] =	vst v11  }
0x128: {  	v11 =	vld [tilespmem:s29+$0xFFFFFFC0]  }
0x129: {  	v12 =	vld [tilespmem:s5+$0xFFFFFFC0];
	_ =	sdelay $0x3  }
0x12a: {  	v11 =	vmul.f32 v11, v9  }
0x12b: {  	v12 =	vmul.f32 v12, v8;
	_ =	sdelay $0x1  }
0x12c: {  	v11 =	vadd.f32 v12, v11;
	_ =	sdelay $0x1  }
0x12d: {  	[tilespmem:s11+$0xFFFFFFC0] =	vst v11  }
0x12e: {  	v11 =	vld [tilespmem:s21+$0xFFFFFFD0];
	_ =	sdelay $0x4  }
0x12f: {  	v11 =	vmul.f32 v11, v10;
	_ =	sdelay $0x1  }
0x130: {  	[tilespmem:s4+$0xFFFFFFD0] =	vst v11  }
0x131: {  	v11 =	vld [tilespmem:s29+$0xFFFFFFD0]  }
0x132: {  	v12 =	vld [tilespmem:s5+$0xFFFFFFD0];
	_ =	sdelay $0x3  }
0x133: {  	v11 =	vmul.f32 v11, v9  }
0x134: {  	v12 =	vmul.f32 v12, v8;
	_ =	sdelay $0x1  }
0x135: {  	v11 =	vadd.f32 v12, v11;
	_ =	sdelay $0x1  }
0x136: {  	[tilespmem:s11+$0xFFFFFFD0] =	vst v11  }
0x137: {  	v11 =	vld [tilespmem:s21+$0xFFFFFFE0];
	_ =	sdelay $0x4  }
0x138: {  	v11 =	vmul.f32 v11, v10;
	_ =	sdelay $0x1  }
0x139: {  	[tilespmem:s4+$0xFFFFFFE0] =	vst v11  }
0x13a: {  	v11 =	vld [tilespmem:s29+$0xFFFFFFE0]  }
0x13b: {  	v12 =	vld [tilespmem:s5+$0xFFFFFFE0];
	_ =	sdelay $0x3  }
0x13c: {  	v11 =	vmul.f32 v11, v9  }
0x13d: {  	v12 =	vmul.f32 v12, v8;
	_ =	sdelay $0x1  }
0x13e: {  	v11 =	vadd.f32 v12, v11;
	_ =	sdelay $0x1  }
0x13f: {  	[tilespmem:s11+$0xFFFFFFE0] =	vst v11  }
0x140: {  	v11 =	vld [tilespmem:s21+$0xFFFFFFF0];
	_ =	sdelay $0x4  }
0x141: {  	v11 =	vmul.f32 v11, v10;
	_ =	sdelay $0x1  }
0x142: {  	[tilespmem:s4+$0xFFFFFFF0] =	vst v11  }
0x143: {  	v11 =	vld [tilespmem:s29+$0xFFFFFFF0]  }
0x144: {  	v12 =	vld [tilespmem:s5+$0xFFFFFFF0];
	_ =	sdelay $0x3  }
0x145: {  	v11 =	vmul.f32 v11, v9  }
0x146: {  	v12 =	vmul.f32 v12, v8;
	_ =	sdelay $0x1  }
0x147: {  	v11 =	vadd.f32 v12, v11;
	_ =	sdelay $0x1  }
0x148: {  	[tilespmem:s11+$0xFFFFFFF0] =	vst v11  }
0x149: {  	v11 =	vld [tilespmem:s21+$0x0];
	_ =	sdelay $0x4  }
0x14a: {  	v11 =	vmul.f32 v11, v10;
	_ =	sdelay $0x1  }
0x14b: {  	[tilespmem:s4+$0x0] =	vst v11  }
0x14c: {  	v11 =	vld [tilespmem:s29+$0x0]  }
0x14d: {  	v12 =	vld [tilespmem:s5+$0x0];
	_ =	sdelay $0x3  }
0x14e: {  	v11 =	vmul.f32 v11, v9  }
0x14f: {  	v12 =	vmul.f32 v12, v8;
	_ =	sdelay $0x1  }
0x150: {  	v11 =	vadd.f32 v12, v11;
	_ =	sdelay $0x1  }
0x151: {  	[tilespmem:s11+$0x0] =	vst v11  }
0x152: {  	v11 =	vld [tilespmem:s21+$0x10];
	_ =	sdelay $0x4  }
0x153: {  	v11 =	vmul.f32 v11, v10;
	_ =	sdelay $0x1  }
0x154: {  	[tilespmem:s4+$0x10] =	vst v11  }
0x155: {  	v11 =	vld [tilespmem:s29+$0x10]  }
0x156: {  	v12 =	vld [tilespmem:s5+$0x10];
	_ =	sdelay $0x3  }
0x157: {  	v11 =	vmul.f32 v11, v9  }
0x158: {  	v12 =	vmul.f32 v12, v8;
	_ =	sdelay $0x1  }
0x159: {  	v11 =	vadd.f32 v12, v11;
	_ =	sdelay $0x1  }
0x15a: {  	[tilespmem:s11+$0x10] =	vst v11  }
0x15b: {  	v11 =	vld [tilespmem:s21+$0x20];
	_ =	sdelay $0x4  }
0x15c: {  	v11 =	vmul.f32 v11, v10;
	_ =	sdelay $0x1  }
0x15d: {  	[tilespmem:s4+$0x20] =	vst v11  }
0x15e: {  	v11 =	vld [tilespmem:s29+$0x20]  }
0x15f: {  	v12 =	vld [tilespmem:s5+$0x20];
	_ =	sdelay $0x3  }
0x160: {  	v11 =	vmul.f32 v11, v9  }
0x161: {  	v12 =	vmul.f32 v12, v8;
	_ =	sdelay $0x1  }
0x162: {  	v11 =	vadd.f32 v12, v11;
	_ =	sdelay $0x1  }
0x163: {  	[tilespmem:s11+$0x20] =	vst v11  }
0x164: {  	v11 =	vld [tilespmem:s21+$0x30];
	_ =	sdelay $0x4  }
.Ltmp5:
0x165: {  	v10 =	vmul.f32 v11, v10;
	(pc) =	sbr.rel @p2 .LBB2_4-.Ltmp5, $4  }
0x166: {  	_ = 	snop  }
0x167: {  	[tilespmem:s4+$0x30] =	vst v10  }
0x168: {  	v10 =	vld [tilespmem:s29+$0x30]  }
0x169: {  	s11 =	sadd.s32 $0x80, s11;
	s21 =	sadd.s32 $0x80, s21;
	v11 =	vld [tilespmem:s5+$0x30]  }
0x16a: {  	_ =	sdelay $0x3  }
0x16b: {  	v9 =	vmul.f32 v10, v9;
	v8 =	vmul.f32 v11, v8;
	_ =	sdelay $0x1  }
0x16c: {  	s22 =	rddreg [dreg:$0x3];
	s4 =	simm.s32 $0x20;
	v8 =	vadd.f32 v8, v9  }
0x16d: {  	s5 =	simm.s32 $0x80;
	s10 =	simm.s32 $0x76C0;
	s11 =	sshll.u32 s18, $0x9  }
0x16e: {  	s21 =	simm.s32 $0x0;
	s29 =	smov.u32 s23;
	s23 =	smov.u32 s26;
	[tilespmem:s2+$0x30] =	vst v8  }
0x16f: {  	[spmem:s22] =	stream.indirect.scatter.add.f32 [tilespmem:s10], [sflag:$0x7], $0x80, s5, s4, $0xb8;
	[tilespmem:$0x1DFA0] =	vst v63  }
0x170: {  	s26 =	smov.u32 s3;
	s3 =	smov.u32 s24;
	_ =	swait.ge [sflag:s28], $0x1000  }
0x171: {  	s24 =	smov.u32 s31;
	[sflag:s28] =	ssyncset.done $0x0;
	s18 =	rddreg [dreg:$0x5]  }
0x172: {  	s22 =	simm.s32 $0x66C0;
	[sflag:s28] =	ssyncadd.s32 $0xFFFFF000;
	s2 =	sadd.s32 s18, s11  }
0x173: {  	[hbm4b:s2+s21] =	stream.linear.scatter [tilespmem:s22], [sflag:$0x5], $0x1000, $0x38;
	[tilespmem:$0x1DFA0] =	vst v63  }
.LBB2_6:
0x174: {  	s2 =	sadd.s32 s3, s30  }
0x175: {  	p2 =	sgt.u32 s2, $0x1387  }
0x176: {  	s4 =	sshll.u32 @!p2 s2, $0x2  }
0x177: {  	s10 =	simm.s32 @!p2 $0x0;
	s5 =	sadd.s32 @!p2 s7, s4  }
0x178: {  	[tilespmem:s10], [sflag:$0x1] =	stream.linear.gather @!p2 [hbm4b:s5+s10], $0x20, $0x38;
	[tilespmem:$0x1DFA0] =	vst v63  }
0x179: {  	s4 =	sadd.s32 @!p2 s6, s4;
	s5 =	simm.s32 @!p2 $0x20  }
0x17a: {  	[tilespmem:s5], [sflag:$0x1] =	stream.linear.gather @!p2 [hbm4b:s4+s10], $0x20, $0x38;
	[tilespmem:$0x1DFA0] =	vst v63  }
0x17b: {  	s4 =	simm.s32 @!p2 $0x1  }
0x17c: {  	_ =	swait.ge @!p2 [sflag:s4], $0x20  }
0x17d: {  	[sflag:s4] =	ssyncset.done @!p2 $0x0  }
0x17e: {  	[sflag:s4] =	ssyncadd.s32 @!p2 $0xFFFFFFE0  }
0x17f: {  	_ =	swait.ge @!p2 [sflag:s4], $0x20  }
0x180: {  	[sflag:s4] =	ssyncset.done @!p2 $0x0  }
0x181: {  	[sflag:s4] =	ssyncadd.s32 @!p2 $0xFFFFFFE0;
	s4 =	simm.s32 @!p2 $0xC0  }
0x182: {  	[tilespmem:s4], [sflag:$0x3] =	stream.indirect.gather @!p2 [hbm4b:s1+s5], $0x80, s10, s5, $0xb8;
	[tilespmem:$0x1DFA0] =	vst v63  }
0x183: {  	s4 =	simm.s32 @!p2 $0x10C0  }
0x184: {  	[tilespmem:s4], [sflag:$0x3] =	stream.indirect.gather @!p2 [hbm4b:s1+s5], $0x80, s5, s5, $0xb8;
	[tilespmem:$0x1DFA0] =	vst v63  }
0x185: {  	s4 =	simm.s32 @!p2 $0x60C0  }
0x186: {  	[tilespmem:s4], [sflag:$0x3] =	stream.indirect.gather @!p2 [hbm4b:s8+s5], $0x8, s10, s5, $0xb8;
	[tilespmem:$0x1DFA0] =	vst v63  }
0x187: {  	s4 =	simm.s32 @!p2 $0x61C0  }
0x188: {  	[tilespmem:s4], [sflag:$0x3] =	stream.indirect.gather @!p2 [hbm4b:s8+s5], $0x8, s5, s5, $0xb8;
	[tilespmem:$0x1DFA0] =	vst v63  }
0x189: {  	s4 =	sshll.u32 @!p2 s2, $0x9  }
0x18a: {  	s5 =	simm.s32 @!p2 $0x20C0;
	s2 =	sshll.u32 @!p2 s2, $0x5;
	s4 =	sadd.s32 @!p2 s29, s4  }
0x18b: {  	[tilespmem:s5], [sflag:$0x3] =	stream.linear.gather @!p2 [hbm4b:s4+s10], $0x1000, $0x38;
	[tilespmem:$0x1DFA0] =	vst v63  }
0x18c: {  	s31 =	sadd.s32 s24, s30;
	s2 =	sadd.s32 @!p2 s9, s2;
	s4 =	simm.s32 @!p2 $0x62C0  }
0x18d: {  	[tilespmem:s4], [sflag:$0x3] =	stream.linear.gather @!p2 [hbm4b:s2+s10], $0x100, $0x38;
	[tilespmem:$0x1DFA0] =	vst v63  }
.Ltmp6:
0x18e: {  	p2 =	sgt.u32 s31, $0x1387;
	(pc) =	sbr.rel @p1 .LBB2_10-.Ltmp6, $4  }
0x18f: {  	s2 =	simm.s32 @!p2 $0x6  }
0x190: {  	_ =	swait.ge @!p2 [sflag:s2], $0x1000  }
0x191: {  	[sflag:s2] =	ssyncset.done @!p2 $0x0  }
0x192: {  	[sflag:s2] =	ssyncadd.s32 @!p2 $0xFFFFF000  }
0x193: {  	_ =	swait.ge [sflag:s20], $0x1000  }
0x194: {  	[sflag:s20] =	ssyncset.done $0x0  }
0x195: {  	[sflag:s20] =	ssyncadd.s32 $0xFFFFF000  }
0x196: {  	_ =	swait.ge [sflag:s20], $0x1000  }
0x197: {  	[sflag:s20] =	ssyncset.done $0x0  }
0x198: {  	[sflag:s20] =	ssyncadd.s32 $0xFFFFF000  }
0x199: {  	_ =	swait.ge [sflag:s20], $0x100  }
0x19a: {  	[sflag:s20] =	ssyncset.done $0x0  }
0x19b: {  	[sflag:s20] =	ssyncadd.s32 $0xFFFFFF00  }
0x19c: {  	_ =	swait.ge [sflag:s20], $0x100  }
0x19d: {  	[sflag:s20] =	ssyncset.done $0x0  }
0x19e: {  	[sflag:s20] =	ssyncadd.s32 $0xFFFFFF00  }
0x19f: {  	_ =	swait.ge [sflag:s20], $0x1000  }
0x1a0: {  	[sflag:s20] =	ssyncset.done $0x0  }
0x1a1: {  	[sflag:s20] =	ssyncadd.s32 $0xFFFFF000  }
0x1a2: {  	_ =	swait.ge [sflag:s20], $0x100  }
0x1a3: {  	[sflag:s20] =	ssyncset.done $0x0  }
0x1a4: {  	[sflag:s20] =	ssyncadd.s32 $0xFFFFFF00  }
0x1a5: {  	v8 =	vld [tilespmem:$0x40];
	_ =	sdelay $0x4  }
0x1a6: {  	s2 =	simm.s32 $0x63C0;
	[tilespmem:$0xA0] =	vst v8  }
0x1a7: {  	v8 =	vld.idx.msk [tilespmem:v0+s2+$0x0], $0xffff  }
0x1a8: {  	v9 =	vld.idx.msk [tilespmem:v0+s25+$0x0], $0xffff;
	_ =	sdelay $0x4  }
0x1a9: {  	v8 =	vadd.f32 v9, v8;
	_ =	sdelay $0x1  }
0x1aa: {  	v8 =	vsub.f32 $0.0e+00, v8;
	_ =	sdelay $0x1  }
0x1ab: {  	v8 =	vmul.f32 $1.442695020e+00, v8;
	_ =	sdelay $0x1  }
0x1ac: {  	(erf) = vpow2.f32 v8  }
0x1ad: {  	s4 =	simm.s32 $0x64C0;
	v9 =	vld.idx.msk [tilespmem:v1+s25+$0x0], $0xffff  }
0x1ae: {  	v8 =	vld.idx.msk [tilespmem:v1+s4+$0x0], $0xffff;
	_ =	sdelay $0x4  }
0x1af: {  	v8 =	vadd.f32 v9, v8;
	_ =	sdelay $0x1  }
0x1b0: {  	v8 =	vsub.f32 $0.0e+00, v8;
	v9 =	vpop (erf)  }
0x1b1: {  	v9 =	vadd.f32 $1.000000000e+00, v9  }
0x1b2: {  	v8 =	vmul.f32 $1.442695020e+00, v8  }
0x1b3: {  	(erf) = vrcp.f32 v9  }
0x1b4: {  	(erf) = vpow2.f32 v8  }
0x1b5: {  	v9 =	vld.idx.msk [tilespmem:v2+s25+$0x0], $0xffff  }
0x1b6: {  	v8 =	vld.idx.msk [tilespmem:v2+s2+$0x0], $0xffff;
	_ =	sdelay $0x4  }
0x1b7: {  	v8 =	vadd.f32 v9, v8  }
0x1b8: {  	v9 =	vpop (erf)  }
0x1b9: {  	v8 =	vsub.f32 $0.0e+00, v8;
	v10 =	vpop (erf)  }
0x1ba: {  	v10 =	vadd.f32 $1.000000000e+00, v10  }
0x1bb: {  	v8 =	vmul.f32 $1.442695020e+00, v8  }
0x1bc: {  	(erf) = vrcp.f32 v10  }
0x1bd: {  	(erf) = vpow2.f32 v8  }
0x1be: {  	v10 =	vld.idx.msk [tilespmem:v3+s25+$0x0], $0xffff  }
0x1bf: {  	v8 =	vld.idx.msk [tilespmem:v3+s4+$0x0], $0xffff;
	_ =	sdelay $0x4  }
0x1c0: {  	v8 =	vadd.f32 v10, v8  }
0x1c1: {  	v10 =	vpop (erf)  }
0x1c2: {  	v8 =	vsub.f32 $0.0e+00, v8;
	v11 =	vpop (erf)  }
0x1c3: {  	v11 =	vadd.f32 $1.000000000e+00, v11  }
0x1c4: {  	v8 =	vmul.f32 $1.442695020e+00, v8  }
0x1c5: {  	(erf) = vrcp.f32 v11  }
0x1c6: {  	(erf) = vpow2.f32 v8;
	_ =	sdelay $0x7  }
0x1c7: {  	v8 =	vpop (erf)  }
0x1c8: {  	v11 =	vpop (erf)  }
0x1c9: {  	v11 =	vadd.f32 $1.000000000e+00, v11;
	_ =	sdelay $0x1  }
0x1ca: {  	(erf) = vrcp.f32 v11;
	_ =	sdelay $0x2  }
0x1cb: {  	v9 =	vadd.f32 v10, v9;
	v10 =	vld [tilespmem:$0x50];
	_ =	sdelay $0x3  }
0x1cc: {  	[tilespmem:$0xA6C0] =	vst v9  }
0x1cd: {  	[tilespmem:$0xB0] =	vst v10  }
0x1ce: {  	[tilespmem:$0xA6E0] =	vst v8;
	v8 =	vpop (erf)  }
0x1cf: {  	[tilespmem:$0xA700] =	vst v8  }
0x1d0: {  	v8 =	vld.idx.msk [tilespmem:v4+s2+$0x0], $0xffff  }
0x1d1: {  	v9 =	vld.idx.msk [tilespmem:v4+s25+$0x0], $0xffff;
	_ =	sdelay $0x4  }
0x1d2: {  	v8 =	vadd.f32 v9, v8;
	_ =	sdelay $0x1  }
0x1d3: {  	v8 =	vsub.f32 $0.0e+00, v8;
	_ =	sdelay $0x1  }
0x1d4: {  	v8 =	vmul.f32 $1.442695020e+00, v8;
	_ =	sdelay $0x1  }
0x1d5: {  	(erf) = vpow2.f32 v8  }
0x1d6: {  	v9 =	vld.idx.msk [tilespmem:v5+s25+$0x0], $0xffff  }
0x1d7: {  	v8 =	vld.idx.msk [tilespmem:v5+s4+$0x0], $0xffff;
	_ =	sdelay $0x4  }
0x1d8: {  	v8 =	vadd.f32 v9, v8;
	_ =	sdelay $0x1  }
0x1d9: {  	v8 =	vsub.f32 $0.0e+00, v8;
	v9 =	vpop (erf)  }
0x1da: {  	v9 =	vadd.f32 $1.000000000e+00, v9  }
0x1db: {  	v8 =	vmul.f32 $1.442695020e+00, v8  }
0x1dc: {  	(erf) = vrcp.f32 v9  }
0x1dd: {  	(erf) = vpow2.f32 v8  }
0x1de: {  	v9 =	vld.idx.msk [tilespmem:v6+s25+$0x0], $0xffff  }
0x1df: {  	v8 =	vld.idx.msk [tilespmem:v6+s2+$0x0], $0xffff;
	_ =	sdelay $0x4  }
0x1e0: {  	v8 =	vadd.f32 v9, v8  }
0x1e1: {  	v9 =	vpop (erf)  }
0x1e2: {  	v8 =	vsub.f32 $0.0e+00, v8;
	v10 =	vpop (erf)  }
0x1e3: {  	v10 =	vadd.f32 $1.000000000e+00, v10  }
0x1e4: {  	v8 =	vmul.f32 $1.442695020e+00, v8  }
0x1e5: {  	(erf) = vrcp.f32 v10  }
0x1e6: {  	(erf) = vpow2.f32 v8  }
0x1e7: {  	v10 =	vld.idx.msk [tilespmem:v7+s25+$0x0], $0xffff  }
0x1e8: {  	v8 =	vld.idx.msk [tilespmem:v7+s4+$0x0], $0xffff;
	_ =	sdelay $0x4  }
0x1e9: {  	v8 =	vadd.f32 v10, v8  }
0x1ea: {  	v10 =	vpop (erf)  }
0x1eb: {  	v8 =	vsub.f32 $0.0e+00, v8;
	v11 =	vpop (erf)  }
0x1ec: {  	v11 =	vadd.f32 $1.000000000e+00, v11  }
0x1ed: {  	v8 =	vmul.f32 $1.442695020e+00, v8  }
0x1ee: {  	(erf) = vrcp.f32 v11  }
0x1ef: {  	(erf) = vpow2.f32 v8;
	_ =	sdelay $0x7  }
0x1f0: {  	v8 =	vpop (erf)  }
0x1f1: {  	v11 =	vpop (erf)  }
0x1f2: {  	v11 =	vadd.f32 $1.000000000e+00, v11;
	_ =	sdelay $0x1  }
0x1f3: {  	(erf) = vrcp.f32 v11;
	_ =	sdelay $0x4  }
0x1f4: {  	s31 =	simm.s32 $0x0  }
0x1f5: {  	v9 =	vadd.f32 v10, v9;
	v10 =	vmov s31;
	_ =	sdelay $0x1  }
0x1f6: {  	[tilespmem:$0xA6D0] =	vst v9  }
0x1f7: {  	[tilespmem:$0xA6F0] =	vst v8;
	v8 =	vpop (erf)  }
0x1f8: {  	[tilespmem:$0xA710] =	vst v8  }
0x1f9: {  	s10 =	simm.s32 $0x5100;
	v11 =	vld.idx.msk [tilespmem:v10+s13+$0x0], $0xffff  }
0x1fa: {  	v9 =	vld [tilespmem:s10+$0xFFFFFFC0];
	_ =	sdelay $0x4  }
0x1fb: {  	v12 =	vmul.f32 v9, v11  }
0x1fc: {  	s4 =	simm.s32 $0x9700;
	v8 =	vld.idx.msk [tilespmem:v10+s16+$0x0], $0xffff  }
0x1fd: {  	s18 =	simm.s32 $0x3100;
	v9 =	vld.idx.msk [tilespmem:v10+s15+$0x0], $0xffff;
	[tilespmem:s4+$0xFFFFFFC0] =	vst v12  }
0x1fe: {  	s5 =	simm.s32 $0x4100;
	v10 =	vld [tilespmem:s18+$0xFFFFFFC0]  }
0x1ff: {  	v12 =	vld [tilespmem:s5+$0xFFFFFFC0];
	_ =	sdelay $0x4  }
0x200: {  	v10 =	vmul.f32 v10, v9;
	v12 =	vmul.f32 v12, v8;
	_ =	sdelay $0x1  }
0x201: {  	v10 =	vadd.f32 v12, v10  }
0x202: {  	s2 =	simm.s32 $0x8700  }
0x203: {  	[tilespmem:s2+$0xFFFFFFC0] =	vst v10  }
0x204: {  	v10 =	vld [tilespmem:s10+$0xFFFFFFD0];
	_ =	sdelay $0x4  }
0x205: {  	v10 =	vmul.f32 v10, v11;
	_ =	sdelay $0x1  }
0x206: {  	[tilespmem:s4+$0xFFFFFFD0] =	vst v10  }
0x207: {  	v10 =	vld [tilespmem:s18+$0xFFFFFFD0]  }
0x208: {  	v58 =	vld [tilespmem:s5+$0xFFFFFFD0];
	_ =	sdelay $0x4  }
0x209: {  	v10 =	vmul.f32 v10, v9;
	v12 =	vmul.f32 v58, v8;
	_ =	sdelay $0x1  }
0x20a: {  	v10 =	vadd.f32 v12, v10;
	_ =	sdelay $0x1  }
0x20b: {  	[tilespmem:s2+$0xFFFFFFD0] =	vst v10  }
0x20c: {  	v10 =	vld [tilespmem:s10+$0xFFFFFFE0];
	_ =	sdelay $0x4  }
0x20d: {  	v10 =	vmul.f32 v10, v11;
	_ =	sdelay $0x1  }
0x20e: {  	[tilespmem:s4+$0xFFFFFFE0] =	vst v10  }
0x20f: {  	v10 =	vld [tilespmem:s18+$0xFFFFFFE0]  }
0x210: {  	v59 =	vld [tilespmem:s5+$0xFFFFFFE0];
	_ =	sdelay $0x4  }
0x211: {  	v10 =	vmul.f32 v10, v9;
	v12 =	vmul.f32 v59, v8;
	_ =	sdelay $0x1  }
0x212: {  	v10 =	vadd.f32 v12, v10;
	_ =	sdelay $0x1  }
0x213: {  	[tilespmem:s2+$0xFFFFFFE0] =	vst v10  }
0x214: {  	v10 =	vld [tilespmem:s10+$0xFFFFFFF0];
	_ =	sdelay $0x4  }
0x215: {  	v10 =	vmul.f32 v10, v11;
	_ =	sdelay $0x1  }
0x216: {  	[tilespmem:s4+$0xFFFFFFF0] =	vst v10  }
0x217: {  	v10 =	vld [tilespmem:s18+$0xFFFFFFF0]  }
0x218: {  	v60 =	vld [tilespmem:s5+$0xFFFFFFF0];
	_ =	sdelay $0x4  }
0x219: {  	v10 =	vmul.f32 v10, v9;
	v12 =	vmul.f32 v60, v8;
	_ =	sdelay $0x1  }
0x21a: {  	v10 =	vadd.f32 v12, v10;
	_ =	sdelay $0x1  }
0x21b: {  	[tilespmem:s2+$0xFFFFFFF0] =	vst v10  }
0x21c: {  	v10 =	vld [tilespmem:s10+$0x0];
	_ =	sdelay $0x4  }
0x21d: {  	v10 =	vmul.f32 v10, v11;
	_ =	sdelay $0x1  }
0x21e: {  	[tilespmem:s4+$0x0] =	vst v10  }
0x21f: {  	v10 =	vld [tilespmem:s18+$0x0]  }
0x220: {  	v61 =	vld [tilespmem:s5+$0x0];
	_ =	sdelay $0x4  }
0x221: {  	v10 =	vmul.f32 v10, v9;
	v12 =	vmul.f32 v61, v8;
	_ =	sdelay $0x1  }
0x222: {  	v10 =	vadd.f32 v12, v10;
	_ =	sdelay $0x1  }
0x223: {  	[tilespmem:s2+$0x0] =	vst v10  }
0x224: {  	v10 =	vld [tilespmem:s10+$0x10];
	_ =	sdelay $0x4  }
0x225: {  	v10 =	vmul.f32 v10, v11;
	_ =	sdelay $0x1  }
0x226: {  	[tilespmem:s4+$0x10] =	vst v10  }
0x227: {  	v10 =	vld [tilespmem:s18+$0x10]  }
0x228: {  	v62 =	vld [tilespmem:s5+$0x10];
	_ =	sdelay $0x4  }
0x229: {  	v10 =	vmul.f32 v10, v9;
	v12 =	vmul.f32 v62, v8;
	_ =	sdelay $0x1  }
0x22a: {  	v10 =	vadd.f32 v12, v10;
	_ =	sdelay $0x1  }
0x22b: {  	[tilespmem:s2+$0x10] =	vst v10  }
0x22c: {  	v10 =	vld [tilespmem:s10+$0x20];
	_ =	sdelay $0x4  }
0x22d: {  	v10 =	vmul.f32 v10, v11;
	_ =	sdelay $0x1  }
0x22e: {  	[tilespmem:s4+$0x20] =	vst v10  }
0x22f: {  	v10 =	vld [tilespmem:s18+$0x20]  }
0x230: {  	v63 =	vld [tilespmem:s5+$0x20];
	_ =	sdelay $0x4  }
0x231: {  	v10 =	vmul.f32 v10, v9;
	v12 =	vmul.f32 v63, v8;
	_ =	sdelay $0x1  }
0x232: {  	v10 =	vadd.f32 v12, v10;
	_ =	sdelay $0x1  }
0x233: {  	[tilespmem:s2+$0x20] =	vst v10  }
0x234: {  	v10 =	vld [tilespmem:s10+$0x30];
	_ =	sdelay $0x4  }
0x235: {  	v10 =	vmul.f32 v10, v11;
	_ =	sdelay $0x1  }
0x236: {  	[tilespmem:s4+$0x30] =	vst v10  }
0x237: {  	v10 =	vld [tilespmem:s18+$0x30]  }
0x238: {  	s11 =	simm.s32 $0x8780;
	s21 =	simm.s32 $0x5180;
	s10 =	simm.s32 $0x1;
	v11 =	vld [tilespmem:s5+$0x30]  }
.LBB2_8:
0x239: {  	s4 =	sadd.s32 $0x80, s4;
	s18 =	sadd.s32 $0x80, s18;
	s5 =	sadd.s32 $0x80, s5  }
0x23a: {  	p1 =	sne.s32 s10, $0x1F;
	s22 =	smov.u32 s10;
	s10 =	sadd.s32 $0x1, s10  }
0x23b: {  	_ = 	snop  }
0x23c: {  	v9 =	vmul.f32 v10, v9  }
0x23d: {  	v12 =	vmov s22;
	v8 =	vmul.f32 v11, v8;
	_ =	sdelay $0x1  }
0x23e: {  	v8 =	vadd.f32 v8, v9;
	_ =	sdelay $0x1  }
0x23f: {  	[tilespmem:s2+$0x30] =	vst v8;
	s2 =	smov.u32 s11  }
0x240: {  	v10 =	vld.idx.msk [tilespmem:v12+s13+$0x0], $0xffff  }
0x241: {  	v9 =	vld [tilespmem:s21+$0xFFFFFFC0];
	_ =	sdelay $0x4  }
0x242: {  	v8 =	vld.idx.msk [tilespmem:v12+s16+$0x0], $0xffff;
	v11 =	vmul.f32 v9, v10  }
0x243: {  	v9 =	vld.idx.msk [tilespmem:v12+s15+$0x0], $0xffff  }
0x244: {  	[tilespmem:s4+$0xFFFFFFC0] =	vst v11  }
0x245: {  	v11 =	vld [tilespmem:s18+$0xFFFFFFC0]  }
0x246: {  	v12 =	vld [tilespmem:s5+$0xFFFFFFC0];
	_ =	sdelay $0x3  }
0x247: {  	v11 =	vmul.f32 v11, v9  }
0x248: {  	v12 =	vmul.f32 v12, v8;
	_ =	sdelay $0x1  }
0x249: {  	v11 =	vadd.f32 v12, v11;
	_ =	sdelay $0x1  }
0x24a: {  	[tilespmem:s11+$0xFFFFFFC0] =	vst v11  }
0x24b: {  	v11 =	vld [tilespmem:s21+$0xFFFFFFD0];
	_ =	sdelay $0x4  }
0x24c: {  	v11 =	vmul.f32 v11, v10;
	_ =	sdelay $0x1  }
0x24d: {  	[tilespmem:s4+$0xFFFFFFD0] =	vst v11  }
0x24e: {  	v11 =	vld [tilespmem:s18+$0xFFFFFFD0]  }
0x24f: {  	v12 =	vld [tilespmem:s5+$0xFFFFFFD0];
	_ =	sdelay $0x3  }
0x250: {  	v11 =	vmul.f32 v11, v9  }
0x251: {  	v12 =	vmul.f32 v12, v8;
	_ =	sdelay $0x1  }
0x252: {  	v11 =	vadd.f32 v12, v11;
	_ =	sdelay $0x1  }
0x253: {  	[tilespmem:s11+$0xFFFFFFD0] =	vst v11  }
0x254: {  	v11 =	vld [tilespmem:s21+$0xFFFFFFE0];
	_ =	sdelay $0x4  }
0x255: {  	v11 =	vmul.f32 v11, v10;
	_ =	sdelay $0x1  }
0x256: {  	[tilespmem:s4+$0xFFFFFFE0] =	vst v11  }
0x257: {  	v11 =	vld [tilespmem:s18+$0xFFFFFFE0]  }
0x258: {  	v12 =	vld [tilespmem:s5+$0xFFFFFFE0];
	_ =	sdelay $0x3  }
0x259: {  	v11 =	vmul.f32 v11, v9  }
0x25a: {  	v12 =	vmul.f32 v12, v8;
	_ =	sdelay $0x1  }
0x25b: {  	v11 =	vadd.f32 v12, v11;
	_ =	sdelay $0x1  }
0x25c: {  	[tilespmem:s11+$0xFFFFFFE0] =	vst v11  }
0x25d: {  	v11 =	vld [tilespmem:s21+$0xFFFFFFF0];
	_ =	sdelay $0x4  }
0x25e: {  	v11 =	vmul.f32 v11, v10;
	_ =	sdelay $0x1  }
0x25f: {  	[tilespmem:s4+$0xFFFFFFF0] =	vst v11  }
0x260: {  	v11 =	vld [tilespmem:s18+$0xFFFFFFF0]  }
0x261: {  	v12 =	vld [tilespmem:s5+$0xFFFFFFF0];
	_ =	sdelay $0x3  }
0x262: {  	v11 =	vmul.f32 v11, v9  }
0x263: {  	v12 =	vmul.f32 v12, v8;
	_ =	sdelay $0x1  }
0x264: {  	v11 =	vadd.f32 v12, v11;
	_ =	sdelay $0x1  }
0x265: {  	[tilespmem:s11+$0xFFFFFFF0] =	vst v11  }
0x266: {  	v11 =	vld [tilespmem:s21+$0x0];
	_ =	sdelay $0x4  }
0x267: {  	v11 =	vmul.f32 v11, v10;
	_ =	sdelay $0x1  }
0x268: {  	[tilespmem:s4+$0x0] =	vst v11  }
0x269: {  	v11 =	vld [tilespmem:s18+$0x0]  }
0x26a: {  	v12 =	vld [tilespmem:s5+$0x0];
	_ =	sdelay $0x3  }
0x26b: {  	v11 =	vmul.f32 v11, v9  }
0x26c: {  	v12 =	vmul.f32 v12, v8;
	_ =	sdelay $0x1  }
0x26d: {  	v11 =	vadd.f32 v12, v11;
	_ =	sdelay $0x1  }
0x26e: {  	[tilespmem:s11+$0x0] =	vst v11  }
0x26f: {  	v11 =	vld [tilespmem:s21+$0x10];
	_ =	sdelay $0x4  }
0x270: {  	v11 =	vmul.f32 v11, v10;
	_ =	sdelay $0x1  }
0x271: {  	[tilespmem:s4+$0x10] =	vst v11  }
0x272: {  	v11 =	vld [tilespmem:s18+$0x10]  }
0x273: {  	v12 =	vld [tilespmem:s5+$0x10];
	_ =	sdelay $0x3  }
0x274: {  	v11 =	vmul.f32 v11, v9  }
0x275: {  	v12 =	vmul.f32 v12, v8;
	_ =	sdelay $0x1  }
0x276: {  	v11 =	vadd.f32 v12, v11;
	_ =	sdelay $0x1  }
0x277: {  	[tilespmem:s11+$0x10] =	vst v11  }
0x278: {  	v11 =	vld [tilespmem:s21+$0x20];
	_ =	sdelay $0x4  }
0x279: {  	v11 =	vmul.f32 v11, v10;
	_ =	sdelay $0x1  }
0x27a: {  	[tilespmem:s4+$0x20] =	vst v11  }
0x27b: {  	v11 =	vld [tilespmem:s18+$0x20]  }
0x27c: {  	v12 =	vld [tilespmem:s5+$0x20];
	_ =	sdelay $0x3  }
0x27d: {  	v11 =	vmul.f32 v11, v9  }
0x27e: {  	v12 =	vmul.f32 v12, v8;
	_ =	sdelay $0x1  }
0x27f: {  	v11 =	vadd.f32 v12, v11;
	_ =	sdelay $0x1  }
0x280: {  	[tilespmem:s11+$0x20] =	vst v11  }
0x281: {  	v11 =	vld [tilespmem:s21+$0x30];
	_ =	sdelay $0x4  }
.Ltmp7:
0x282: {  	v10 =	vmul.f32 v11, v10;
	(pc) =	sbr.rel @p1 .LBB2_8-.Ltmp7, $4  }
0x283: {  	_ = 	snop  }
0x284: {  	[tilespmem:s4+$0x30] =	vst v10  }
0x285: {  	v10 =	vld [tilespmem:s18+$0x30]  }
0x286: {  	s11 =	sadd.s32 $0x80, s11;
	s21 =	sadd.s32 $0x80, s21;
	v11 =	vld [tilespmem:s5+$0x30]  }
0x287: {  	_ =	sdelay $0x3  }
0x288: {  	v9 =	vmul.f32 v10, v9;
	v8 =	vmul.f32 v11, v8;
	_ =	sdelay $0x1  }
0x289: {  	v8 =	vadd.f32 v8, v9  }
0x28a: {  	s11 =	rddreg [dreg:$0x3]  }
0x28b: {  	s4 =	simm.s32 $0x20;
	s5 =	simm.s32 $0xA0;
	s10 =	simm.s32 $0x96C0;
	[tilespmem:s2+$0x30] =	vst v8  }
0x28c: {  	[spmem:s11] =	stream.indirect.scatter.add.f32 [tilespmem:s10], [sflag:$0x7], $0x80, s5, s4, $0xb8;
	[tilespmem:$0x1DFA0] =	vst v63  }
.Ltmp8:
0x28d: {  	_ = 	snop;
	(pc) =	sbr.rel .LBB2_10-.Ltmp8, $4  }
0x28e: {  	s18 =	sshll.u32 s17, $0x9;
	_ =	swait.ge [sflag:s28], $0x1000  }
0x28f: {  	s22 =	simm.s32 $0x0;
	[sflag:s28] =	ssyncset.done $0x0;
	s21 =	rddreg [dreg:$0x5]  }
0x290: {  	s31 =	simm.s32 $0x86C0;
	[sflag:s28] =	ssyncadd.s32 $0xFFFFF000;
	s2 =	sadd.s32 s21, s18  }
0x291: {  	[hbm4b:s2+s22] =	stream.linear.scatter [tilespmem:s31], [sflag:$0x6], $0x1000, $0x38;
	[tilespmem:$0x1DFA0] =	vst v63  }
.LBB2_12:
0x292: {  	_ =	sfence.sel $0x180000  }
0x293: {  	[bflag:$0x0] =	sbarrier.arrive $0xFFFF  }
0x294: {  	_ =	strace $0x9000004A  }
0x295: {  	s0 =	stileid.u32;
	[bflag:$0x2] =	sbarrier.arrive $0xFFFF  }
0x296: {  	p0 =	sne.s32 s0, $0x0;
	s0 =	rddreg [dreg:$0x4]  }
0x297: {  	s0 =	sadd.s32 @!p0 $0x100000, s0  }
0x298: {  	[sflag:s0] =	ssyncadd.tile.s32 @!p0 $0x1;
	_ =	shalt  }
.Lfunc_end2:
_tile_overlayer_lowered:
.L_overlay_start_2:
0x299: {  	(tag) =	ssettag $0x2  }
0x29a: {  	s0 =	rddreg [dreg:$0x0];
	s2 =	stileid.u32  }
0x29b: {  	s1 =	rddreg [dreg:$0x1];
	p0 =	sne.s32 s2, $0x0  }
0x29c: {  	s3 =	rddreg [dreg:$0x2];
	[bflag:$0x3] =	sbarrier.arrive $0xFFFF;
	s2 =	simm.s32 @!p0 $0x1C07  }
0x29d: {  	[timem:s3], [sflag:s2] =	dma.local @!p0 [hbm:s0], s1  }
0x29e: {  	s0 =	simm.s32 @!p0 $0x7  }
0x29f: {  	_ =	swait.ge @!p0 [sflag:s0], s1  }
0x2a0: {  	s1 =	ssub.s32 @!p0 $0x0, s1;
	[sflag:s0] =	ssyncset.done @!p0 $0x0  }
0x2a1: {  	[sflag:s0] =	ssyncadd.s32 @!p0 s1  }
0x2a2: {  	[bflag:$0x3] =	sbarrier.arrive $0xFFFF  }
0x2a3: {  	_ =	shalt  }

// kernel: kernel.19.cloned.1.call-start
scs
__scs_entry_jumppad:
0x0: {  	(pc) =	sbr.rel $0x88, $3  }
0x1: {  	(tag) =	ssettag $0x0;
	lr =	simm.s32 $0x1  }
0x2: {  	[smem:$0x3F8E] =	sst lr;
	_ =	strace $0xD0000000  }
0x3: {  	_ = 	snop  }
0x4: {  	_ = 	snop  }
0x5: {  	_ = 	snop  }
0x6: {  	_ = 	snop  }
0x7: {  	_ = 	snop  }
__scs_overlays_trampoline_lowered:
0x8: {  	[smem:$0x3F9D] =	sst s0  }
0x9: {  	[smem:$0x3F9E] =	sst s1  }
0xa: {  	[smem:$0x3F9F] =	sst s2  }
0xb: {  	[smem:$0x3FA0] =	sst s3  }
0xc: {  	[smem:$0x3FA1] =	sst s4  }
0xd: {  	[smem:$0x3FA2] =	sst s5  }
0xe: {  	[smem:$0x3FA3] =	sst s6  }
0xf: {  	[smem:$0x3FA4] =	sst s7  }
0x10: {  	[smem:$0x3FA5] =	sst s8  }
0x11: {  	[smem:$0x3FA6] =	sst s9;
	s0 =	simm.s32 @!p0 $0x0  }
0x12: {  	s1 =	sld [smem:$0x3F8C];
	s0 =	simm.s32 @p0 $0x1  }
0x13: {  	[smem:$0x3FA7] =	sst s0;
	s0 =	simm.s32 @!p1 $0x0  }
0x14: {  	s2 =	sld [smem:$0x3F8B];
	s0 =	simm.s32 @p1 $0x1  }
0x15: {  	[smem:$0x3FA8] =	sst s0;
	s0 =	simm.s32 @!p2 $0x0  }
0x16: {  	s3 =	sld [smem:$0x3FDB];
	s0 =	simm.s32 @p2 $0x1  }
0x17: {  	s4 =	simm.s32 $0x1BF5;
	[smem:$0x3FAA] =	sst s0  }
0x18: {  	s0 =	sld [smem:$0x3F8D];
	_ =	swait.ge [sflag:s4], $0x0  }
0x19: {  	s7 =	sld [smem:$0x3F8E]  }
0x1a: {  	s8 =	sadd.s32 $0xFFFFE003, lr  }
0x1b: {  	s9 =	sadd.s32 $0xFFFFFEF7, lr;
	s5 =	simm.s32 $0xFFFFFFFF;
	p2 =	slt.u32 s8, $0xFFFFF086  }
0x1c: {  	p1 =	slt.u32 s9, $0xF7A;
	s5 =	simm.s32 @!p2 $0x0  }
0x1d: {  	s5 =	simm.s32 @p1 $0x1;
	p0 =	seq.s32 s7, s2  }
0x1e: {  	s7 =	smul.u32 @!p0 $0xF7A, s2;
	p2 =	seq.s32 @!p0 s5, $0x0  }
0x1f: {  	s9 =	smul.u32 $0xF7A, s1;
	s8 =	simm.s32 @!p0 $0x1BF5;
	p2 =	por !p2, p0  }
0x20: {  	[sflag:s8] =	ssyncset.s32 @!p0 $0xFFFFF086;
	s6 =	sadd.s32 @!p0 s3, s7;
	s7 =	simm.s32 @!p0 $0x108  }
0x21: {  	s3 =	sadd.s32 s3, s9;
	s6 =	sadd.s32 @!p0 $0x88, s6;
	s7 =	simm.s32 @p2 $0x1082  }
0x22: {  	[simem:s7], [sflag:s8] =	dma.local @!p0 [hbm:s6], $0xF7A  }
0x23: {  	s9 =	sor.u32 $0xD0000000, s2;
	s6 =	simm.s32 $0x108;
	_ =	swait.ge @!p0 [sflag:s8], $0x0  }
0x24: {  	s3 =	sadd.s32 $0x88, s3;
	s6 =	simm.s32 @!p1 $0x1082;
	[sflag:s4] =	ssyncset.s32 $0xFFFFF086  }
0x25: {  	[simem:s6], [sflag:s4] =	dma.local [hbm:s3], $0xF7A  }
0x26: {  	[smem:$0x3F8E] =	sst s1;
	(tag) =	ssettag s2;
	_ =	strace s9  }
0x27: {  	s1 =	sld [smem:$0x3F9E]  }
0x28: {  	s2 =	sld [smem:$0x3F9F]  }
0x29: {  	s4 =	sld [smem:$0x3FA1]  }
0x2a: {  	p0 =	seq.s32 s5, $0x0;
	s5 =	sld [smem:$0x3FA2]  }
0x2b: {  	s6 =	sld [smem:$0x3FA3]  }
0x2c: {  	s7 =	sld [smem:$0x3FA4]  }
0x2d: {  	s3 =	simm.s32 $0x108;
	s8 =	sld [smem:$0x3FA5]  }
0x2e: {  	s3 =	simm.s32 @!p0 $0x1082;
	s9 =	sld [smem:$0x3FA6]  }
0x2f: {  	lr =	sadd.s32 s0, s3;
	s0 =	sld [smem:$0x3F9D]  }
0x30: {  	s3 =	sld [smem:$0x3FA0]  }
0x31: {  	[smem:$0x3FA9] =	sst s10  }
0x32: {  	s10 =	sld [smem:$0x3FA7];
	_ =	sdelay $0x3  }
0x33: {  	p0 =	seq.s32 s10, $0x1;
	s10 =	sld [smem:$0x3FA9];
	_ =	sdelay $0x3  }
0x34: {  	[smem:$0x3FA9] =	sst s10  }
0x35: {  	s10 =	sld [smem:$0x3FA8];
	_ =	sdelay $0x3  }
0x36: {  	p1 =	seq.s32 s10, $0x1;
	s10 =	sld [smem:$0x3FA9];
	_ =	sdelay $0x3  }
0x37: {  	[smem:$0x3FA9] =	sst s10  }
0x38: {  	s10 =	sld [smem:$0x3FAA]  }
0x39: {  	_ = 	snop;
	(pc) =	sbr.ind lr, $3  }
0x3a: {  	_ = 	snop  }
0x3b: {  	_ = 	snop  }
0x3c: {  	p2 =	seq.s32 s10, $0x1;
	s10 =	sld [smem:$0x3FA9]  }
0x3d: {  	_ =	shalt  }
0x3e: {  	_ =	shalt  }
0x3f: {  	_ =	shalt  }
0x40: {  	_ =	shalt  }
0x41: {  	_ =	shalt  }
0x42: {  	_ =	shalt  }
0x43: {  	_ =	shalt  }
0x44: {  	_ =	shalt  }
0x45: {  	_ =	shalt  }
0x46: {  	_ =	shalt  }
0x47: {  	_ =	shalt  }
0x48: {  	_ =	shalt  }
0x49: {  	_ =	shalt  }
0x4a: {  	_ =	shalt  }
0x4b: {  	_ =	shalt  }
0x4c: {  	_ =	shalt  }
0x4d: {  	_ =	shalt  }
0x4e: {  	_ =	shalt  }
0x4f: {  	_ =	shalt  }
0x50: {  	_ =	shalt  }
0x51: {  	_ =	shalt  }
0x52: {  	_ =	shalt  }
0x53: {  	_ =	shalt  }
0x54: {  	_ =	shalt  }
0x55: {  	_ =	shalt  }
0x56: {  	_ =	shalt  }
0x57: {  	_ =	shalt  }
0x58: {  	_ =	shalt  }
0x59: {  	_ =	shalt  }
0x5a: {  	_ =	shalt  }
0x5b: {  	_ =	shalt  }
0x5c: {  	_ =	shalt  }
0x5d: {  	_ =	shalt  }
0x5e: {  	_ =	shalt  }
0x5f: {  	_ =	shalt  }
0x60: {  	_ =	shalt  }
0x61: {  	_ =	shalt  }
0x62: {  	_ =	shalt  }
0x63: {  	_ =	shalt  }
0x64: {  	_ =	shalt  }
0x65: {  	_ =	shalt  }
0x66: {  	_ =	shalt  }
0x67: {  	_ =	shalt  }
0x68: {  	_ =	shalt  }
0x69: {  	_ =	shalt  }
0x6a: {  	_ =	shalt  }
0x6b: {  	_ =	shalt  }
0x6c: {  	_ =	shalt  }
0x6d: {  	_ =	shalt  }
0x6e: {  	_ =	shalt  }
0x6f: {  	_ =	shalt  }
0x70: {  	_ =	shalt  }
0x71: {  	_ =	shalt  }
0x72: {  	_ =	shalt  }
0x73: {  	_ =	shalt  }
0x74: {  	_ =	shalt  }
0x75: {  	_ =	shalt  }
0x76: {  	_ =	shalt  }
0x77: {  	_ =	shalt  }
0x78: {  	_ =	shalt  }
0x79: {  	_ =	shalt  }
0x7a: {  	_ =	shalt  }
0x7b: {  	_ =	shalt  }
0x7c: {  	_ =	shalt  }
0x7d: {  	_ =	shalt  }
0x7e: {  	_ =	shalt  }
0x7f: {  	_ =	shalt  }
0x80: {  	_ =	shalt  }
0x81: {  	_ =	shalt  }
0x82: {  	_ =	shalt  }
0x83: {  	_ =	shalt  }
0x84: {  	_ =	shalt  }
0x85: {  	_ =	shalt  }
0x86: {  	_ =	shalt  }
0x87: {  	_ =	shalt  }
.Lfunc_end0:
.L_simem_size_0:
called_computation.2_lowered:
.L_overlay_start_0:
0x88: {  	s2 =	sld [smem:$0x3FD9]  }
0x89: {  	s3 =	sld [smem:$0x3FFE];
	_ =	sdelay $0x1  }
0x8a: {  	s1 =	srdreg.scid  }
0x8b: {  	s0 =	sand.u32 $0x1, s1  }
0x8c: {  	s14 =	sshll.u32 s0, $0xA;
	s2 =	sadd.s32 s3, s2  }
0x8d: {  	s2 =	sadd.s32 s2, s14  }
0x8e: {  	[smem:$0x3FB5] =	sst s2  }
0x8f: {  	_ = 	snop  }
0x90: {  	s2 =	sld [smem:$0x3FD0];
	_ =	sdelay $0x2  }
0x91: {  	s15 =	simm.s32 $0xB;
	s4 =	simm.s32 $0x10  }
0x92: {  	[smem:s4], [sflag:s15] =	dma.local [hbm:s2], $0x1  }
0x93: {  	_ =	swait.eq [sflag:s15], $0x1  }
0x94: {  	[sflag:s15] =	ssyncset.done $0x0  }
0x95: {  	s16 =	sld [smem:$0x10];
	[sflag:s15] =	ssyncadd.s32 $0xFFFFFFFF  }
0x96: {  	s17 =	sld [smem:$0x11];
	(tm) =	ssettm $0x1  }
0x97: {  	s18 =	sld [smem:$0x3FFB];
	_ =	sdelay $0x3  }
0x98: {  	_ =	strace s18  }
0x99: {  	s4 =	sld [smem:$0x3FFC];
	_ =	sdelay $0x3  }
0x9a: {  	_ =	strace s4  }
0x9b: {  	s4 =	sld [smem:$0x3FFD];
	_ =	sdelay $0x3  }
0x9c: {  	_ =	strace s4  }
0x9d: {  	_ =	strace $0x8FFFFFFF  }
0x9e: {  	s19 =	sld [smem:$0x3FDB];
	_ =	sdelay $0x1  }
0x9f: {  	s5 =	simm.s32 $_scs_section_size  }
0xa0: {  	s6 =	simm.s32 $_size__tile_overlayer_lowered;
	s7 =	simm.s32 $_tile_overlayer_lowered  }
0xa1: {  	s22 =	simm.s32 $0x1BFF;
	s21 =	sshll.u32 s7, $0x1;
	s4 =	sadd.s32 s5, s19  }
0xa2: {  	s8 =	simm.s32 $0x0;
	s20 =	sshll.u32 s6, $0x1;
	s6 =	sadd.s32 s21, s4  }
0xa3: {  	[timem:s8], [sflag:s22] =	dma.local [hbm:s6], s20  }
0xa4: {  	_ =	swait.ge [sflag:s22], s20  }
0xa5: {  	s5 =	ssub.s32 $0x0, s20;
	[sflag:s22] =	ssyncset.done $0x0  }
0xa6: {  	[sflag:s22] =	ssyncadd.s32 s5;
	_ =	sdelay $0x1  }
0xa7: {  	s23 =	simm.s32 $0x1B8B  }
0xa8: {  	_ =	swait.ge [sflag:s23], $0x1  }
0xa9: {  	[sflag:s23] =	ssyncset.done $0x0  }
0xaa: {  	s25 =	simm.s32 $0x1B8E;
	s24 =	sld [smem:$0x3FFE];
	[sflag:s23] =	ssyncadd.s32 $0xFFFFFFFF  }
0xab: {  	s26 =	simm.s32 $execute0_lowered;
	[smem:$0x3FD2] =	sst s25  }
0xac: {  	s6 =	sshll.u32 s26, $0x1;
	_ =	strace $0x8000004C;
	[dreg:$0x1] =	wrdreg $0xFFFFFFFF  }
0xad: {  	s28 =	simm.s32 $_size_execute0_lowered;
	s4 =	sadd.s32 s4, s6;
	[dreg:$0x0] =	wrdreg $0x0  }
0xae: {  	s6 =	sshll.u32 s28, $0x1;
	[dreg:$0x2] =	wrdreg s4  }
0xaf: {  	[dreg:$0x3] =	wrdreg s6  }
0xb0: {  	[dreg:$0x4] =	wrdreg $0xC0  }
0xb1: {  	_ =	task [dreg:s8], $0x5FFFF  }
0xb2: {  	[dreg:$0x1] =	wrdreg $0xFFFFFFFF  }
0xb3: {  	[dreg:$0x0] =	wrdreg $0x60  }
0xb4: {  	[dreg:$0x2] =	wrdreg s16  }
0xb5: {  	[dreg:$0x3] =	wrdreg s24  }
0xb6: {  	[dreg:$0x4] =	wrdreg s17  }
0xb7: {  	[dreg:$0x5] =	wrdreg $0xA7200  }
0xb8: {  	[dreg:$0x6] =	wrdreg $0x9  }
0xb9: {  	_ =	task.clear_ibuf [dreg:s8], $0x7FFFF;
	_ =	strace $0x9000004C  }
0xba: {  	s29 =	simm.s32 $0x9;
	_ =	strace $0x8000004E  }
0xbb: {  	_ =	swait.ge [sflag:s29], $0x1  }
0xbc: {  	[sflag:s29] =	ssyncadd.s32 $0xFFFFFFFF  }
0xbd: {  	_ =	strace $0x9000004E  }
0xbe: {  	_ =	sfence  }
0xbf: {  	s30 =	sld [smem:$0x0];
	_ =	sdelay $0x2  }
0xc0: {  	s31 =	sshll.u32 s1, $0xD;
	s1 =	sshrl.u32 s1, $0x2  }
0xc1: {  	s3 =	sand.u32 $0x4000, s31;
	s1 =	sadd.s32 s1, s30  }
0xc2: {  	s0 =	sor.u32 s3, s0;
	s1 =	sshll.u32 s1, $0x11  }
0xc3: {  	s0 =	sor.u32 s1, s0  }
0xc4: {  	s0 =	sadd.s32 $0x8F2B, s0  }
0xc5: {  	[sflag:s0] =	ssyncadd.remote.s32 $0x1  }
0xc6: {  	_ =	sfence.sel $0xFFFF  }
0xc7: {  	[dreg:$0x0] =	wrdreg $0xFFFFFFFF;
	(pc) =	sbr.abs _section_cstart, $3  }
0xc8: {  	[dreg:$0x1] =	wrdreg $0xFFFFFFFF  }
0xc9: {  	_ =	task.clear_ibuf [dreg:s8], $0x2FFFF;
	_ =	strace $0x9FFFFFFF  }
0xca: {  	(tm) =	ssettm $0x7FFFFFFF  }
0xcb: {  	_ =	shalt  }
tec
execute0_lowered:
.L_overlay_start_1:
0x0: {  	(tag) =	ssettag $0x1  }
0x1: {  	s1 =	rddreg [dreg:$0x0]  }
0x2: {  	s0 =	rddreg [dreg:$0x1]  }
0x3: {  	s2 =	rddreg [dreg:$0x2]  }
0x4: {  	s29 =	rddreg [dreg:$0x3];
	s26 =	simm.s32 $0x0  }
0x5: {  	s13 =	stileid.u32;
	s4 =	srdreg.scid;
	s28 =	simm.s32 $0x7  }
0x6: {  	s31 =	simm.s32 $0x61C0;
	[smem:$0x7FF] =	sst s26;
	s3 =	smul.u32 $0x13880, s13  }
0x7: {  	s5 =	sadd.s32 $0x795200, s0;
	s6 =	sadd.s32 $0xA000, s0;
	s7 =	sadd.s32 $0x5000, s0  }
0x8: {  	s4 =	sand.u32 $0x1, s4;
	s8 =	sadd.s32 $0x18600, s0;
	s9 =	sadd.s32 $0x42200, s0  }
0x9: {  	s25 =	sshll.u32 s13, $0x1;
	s15 =	sshll.u32 s13, $0x6;
	p0 =	sgt.u32 s13, $0x3  }
0xa: {  	s13 =	simm.s32 $0xA6C0;
	_ =	strace $0x8000004D;
	s11 =	ssub.s32 $0x2, s4  }
0xb: {  	s14 =	sor.u32 s4, s25;
	s17 =	sor.u32 $0x1C07, s15;
	s4 =	smul.u32 $0x138800, s4  }
0xc: {  	s23 =	sor.u32 $0xFFFFFFC0, s25;
	s25 =	sor.u32 $0xFFFFFFE0, s25;
	s3 =	sand.u32 $0x1FFC00, s3  }
0xd: {  	s12 =	sshrl.u32 s11, $0x1;
	s16 =	sshll.u32 s14, $0x2;
	[dreg:$0x10] =	wrdreg s23  }
0xe: {  	s19 =	sshll.u32 s14, $0x9;
	s20 =	sshll.u32 s14, $0x5;
	[dreg:$0x13] =	wrdreg s25  }
0xf: {  	s24 =	sor.u32 $0x40, s14;
	[dreg:$0x6] =	wrdreg s14;
	s25 =	simm.s32 $0x65C0  }
0x10: {  	[dreg:$0x9] =	wrdreg s17;
	s10 =	sshrl.u32 s3, $0x3;
	s30 =	sadd.s32 s3, s29  }
0x11: {  	s18 =	sadd.s32 s7, s16;
	s15 =	sadd.s32 s6, s16;
	[dreg:$0x12] =	wrdreg s24  }
0x12: {  	s3 =	sadd.s32 s4, s3;
	s4 =	simm.s32 $0x0;
	[dreg:$0x7] =	wrdreg s30  }
0x13: {  	s10 =	sadd.s32 s10, s0;
	s0 =	sadd.s32 $0xDFE00, s0;
	[dreg:$0xa] =	wrdreg s18  }
0x14: {  	[dreg:$0xb] =	wrdreg s15;
	s3 =	sshrl.u32 s3, $0x3;
	s30 =	sor.u32 $0x60, s14  }
0x15: {  	s15 =	simm.s32 $0xA6E0;
	s14 =	simm.s32 $0x64C0;
	[dreg:$0x5] =	wrdreg s0  }
0x16: {  	s0 =	ssub.s32 s11, s12;
	s10 =	sadd.s32 $0x1B000, s10;
	[dreg:$0x15] =	wrdreg s30  }
0x17: {  	s12 =	sadd.s32 s5, s19;
	s2 =	sadd.s32 s2, s3;
	[dreg:$0x8] =	wrdreg s10  }
0x18: {  	v0 =	vlaneseq.u32;
	[dreg:$0xc] =	wrdreg s12;
	s12 =	sadd.s32 s9, s20;
	s10 =	sor.u32 $0x80, s16  }
.Ltmp0:
0x19: {  	v0 =	vmul.u32 $0x8, v0;
	[dreg:$0x11] =	wrdreg s2;
	s0 =	smax.u32 s0, $0x1;
	(pc) =	sbr.rel .LBB2_1-.Ltmp0, $4  }
0x1a: {  	s2 =	simm.s32 $0x60C0;
	s16 =	simm.s32 $0xA700;
	[dreg:$0xd] =	wrdreg s12  }
0x1b: {  	v1 =	vor.u32 $0x1, v0;
	s20 =	simm.s32 $0x4;
	s21 =	sadd.s32 s7, s10;
	[dreg:$0x14] =	wrdreg s0  }
0x1c: {  	v2 =	vor.u32 $0x2, v0;
	v3 =	vor.u32 $0x3, v0;
	v4 =	vor.u32 $0x80, v0;
	s22 =	sadd.s32 s6, s10;
	s0 =	simm.s32 $0x62C0;
	[dreg:$0xe] =	wrdreg s21  }
0x1d: {  	v5 =	vor.u32 $0x81, v0;
	v6 =	vor.u32 $0x82, v0;
	v7 =	vor.u32 $0x83, v0;
	s12 =	simm.s32 $0x3;
	[dreg:$0xf] =	wrdreg s22;
	s22 =	simm.s32 $0x63C0  }
.LBB2_11:
0x1e: {  	s3 =	simm.s32 @!p0 $0x5  }
0x1f: {  	_ =	swait.ge @!p0 [sflag:s3], $0x1000  }
0x20: {  	[sflag:s3] =	ssyncset.done @!p0 $0x0  }
0x21: {  	[sflag:s3] =	ssyncadd.s32 @!p0 $0xFFFFF000  }
0x22: {  	[bflag:$0x0] =	sbarrier.arrive $0xFFFF  }
0x23: {  	s17 =	rddreg [dreg:$0x9]  }
0x24: {  	s23 =	rddreg [dreg:$0x11]  }
0x25: {  	s4 =	rddreg [dreg:$0x17]  }
0x26: {  	[hbm:s23], [sflag:s17] =	dma.local [spmem:s4], $0x2780  }
0x27: {  	_ =	swait.ge [sflag:s28], $0x2780  }
0x28: {  	s24 =	rddreg [dreg:$0x16]  }
0x29: {  	s30 =	rddreg [dreg:$0x14];
	s4 =	sadd.s32 $0x1, s24  }
0x2a: {  	p1 =	sne.s32 s4, s30  }
.Ltmp1:
0x2b: {  	_ = 	snop;
	(pc) =	sbr.rel @!p1 .LBB2_12-.Ltmp1, $3  }
0x2c: {  	_ =	sdelay $0x1  }
0x2d: {  	[sflag:s28] =	ssyncset.done $0x0  }
0x2e: {  	[sflag:s28] =	ssyncadd.s32 $0xFFFFD880  }
.LBB2_1:
0x2f: {  	[dreg:$0x16] =	wrdreg s4  }
0x30: {  	s3 =	rddreg [dreg:$0x7]  }
0x31: {  	s19 =	rddreg [dreg:$0x8];
	s18 =	sshrl.u32 s3, $0x3  }
0x32: {  	[dreg:$0x17] =	wrdreg s18  }
0x33: {  	[spmem:s18], [sflag:s17] =	dma.local [hbm:s19], $0x2780  }
0x34: {  	_ =	swait.ge [sflag:s28], $0x2780  }
0x35: {  	[sflag:s28] =	ssyncset.done $0x0  }
0x36: {  	[sflag:s28] =	ssyncadd.s32 $0xFFFFD880  }
0x37: {  	[bflag:$0x0] =	sbarrier.arrive $0xFFFF  }
0x38: {  	s21 =	rddreg [dreg:$0xa]  }
0x39: {  	[tilespmem:s26], [sflag:$0x1] =	stream.linear.gather [hbm4b:s21+s26], $0x20, $0x38;
	[tilespmem:$0x1DFA0] =	vst v63  }
0x3a: {  	s24 =	simm.s32 $0x20;
	s30 =	simm.s32 $0x1;
	s23 =	rddreg [dreg:$0xb]  }
0x3b: {  	[tilespmem:s24], [sflag:$0x1] =	stream.linear.gather [hbm4b:s23+s26], $0x20, $0x38;
	[tilespmem:$0x1DFA0] =	vst v63  }
0x3c: {  	_ =	swait.ge [sflag:s30], $0x20  }
0x3d: {  	[sflag:s30] =	ssyncset.done $0x0  }
0x3e: {  	[sflag:s30] =	ssyncadd.s32 $0xFFFFFFE0  }
0x3f: {  	_ =	swait.ge [sflag:s30], $0x20  }
0x40: {  	[sflag:s30] =	ssyncset.done $0x0  }
0x41: {  	s10 =	simm.s32 $0xC0;
	[sflag:s30] =	ssyncadd.s32 $0xFFFFFFE0  }
0x42: {  	[tilespmem:s10], [sflag:$0x3] =	stream.indirect.gather [hbm4b:s1+s24], $0x80, s26, s24, $0xb8;
	[tilespmem:$0x1DFA0] =	vst v63  }
0x43: {  	s11 =	simm.s32 $0x10C0  }
0x44: {  	[tilespmem:s11], [sflag:$0x3] =	stream.indirect.gather [hbm4b:s1+s24], $0x80, s24, s24, $0xb8;
	[tilespmem:$0x1DFA0] =	vst v63  }
0x45: {  	_ = 	snop  }
0x46: {  	[tilespmem:s2], [sflag:$0x3] =	stream.indirect.gather [hbm4b:s8+s24], $0x8, s26, s24, $0xb8;
	[tilespmem:$0x1DFA0] =	vst v63  }
0x47: {  	_ = 	snop  }
0x48: {  	[tilespmem:s31], [sflag:$0x3] =	stream.indirect.gather [hbm4b:s8+s24], $0x8, s24, s24, $0xb8;
	[tilespmem:$0x1DFA0] =	vst v63  }
0x49: {  	s18 =	simm.s32 $0x20C0;
	s17 =	rddreg [dreg:$0xc]  }
0x4a: {  	[tilespmem:s18], [sflag:$0x3] =	stream.linear.gather [hbm4b:s17+s26], $0x1000, $0x38;
	[tilespmem:$0x1DFA0] =	vst v63  }
0x4b: {  	s19 =	rddreg [dreg:$0xd]  }
0x4c: {  	[tilespmem:s0], [sflag:$0x3] =	stream.linear.gather [hbm4b:s19+s26], $0x100, $0x38;
	[tilespmem:$0x1DFA0] =	vst v63  }
.Ltmp2:
0x4d: {  	_ = 	snop;
	(pc) =	sbr.rel .LBB2_2-.Ltmp2, $4  }
0x4e: {  	s23 =	simm.s32 $0x40;
	s21 =	rddreg [dreg:$0xe]  }
0x4f: {  	[tilespmem:s23], [sflag:$0x2] =	stream.linear.gather [hbm4b:s21+s26], $0x20, $0x38;
	[tilespmem:$0x1DFA0] =	vst v63  }
0x50: {  	s30 =	simm.s32 $0x60;
	s24 =	rddreg [dreg:$0xf];
	s19 =	simm.s32 $0x0  }
0x51: {  	[tilespmem:s30], [sflag:$0x2] =	stream.linear.gather [hbm4b:s24+s26], $0x20, $0x38;
	[tilespmem:$0x1DFA0] =	vst v63  }
.LBB2_10:
0x52: {  	s3 =	rddreg [dreg:$0x15]  }
0x53: {  	s3 =	sadd.s32 s3, s30  }
0x54: {  	p1 =	sgt.u32 s3, $0x1387  }
0x55: {  	s3 =	sshll.u32 @!p1 s3, $0x2  }
0x56: {  	s10 =	simm.s32 @!p1 $0x0;
	s11 =	simm.s32 @!p1 $0x40;
	s4 =	sadd.s32 @!p1 s7, s3  }
0x57: {  	[tilespmem:s11], [sflag:$0x2] =	stream.linear.gather @!p1 [hbm4b:s4+s10], $0x20, $0x38;
	[tilespmem:$0x1DFA0] =	vst v63  }
0x58: {  	s19 =	sadd.s32 $0x1, s19;
	s3 =	sadd.s32 @!p1 s6, s3;
	s4 =	simm.s32 @!p1 $0x60  }
0x59: {  	[tilespmem:s4], [sflag:$0x2] =	stream.linear.gather @!p1 [hbm4b:s3+s10], $0x20, $0x38;
	[tilespmem:$0x1DFA0] =	vst v63  }
0x5a: {  	p1 =	sne.s32 s19, $0x4F  }
.Ltmp3:
0x5b: {  	_ = 	snop;
	(pc) =	sbr.rel @!p1 .LBB2_11-.Ltmp3, $1  }
0x5c: {  	_ =	sdelay $0x3  }
.LBB2_2:
0x5d: {  	s30 =	sshll.u32 s19, $0x6;
	s3 =	rddreg [dreg:$0x6]  }
0x5e: {  	s18 =	sor.u32 s30, s3  }
0x5f: {  	s17 =	sor.u32 $0x20, s18  }
0x60: {  	p1 =	sgt.u32 s17, $0x1387  }
0x61: {  	s3 =	simm.s32 @!p1 $0x2  }
0x62: {  	_ =	swait.ge @!p1 [sflag:s3], $0x20  }
0x63: {  	[sflag:s3] =	ssyncset.done @!p1 $0x0  }
0x64: {  	[sflag:s3] =	ssyncadd.s32 @!p1 $0xFFFFFFE0  }
0x65: {  	_ =	swait.ge @!p1 [sflag:s3], $0x20  }
0x66: {  	s4 =	simm.s32 @!p1 $0x40;
	[sflag:s3] =	ssyncset.done @!p1 $0x0  }
0x67: {  	s10 =	simm.s32 @!p1 $0x30C0;
	[sflag:s3] =	ssyncadd.s32 @!p1 $0xFFFFFFE0;
	s3 =	simm.s32 @!p1 $0x20  }
0x68: {  	[tilespmem:s10], [sflag:$0x4] =	stream.indirect.gather @!p1 [hbm4b:s1+s3], $0x80, s4, s3, $0xb8;
	[tilespmem:$0x1DFA0] =	vst v63  }
0x69: {  	s11 =	simm.s32 @!p1 $0x40C0;
	s10 =	simm.s32 @!p1 $0x60  }
0x6a: {  	[tilespmem:s11], [sflag:$0x4] =	stream.indirect.gather @!p1 [hbm4b:s1+s3], $0x80, s10, s3, $0xb8;
	[tilespmem:$0x1DFA0] =	vst v63  }
0x6b: {  	s11 =	simm.s32 @!p1 $0x63C0  }
0x6c: {  	[tilespmem:s11], [sflag:$0x4] =	stream.indirect.gather @!p1 [hbm4b:s8+s3], $0x8, s4, s3, $0xb8;
	[tilespmem:$0x1DFA0] =	vst v63  }
0x6d: {  	s4 =	simm.s32 @!p1 $0x64C0  }
0x6e: {  	[tilespmem:s4], [sflag:$0x4] =	stream.indirect.gather @!p1 [hbm4b:s8+s3], $0x8, s10, s3, $0xb8;
	[tilespmem:$0x1DFA0] =	vst v63  }
0x6f: {  	s3 =	sshll.u32 @!p1 s17, $0x9  }
0x70: {  	s4 =	simm.s32 @!p1 $0x0;
	s10 =	simm.s32 @!p1 $0x50C0;
	s3 =	sadd.s32 @!p1 s5, s3  }
0x71: {  	[tilespmem:s10], [sflag:$0x4] =	stream.linear.gather @!p1 [hbm4b:s3+s4], $0x1000, $0x38;
	[tilespmem:$0x1DFA0] =	vst v63  }
0x72: {  	s3 =	sshll.u32 @!p1 s17, $0x5  }
0x73: {  	s24 =	rddreg [dreg:$0x10];
	s10 =	simm.s32 @!p1 $0x65C0;
	s3 =	sadd.s32 @!p1 s9, s3  }
0x74: {  	[tilespmem:s10], [sflag:$0x4] =	stream.linear.gather @!p1 [hbm4b:s3+s4], $0x100, $0x38;
	[tilespmem:$0x1DFA0] =	vst v63  }
0x75: {  	p3 =	sgt.u32 s18, $0x1387;
	s3 =	sadd.s32 s24, s30  }
.Ltmp4:
0x76: {  	p2 =	sgt.u32 s3, $0x1387;
	(pc) =	sbr.rel @p3 .LBB2_6-.Ltmp4, $4  }
0x77: {  	s3 =	simm.s32 @!p2 $0x5  }
0x78: {  	_ =	swait.ge @!p2 [sflag:s3], $0x1000  }
0x79: {  	[sflag:s3] =	ssyncset.done @!p2 $0x0  }
0x7a: {  	[sflag:s3] =	ssyncadd.s32 @!p2 $0xFFFFF000  }
0x7b: {  	_ =	swait.ge [sflag:s12], $0x1000  }
0x7c: {  	[sflag:s12] =	ssyncset.done $0x0  }
0x7d: {  	[sflag:s12] =	ssyncadd.s32 $0xFFFFF000  }
0x7e: {  	_ =	swait.ge [sflag:s12], $0x1000  }
0x7f: {  	[sflag:s12] =	ssyncset.done $0x0  }
0x80: {  	[sflag:s12] =	ssyncadd.s32 $0xFFFFF000  }
0x81: {  	_ =	swait.ge [sflag:s12], $0x100  }
0x82: {  	[sflag:s12] =	ssyncset.done $0x0  }
0x83: {  	[sflag:s12] =	ssyncadd.s32 $0xFFFFFF00  }
0x84: {  	_ =	swait.ge [sflag:s12], $0x100  }
0x85: {  	[sflag:s12] =	ssyncset.done $0x0  }
0x86: {  	[sflag:s12] =	ssyncadd.s32 $0xFFFFFF00  }
0x87: {  	_ =	swait.ge [sflag:s12], $0x1000  }
0x88: {  	[sflag:s12] =	ssyncset.done $0x0  }
0x89: {  	[sflag:s12] =	ssyncadd.s32 $0xFFFFF000  }
0x8a: {  	_ =	swait.ge [sflag:s12], $0x100  }
0x8b: {  	[sflag:s12] =	ssyncset.done $0x0  }
0x8c: {  	[sflag:s12] =	ssyncadd.s32 $0xFFFFFF00  }
0x8d: {  	v8 =	vld [tilespmem:$0x0];
	_ =	sdelay $0x4  }
0x8e: {  	[tilespmem:$0x80] =	vst v8  }
0x8f: {  	v8 =	vld.idx.msk [tilespmem:v0+s2+$0x0], $0xffff  }
0x90: {  	v9 =	vld.idx.msk [tilespmem:v0+s0+$0x0], $0xffff;
	_ =	sdelay $0x4  }
0x91: {  	v8 =	vadd.f32 v9, v8;
	_ =	sdelay $0x1  }
0x92: {  	v8 =	vsub.f32 $0.0e+00, v8;
	_ =	sdelay $0x1  }
0x93: {  	v8 =	vmul.f32 $1.442695020e+00, v8;
	_ =	sdelay $0x1  }
0x94: {  	(erf) = vpow2.f32 v8  }
0x95: {  	v9 =	vld.idx.msk [tilespmem:v1+s0+$0x0], $0xffff  }
0x96: {  	v8 =	vld.idx.msk [tilespmem:v1+s31+$0x0], $0xffff;
	_ =	sdelay $0x4  }
0x97: {  	v8 =	vadd.f32 v9, v8;
	_ =	sdelay $0x1  }
0x98: {  	v8 =	vsub.f32 $0.0e+00, v8;
	v9 =	vpop (erf)  }
0x99: {  	v9 =	vadd.f32 $1.000000000e+00, v9  }
0x9a: {  	v8 =	vmul.f32 $1.442695020e+00, v8  }
0x9b: {  	(erf) = vrcp.f32 v9  }
0x9c: {  	(erf) = vpow2.f32 v8  }
0x9d: {  	v9 =	vld.idx.msk [tilespmem:v2+s0+$0x0], $0xffff  }
0x9e: {  	v8 =	vld.idx.msk [tilespmem:v2+s2+$0x0], $0xffff;
	_ =	sdelay $0x4  }
0x9f: {  	v8 =	vadd.f32 v9, v8  }
0xa0: {  	v9 =	vpop (erf)  }
0xa1: {  	v8 =	vsub.f32 $0.0e+00, v8;
	v10 =	vpop (erf)  }
0xa2: {  	v10 =	vadd.f32 $1.000000000e+00, v10  }
0xa3: {  	v8 =	vmul.f32 $1.442695020e+00, v8  }
0xa4: {  	(erf) = vrcp.f32 v10  }
0xa5: {  	(erf) = vpow2.f32 v8  }
0xa6: {  	v10 =	vld.idx.msk [tilespmem:v3+s0+$0x0], $0xffff  }
0xa7: {  	v8 =	vld.idx.msk [tilespmem:v3+s31+$0x0], $0xffff;
	_ =	sdelay $0x4  }
0xa8: {  	v8 =	vadd.f32 v10, v8  }
0xa9: {  	v10 =	vpop (erf)  }
0xaa: {  	v8 =	vsub.f32 $0.0e+00, v8;
	v11 =	vpop (erf)  }
0xab: {  	v11 =	vadd.f32 $1.000000000e+00, v11  }
0xac: {  	v8 =	vmul.f32 $1.442695020e+00, v8  }
0xad: {  	(erf) = vrcp.f32 v11  }
0xae: {  	(erf) = vpow2.f32 v8;
	_ =	sdelay $0x7  }
0xaf: {  	v8 =	vpop (erf)  }
0xb0: {  	v11 =	vpop (erf)  }
0xb1: {  	v11 =	vadd.f32 $1.000000000e+00, v11;
	_ =	sdelay $0x1  }
0xb2: {  	(erf) = vrcp.f32 v11;
	_ =	sdelay $0x2  }
0xb3: {  	v9 =	vadd.f32 v10, v9;
	v10 =	vld [tilespmem:$0x10];
	_ =	sdelay $0x3  }
0xb4: {  	[tilespmem:$0xA6C0] =	vst v9  }
0xb5: {  	[tilespmem:$0x90] =	vst v10  }
0xb6: {  	[tilespmem:$0xA6E0] =	vst v8;
	v8 =	vpop (erf)  }
0xb7: {  	[tilespmem:$0xA700] =	vst v8  }
0xb8: {  	v8 =	vld.idx.msk [tilespmem:v4+s2+$0x0], $0xffff  }
0xb9: {  	v9 =	vld.idx.msk [tilespmem:v4+s0+$0x0], $0xffff;
	_ =	sdelay $0x4  }
0xba: {  	v8 =	vadd.f32 v9, v8;
	_ =	sdelay $0x1  }
0xbb: {  	v8 =	vsub.f32 $0.0e+00, v8;
	_ =	sdelay $0x1  }
0xbc: {  	v8 =	vmul.f32 $1.442695020e+00, v8;
	_ =	sdelay $0x1  }
0xbd: {  	(erf) = vpow2.f32 v8  }
0xbe: {  	v9 =	vld.idx.msk [tilespmem:v5+s0+$0x0], $0xffff  }
0xbf: {  	v8 =	vld.idx.msk [tilespmem:v5+s31+$0x0], $0xffff;
	_ =	sdelay $0x4  }
0xc0: {  	v8 =	vadd.f32 v9, v8;
	_ =	sdelay $0x1  }
0xc1: {  	v8 =	vsub.f32 $0.0e+00, v8;
	v9 =	vpop (erf)  }
0xc2: {  	v9 =	vadd.f32 $1.000000000e+00, v9  }
0xc3: {  	v8 =	vmul.f32 $1.442695020e+00, v8  }
0xc4: {  	(erf) = vrcp.f32 v9  }
0xc5: {  	(erf) = vpow2.f32 v8  }
0xc6: {  	v9 =	vld.idx.msk [tilespmem:v6+s0+$0x0], $0xffff  }
0xc7: {  	v8 =	vld.idx.msk [tilespmem:v6+s2+$0x0], $0xffff;
	_ =	sdelay $0x4  }
0xc8: {  	v8 =	vadd.f32 v9, v8  }
0xc9: {  	v9 =	vpop (erf)  }
0xca: {  	v8 =	vsub.f32 $0.0e+00, v8;
	v10 =	vpop (erf)  }
0xcb: {  	v10 =	vadd.f32 $1.000000000e+00, v10  }
0xcc: {  	v8 =	vmul.f32 $1.442695020e+00, v8  }
0xcd: {  	(erf) = vrcp.f32 v10  }
0xce: {  	(erf) = vpow2.f32 v8  }
0xcf: {  	v10 =	vld.idx.msk [tilespmem:v7+s0+$0x0], $0xffff  }
0xd0: {  	v8 =	vld.idx.msk [tilespmem:v7+s31+$0x0], $0xffff;
	_ =	sdelay $0x4  }
0xd1: {  	v8 =	vadd.f32 v10, v8  }
0xd2: {  	v10 =	vpop (erf)  }
0xd3: {  	v8 =	vsub.f32 $0.0e+00, v8;
	v11 =	vpop (erf)  }
0xd4: {  	v11 =	vadd.f32 $1.000000000e+00, v11  }
0xd5: {  	v8 =	vmul.f32 $1.442695020e+00, v8  }
0xd6: {  	(erf) = vrcp.f32 v11  }
0xd7: {  	(erf) = vpow2.f32 v8;
	_ =	sdelay $0x7  }
0xd8: {  	v8 =	vpop (erf)  }
0xd9: {  	v11 =	vpop (erf)  }
0xda: {  	v11 =	vadd.f32 $1.000000000e+00, v11;
	_ =	sdelay $0x1  }
0xdb: {  	(erf) = vrcp.f32 v11;
	_ =	sdelay $0x4  }
0xdc: {  	s3 =	simm.s32 $0x0  }
0xdd: {  	v9 =	vadd.f32 v10, v9;
	v10 =	vmov s3;
	_ =	sdelay $0x1  }
0xde: {  	[tilespmem:$0xA6D0] =	vst v9  }
0xdf: {  	[tilespmem:$0xA6F0] =	vst v8;
	v8 =	vpop (erf)  }
0xe0: {  	[tilespmem:$0xA710] =	vst v8  }
0xe1: {  	s11 =	simm.s32 $0x2100;
	v11 =	vld.idx.msk [tilespmem:v10+s13+$0x0], $0xffff  }
0xe2: {  	v9 =	vld [tilespmem:s11+$0xFFFFFFC0];
	_ =	sdelay $0x4  }
0xe3: {  	v12 =	vmul.f32 v9, v11  }
0xe4: {  	s3 =	simm.s32 $0x7700;
	v8 =	vld.idx.msk [tilespmem:v10+s16+$0x0], $0xffff  }
0xe5: {  	s26 =	smov.u32 s29;
	s29 =	simm.s32 $0x100;
	v9 =	vld.idx.msk [tilespmem:v10+s15+$0x0], $0xffff;
	[tilespmem:s3+$0xFFFFFFC0] =	vst v12  }
0xe6: {  	s4 =	simm.s32 $0x1100;
	v10 =	vld [tilespmem:s29+$0xFFFFFFC0]  }
0xe7: {  	v12 =	vld [tilespmem:s4+$0xFFFFFFC0];
	_ =	sdelay $0x4  }
0xe8: {  	v10 =	vmul.f32 v10, v9;
	v12 =	vmul.f32 v12, v8;
	_ =	sdelay $0x1  }
0xe9: {  	v10 =	vadd.f32 v12, v10  }
0xea: {  	s10 =	simm.s32 $0x6700  }
0xeb: {  	[tilespmem:s10+$0xFFFFFFC0] =	vst v10  }
0xec: {  	v10 =	vld [tilespmem:s11+$0xFFFFFFD0];
	_ =	sdelay $0x4  }
0xed: {  	v10 =	vmul.f32 v10, v11;
	_ =	sdelay $0x1  }
0xee: {  	[tilespmem:s3+$0xFFFFFFD0] =	vst v10  }
0xef: {  	v10 =	vld [tilespmem:s29+$0xFFFFFFD0]  }
0xf0: {  	v58 =	vld [tilespmem:s4+$0xFFFFFFD0];
	_ =	sdelay $0x4  }
0xf1: {  	v10 =	vmul.f32 v10, v9;
	v12 =	vmul.f32 v58, v8;
	_ =	sdelay $0x1  }
0xf2: {  	v10 =	vadd.f32 v12, v10;
	_ =	sdelay $0x1  }
0xf3: {  	[tilespmem:s10+$0xFFFFFFD0] =	vst v10  }
0xf4: {  	v10 =	vld [tilespmem:s11+$0xFFFFFFE0];
	_ =	sdelay $0x4  }
0xf5: {  	v10 =	vmul.f32 v10, v11;
	_ =	sdelay $0x1  }
0xf6: {  	[tilespmem:s3+$0xFFFFFFE0] =	vst v10  }
0xf7: {  	v10 =	vld [tilespmem:s29+$0xFFFFFFE0]  }
0xf8: {  	v59 =	vld [tilespmem:s4+$0xFFFFFFE0];
	_ =	sdelay $0x4  }
0xf9: {  	v10 =	vmul.f32 v10, v9;
	v12 =	vmul.f32 v59, v8;
	_ =	sdelay $0x1  }
0xfa: {  	v10 =	vadd.f32 v12, v10;
	_ =	sdelay $0x1  }
0xfb: {  	[tilespmem:s10+$0xFFFFFFE0] =	vst v10  }
0xfc: {  	v10 =	vld [tilespmem:s11+$0xFFFFFFF0];
	_ =	sdelay $0x4  }
0xfd: {  	v10 =	vmul.f32 v10, v11;
	_ =	sdelay $0x1  }
0xfe: {  	[tilespmem:s3+$0xFFFFFFF0] =	vst v10  }
0xff: {  	v10 =	vld [tilespmem:s29+$0xFFFFFFF0]  }
0x100: {  	v60 =	vld [tilespmem:s4+$0xFFFFFFF0];
	_ =	sdelay $0x4  }
0x101: {  	v10 =	vmul.f32 v10, v9;
	v12 =	vmul.f32 v60, v8;
	_ =	sdelay $0x1  }
0x102: {  	v10 =	vadd.f32 v12, v10;
	_ =	sdelay $0x1  }
0x103: {  	[tilespmem:s10+$0xFFFFFFF0] =	vst v10  }
0x104: {  	v10 =	vld [tilespmem:s11+$0x0];
	_ =	sdelay $0x4  }
0x105: {  	v10 =	vmul.f32 v10, v11;
	_ =	sdelay $0x1  }
0x106: {  	[tilespmem:s3+$0x0] =	vst v10  }
0x107: {  	v10 =	vld [tilespmem:s29+$0x0]  }
0x108: {  	v61 =	vld [tilespmem:s4+$0x0];
	_ =	sdelay $0x4  }
0x109: {  	v10 =	vmul.f32 v10, v9;
	v12 =	vmul.f32 v61, v8;
	_ =	sdelay $0x1  }
0x10a: {  	v10 =	vadd.f32 v12, v10;
	_ =	sdelay $0x1  }
0x10b: {  	[tilespmem:s10+$0x0] =	vst v10  }
0x10c: {  	v10 =	vld [tilespmem:s11+$0x10];
	_ =	sdelay $0x4  }
0x10d: {  	v10 =	vmul.f32 v10, v11;
	_ =	sdelay $0x1  }
0x10e: {  	[tilespmem:s3+$0x10] =	vst v10  }
0x10f: {  	v10 =	vld [tilespmem:s29+$0x10]  }
0x110: {  	v62 =	vld [tilespmem:s4+$0x10];
	_ =	sdelay $0x4  }
0x111: {  	v10 =	vmul.f32 v10, v9;
	v12 =	vmul.f32 v62, v8;
	_ =	sdelay $0x1  }
0x112: {  	v10 =	vadd.f32 v12, v10;
	_ =	sdelay $0x1  }
0x113: {  	[tilespmem:s10+$0x10] =	vst v10  }
0x114: {  	v10 =	vld [tilespmem:s11+$0x20];
	_ =	sdelay $0x4  }
0x115: {  	v10 =	vmul.f32 v10, v11;
	_ =	sdelay $0x1  }
0x116: {  	[tilespmem:s3+$0x20] =	vst v10  }
0x117: {  	v10 =	vld [tilespmem:s29+$0x20]  }
0x118: {  	v63 =	vld [tilespmem:s4+$0x20];
	_ =	sdelay $0x4  }
0x119: {  	v10 =	vmul.f32 v10, v9;
	v12 =	vmul.f32 v63, v8;
	_ =	sdelay $0x1  }
0x11a: {  	v10 =	vadd.f32 v12, v10;
	_ =	sdelay $0x1  }
0x11b: {  	[tilespmem:s10+$0x20] =	vst v10  }
0x11c: {  	v10 =	vld [tilespmem:s11+$0x30];
	_ =	sdelay $0x4  }
0x11d: {  	v10 =	vmul.f32 v10, v11;
	_ =	sdelay $0x1  }
0x11e: {  	[tilespmem:s3+$0x30] =	vst v10  }
0x11f: {  	v10 =	vld [tilespmem:s29+$0x30]  }
0x120: {  	s21 =	simm.s32 $0x6780;
	s23 =	simm.s32 $0x2180;
	s11 =	simm.s32 $0x1;
	v11 =	vld [tilespmem:s4+$0x30]  }
.LBB2_4:
0x121: {  	s3 =	sadd.s32 $0x80, s3;
	s29 =	sadd.s32 $0x80, s29;
	s4 =	sadd.s32 $0x80, s4  }
0x122: {  	p2 =	sne.s32 s11, $0x1F;
	s24 =	smov.u32 s11;
	s11 =	sadd.s32 $0x1, s11  }
0x123: {  	_ = 	snop  }
0x124: {  	v9 =	vmul.f32 v10, v9  }
0x125: {  	v12 =	vmov s24;
	v8 =	vmul.f32 v11, v8;
	_ =	sdelay $0x1  }
0x126: {  	v8 =	vadd.f32 v8, v9;
	_ =	sdelay $0x1  }
0x127: {  	[tilespmem:s10+$0x30] =	vst v8;
	s10 =	smov.u32 s21  }
0x128: {  	v10 =	vld.idx.msk [tilespmem:v12+s13+$0x0], $0xffff  }
0x129: {  	v9 =	vld [tilespmem:s23+$0xFFFFFFC0];
	_ =	sdelay $0x4  }
0x12a: {  	v8 =	vld.idx.msk [tilespmem:v12+s16+$0x0], $0xffff;
	v11 =	vmul.f32 v9, v10  }
0x12b: {  	v9 =	vld.idx.msk [tilespmem:v12+s15+$0x0], $0xffff  }
0x12c: {  	[tilespmem:s3+$0xFFFFFFC0] =	vst v11  }
0x12d: {  	v11 =	vld [tilespmem:s29+$0xFFFFFFC0]  }
0x12e: {  	v12 =	vld [tilespmem:s4+$0xFFFFFFC0];
	_ =	sdelay $0x3  }
0x12f: {  	v11 =	vmul.f32 v11, v9  }
0x130: {  	v12 =	vmul.f32 v12, v8;
	_ =	sdelay $0x1  }
0x131: {  	v11 =	vadd.f32 v12, v11;
	_ =	sdelay $0x1  }
0x132: {  	[tilespmem:s21+$0xFFFFFFC0] =	vst v11  }
0x133: {  	v11 =	vld [tilespmem:s23+$0xFFFFFFD0];
	_ =	sdelay $0x4  }
0x134: {  	v11 =	vmul.f32 v11, v10;
	_ =	sdelay $0x1  }
0x135: {  	[tilespmem:s3+$0xFFFFFFD0] =	vst v11  }
0x136: {  	v11 =	vld [tilespmem:s29+$0xFFFFFFD0]  }
0x137: {  	v12 =	vld [tilespmem:s4+$0xFFFFFFD0];
	_ =	sdelay $0x3  }
0x138: {  	v11 =	vmul.f32 v11, v9  }
0x139: {  	v12 =	vmul.f32 v12, v8;
	_ =	sdelay $0x1  }
0x13a: {  	v11 =	vadd.f32 v12, v11;
	_ =	sdelay $0x1  }
0x13b: {  	[tilespmem:s21+$0xFFFFFFD0] =	vst v11  }
0x13c: {  	v11 =	vld [tilespmem:s23+$0xFFFFFFE0];
	_ =	sdelay $0x4  }
0x13d: {  	v11 =	vmul.f32 v11, v10;
	_ =	sdelay $0x1  }
0x13e: {  	[tilespmem:s3+$0xFFFFFFE0] =	vst v11  }
0x13f: {  	v11 =	vld [tilespmem:s29+$0xFFFFFFE0]  }
0x140: {  	v12 =	vld [tilespmem:s4+$0xFFFFFFE0];
	_ =	sdelay $0x3  }
0x141: {  	v11 =	vmul.f32 v11, v9  }
0x142: {  	v12 =	vmul.f32 v12, v8;
	_ =	sdelay $0x1  }
0x143: {  	v11 =	vadd.f32 v12, v11;
	_ =	sdelay $0x1  }
0x144: {  	[tilespmem:s21+$0xFFFFFFE0] =	vst v11  }
0x145: {  	v11 =	vld [tilespmem:s23+$0xFFFFFFF0];
	_ =	sdelay $0x4  }
0x146: {  	v11 =	vmul.f32 v11, v10;
	_ =	sdelay $0x1  }
0x147: {  	[tilespmem:s3+$0xFFFFFFF0] =	vst v11  }
0x148: {  	v11 =	vld [tilespmem:s29+$0xFFFFFFF0]  }
0x149: {  	v12 =	vld [tilespmem:s4+$0xFFFFFFF0];
	_ =	sdelay $0x3  }
0x14a: {  	v11 =	vmul.f32 v11, v9  }
0x14b: {  	v12 =	vmul.f32 v12, v8;
	_ =	sdelay $0x1  }
0x14c: {  	v11 =	vadd.f32 v12, v11;
	_ =	sdelay $0x1  }
0x14d: {  	[tilespmem:s21+$0xFFFFFFF0] =	vst v11  }
0x14e: {  	v11 =	vld [tilespmem:s23+$0x0];
	_ =	sdelay $0x4  }
0x14f: {  	v11 =	vmul.f32 v11, v10;
	_ =	sdelay $0x1  }
0x150: {  	[tilespmem:s3+$0x0] =	vst v11  }
0x151: {  	v11 =	vld [tilespmem:s29+$0x0]  }
0x152: {  	v12 =	vld [tilespmem:s4+$0x0];
	_ =	sdelay $0x3  }
0x153: {  	v11 =	vmul.f32 v11, v9  }
0x154: {  	v12 =	vmul.f32 v12, v8;
	_ =	sdelay $0x1  }
0x155: {  	v11 =	vadd.f32 v12, v11;
	_ =	sdelay $0x1  }
0x156: {  	[tilespmem:s21+$0x0] =	vst v11  }
0x157: {  	v11 =	vld [tilespmem:s23+$0x10];
	_ =	sdelay $0x4  }
0x158: {  	v11 =	vmul.f32 v11, v10;
	_ =	sdelay $0x1  }
0x159: {  	[tilespmem:s3+$0x10] =	vst v11  }
0x15a: {  	v11 =	vld [tilespmem:s29+$0x10]  }
0x15b: {  	v12 =	vld [tilespmem:s4+$0x10];
	_ =	sdelay $0x3  }
0x15c: {  	v11 =	vmul.f32 v11, v9  }
0x15d: {  	v12 =	vmul.f32 v12, v8;
	_ =	sdelay $0x1  }
0x15e: {  	v11 =	vadd.f32 v12, v11;
	_ =	sdelay $0x1  }
0x15f: {  	[tilespmem:s21+$0x10] =	vst v11  }
0x160: {  	v11 =	vld [tilespmem:s23+$0x20];
	_ =	sdelay $0x4  }
0x161: {  	v11 =	vmul.f32 v11, v10;
	_ =	sdelay $0x1  }
0x162: {  	[tilespmem:s3+$0x20] =	vst v11  }
0x163: {  	v11 =	vld [tilespmem:s29+$0x20]  }
0x164: {  	v12 =	vld [tilespmem:s4+$0x20];
	_ =	sdelay $0x3  }
0x165: {  	v11 =	vmul.f32 v11, v9  }
0x166: {  	v12 =	vmul.f32 v12, v8;
	_ =	sdelay $0x1  }
0x167: {  	v11 =	vadd.f32 v12, v11;
	_ =	sdelay $0x1  }
0x168: {  	[tilespmem:s21+$0x20] =	vst v11  }
0x169: {  	v11 =	vld [tilespmem:s23+$0x30];
	_ =	sdelay $0x4  }
.Ltmp5:
0x16a: {  	v10 =	vmul.f32 v11, v10;
	(pc) =	sbr.rel @p2 .LBB2_4-.Ltmp5, $4  }
0x16b: {  	_ = 	snop  }
0x16c: {  	[tilespmem:s3+$0x30] =	vst v10  }
0x16d: {  	v10 =	vld [tilespmem:s29+$0x30]  }
0x16e: {  	s21 =	sadd.s32 $0x80, s21;
	s23 =	sadd.s32 $0x80, s23;
	v11 =	vld [tilespmem:s4+$0x30]  }
0x16f: {  	_ =	sdelay $0x3  }
0x170: {  	v9 =	vmul.f32 v10, v9;
	v8 =	vmul.f32 v11, v8;
	_ =	sdelay $0x1  }
0x171: {  	v8 =	vadd.f32 v8, v9;
	_ =	sdelay $0x1  }
0x172: {  	s3 =	simm.s32 $0x20;
	s4 =	simm.s32 $0x80;
	s11 =	simm.s32 $0x76C0;
	[tilespmem:s10+$0x30] =	vst v8  }
0x173: {  	[spmem:s26] =	stream.indirect.scatter.add.f32 [tilespmem:s11], [sflag:$0x7], $0x80, s4, s3, $0xb8;
	[tilespmem:$0x1DFA0] =	vst v63  }
0x174: {  	s29 =	smov.u32 s26;
	s21 =	sshll.u32 s18, $0x9;
	_ =	swait.ge [sflag:s28], $0x1000  }
0x175: {  	s24 =	simm.s32 $0x66C0;
	[sflag:s28] =	ssyncset.done $0x0;
	s23 =	rddreg [dreg:$0x5]  }
0x176: {  	s26 =	simm.s32 $0x0;
	[sflag:s28] =	ssyncadd.s32 $0xFFFFF000;
	s3 =	sadd.s32 s23, s21  }
0x177: {  	[hbm4b:s3+s26] =	stream.linear.scatter [tilespmem:s24], [sflag:$0x5], $0x1000, $0x38;
	[tilespmem:$0x1DFA0] =	vst v63  }
.LBB2_6:
0x178: {  	s3 =	rddreg [dreg:$0x12]  }
0x179: {  	s3 =	sadd.s32 s3, s30  }
0x17a: {  	p2 =	sgt.u32 s3, $0x1387  }
0x17b: {  	s4 =	sshll.u32 @!p2 s3, $0x2  }
0x17c: {  	s11 =	simm.s32 @!p2 $0x0;
	s10 =	sadd.s32 @!p2 s7, s4  }
0x17d: {  	[tilespmem:s11], [sflag:$0x1] =	stream.linear.gather @!p2 [hbm4b:s10+s11], $0x20, $0x38;
	[tilespmem:$0x1DFA0] =	vst v63  }
0x17e: {  	s4 =	sadd.s32 @!p2 s6, s4;
	s10 =	simm.s32 @!p2 $0x20  }
0x17f: {  	[tilespmem:s10], [sflag:$0x1] =	stream.linear.gather @!p2 [hbm4b:s4+s11], $0x20, $0x38;
	[tilespmem:$0x1DFA0] =	vst v63  }
0x180: {  	s4 =	simm.s32 @!p2 $0x1  }
0x181: {  	_ =	swait.ge @!p2 [sflag:s4], $0x20  }
0x182: {  	[sflag:s4] =	ssyncset.done @!p2 $0x0  }
0x183: {  	[sflag:s4] =	ssyncadd.s32 @!p2 $0xFFFFFFE0  }
0x184: {  	_ =	swait.ge @!p2 [sflag:s4], $0x20  }
0x185: {  	[sflag:s4] =	ssyncset.done @!p2 $0x0  }
0x186: {  	[sflag:s4] =	ssyncadd.s32 @!p2 $0xFFFFFFE0;
	s4 =	simm.s32 @!p2 $0xC0  }
0x187: {  	[tilespmem:s4], [sflag:$0x3] =	stream.indirect.gather @!p2 [hbm4b:s1+s10], $0x80, s11, s10, $0xb8;
	[tilespmem:$0x1DFA0] =	vst v63  }
0x188: {  	s4 =	simm.s32 @!p2 $0x10C0  }
0x189: {  	[tilespmem:s4], [sflag:$0x3] =	stream.indirect.gather @!p2 [hbm4b:s1+s10], $0x80, s10, s10, $0xb8;
	[tilespmem:$0x1DFA0] =	vst v63  }
0x18a: {  	s4 =	simm.s32 @!p2 $0x60C0  }
0x18b: {  	[tilespmem:s4], [sflag:$0x3] =	stream.indirect.gather @!p2 [hbm4b:s8+s10], $0x8, s11, s10, $0xb8;
	[tilespmem:$0x1DFA0] =	vst v63  }
0x18c: {  	s4 =	simm.s32 @!p2 $0x61C0  }
0x18d: {  	[tilespmem:s4], [sflag:$0x3] =	stream.indirect.gather @!p2 [hbm4b:s8+s10], $0x8, s10, s10, $0xb8;
	[tilespmem:$0x1DFA0] =	vst v63  }
0x18e: {  	s4 =	sshll.u32 @!p2 s3, $0x9  }
0x18f: {  	s10 =	simm.s32 @!p2 $0x20C0;
	s3 =	sshll.u32 @!p2 s3, $0x5;
	s4 =	sadd.s32 @!p2 s5, s4  }
0x190: {  	[tilespmem:s10], [sflag:$0x3] =	stream.linear.gather @!p2 [hbm4b:s4+s11], $0x1000, $0x38;
	[tilespmem:$0x1DFA0] =	vst v63  }
0x191: {  	s24 =	rddreg [dreg:$0x13];
	s3 =	sadd.s32 @!p2 s9, s3;
	s4 =	simm.s32 @!p2 $0x62C0  }
0x192: {  	[tilespmem:s4], [sflag:$0x3] =	stream.linear.gather @!p2 [hbm4b:s3+s11], $0x100, $0x38;
	[tilespmem:$0x1DFA0] =	vst v63  }
0x193: {  	s3 =	sadd.s32 s24, s30  }
.Ltmp6:
0x194: {  	p2 =	sgt.u32 s3, $0x1387;
	(pc) =	sbr.rel @p1 .LBB2_10-.Ltmp6, $4  }
0x195: {  	s3 =	simm.s32 @!p2 $0x6  }
0x196: {  	_ =	swait.ge @!p2 [sflag:s3], $0x1000  }
0x197: {  	[sflag:s3] =	ssyncset.done @!p2 $0x0  }
0x198: {  	[sflag:s3] =	ssyncadd.s32 @!p2 $0xFFFFF000  }
0x199: {  	_ =	swait.ge [sflag:s20], $0x1000  }
0x19a: {  	[sflag:s20] =	ssyncset.done $0x0  }
0x19b: {  	[sflag:s20] =	ssyncadd.s32 $0xFFFFF000  }
0x19c: {  	_ =	swait.ge [sflag:s20], $0x1000  }
0x19d: {  	[sflag:s20] =	ssyncset.done $0x0  }
0x19e: {  	[sflag:s20] =	ssyncadd.s32 $0xFFFFF000  }
0x19f: {  	_ =	swait.ge [sflag:s20], $0x100  }
0x1a0: {  	[sflag:s20] =	ssyncset.done $0x0  }
0x1a1: {  	[sflag:s20] =	ssyncadd.s32 $0xFFFFFF00  }
0x1a2: {  	_ =	swait.ge [sflag:s20], $0x100  }
0x1a3: {  	[sflag:s20] =	ssyncset.done $0x0  }
0x1a4: {  	[sflag:s20] =	ssyncadd.s32 $0xFFFFFF00  }
0x1a5: {  	_ =	swait.ge [sflag:s20], $0x1000  }
0x1a6: {  	[sflag:s20] =	ssyncset.done $0x0  }
0x1a7: {  	[sflag:s20] =	ssyncadd.s32 $0xFFFFF000  }
0x1a8: {  	_ =	swait.ge [sflag:s20], $0x100  }
0x1a9: {  	[sflag:s20] =	ssyncset.done $0x0  }
0x1aa: {  	[sflag:s20] =	ssyncadd.s32 $0xFFFFFF00  }
0x1ab: {  	v8 =	vld [tilespmem:$0x40];
	_ =	sdelay $0x4  }
0x1ac: {  	[tilespmem:$0xA0] =	vst v8  }
0x1ad: {  	v8 =	vld.idx.msk [tilespmem:v0+s22+$0x0], $0xffff  }
0x1ae: {  	v9 =	vld.idx.msk [tilespmem:v0+s25+$0x0], $0xffff;
	_ =	sdelay $0x4  }
0x1af: {  	v8 =	vadd.f32 v9, v8;
	_ =	sdelay $0x1  }
0x1b0: {  	v8 =	vsub.f32 $0.0e+00, v8;
	_ =	sdelay $0x1  }
0x1b1: {  	v8 =	vmul.f32 $1.442695020e+00, v8;
	_ =	sdelay $0x1  }
0x1b2: {  	(erf) = vpow2.f32 v8  }
0x1b3: {  	v9 =	vld.idx.msk [tilespmem:v1+s25+$0x0], $0xffff  }
0x1b4: {  	v8 =	vld.idx.msk [tilespmem:v1+s14+$0x0], $0xffff;
	_ =	sdelay $0x4  }
0x1b5: {  	v8 =	vadd.f32 v9, v8;
	_ =	sdelay $0x1  }
0x1b6: {  	v8 =	vsub.f32 $0.0e+00, v8;
	v9 =	vpop (erf)  }
0x1b7: {  	v9 =	vadd.f32 $1.000000000e+00, v9  }
0x1b8: {  	v8 =	vmul.f32 $1.442695020e+00, v8  }
0x1b9: {  	(erf) = vrcp.f32 v9  }
0x1ba: {  	(erf) = vpow2.f32 v8  }
0x1bb: {  	v9 =	vld.idx.msk [tilespmem:v2+s25+$0x0], $0xffff  }
0x1bc: {  	v8 =	vld.idx.msk [tilespmem:v2+s22+$0x0], $0xffff;
	_ =	sdelay $0x4  }
0x1bd: {  	v8 =	vadd.f32 v9, v8  }
0x1be: {  	v9 =	vpop (erf)  }
0x1bf: {  	v8 =	vsub.f32 $0.0e+00, v8;
	v10 =	vpop (erf)  }
0x1c0: {  	v10 =	vadd.f32 $1.000000000e+00, v10  }
0x1c1: {  	v8 =	vmul.f32 $1.442695020e+00, v8  }
0x1c2: {  	(erf) = vrcp.f32 v10  }
0x1c3: {  	(erf) = vpow2.f32 v8  }
0x1c4: {  	v10 =	vld.idx.msk [tilespmem:v3+s25+$0x0], $0xffff  }
0x1c5: {  	v8 =	vld.idx.msk [tilespmem:v3+s14+$0x0], $0xffff;
	_ =	sdelay $0x4  }
0x1c6: {  	v8 =	vadd.f32 v10, v8  }
0x1c7: {  	v10 =	vpop (erf)  }
0x1c8: {  	v8 =	vsub.f32 $0.0e+00, v8;
	v11 =	vpop (erf)  }
0x1c9: {  	v11 =	vadd.f32 $1.000000000e+00, v11  }
0x1ca: {  	v8 =	vmul.f32 $1.442695020e+00, v8  }
0x1cb: {  	(erf) = vrcp.f32 v11  }
0x1cc: {  	(erf) = vpow2.f32 v8;
	_ =	sdelay $0x7  }
0x1cd: {  	v8 =	vpop (erf)  }
0x1ce: {  	v11 =	vpop (erf)  }
0x1cf: {  	v11 =	vadd.f32 $1.000000000e+00, v11;
	_ =	sdelay $0x1  }
0x1d0: {  	(erf) = vrcp.f32 v11;
	_ =	sdelay $0x2  }
0x1d1: {  	v9 =	vadd.f32 v10, v9;
	v10 =	vld [tilespmem:$0x50];
	_ =	sdelay $0x3  }
0x1d2: {  	[tilespmem:$0xA6C0] =	vst v9  }
0x1d3: {  	[tilespmem:$0xB0] =	vst v10  }
0x1d4: {  	[tilespmem:$0xA6E0] =	vst v8;
	v8 =	vpop (erf)  }
0x1d5: {  	[tilespmem:$0xA700] =	vst v8  }
0x1d6: {  	v8 =	vld.idx.msk [tilespmem:v4+s22+$0x0], $0xffff  }
0x1d7: {  	v9 =	vld.idx.msk [tilespmem:v4+s25+$0x0], $0xffff;
	_ =	sdelay $0x4  }
0x1d8: {  	v8 =	vadd.f32 v9, v8;
	_ =	sdelay $0x1  }
0x1d9: {  	v8 =	vsub.f32 $0.0e+00, v8;
	_ =	sdelay $0x1  }
0x1da: {  	v8 =	vmul.f32 $1.442695020e+00, v8;
	_ =	sdelay $0x1  }
0x1db: {  	(erf) = vpow2.f32 v8  }
0x1dc: {  	v9 =	vld.idx.msk [tilespmem:v5+s25+$0x0], $0xffff  }
0x1dd: {  	v8 =	vld.idx.msk [tilespmem:v5+s14+$0x0], $0xffff;
	_ =	sdelay $0x4  }
0x1de: {  	v8 =	vadd.f32 v9, v8;
	_ =	sdelay $0x1  }
0x1df: {  	v8 =	vsub.f32 $0.0e+00, v8;
	v9 =	vpop (erf)  }
0x1e0: {  	v9 =	vadd.f32 $1.000000000e+00, v9  }
0x1e1: {  	v8 =	vmul.f32 $1.442695020e+00, v8  }
0x1e2: {  	(erf) = vrcp.f32 v9  }
0x1e3: {  	(erf) = vpow2.f32 v8  }
0x1e4: {  	v9 =	vld.idx.msk [tilespmem:v6+s25+$0x0], $0xffff  }
0x1e5: {  	v8 =	vld.idx.msk [tilespmem:v6+s22+$0x0], $0xffff;
	_ =	sdelay $0x4  }
0x1e6: {  	v8 =	vadd.f32 v9, v8  }
0x1e7: {  	v9 =	vpop (erf)  }
0x1e8: {  	v8 =	vsub.f32 $0.0e+00, v8;
	v10 =	vpop (erf)  }
0x1e9: {  	v10 =	vadd.f32 $1.000000000e+00, v10  }
0x1ea: {  	v8 =	vmul.f32 $1.442695020e+00, v8  }
0x1eb: {  	(erf) = vrcp.f32 v10  }
0x1ec: {  	(erf) = vpow2.f32 v8  }
0x1ed: {  	v10 =	vld.idx.msk [tilespmem:v7+s25+$0x0], $0xffff  }
0x1ee: {  	v8 =	vld.idx.msk [tilespmem:v7+s14+$0x0], $0xffff;
	_ =	sdelay $0x4  }
0x1ef: {  	v8 =	vadd.f32 v10, v8  }
0x1f0: {  	v10 =	vpop (erf)  }
0x1f1: {  	v8 =	vsub.f32 $0.0e+00, v8;
	v11 =	vpop (erf)  }
0x1f2: {  	v11 =	vadd.f32 $1.000000000e+00, v11  }
0x1f3: {  	v8 =	vmul.f32 $1.442695020e+00, v8  }
0x1f4: {  	(erf) = vrcp.f32 v11  }
0x1f5: {  	(erf) = vpow2.f32 v8;
	_ =	sdelay $0x7  }
0x1f6: {  	v8 =	vpop (erf)  }
0x1f7: {  	v11 =	vpop (erf)  }
0x1f8: {  	v11 =	vadd.f32 $1.000000000e+00, v11;
	_ =	sdelay $0x1  }
0x1f9: {  	(erf) = vrcp.f32 v11;
	_ =	sdelay $0x4  }
0x1fa: {  	s3 =	simm.s32 $0x0  }
0x1fb: {  	v9 =	vadd.f32 v10, v9;
	v10 =	vmov s3;
	_ =	sdelay $0x1  }
0x1fc: {  	[tilespmem:$0xA6D0] =	vst v9  }
0x1fd: {  	[tilespmem:$0xA6F0] =	vst v8;
	v8 =	vpop (erf)  }
0x1fe: {  	[tilespmem:$0xA710] =	vst v8  }
0x1ff: {  	s11 =	simm.s32 $0x5100;
	v11 =	vld.idx.msk [tilespmem:v10+s13+$0x0], $0xffff  }
0x200: {  	v9 =	vld [tilespmem:s11+$0xFFFFFFC0];
	_ =	sdelay $0x4  }
0x201: {  	v12 =	vmul.f32 v9, v11  }
0x202: {  	s3 =	simm.s32 $0x9700;
	v8 =	vld.idx.msk [tilespmem:v10+s16+$0x0], $0xffff  }
0x203: {  	s18 =	simm.s32 $0x3100;
	v9 =	vld.idx.msk [tilespmem:v10+s15+$0x0], $0xffff;
	[tilespmem:s3+$0xFFFFFFC0] =	vst v12  }
0x204: {  	s4 =	simm.s32 $0x4100;
	v10 =	vld [tilespmem:s18+$0xFFFFFFC0]  }
0x205: {  	v12 =	vld [tilespmem:s4+$0xFFFFFFC0];
	_ =	sdelay $0x4  }
0x206: {  	v10 =	vmul.f32 v10, v9;
	v12 =	vmul.f32 v12, v8;
	_ =	sdelay $0x1  }
0x207: {  	v10 =	vadd.f32 v12, v10  }
0x208: {  	s10 =	simm.s32 $0x8700  }
0x209: {  	[tilespmem:s10+$0xFFFFFFC0] =	vst v10  }
0x20a: {  	v10 =	vld [tilespmem:s11+$0xFFFFFFD0];
	_ =	sdelay $0x4  }
0x20b: {  	v10 =	vmul.f32 v10, v11;
	_ =	sdelay $0x1  }
0x20c: {  	[tilespmem:s3+$0xFFFFFFD0] =	vst v10  }
0x20d: {  	v10 =	vld [tilespmem:s18+$0xFFFFFFD0]  }
0x20e: {  	v58 =	vld [tilespmem:s4+$0xFFFFFFD0];
	_ =	sdelay $0x4  }
0x20f: {  	v10 =	vmul.f32 v10, v9;
	v12 =	vmul.f32 v58, v8;
	_ =	sdelay $0x1  }
0x210: {  	v10 =	vadd.f32 v12, v10;
	_ =	sdelay $0x1  }
0x211: {  	[tilespmem:s10+$0xFFFFFFD0] =	vst v10  }
0x212: {  	v10 =	vld [tilespmem:s11+$0xFFFFFFE0];
	_ =	sdelay $0x4  }
0x213: {  	v10 =	vmul.f32 v10, v11;
	_ =	sdelay $0x1  }
0x214: {  	[tilespmem:s3+$0xFFFFFFE0] =	vst v10  }
0x215: {  	v10 =	vld [tilespmem:s18+$0xFFFFFFE0]  }
0x216: {  	v59 =	vld [tilespmem:s4+$0xFFFFFFE0];
	_ =	sdelay $0x4  }
0x217: {  	v10 =	vmul.f32 v10, v9;
	v12 =	vmul.f32 v59, v8;
	_ =	sdelay $0x1  }
0x218: {  	v10 =	vadd.f32 v12, v10;
	_ =	sdelay $0x1  }
0x219: {  	[tilespmem:s10+$0xFFFFFFE0] =	vst v10  }
0x21a: {  	v10 =	vld [tilespmem:s11+$0xFFFFFFF0];
	_ =	sdelay $0x4  }
0x21b: {  	v10 =	vmul.f32 v10, v11;
	_ =	sdelay $0x1  }
0x21c: {  	[tilespmem:s3+$0xFFFFFFF0] =	vst v10  }
0x21d: {  	v10 =	vld [tilespmem:s18+$0xFFFFFFF0]  }
0x21e: {  	v60 =	vld [tilespmem:s4+$0xFFFFFFF0];
	_ =	sdelay $0x4  }
0x21f: {  	v10 =	vmul.f32 v10, v9;
	v12 =	vmul.f32 v60, v8;
	_ =	sdelay $0x1  }
0x220: {  	v10 =	vadd.f32 v12, v10;
	_ =	sdelay $0x1  }
0x221: {  	[tilespmem:s10+$0xFFFFFFF0] =	vst v10  }
0x222: {  	v10 =	vld [tilespmem:s11+$0x0];
	_ =	sdelay $0x4  }
0x223: {  	v10 =	vmul.f32 v10, v11;
	_ =	sdelay $0x1  }
0x224: {  	[tilespmem:s3+$0x0] =	vst v10  }
0x225: {  	v10 =	vld [tilespmem:s18+$0x0]  }
0x226: {  	v61 =	vld [tilespmem:s4+$0x0];
	_ =	sdelay $0x4  }
0x227: {  	v10 =	vmul.f32 v10, v9;
	v12 =	vmul.f32 v61, v8;
	_ =	sdelay $0x1  }
0x228: {  	v10 =	vadd.f32 v12, v10;
	_ =	sdelay $0x1  }
0x229: {  	[tilespmem:s10+$0x0] =	vst v10  }
0x22a: {  	v10 =	vld [tilespmem:s11+$0x10];
	_ =	sdelay $0x4  }
0x22b: {  	v10 =	vmul.f32 v10, v11;
	_ =	sdelay $0x1  }
0x22c: {  	[tilespmem:s3+$0x10] =	vst v10  }
0x22d: {  	v10 =	vld [tilespmem:s18+$0x10]  }
0x22e: {  	v62 =	vld [tilespmem:s4+$0x10];
	_ =	sdelay $0x4  }
0x22f: {  	v10 =	vmul.f32 v10, v9;
	v12 =	vmul.f32 v62, v8;
	_ =	sdelay $0x1  }
0x230: {  	v10 =	vadd.f32 v12, v10;
	_ =	sdelay $0x1  }
0x231: {  	[tilespmem:s10+$0x10] =	vst v10  }
0x232: {  	v10 =	vld [tilespmem:s11+$0x20];
	_ =	sdelay $0x4  }
0x233: {  	v10 =	vmul.f32 v10, v11;
	_ =	sdelay $0x1  }
0x234: {  	[tilespmem:s3+$0x20] =	vst v10  }
0x235: {  	v10 =	vld [tilespmem:s18+$0x20]  }
0x236: {  	v63 =	vld [tilespmem:s4+$0x20];
	_ =	sdelay $0x4  }
0x237: {  	v10 =	vmul.f32 v10, v9;
	v12 =	vmul.f32 v63, v8;
	_ =	sdelay $0x1  }
0x238: {  	v10 =	vadd.f32 v12, v10;
	_ =	sdelay $0x1  }
0x239: {  	[tilespmem:s10+$0x20] =	vst v10  }
0x23a: {  	v10 =	vld [tilespmem:s11+$0x30];
	_ =	sdelay $0x4  }
0x23b: {  	v10 =	vmul.f32 v10, v11;
	_ =	sdelay $0x1  }
0x23c: {  	[tilespmem:s3+$0x30] =	vst v10  }
0x23d: {  	v10 =	vld [tilespmem:s18+$0x30]  }
0x23e: {  	s21 =	simm.s32 $0x8780;
	s23 =	simm.s32 $0x5180;
	s11 =	simm.s32 $0x1;
	v11 =	vld [tilespmem:s4+$0x30]  }
.LBB2_8:
0x23f: {  	s3 =	sadd.s32 $0x80, s3;
	s18 =	sadd.s32 $0x80, s18;
	s4 =	sadd.s32 $0x80, s4  }
0x240: {  	p1 =	sne.s32 s11, $0x1F;
	s24 =	smov.u32 s11;
	s11 =	sadd.s32 $0x1, s11  }
0x241: {  	_ = 	snop  }
0x242: {  	v9 =	vmul.f32 v10, v9  }
0x243: {  	v12 =	vmov s24;
	v8 =	vmul.f32 v11, v8;
	_ =	sdelay $0x1  }
0x244: {  	v8 =	vadd.f32 v8, v9;
	_ =	sdelay $0x1  }
0x245: {  	[tilespmem:s10+$0x30] =	vst v8;
	s10 =	smov.u32 s21  }
0x246: {  	v10 =	vld.idx.msk [tilespmem:v12+s13+$0x0], $0xffff  }
0x247: {  	v9 =	vld [tilespmem:s23+$0xFFFFFFC0];
	_ =	sdelay $0x4  }
0x248: {  	v8 =	vld.idx.msk [tilespmem:v12+s16+$0x0], $0xffff;
	v11 =	vmul.f32 v9, v10  }
0x249: {  	v9 =	vld.idx.msk [tilespmem:v12+s15+$0x0], $0xffff  }
0x24a: {  	[tilespmem:s3+$0xFFFFFFC0] =	vst v11  }
0x24b: {  	v11 =	vld [tilespmem:s18+$0xFFFFFFC0]  }
0x24c: {  	v12 =	vld [tilespmem:s4+$0xFFFFFFC0];
	_ =	sdelay $0x3  }
0x24d: {  	v11 =	vmul.f32 v11, v9  }
0x24e: {  	v12 =	vmul.f32 v12, v8;
	_ =	sdelay $0x1  }
0x24f: {  	v11 =	vadd.f32 v12, v11;
	_ =	sdelay $0x1  }
0x250: {  	[tilespmem:s21+$0xFFFFFFC0] =	vst v11  }
0x251: {  	v11 =	vld [tilespmem:s23+$0xFFFFFFD0];
	_ =	sdelay $0x4  }
0x252: {  	v11 =	vmul.f32 v11, v10;
	_ =	sdelay $0x1  }
0x253: {  	[tilespmem:s3+$0xFFFFFFD0] =	vst v11  }
0x254: {  	v11 =	vld [tilespmem:s18+$0xFFFFFFD0]  }
0x255: {  	v12 =	vld [tilespmem:s4+$0xFFFFFFD0];
	_ =	sdelay $0x3  }
0x256: {  	v11 =	vmul.f32 v11, v9  }
0x257: {  	v12 =	vmul.f32 v12, v8;
	_ =	sdelay $0x1  }
0x258: {  	v11 =	vadd.f32 v12, v11;
	_ =	sdelay $0x1  }
0x259: {  	[tilespmem:s21+$0xFFFFFFD0] =	vst v11  }
0x25a: {  	v11 =	vld [tilespmem:s23+$0xFFFFFFE0];
	_ =	sdelay $0x4  }
0x25b: {  	v11 =	vmul.f32 v11, v10;
	_ =	sdelay $0x1  }
0x25c: {  	[tilespmem:s3+$0xFFFFFFE0] =	vst v11  }
0x25d: {  	v11 =	vld [tilespmem:s18+$0xFFFFFFE0]  }
0x25e: {  	v12 =	vld [tilespmem:s4+$0xFFFFFFE0];
	_ =	sdelay $0x3  }
0x25f: {  	v11 =	vmul.f32 v11, v9  }
0x260: {  	v12 =	vmul.f32 v12, v8;
	_ =	sdelay $0x1  }
0x261: {  	v11 =	vadd.f32 v12, v11;
	_ =	sdelay $0x1  }
0x262: {  	[tilespmem:s21+$0xFFFFFFE0] =	vst v11  }
0x263: {  	v11 =	vld [tilespmem:s23+$0xFFFFFFF0];
	_ =	sdelay $0x4  }
0x264: {  	v11 =	vmul.f32 v11, v10;
	_ =	sdelay $0x1  }
0x265: {  	[tilespmem:s3+$0xFFFFFFF0] =	vst v11  }
0x266: {  	v11 =	vld [tilespmem:s18+$0xFFFFFFF0]  }
0x267: {  	v12 =	vld [tilespmem:s4+$0xFFFFFFF0];
	_ =	sdelay $0x3  }
0x268: {  	v11 =	vmul.f32 v11, v9  }
0x269: {  	v12 =	vmul.f32 v12, v8;
	_ =	sdelay $0x1  }
0x26a: {  	v11 =	vadd.f32 v12, v11;
	_ =	sdelay $0x1  }
0x26b: {  	[tilespmem:s21+$0xFFFFFFF0] =	vst v11  }
0x26c: {  	v11 =	vld [tilespmem:s23+$0x0];
	_ =	sdelay $0x4  }
0x26d: {  	v11 =	vmul.f32 v11, v10;
	_ =	sdelay $0x1  }
0x26e: {  	[tilespmem:s3+$0x0] =	vst v11  }
0x26f: {  	v11 =	vld [tilespmem:s18+$0x0]  }
0x270: {  	v12 =	vld [tilespmem:s4+$0x0];
	_ =	sdelay $0x3  }
0x271: {  	v11 =	vmul.f32 v11, v9  }
0x272: {  	v12 =	vmul.f32 v12, v8;
	_ =	sdelay $0x1  }
0x273: {  	v11 =	vadd.f32 v12, v11;
	_ =	sdelay $0x1  }
0x274: {  	[tilespmem:s21+$0x0] =	vst v11  }
0x275: {  	v11 =	vld [tilespmem:s23+$0x10];
	_ =	sdelay $0x4  }
0x276: {  	v11 =	vmul.f32 v11, v10;
	_ =	sdelay $0x1  }
0x277: {  	[tilespmem:s3+$0x10] =	vst v11  }
0x278: {  	v11 =	vld [tilespmem:s18+$0x10]  }
0x279: {  	v12 =	vld [tilespmem:s4+$0x10];
	_ =	sdelay $0x3  }
0x27a: {  	v11 =	vmul.f32 v11, v9  }
0x27b: {  	v12 =	vmul.f32 v12, v8;
	_ =	sdelay $0x1  }
0x27c: {  	v11 =	vadd.f32 v12, v11;
	_ =	sdelay $0x1  }
0x27d: {  	[tilespmem:s21+$0x10] =	vst v11  }
0x27e: {  	v11 =	vld [tilespmem:s23+$0x20];
	_ =	sdelay $0x4  }
0x27f: {  	v11 =	vmul.f32 v11, v10;
	_ =	sdelay $0x1  }
0x280: {  	[tilespmem:s3+$0x20] =	vst v11  }
0x281: {  	v11 =	vld [tilespmem:s18+$0x20]  }
0x282: {  	v12 =	vld [tilespmem:s4+$0x20];
	_ =	sdelay $0x3  }
0x283: {  	v11 =	vmul.f32 v11, v9  }
0x284: {  	v12 =	vmul.f32 v12, v8;
	_ =	sdelay $0x1  }
0x285: {  	v11 =	vadd.f32 v12, v11;
	_ =	sdelay $0x1  }
0x286: {  	[tilespmem:s21+$0x20] =	vst v11  }
0x287: {  	v11 =	vld [tilespmem:s23+$0x30];
	_ =	sdelay $0x4  }
.Ltmp7:
0x288: {  	v10 =	vmul.f32 v11, v10;
	(pc) =	sbr.rel @p1 .LBB2_8-.Ltmp7, $4  }
0x289: {  	_ = 	snop  }
0x28a: {  	[tilespmem:s3+$0x30] =	vst v10  }
0x28b: {  	v10 =	vld [tilespmem:s18+$0x30]  }
0x28c: {  	s21 =	sadd.s32 $0x80, s21;
	s23 =	sadd.s32 $0x80, s23;
	v11 =	vld [tilespmem:s4+$0x30]  }
0x28d: {  	_ =	sdelay $0x3  }
0x28e: {  	v9 =	vmul.f32 v10, v9;
	v8 =	vmul.f32 v11, v8;
	_ =	sdelay $0x1  }
0x28f: {  	v8 =	vadd.f32 v8, v9;
	_ =	sdelay $0x1  }
0x290: {  	s3 =	simm.s32 $0x20;
	s4 =	simm.s32 $0xA0;
	s18 =	simm.s32 $0x96C0;
	[tilespmem:s10+$0x30] =	vst v8  }
0x291: {  	[spmem:s29] =	stream.indirect.scatter.add.f32 [tilespmem:s18], [sflag:$0x7], $0x80, s4, s3, $0xb8;
	[tilespmem:$0x1DFA0] =	vst v63  }
.Ltmp8:
0x292: {  	_ = 	snop;
	(pc) =	sbr.rel .LBB2_10-.Ltmp8, $4  }
0x293: {  	_ =	swait.ge [sflag:s28], $0x1000  }
0x294: {  	s21 =	sshll.u32 s17, $0x9;
	[sflag:s28] =	ssyncset.done $0x0;
	s23 =	rddreg [dreg:$0x5]  }
0x295: {  	s24 =	simm.s32 $0x86C0;
	[sflag:s28] =	ssyncadd.s32 $0xFFFFF000;
	s3 =	sadd.s32 s23, s21  }
0x296: {  	[hbm4b:s3+s26] =	stream.linear.scatter [tilespmem:s24], [sflag:$0x6], $0x1000, $0x38;
	[tilespmem:$0x1DFA0] =	vst v63  }
.LBB2_12:
0x297: {  	_ =	sfence.sel $0x180000  }
0x298: {  	[bflag:$0x0] =	sbarrier.arrive $0xFFFF  }
0x299: {  	_ =	strace $0x9000004D  }
0x29a: {  	s0 =	stileid.u32;
	[bflag:$0x2] =	sbarrier.arrive $0xFFFF  }
0x29b: {  	p0 =	sne.s32 s0, $0x0;
	s0 =	rddreg [dreg:$0x4]  }
0x29c: {  	s0 =	sadd.s32 @!p0 $0x100000, s0  }
0x29d: {  	[sflag:s0] =	ssyncadd.tile.s32 @!p0 $0x1;
	_ =	shalt  }
.Lfunc_end2:
_tile_overlayer_lowered:
.L_overlay_start_2:
0x29e: {  	(tag) =	ssettag $0x2  }
0x29f: {  	s0 =	rddreg [dreg:$0x0];
	s2 =	stileid.u32  }
0x2a0: {  	s1 =	rddreg [dreg:$0x1];
	p0 =	sne.s32 s2, $0x0  }
0x2a1: {  	s3 =	rddreg [dreg:$0x2];
	[bflag:$0x3] =	sbarrier.arrive $0xFFFF;
	s2 =	simm.s32 @!p0 $0x1C07  }
0x2a2: {  	[timem:s3], [sflag:s2] =	dma.local @!p0 [hbm:s0], s1  }
0x2a3: {  	s0 =	simm.s32 @!p0 $0x7  }
0x2a4: {  	_ =	swait.ge @!p0 [sflag:s0], s1  }
0x2a5: {  	s1 =	ssub.s32 @!p0 $0x0, s1;
	[sflag:s0] =	ssyncset.done @!p0 $0x0  }
0x2a6: {  	[sflag:s0] =	ssyncadd.s32 @!p0 s1  }
0x2a7: {  	[bflag:$0x3] =	sbarrier.arrive $0xFFFF  }
0x2a8: {  	_ =	shalt  }

</sc_bundles>
